<compile_context>
chip_gen: v7x
topology: tpu7x:2x2x1
jax: 0.10.2.dev20260603
libtpu: 0.0.44.dev20260713+nightly
codegen_flags: <defaults>
</compile_context>

<pallas_src>
import functools

import jax
import jax.numpy as jnp
from jax import lax
from jax.experimental import pallas as pl
from jax.experimental.pallas import tpu as pltpu
from jax.experimental.pallas import tpu_sc as plsc

_D = 4096
_B = 8192
_NC = 2
_NS = 16
_NW = _NC * _NS
_BPW = _B // _NW
_C = 8
_NCHUNK = _BPW // _C

_mesh = plsc.VectorSubcoreMesh(
    core_axis_name="c", subcore_axis_name="s", num_cores=_NC, num_subcores=_NS
)


_NBUF = 3
_LEAD = 2


@functools.partial(
    pl.kernel,
    out_type=jax.ShapeDtypeStruct((_B, _D), jnp.float32),
    mesh=_mesh,
    scratch_types=[
        pltpu.VMEM((_BPW,), jnp.int32),
        pltpu.VMEM((_NBUF, _C, _D), jnp.float32),
        pltpu.SemaphoreType.DMA,
        pltpu.SemaphoreType.DMA,
        pltpu.SemaphoreType.DMA,
        pltpu.SemaphoreType.DMA,
        pltpu.SemaphoreType.DMA,
        pltpu.SemaphoreType.DMA,
    ],
)
def _sc_gather(
    table_hbm, idx_hbm, out_hbm, idx_v, buf_v, gs0, gs1, gs2, ws0, ws1, ws2
):
    gsems = (gs0, gs1, gs2)
    wsems = (ws0, ws1, ws2)
    wid = lax.axis_index("s") * _NC + lax.axis_index("c")
    base = wid * _BPW
    pltpu.sync_copy(idx_hbm.at[pl.ds(base, _BPW)], idx_v)

    def gather(g, b):
        return pltpu.make_async_copy(
            table_hbm.at[idx_v.at[pl.ds(g * _C, _C)]], buf_v.at[b], gsems[b]
        )

    def write(g, b):
        return pltpu.make_async_copy(
            buf_v.at[b], out_hbm.at[pl.ds(base + g * _C, _C)], wsems[b]
        )

    for g in range(_LEAD):
        gather(g, g % _NBUF).start()
    for g in range(_NCHUNK):
        gather(g, g % _NBUF).wait()
        write(g, g % _NBUF).start()
        h = g + _LEAD
        if h < _NCHUNK:
            if h >= _NBUF:
                write(h - _NBUF, h % _NBUF).wait()
            gather(h, h % _NBUF).start()
    for g in range(_NCHUNK - _NBUF, _NCHUNK):
        write(g, g % _NBUF).wait()


def kernel(x, pe):
    return _sc_gather(pe, x)

# --- scband reference (transcript-rebuilt; emitter-appended) ---
"""Pipeline reference for scband-sinusoidal-positional-embedding-56358560858190 (READ-ONLY COPY).

The authoritative reference and input builder live on the scoring server;
editing this copy changes nothing except your own understanding.
"""

import jax, jax.numpy as jnp
import numpy as np
import math

CONTEXT_LEN = 8192
D_MODEL = 4096

def _build_pe(context_len, d_model):
    position = np.arange(context_len, dtype=np.float32)[:, None]
    div_term = np.exp(np.arange(0, d_model, 2, dtype=np.float32) * (-math.log(10000.0) / d_model))
    pe = np.zeros((context_len, d_model), dtype=np.float32)
    pe[:, 0::2] = np.sin(position * div_term)
    pe[:, 1::2] = np.cos(position * div_term)
    return jnp.asarray(pe)

def setup_inputs(seed: int = 0) -> dict:
    key = jax.random.key(seed)
    x = jax.random.randint(key, (8192,), 0, CONTEXT_LEN, dtype=jnp.int32)
    pe = _build_pe(CONTEXT_LEN, D_MODEL)
    return {"x": x, "pe": pe}

def reference(x, pe):
    # SinusoidalPositionalEmbedding.forward: gather rows of precomputed pe buffer
    return jnp.take(pe, x, axis=0)

if __name__ == "__main__":
    import jax
    _d = setup_inputs()
    print(jax.jit(kernel)(*tuple(_d.values())))

</pallas_src>

<mosaic_0001>
#map = affine_map<(d0, d1) -> (0, 0)>
#map1 = affine_map<(d0, d1) -> (0)>
module attributes {stable_mosaic.version = 14 : i64} {
  func.func @_sc_gather(%arg0: i32, %arg1: i32, %arg2: memref<8192x4096xf32, #tpu.memory_space<hbm>>, %arg3: memref<8192xi32, #tpu.memory_space<hbm>>, %arg4: memref<8192x4096xf32, #tpu.memory_space<hbm>>, %arg5: memref<256xi32, #tpu.memory_space<vmem>>, %arg6: memref<3x8x4096xf32, #tpu.memory_space<vmem>>, %arg7: memref<!tpu.dma_semaphore, #tpu.memory_space<semaphore_mem>>, %arg8: memref<!tpu.dma_semaphore, #tpu.memory_space<semaphore_mem>>, %arg9: memref<!tpu.dma_semaphore, #tpu.memory_space<semaphore_mem>>, %arg10: memref<!tpu.dma_semaphore, #tpu.memory_space<semaphore_mem>>, %arg11: memref<!tpu.dma_semaphore, #tpu.memory_space<semaphore_mem>>, %arg12: memref<!tpu.dma_semaphore, #tpu.memory_space<semaphore_mem>>) attributes {dimension_semantics = [#tpu.dimension_semantics<core_parallel>, #tpu.dimension_semantics<subcore_parallel>], iteration_bounds = array<i64: 2, 16>, scalar_prefetch = 0 : i64, scratch_operands = 8 : i64, tpu.core_type = #tpu.core_type<sc_vector_subcore>, window_params = [{transform_indices = #map}, {transform_indices = #map1}, {transform_indices = #map}]} {
    %mul3A = arith.constant 2 : i32
    %mul3A_0 = arith.muli %arg1, %mul3A : i32
    %add3A = arith.addi %mul3A_0, %arg0 : i32
    %mul3A_1 = arith.constant 256 : i32
    %mul3A_2 = arith.muli %add3A, %mul3A_1 : i32
    "tpu.region"() ({
      %run_scoped3A = tpu.sem_alloc : memref<!tpu.dma_semaphore, #tpu.memory_space<semaphore_mem>>
      %dma_start3A_1601 = tpu.memref_slice %arg3[%mul3A_2] : memref<8192xi32, #tpu.memory_space<hbm>> -> memref<256xi32, #tpu.memory_space<hbm>>
      %dma_start3A_1602 = tpu.memref_slice %arg3[%mul3A_2] : memref<8192xi32, #tpu.memory_space<hbm>> -> memref<256xi32, #tpu.memory_space<hbm>>
      tpu.enqueue_dma source(%dma_start3A_1602 : memref<256xi32, #tpu.memory_space<hbm>>) target(%arg5 : memref<256xi32, #tpu.memory_space<vmem>>) target_semaphore(%run_scoped3A : memref<!tpu.dma_semaphore, #tpu.memory_space<semaphore_mem>>)
      %dma_wait3A_1603 = tpu.memref_slice %arg3[%mul3A_2] : memref<8192xi32, #tpu.memory_space<hbm>> -> memref<256xi32, #tpu.memory_space<hbm>>
      %dma_wait3A_1604 = tpu.memref_slice %arg3[%mul3A_2] : memref<8192xi32, #tpu.memory_space<hbm>> -> memref<256xi32, #tpu.memory_space<hbm>>
      tpu.wait_dma2 semaphore(%run_scoped3A : memref<!tpu.dma_semaphore, #tpu.memory_space<semaphore_mem>>) src(%dma_wait3A_1604 : memref<256xi32, #tpu.memory_space<hbm>>) dst(%arg5 : memref<256xi32, #tpu.memory_space<vmem>>)
      tpu.yield
    }) : () -> ()
    %dma_start3A = arith.constant 0 : i32
    %dma_start3A_3 = arith.constant 0 : i32
    %dma_start3A_4 = arith.constant 0 : i32
    %dma_start3A_5 = tpu.memref_slice %arg6[%dma_start3A, %dma_start3A_3, %dma_start3A_4] : memref<3x8x4096xf32, #tpu.memory_space<vmem>> -> memref<1x8x4096xf32, #tpu.memory_space<vmem>>
    %dma_start3A_6 = tpu.memref_squeeze %dma_start3A_5 : memref<1x8x4096xf32, #tpu.memory_space<vmem>> -> memref<8x4096xf32, #tpu.memory_space<vmem>>
    %dma_start3A_7 = arith.constant 0 : i32
    %dma_start3A_8 = tpu.memref_slice %arg5[%dma_start3A_7] : memref<256xi32, #tpu.memory_space<vmem>> -> memref<8xi32, #tpu.memory_space<vmem>>
    %dma_start3A_9 = arith.constant 0 : i32
    %dma_start3A_10 = arith.constant 0 : i32
    %dma_start3A_11 = tpu.memref_slice %arg2[%dma_start3A_9, %dma_start3A_10] : memref<8192x4096xf32, #tpu.memory_space<hbm>> -> memref<8192x4096xf32, #tpu.memory_space<hbm>>
    tpu.enqueue_indirect_dma source(%dma_start3A_11 : memref<8192x4096xf32, #tpu.memory_space<hbm>>) target(%dma_start3A_6 : memref<8x4096xf32, #tpu.memory_space<vmem>>) offsets(%dma_start3A_8 : memref<8xi32, #tpu.memory_space<vmem>>) semaphore(%arg7 : memref<!tpu.dma_semaphore, #tpu.memory_space<semaphore_mem>>)
    %dma_start3A_12 = arith.constant 1 : i32
    %dma_start3A_13 = arith.constant 0 : i32
    %dma_start3A_14 = arith.constant 0 : i32
    %dma_start3A_15 = tpu.memref_slice %arg6[%dma_start3A_12, %dma_start3A_13, %dma_start3A_14] : memref<3x8x4096xf32, #tpu.memory_space<vmem>> -> memref<1x8x4096xf32, #tpu.memory_space<vmem>>
    %dma_start3A_16 = tpu.memref_squeeze %dma_start3A_15 : memref<1x8x4096xf32, #tpu.memory_space<vmem>> -> memref<8x4096xf32, #tpu.memory_space<vmem>>
    %dma_start3A_17 = arith.constant 8 : i32
    %dma_start3A_18 = tpu.memref_slice %arg5[%dma_start3A_17] : memref<256xi32, #tpu.memory_space<vmem>> -> memref<8xi32, #tpu.memory_space<vmem>>
    %dma_start3A_19 = arith.constant 0 : i32
    %dma_start3A_20 = arith.constant 0 : i32
    %dma_start3A_21 = tpu.memref_slice %arg2[%dma_start3A_19, %dma_start3A_20] : memref<8192x4096xf32, #tpu.memory_space<hbm>> -> memref<8192x4096xf32, #tpu.memory_space<hbm>>
    tpu.enqueue_indirect_dma source(%dma_start3A_21 : memref<8192x4096xf32, #tpu.memory_space<hbm>>) target(%dma_start3A_16 : memref<8x4096xf32, #tpu.memory_space<vmem>>) offsets(%dma_start3A_18 : memref<8xi32, #tpu.memory_space<vmem>>) semaphore(%arg8 : memref<!tpu.dma_semaphore, #tpu.memory_space<semaphore_mem>>)
    %dma_wait3A = arith.constant 0 : i32
    %dma_wait3A_22 = arith.constant 0 : i32
    %dma_wait3A_23 = arith.constant 0 : i32
    %dma_wait3A_24 = tpu.memref_slice %arg6[%dma_wait3A, %dma_wait3A_22, %dma_wait3A_23] : memref<3x8x4096xf32, #tpu.memory_space<vmem>> -> memref<1x8x4096xf32, #tpu.memory_space<vmem>>
    %dma_wait3A_25 = tpu.memref_squeeze %dma_wait3A_24 : memref<1x8x4096xf32, #tpu.memory_space<vmem>> -> memref<8x4096xf32, #tpu.memory_space<vmem>>
    %dma_wait3A_26 = arith.constant 0 : i32
    %dma_wait3A_27 = tpu.memref_slice %arg5[%dma_wait3A_26] : memref<256xi32, #tpu.memory_space<vmem>> -> memref<8xi32, #tpu.memory_space<vmem>>
    %dma_wait3A_28 = arith.constant 0 : i32
    %dma_wait3A_29 = arith.constant 0 : i32
    %dma_wait3A_30 = tpu.memref_slice %arg2[%dma_wait3A_28, %dma_wait3A_29] : memref<8192x4096xf32, #tpu.memory_space<hbm>> -> memref<8192x4096xf32, #tpu.memory_space<hbm>>
    tpu.wait_indirect_dma semaphore(%arg7 : memref<!tpu.dma_semaphore, #tpu.memory_space<semaphore_mem>>) src(%dma_wait3A_30 : memref<8192x4096xf32, #tpu.memory_space<hbm>>) dst(%dma_wait3A_25 : memref<8x4096xf32, #tpu.memory_space<vmem>>)
    %add3A_31 = arith.constant 0 : i32
    %add3A_32 = arith.addi %mul3A_2, %add3A_31 : i32
    %dma_start3A_33 = arith.constant 0 : i32
    %dma_start3A_34 = arith.constant 0 : i32
    %dma_start3A_35 = arith.constant 0 : i32
    %dma_start3A_36 = tpu.memref_slice %arg6[%dma_start3A_33, %dma_start3A_34, %dma_start3A_35] : memref<3x8x4096xf32, #tpu.memory_space<vmem>> -> memref<1x8x4096xf32, #tpu.memory_space<vmem>>
    %dma_start3A_37 = tpu.memref_squeeze %dma_start3A_36 : memref<1x8x4096xf32, #tpu.memory_space<vmem>> -> memref<8x4096xf32, #tpu.memory_space<vmem>>
    %dma_start3A_38 = arith.constant 0 : i32
    %dma_start3A_39 = tpu.memref_slice %arg4[%add3A_32, %dma_start3A_38] : memref<8192x4096xf32, #tpu.memory_space<hbm>> -> memref<8x4096xf32, #tpu.memory_space<hbm>>
    %dma_start3A_40 = arith.constant 0 : i32
    %dma_start3A_41 = tpu.memref_slice %arg4[%add3A_32, %dma_start3A_40] : memref<8192x4096xf32, #tpu.memory_space<hbm>> -> memref<8x4096xf32, #tpu.memory_space<hbm>>
    %dma_start3A_42 = arith.constant 0 : i32
    %dma_start3A_43 = arith.constant 0 : i32
    %dma_start3A_44 = tpu.memref_slice %arg6[%dma_start3A_33, %dma_start3A_42, %dma_start3A_43] : memref<3x8x4096xf32, #tpu.memory_space<vmem>> -> memref<1x8x4096xf32, #tpu.memory_space<vmem>>
    %dma_start3A_45 = tpu.memref_squeeze %dma_start3A_44 : memref<1x8x4096xf32, #tpu.memory_space<vmem>> -> memref<8x4096xf32, #tpu.memory_space<vmem>>
    tpu.enqueue_dma source(%dma_start3A_45 : memref<8x4096xf32, #tpu.memory_space<vmem>>) target(%dma_start3A_41 : memref<8x4096xf32, #tpu.memory_space<hbm>>) target_semaphore(%arg10 : memref<!tpu.dma_semaphore, #tpu.memory_space<semaphore_mem>>)
    %dma_start3A_46 = arith.constant 2 : i32
    %dma_start3A_47 = arith.constant 0 : i32
    %dma_start3A_48 = arith.constant 0 : i32
    %dma_start3A_49 = tpu.memref_slice %arg6[%dma_start3A_46, %dma_start3A_47, %dma_start3A_48] : memref<3x8x4096xf32, #tpu.memory_space<vmem>> -> memref<1x8x4096xf32, #tpu.memory_space<vmem>>
    %dma_start3A_50 = tpu.memref_squeeze %dma_start3A_49 : memref<1x8x4096xf32, #tpu.memory_space<vmem>> -> memref<8x4096xf32, #tpu.memory_space<vmem>>
    %dma_start3A_51 = arith.constant 16 : i32
    %dma_start3A_52 = tpu.memref_slice %arg5[%dma_start3A_51] : memref<256xi32, #tpu.memory_space<vmem>> -> memref<8xi32, #tpu.memory_space<vmem>>
    %dma_start3A_53 = arith.constant 0 : i32
    %dma_start3A_54 = arith.constant 0 : i32
    %dma_start3A_55 = tpu.memref_slice %arg2[%dma_start3A_53, %dma_start3A_54] : memref<8192x4096xf32, #tpu.memory_space<hbm>> -> memref<8192x4096xf32, #tpu.memory_space<hbm>>
    tpu.enqueue_indirect_dma source(%dma_start3A_55 : memref<8192x4096xf32, #tpu.memory_space<hbm>>) target(%dma_start3A_50 : memref<8x4096xf32, #tpu.memory_space<vmem>>) offsets(%dma_start3A_52 : memref<8xi32, #tpu.memory_space<vmem>>) semaphore(%arg9 : memref<!tpu.dma_semaphore, #tpu.memory_space<semaphore_mem>>)
    %dma_wait3A_56 = arith.constant 1 : i32
    %dma_wait3A_57 = arith.constant 0 : i32
    %dma_wait3A_58 = arith.constant 0 : i32
    %dma_wait3A_59 = tpu.memref_slice %arg6[%dma_wait3A_56, %dma_wait3A_57, %dma_wait3A_58] : memref<3x8x4096xf32, #tpu.memory_space<vmem>> -> memref<1x8x4096xf32, #tpu.memory_space<vmem>>
    %dma_wait3A_60 = tpu.memref_squeeze %dma_wait3A_59 : memref<1x8x4096xf32, #tpu.memory_space<vmem>> -> memref<8x4096xf32, #tpu.memory_space<vmem>>
    %dma_wait3A_61 = arith.constant 8 : i32
    %dma_wait3A_62 = tpu.memref_slice %arg5[%dma_wait3A_61] : memref<256xi32, #tpu.memory_space<vmem>> -> memref<8xi32, #tpu.memory_space<vmem>>
    %dma_wait3A_63 = arith.constant 0 : i32
    %dma_wait3A_64 = arith.constant 0 : i32
    %dma_wait3A_65 = tpu.memref_slice %arg2[%dma_wait3A_63, %dma_wait3A_64] : memref<8192x4096xf32, #tpu.memory_space<hbm>> -> memref<8192x4096xf32, #tpu.memory_space<hbm>>
    tpu.wait_indirect_dma semaphore(%arg8 : memref<!tpu.dma_semaphore, #tpu.memory_space<semaphore_mem>>) src(%dma_wait3A_65 : memref<8192x4096xf32, #tpu.memory_space<hbm>>) dst(%dma_wait3A_60 : memref<8x4096xf32, #tpu.memory_space<vmem>>)
    %add3A_66 = arith.constant 8 : i32
    %add3A_67 = arith.addi %mul3A_2, %add3A_66 : i32
    %dma_start3A_68 = arith.constant 1 : i32
    %dma_start3A_69 = arith.constant 0 : i32
    %dma_start3A_70 = arith.constant 0 : i32
    %dma_start3A_71 = tpu.memref_slice %arg6[%dma_start3A_68, %dma_start3A_69, %dma_start3A_70] : memref<3x8x4096xf32, #tpu.memory_space<vmem>> -> memref<1x8x4096xf32, #tpu.memory_space<vmem>>
    %dma_start3A_72 = tpu.memref_squeeze %dma_start3A_71 : memref<1x8x4096xf32, #tpu.memory_space<vmem>> -> memref<8x4096xf32, #tpu.memory_space<vmem>>
    %dma_start3A_73 = arith.constant 0 : i32
    %dma_start3A_74 = tpu.memref_slice %arg4[%add3A_67, %dma_start3A_73] : memref<8192x4096xf32, #tpu.memory_space<hbm>> -> memref<8x4096xf32, #tpu.memory_space<hbm>>
    %dma_start3A_75 = arith.constant 0 : i32
    %dma_start3A_76 = tpu.memref_slice %arg4[%add3A_67, %dma_start3A_75] : memref<8192x4096xf32, #tpu.memory_space<hbm>> -> memref<8x4096xf32, #tpu.memory_space<hbm>>
    %dma_start3A_77 = arith.constant 0 : i32
    %dma_start3A_78 = arith.constant 0 : i32
    %dma_start3A_79 = tpu.memref_slice %arg6[%dma_start3A_68, %dma_start3A_77, %dma_start3A_78] : memref<3x8x4096xf32, #tpu.memory_space<vmem>> -> memref<1x8x4096xf32, #tpu.memory_space<vmem>>
    %dma_start3A_80 = tpu.memref_squeeze %dma_start3A_79 : memref<1x8x4096xf32, #tpu.memory_space<vmem>> -> memref<8x4096xf32, #tpu.memory_space<vmem>>
    tpu.enqueue_dma source(%dma_start3A_80 : memref<8x4096xf32, #tpu.memory_space<vmem>>) target(%dma_start3A_76 : memref<8x4096xf32, #tpu.memory_space<hbm>>) target_semaphore(%arg11 : memref<!tpu.dma_semaphore, #tpu.memory_space<semaphore_mem>>)
    %add3A_81 = arith.constant 0 : i32
    %add3A_82 = arith.addi %mul3A_2, %add3A_81 : i32
    %dma_wait3A_83 = arith.constant 0 : i32
    %dma_wait3A_84 = arith.constant 0 : i32
    %dma_wait3A_85 = arith.constant 0 : i32
    %dma_wait3A_86 = tpu.memref_slice %arg6[%dma_wait3A_83, %dma_wait3A_84, %dma_wait3A_85] : memref<3x8x4096xf32, #tpu.memory_space<vmem>> -> memref<1x8x4096xf32, #tpu.memory_space<vmem>>
    %dma_wait3A_87 = tpu.memref_squeeze %dma_wait3A_86 : memref<1x8x4096xf32, #tpu.memory_space<vmem>> -> memref<8x4096xf32, #tpu.memory_space<vmem>>
    %dma_wait3A_88 = arith.constant 0 : i32
    %dma_wait3A_89 = tpu.memref_slice %arg4[%add3A_82, %dma_wait3A_88] : memref<8192x4096xf32, #tpu.memory_space<hbm>> -> memref<8x4096xf32, #tpu.memory_space<hbm>>
    %dma_wait3A_90 = arith.constant 0 : i32
    %dma_wait3A_91 = tpu.memref_slice %arg4[%add3A_82, %dma_wait3A_90] : memref<8192x4096xf32, #tpu.memory_space<hbm>> -> memref<8x4096xf32, #tpu.memory_space<hbm>>
    %dma_wait3A_92 = arith.constant 0 : i32
    %dma_wait3A_93 = arith.constant 0 : i32
    %dma_wait3A_94 = tpu.memref_slice %arg6[%dma_wait3A_83, %dma_wait3A_92, %dma_wait3A_93] : memref<3x8x4096xf32, #tpu.memory_space<vmem>> -> memref<1x8x4096xf32, #tpu.memory_space<vmem>>
    %dma_wait3A_95 = tpu.memref_squeeze %dma_wait3A_94 : memref<1x8x4096xf32, #tpu.memory_space<vmem>> -> memref<8x4096xf32, #tpu.memory_space<vmem>>
    tpu.wait_dma2 semaphore(%arg10 : memref<!tpu.dma_semaphore, #tpu.memory_space<semaphore_mem>>) src(%dma_wait3A_95 : memref<8x4096xf32, #tpu.memory_space<vmem>>) dst(%dma_wait3A_91 : memref<8x4096xf32, #tpu.memory_space<hbm>>)
    %dma_start3A_96 = arith.constant 0 : i32
    %dma_start3A_97 = arith.constant 0 : i32
    %dma_start3A_98 = arith.constant 0 : i32
    %dma_start3A_99 = tpu.memref_slice %arg6[%dma_start3A_96, %dma_start3A_97, %dma_start3A_98] : memref<3x8x4096xf32, #tpu.memory_space<vmem>> -> memref<1x8x4096xf32, #tpu.memory_space<vmem>>
    %dma_start3A_100 = tpu.memref_squeeze %dma_start3A_99 : memref<1x8x4096xf32, #tpu.memory_space<vmem>> -> memref<8x4096xf32, #tpu.memory_space<vmem>>
    %dma_start3A_101 = arith.constant 24 : i32
    %dma_start3A_102 = tpu.memref_slice %arg5[%dma_start3A_101] : memref<256xi32, #tpu.memory_space<vmem>> -> memref<8xi32, #tpu.memory_space<vmem>>
    %dma_start3A_103 = arith.constant 0 : i32
    %dma_start3A_104 = arith.constant 0 : i32
    %dma_start3A_105 = tpu.memref_slice %arg2[%dma_start3A_103, %dma_start3A_104] : memref<8192x4096xf32, #tpu.memory_space<hbm>> -> memref<8192x4096xf32, #tpu.memory_space<hbm>>
    tpu.enqueue_indirect_dma source(%dma_start3A_105 : memref<8192x4096xf32, #tpu.memory_space<hbm>>) target(%dma_start3A_100 : memref<8x4096xf32, #tpu.memory_space<vmem>>) offsets(%dma_start3A_102 : memref<8xi32, #tpu.memory_space<vmem>>) semaphore(%arg7 : memref<!tpu.dma_semaphore, #tpu.memory_space<semaphore_mem>>)
    %dma_wait3A_106 = arith.constant 2 : i32
    %dma_wait3A_107 = arith.constant 0 : i32
    %dma_wait3A_108 = arith.constant 0 : i32
    %dma_wait3A_109 = tpu.memref_slice %arg6[%dma_wait3A_106, %dma_wait3A_107, %dma_wait3A_108] : memref<3x8x4096xf32, #tpu.memory_space<vmem>> -> memref<1x8x4096xf32, #tpu.memory_space<vmem>>
    %dma_wait3A_110 = tpu.memref_squeeze %dma_wait3A_109 : memref<1x8x4096xf32, #tpu.memory_space<vmem>> -> memref<8x4096xf32, #tpu.memory_space<vmem>>
    %dma_wait3A_111 = arith.constant 16 : i32
    %dma_wait3A_112 = tpu.memref_slice %arg5[%dma_wait3A_111] : memref<256xi32, #tpu.memory_space<vmem>> -> memref<8xi32, #tpu.memory_space<vmem>>
    %dma_wait3A_113 = arith.constant 0 : i32
    %dma_wait3A_114 = arith.constant 0 : i32
    %dma_wait3A_115 = tpu.memref_slice %arg2[%dma_wait3A_113, %dma_wait3A_114] : memref<8192x4096xf32, #tpu.memory_space<hbm>> -> memref<8192x4096xf32, #tpu.memory_space<hbm>>
    tpu.wait_indirect_dma semaphore(%arg9 : memref<!tpu.dma_semaphore, #tpu.memory_space<semaphore_mem>>) src(%dma_wait3A_115 : memref<8192x4096xf32, #tpu.memory_space<hbm>>) dst(%dma_wait3A_110 : memref<8x4096xf32, #tpu.memory_space<vmem>>)
    %add3A_116 = arith.constant 16 : i32
    %add3A_117 = arith.addi %mul3A_2, %add3A_116 : i32
    %dma_start3A_118 = arith.constant 2 : i32
    %dma_start3A_119 = arith.constant 0 : i32
    %dma_start3A_120 = arith.constant 0 : i32
    %dma_start3A_121 = tpu.memref_slice %arg6[%dma_start3A_118, %dma_start3A_119, %dma_start3A_120] : memref<3x8x4096xf32, #tpu.memory_space<vmem>> -> memref<1x8x4096xf32, #tpu.memory_space<vmem>>
    %dma_start3A_122 = tpu.memref_squeeze %dma_start3A_121 : memref<1x8x4096xf32, #tpu.memory_space<vmem>> -> memref<8x4096xf32, #tpu.memory_space<vmem>>
    %dma_start3A_123 = arith.constant 0 : i32
    %dma_start3A_124 = tpu.memref_slice %arg4[%add3A_117, %dma_start3A_123] : memref<8192x4096xf32, #tpu.memory_space<hbm>> -> memref<8x4096xf32, #tpu.memory_space<hbm>>
    %dma_start3A_125 = arith.constant 0 : i32
    %dma_start3A_126 = tpu.memref_slice %arg4[%add3A_117, %dma_start3A_125] : memref<8192x4096xf32, #tpu.memory_space<hbm>> -> memref<8x4096xf32, #tpu.memory_space<hbm>>
    %dma_start3A_127 = arith.constant 0 : i32
    %dma_start3A_128 = arith.constant 0 : i32
    %dma_start3A_129 = tpu.memref_slice %arg6[%dma_start3A_118, %dma_start3A_127, %dma_start3A_128] : memref<3x8x4096xf32, #tpu.memory_space<vmem>> -> memref<1x8x4096xf32, #tpu.memory_space<vmem>>
    %dma_start3A_130 = tpu.memref_squeeze %dma_start3A_129 : memref<1x8x4096xf32, #tpu.memory_space<vmem>> -> memref<8x4096xf32, #tpu.memory_space<vmem>>
    tpu.enqueue_dma source(%dma_start3A_130 : memref<8x4096xf32, #tpu.memory_space<vmem>>) target(%dma_start3A_126 : memref<8x4096xf32, #tpu.memory_space<hbm>>) target_semaphore(%arg12 : memref<!tpu.dma_semaphore, #tpu.memory_space<semaphore_mem>>)
    %add3A_131 = arith.constant 8 : i32
    %add3A_132 = arith.addi %mul3A_2, %add3A_131 : i32
    %dma_wait3A_133 = arith.constant 1 : i32
    %dma_wait3A_134 = arith.constant 0 : i32
    %dma_wait3A_135 = arith.constant 0 : i32
    %dma_wait3A_136 = tpu.memref_slice %arg6[%dma_wait3A_133, %dma_wait3A_134, %dma_wait3A_135] : memref<3x8x4096xf32, #tpu.memory_space<vmem>> -> memref<1x8x4096xf32, #tpu.memory_space<vmem>>
    %dma_wait3A_137 = tpu.memref_squeeze %dma_wait3A_136 : memref<1x8x4096xf32, #tpu.memory_space<vmem>> -> memref<8x4096xf32, #tpu.memory_space<vmem>>
    %dma_wait3A_138 = arith.constant 0 : i32
    %dma_wait3A_139 = tpu.memref_slice %arg4[%add3A_132, %dma_wait3A_138] : memref<8192x4096xf32, #tpu.memory_space<hbm>> -> memref<8x4096xf32, #tpu.memory_space<hbm>>
    %dma_wait3A_140 = arith.constant 0 : i32
    %dma_wait3A_141 = tpu.memref_slice %arg4[%add3A_132, %dma_wait3A_140] : memref<8192x4096xf32, #tpu.memory_space<hbm>> -> memref<8x4096xf32, #tpu.memory_space<hbm>>
    %dma_wait3A_142 = arith.constant 0 : i32
    %dma_wait3A_143 = arith.constant 0 : i32
    %dma_wait3A_144 = tpu.memref_slice %arg6[%dma_wait3A_133, %dma_wait3A_142, %dma_wait3A_143] : memref<3x8x4096xf32, #tpu.memory_space<vmem>> -> memref<1x8x4096xf32, #tpu.memory_space<vmem>>
    %dma_wait3A_145 = tpu.memref_squeeze %dma_wait3A_144 : memref<1x8x4096xf32, #tpu.memory_space<vmem>> -> memref<8x4096xf32, #tpu.memory_space<vmem>>
    tpu.wait_dma2 semaphore(%arg11 : memref<!tpu.dma_semaphore, #tpu.memory_space<semaphore_mem>>) src(%dma_wait3A_145 : memref<8x4096xf32, #tpu.memory_space<vmem>>) dst(%dma_wait3A_141 : memref<8x4096xf32, #tpu.memory_space<hbm>>)
    %dma_start3A_146 = arith.constant 1 : i32
    %dma_start3A_147 = arith.constant 0 : i32
    %dma_start3A_148 = arith.constant 0 : i32
    %dma_start3A_149 = tpu.memref_slice %arg6[%dma_start3A_146, %dma_start3A_147, %dma_start3A_148] : memref<3x8x4096xf32, #tpu.memory_space<vmem>> -> memref<1x8x4096xf32, #tpu.memory_space<vmem>>
    %dma_start3A_150 = tpu.memref_squeeze %dma_start3A_149 : memref<1x8x4096xf32, #tpu.memory_space<vmem>> -> memref<8x4096xf32, #tpu.memory_space<vmem>>
    %dma_start3A_151 = arith.constant 32 : i32
    %dma_start3A_152 = tpu.memref_slice %arg5[%dma_start3A_151] : memref<256xi32, #tpu.memory_space<vmem>> -> memref<8xi32, #tpu.memory_space<vmem>>
    %dma_start3A_153 = arith.constant 0 : i32
    %dma_start3A_154 = arith.constant 0 : i32
    %dma_start3A_155 = tpu.memref_slice %arg2[%dma_start3A_153, %dma_start3A_154] : memref<8192x4096xf32, #tpu.memory_space<hbm>> -> memref<8192x4096xf32, #tpu.memory_space<hbm>>
    tpu.enqueue_indirect_dma source(%dma_start3A_155 : memref<8192x4096xf32, #tpu.memory_space<hbm>>) target(%dma_start3A_150 : memref<8x4096xf32, #tpu.memory_space<vmem>>) offsets(%dma_start3A_152 : memref<8xi32, #tpu.memory_space<vmem>>) semaphore(%arg8 : memref<!tpu.dma_semaphore, #tpu.memory_space<semaphore_mem>>)
    %dma_wait3A_156 = arith.constant 0 : i32
    %dma_wait3A_157 = arith.constant 0 : i32
    %dma_wait3A_158 = arith.constant 0 : i32
    %dma_wait3A_159 = tpu.memref_slice %arg6[%dma_wait3A_156, %dma_wait3A_157, %dma_wait3A_158] : memref<3x8x4096xf32, #tpu.memory_space<vmem>> -> memref<1x8x4096xf32, #tpu.memory_space<vmem>>
    %dma_wait3A_160 = tpu.memref_squeeze %dma_wait3A_159 : memref<1x8x4096xf32, #tpu.memory_space<vmem>> -> memref<8x4096xf32, #tpu.memory_space<vmem>>
    %dma_wait3A_161 = arith.constant 24 : i32
    %dma_wait3A_162 = tpu.memref_slice %arg5[%dma_wait3A_161] : memref<256xi32, #tpu.memory_space<vmem>> -> memref<8xi32, #tpu.memory_space<vmem>>
    %dma_wait3A_163 = arith.constant 0 : i32
    %dma_wait3A_164 = arith.constant 0 : i32
    %dma_wait3A_165 = tpu.memref_slice %arg2[%dma_wait3A_163, %dma_wait3A_164] : memref<8192x4096xf32, #tpu.memory_space<hbm>> -> memref<8192x4096xf32, #tpu.memory_space<hbm>>
    tpu.wait_indirect_dma semaphore(%arg7 : memref<!tpu.dma_semaphore, #tpu.memory_space<semaphore_mem>>) src(%dma_wait3A_165 : memref<8192x4096xf32, #tpu.memory_space<hbm>>) dst(%dma_wait3A_160 : memref<8x4096xf32, #tpu.memory_space<vmem>>)
    %add3A_166 = arith.constant 24 : i32
    %add3A_167 = arith.addi %mul3A_2, %add3A_166 : i32
    %dma_start3A_168 = arith.constant 0 : i32
    %dma_start3A_169 = arith.constant 0 : i32
    %dma_start3A_170 = arith.constant 0 : i32
    %dma_start3A_171 = tpu.memref_slice %arg6[%dma_start3A_168, %dma_start3A_169, %dma_start3A_170] : memref<3x8x4096xf32, #tpu.memory_space<vmem>> -> memref<1x8x4096xf32, #tpu.memory_space<vmem>>
    %dma_start3A_172 = tpu.memref_squeeze %dma_start3A_171 : memref<1x8x4096xf32, #tpu.memory_space<vmem>> -> memref<8x4096xf32, #tpu.memory_space<vmem>>
    %dma_start3A_173 = arith.constant 0 : i32
    %dma_start3A_174 = tpu.memref_slice %arg4[%add3A_167, %dma_start3A_173] : memref<8192x4096xf32, #tpu.memory_space<hbm>> -> memref<8x4096xf32, #tpu.memory_space<hbm>>
    %dma_start3A_175 = arith.constant 0 : i32
    %dma_start3A_176 = tpu.memref_slice %arg4[%add3A_167, %dma_start3A_175] : memref<8192x4096xf32, #tpu.memory_space<hbm>> -> memref<8x4096xf32, #tpu.memory_space<hbm>>
    %dma_start3A_177 = arith.constant 0 : i32
    %dma_start3A_178 = arith.constant 0 : i32
    %dma_start3A_179 = tpu.memref_slice %arg6[%dma_start3A_168, %dma_start3A_177, %dma_start3A_178] : memref<3x8x4096xf32, #tpu.memory_space<vmem>> -> memref<1x8x4096xf32, #tpu.memory_space<vmem>>
    %dma_start3A_180 = tpu.memref_squeeze %dma_start3A_179 : memref<1x8x4096xf32, #tpu.memory_space<vmem>> -> memref<8x4096xf32, #tpu.memory_space<vmem>>
    tpu.enqueue_dma source(%dma_start3A_180 : memref<8x4096xf32, #tpu.memory_space<vmem>>) target(%dma_start3A_176 : memref<8x4096xf32, #tpu.memory_space<hbm>>) target_semaphore(%arg10 : memref<!tpu.dma_semaphore, #tpu.memory_space<semaphore_mem>>)
    %add3A_181 = arith.constant 16 : i32
    %add3A_182 = arith.addi %mul3A_2, %add3A_181 : i32
    %dma_wait3A_183 = arith.constant 2 : i32
    %dma_wait3A_184 = arith.constant 0 : i32
    %dma_wait3A_185 = arith.constant 0 : i32
    %dma_wait3A_186 = tpu.memref_slice %arg6[%dma_wait3A_183, %dma_wait3A_184, %dma_wait3A_185] : memref<3x8x4096xf32, #tpu.memory_space<vmem>> -> memref<1x8x4096xf32, #tpu.memory_space<vmem>>
    %dma_wait3A_187 = tpu.memref_squeeze %dma_wait3A_186 : memref<1x8x4096xf32, #tpu.memory_space<vmem>> -> memref<8x4096xf32, #tpu.memory_space<vmem>>
    %dma_wait3A_188 = arith.constant 0 : i32
    %dma_wait3A_189 = tpu.memref_slice %arg4[%add3A_182, %dma_wait3A_188] : memref<8192x4096xf32, #tpu.memory_space<hbm>> -> memref<8x4096xf32, #tpu.memory_space<hbm>>
    %dma_wait3A_190 = arith.constant 0 : i32
    %dma_wait3A_191 = tpu.memref_slice %arg4[%add3A_182, %dma_wait3A_190] : memref<8192x4096xf32, #tpu.memory_space<hbm>> -> memref<8x4096xf32, #tpu.memory_space<hbm>>
    %dma_wait3A_192 = arith.constant 0 : i32
    %dma_wait3A_193 = arith.constant 0 : i32
    %dma_wait3A_194 = tpu.memref_slice %arg6[%dma_wait3A_183, %dma_wait3A_192, %dma_wait3A_193] : memref<3x8x4096xf32, #tpu.memory_space<vmem>> -> memref<1x8x4096xf32, #tpu.memory_space<vmem>>
    %dma_wait3A_195 = tpu.memref_squeeze %dma_wait3A_194 : memref<1x8x4096xf32, #tpu.memory_space<vmem>> -> memref<8x4096xf32, #tpu.memory_space<vmem>>
    tpu.wait_dma2 semaphore(%arg12 : memref<!tpu.dma_semaphore, #tpu.memory_space<semaphore_mem>>) src(%dma_wait3A_195 : memref<8x4096xf32, #tpu.memory_space<vmem>>) dst(%dma_wait3A_191 : memref<8x4096xf32, #tpu.memory_space<hbm>>)
    %dma_start3A_196 = arith.constant 2 : i32
    %dma_start3A_197 = arith.constant 0 : i32
    %dma_start3A_198 = arith.constant 0 : i32
    %dma_start3A_199 = tpu.memref_slice %arg6[%dma_start3A_196, %dma_start3A_197, %dma_start3A_198] : memref<3x8x4096xf32, #tpu.memory_space<vmem>> -> memref<1x8x4096xf32, #tpu.memory_space<vmem>>
    %dma_start3A_200 = tpu.memref_squeeze %dma_start3A_199 : memref<1x8x4096xf32, #tpu.memory_space<vmem>> -> memref<8x4096xf32, #tpu.memory_space<vmem>>
    %dma_start3A_201 = arith.constant 40 : i32
    %dma_start3A_202 = tpu.memref_slice %arg5[%dma_start3A_201] : memref<256xi32, #tpu.memory_space<vmem>> -> memref<8xi32, #tpu.memory_space<vmem>>
    %dma_start3A_203 = arith.constant 0 : i32
    %dma_start3A_204 = arith.constant 0 : i32
    %dma_start3A_205 = tpu.memref_slice %arg2[%dma_start3A_203, %dma_start3A_204] : memref<8192x4096xf32, #tpu.memory_space<hbm>> -> memref<8192x4096xf32, #tpu.memory_space<hbm>>
    tpu.enqueue_indirect_dma source(%dma_start3A_205 : memref<8192x4096xf32, #tpu.memory_space<hbm>>) target(%dma_start3A_200 : memref<8x4096xf32, #tpu.memory_space<vmem>>) offsets(%dma_start3A_202 : memref<8xi32, #tpu.memory_space<vmem>>) semaphore(%arg9 : memref<!tpu.dma_semaphore, #tpu.memory_space<semaphore_mem>>)
    %dma_wait3A_206 = arith.constant 1 : i32
    %dma_wait3A_207 = arith.constant 0 : i32
    %dma_wait3A_208 = arith.constant 0 : i32
    %dma_wait3A_209 = tpu.memref_slice %arg6[%dma_wait3A_206, %dma_wait3A_207, %dma_wait3A_208] : memref<3x8x4096xf32, #tpu.memory_space<vmem>> -> memref<1x8x4096xf32, #tpu.memory_space<vmem>>
    %dma_wait3A_210 = tpu.memref_squeeze %dma_wait3A_209 : memref<1x8x4096xf32, #tpu.memory_space<vmem>> -> memref<8x4096xf32, #tpu.memory_space<vmem>>
    %dma_wait3A_211 = arith.constant 32 : i32
    %dma_wait3A_212 = tpu.memref_slice %arg5[%dma_wait3A_211] : memref<256xi32, #tpu.memory_space<vmem>> -> memref<8xi32, #tpu.memory_space<vmem>>
    %dma_wait3A_213 = arith.constant 0 : i32
    %dma_wait3A_214 = arith.constant 0 : i32
    %dma_wait3A_215 = tpu.memref_slice %arg2[%dma_wait3A_213, %dma_wait3A_214] : memref<8192x4096xf32, #tpu.memory_space<hbm>> -> memref<8192x4096xf32, #tpu.memory_space<hbm>>
    tpu.wait_indirect_dma semaphore(%arg8 : memref<!tpu.dma_semaphore, #tpu.memory_space<semaphore_mem>>) src(%dma_wait3A_215 : memref<8192x4096xf32, #tpu.memory_space<hbm>>) dst(%dma_wait3A_210 : memref<8x4096xf32, #tpu.memory_space<vmem>>)
    %add3A_216 = arith.constant 32 : i32
    %add3A_217 = arith.addi %mul3A_2, %add3A_216 : i32
    %dma_start3A_218 = arith.constant 1 : i32
    %dma_start3A_219 = arith.constant 0 : i32
    %dma_start3A_220 = arith.constant 0 : i32
    %dma_start3A_221 = tpu.memref_slice %arg6[%dma_start3A_218, %dma_start3A_219, %dma_start3A_220] : memref<3x8x4096xf32, #tpu.memory_space<vmem>> -> memref<1x8x4096xf32, #tpu.memory_space<vmem>>
    %dma_start3A_222 = tpu.memref_squeeze %dma_start3A_221 : memref<1x8x4096xf32, #tpu.memory_space<vmem>> -> memref<8x4096xf32, #tpu.memory_space<vmem>>
    %dma_start3A_223 = arith.constant 0 : i32
    %dma_start3A_224 = tpu.memref_slice %arg4[%add3A_217, %dma_start3A_223] : memref<8192x4096xf32, #tpu.memory_space<hbm>> -> memref<8x4096xf32, #tpu.memory_space<hbm>>
    %dma_start3A_225 = arith.constant 0 : i32
    %dma_start3A_226 = tpu.memref_slice %arg4[%add3A_217, %dma_start3A_225] : memref<8192x4096xf32, #tpu.memory_space<hbm>> -> memref<8x4096xf32, #tpu.memory_space<hbm>>
    %dma_start3A_227 = arith.constant 0 : i32
    %dma_start3A_228 = arith.constant 0 : i32
    %dma_start3A_229 = tpu.memref_slice %arg6[%dma_start3A_218, %dma_start3A_227, %dma_start3A_228] : memref<3x8x4096xf32, #tpu.memory_space<vmem>> -> memref<1x8x4096xf32, #tpu.memory_space<vmem>>
    %dma_start3A_230 = tpu.memref_squeeze %dma_start3A_229 : memref<1x8x4096xf32, #tpu.memory_space<vmem>> -> memref<8x4096xf32, #tpu.memory_space<vmem>>
    tpu.enqueue_dma source(%dma_start3A_230 : memref<8x4096xf32, #tpu.memory_space<vmem>>) target(%dma_start3A_226 : memref<8x4096xf32, #tpu.memory_space<hbm>>) target_semaphore(%arg11 : memref<!tpu.dma_semaphore, #tpu.memory_space<semaphore_mem>>)
    %add3A_231 = arith.constant 24 : i32
    %add3A_232 = arith.addi %mul3A_2, %add3A_231 : i32
    %dma_wait3A_233 = arith.constant 0 : i32
    %dma_wait3A_234 = arith.constant 0 : i32
    %dma_wait3A_235 = arith.constant 0 : i32
    %dma_wait3A_236 = tpu.memref_slice %arg6[%dma_wait3A_233, %dma_wait3A_234, %dma_wait3A_235] : memref<3x8x4096xf32, #tpu.memory_space<vmem>> -> memref<1x8x4096xf32, #tpu.memory_space<vmem>>
    %dma_wait3A_237 = tpu.memref_squeeze %dma_wait3A_236 : memref<1x8x4096xf32, #tpu.memory_space<vmem>> -> memref<8x4096xf32, #tpu.memory_space<vmem>>
    %dma_wait3A_238 = arith.constant 0 : i32
    %dma_wait3A_239 = tpu.memref_slice %arg4[%add3A_232, %dma_wait3A_238] : memref<8192x4096xf32, #tpu.memory_space<hbm>> -> memref<8x4096xf32, #tpu.memory_space<hbm>>
    %dma_wait3A_240 = arith.constant 0 : i32
    %dma_wait3A_241 = tpu.memref_slice %arg4[%add3A_232, %dma_wait3A_240] : memref<8192x4096xf32, #tpu.memory_space<hbm>> -> memref<8x4096xf32, #tpu.memory_space<hbm>>
    %dma_wait3A_242 = arith.constant 0 : i32
    %dma_wait3A_243 = arith.constant 0 : i32
    %dma_wait3A_244 = tpu.memref_slice %arg6[%dma_wait3A_233, %dma_wait3A_242, %dma_wait3A_243] : memref<3x8x4096xf32, #tpu.memory_space<vmem>> -> memref<1x8x4096xf32, #tpu.memory_space<vmem>>
    %dma_wait3A_245 = tpu.memref_squeeze %dma_wait3A_244 : memref<1x8x4096xf32, #tpu.memory_space<vmem>> -> memref<8x4096xf32, #tpu.memory_space<vmem>>
    tpu.wait_dma2 semaphore(%arg10 : memref<!tpu.dma_semaphore, #tpu.memory_space<semaphore_mem>>) src(%dma_wait3A_245 : memref<8x4096xf32, #tpu.memory_space<vmem>>) dst(%dma_wait3A_241 : memref<8x4096xf32, #tpu.memory_space<hbm>>)
    %dma_start3A_246 = arith.constant 0 : i32
    %dma_start3A_247 = arith.constant 0 : i32
    %dma_start3A_248 = arith.constant 0 : i32
    %dma_start3A_249 = tpu.memref_slice %arg6[%dma_start3A_246, %dma_start3A_247, %dma_start3A_248] : memref<3x8x4096xf32, #tpu.memory_space<vmem>> -> memref<1x8x4096xf32, #tpu.memory_space<vmem>>
    %dma_start3A_250 = tpu.memref_squeeze %dma_start3A_249 : memref<1x8x4096xf32, #tpu.memory_space<vmem>> -> memref<8x4096xf32, #tpu.memory_space<vmem>>
    %dma_start3A_251 = arith.constant 48 : i32
    %dma_start3A_252 = tpu.memref_slice %arg5[%dma_start3A_251] : memref<256xi32, #tpu.memory_space<vmem>> -> memref<8xi32, #tpu.memory_space<vmem>>
    %dma_start3A_253 = arith.constant 0 : i32
    %dma_start3A_254 = arith.constant 0 : i32
    %dma_start3A_255 = tpu.memref_slice %arg2[%dma_start3A_253, %dma_start3A_254] : memref<8192x4096xf32, #tpu.memory_space<hbm>> -> memref<8192x4096xf32, #tpu.memory_space<hbm>>
    tpu.enqueue_indirect_dma source(%dma_start3A_255 : memref<8192x4096xf32, #tpu.memory_space<hbm>>) target(%dma_start3A_250 : memref<8x4096xf32, #tpu.memory_space<vmem>>) offsets(%dma_start3A_252 : memref<8xi32, #tpu.memory_space<vmem>>) semaphore(%arg7 : memref<!tpu.dma_semaphore, #tpu.memory_space<semaphore_mem>>)
    %dma_wait3A_256 = arith.constant 2 : i32
    %dma_wait3A_257 = arith.constant 0 : i32
    %dma_wait3A_258 = arith.constant 0 : i32
    %dma_wait3A_259 = tpu.memref_slice %arg6[%dma_wait3A_256, %dma_wait3A_257, %dma_wait3A_258] : memref<3x8x4096xf32, #tpu.memory_space<vmem>> -> memref<1x8x4096xf32, #tpu.memory_space<vmem>>
    %dma_wait3A_260 = tpu.memref_squeeze %dma_wait3A_259 : memref<1x8x4096xf32, #tpu.memory_space<vmem>> -> memref<8x4096xf32, #tpu.memory_space<vmem>>
    %dma_wait3A_261 = arith.constant 40 : i32
    %dma_wait3A_262 = tpu.memref_slice %arg5[%dma_wait3A_261] : memref<256xi32, #tpu.memory_space<vmem>> -> memref<8xi32, #tpu.memory_space<vmem>>
    %dma_wait3A_263 = arith.constant 0 : i32
    %dma_wait3A_264 = arith.constant 0 : i32
    %dma_wait3A_265 = tpu.memref_slice %arg2[%dma_wait3A_263, %dma_wait3A_264] : memref<8192x4096xf32, #tpu.memory_space<hbm>> -> memref<8192x4096xf32, #tpu.memory_space<hbm>>
    tpu.wait_indirect_dma semaphore(%arg9 : memref<!tpu.dma_semaphore, #tpu.memory_space<semaphore_mem>>) src(%dma_wait3A_265 : memref<8192x4096xf32, #tpu.memory_space<hbm>>) dst(%dma_wait3A_260 : memref<8x4096xf32, #tpu.memory_space<vmem>>)
    %add3A_266 = arith.constant 40 : i32
    %add3A_267 = arith.addi %mul3A_2, %add3A_266 : i32
    %dma_start3A_268 = arith.constant 2 : i32
    %dma_start3A_269 = arith.constant 0 : i32
    %dma_start3A_270 = arith.constant 0 : i32
    %dma_start3A_271 = tpu.memref_slice %arg6[%dma_start3A_268, %dma_start3A_269, %dma_start3A_270] : memref<3x8x4096xf32, #tpu.memory_space<vmem>> -> memref<1x8x4096xf32, #tpu.memory_space<vmem>>
    %dma_start3A_272 = tpu.memref_squeeze %dma_start3A_271 : memref<1x8x4096xf32, #tpu.memory_space<vmem>> -> memref<8x4096xf32, #tpu.memory_space<vmem>>
    %dma_start3A_273 = arith.constant 0 : i32
    %dma_start3A_274 = tpu.memref_slice %arg4[%add3A_267, %dma_start3A_273] : memref<8192x4096xf32, #tpu.memory_space<hbm>> -> memref<8x4096xf32, #tpu.memory_space<hbm>>
    %dma_start3A_275 = arith.constant 0 : i32
    %dma_start3A_276 = tpu.memref_slice %arg4[%add3A_267, %dma_start3A_275] : memref<8192x4096xf32, #tpu.memory_space<hbm>> -> memref<8x4096xf32, #tpu.memory_space<hbm>>
    %dma_start3A_277 = arith.constant 0 : i32
    %dma_start3A_278 = arith.constant 0 : i32
    %dma_start3A_279 = tpu.memref_slice %arg6[%dma_start3A_268, %dma_start3A_277, %dma_start3A_278] : memref<3x8x4096xf32, #tpu.memory_space<vmem>> -> memref<1x8x4096xf32, #tpu.memory_space<vmem>>
    %dma_start3A_280 = tpu.memref_squeeze %dma_start3A_279 : memref<1x8x4096xf32, #tpu.memory_space<vmem>> -> memref<8x4096xf32, #tpu.memory_space<vmem>>
    tpu.enqueue_dma source(%dma_start3A_280 : memref<8x4096xf32, #tpu.memory_space<vmem>>) target(%dma_start3A_276 : memref<8x4096xf32, #tpu.memory_space<hbm>>) target_semaphore(%arg12 : memref<!tpu.dma_semaphore, #tpu.memory_space<semaphore_mem>>)
    %add3A_281 = arith.constant 32 : i32
    %add3A_282 = arith.addi %mul3A_2, %add3A_281 : i32
    %dma_wait3A_283 = arith.constant 1 : i32
    %dma_wait3A_284 = arith.constant 0 : i32
    %dma_wait3A_285 = arith.constant 0 : i32
    %dma_wait3A_286 = tpu.memref_slice %arg6[%dma_wait3A_283, %dma_wait3A_284, %dma_wait3A_285] : memref<3x8x4096xf32, #tpu.memory_space<vmem>> -> memref<1x8x4096xf32, #tpu.memory_space<vmem>>
    %dma_wait3A_287 = tpu.memref_squeeze %dma_wait3A_286 : memref<1x8x4096xf32, #tpu.memory_space<vmem>> -> memref<8x4096xf32, #tpu.memory_space<vmem>>
    %dma_wait3A_288 = arith.constant 0 : i32
    %dma_wait3A_289 = tpu.memref_slice %arg4[%add3A_282, %dma_wait3A_288] : memref<8192x4096xf32, #tpu.memory_space<hbm>> -> memref<8x4096xf32, #tpu.memory_space<hbm>>
    %dma_wait3A_290 = arith.constant 0 : i32
    %dma_wait3A_291 = tpu.memref_slice %arg4[%add3A_282, %dma_wait3A_290] : memref<8192x4096xf32, #tpu.memory_space<hbm>> -> memref<8x4096xf32, #tpu.memory_space<hbm>>
    %dma_wait3A_292 = arith.constant 0 : i32
    %dma_wait3A_293 = arith.constant 0 : i32
    %dma_wait3A_294 = tpu.memref_slice %arg6[%dma_wait3A_283, %dma_wait3A_292, %dma_wait3A_293] : memref<3x8x4096xf32, #tpu.memory_space<vmem>> -> memref<1x8x4096xf32, #tpu.memory_space<vmem>>
    %dma_wait3A_295 = tpu.memref_squeeze %dma_wait3A_294 : memref<1x8x4096xf32, #tpu.memory_space<vmem>> -> memref<8x4096xf32, #tpu.memory_space<vmem>>
    tpu.wait_dma2 semaphore(%arg11 : memref<!tpu.dma_semaphore, #tpu.memory_space<semaphore_mem>>) src(%dma_wait3A_295 : memref<8x4096xf32, #tpu.memory_space<vmem>>) dst(%dma_wait3A_291 : memref<8x4096xf32, #tpu.memory_space<hbm>>)
    %dma_start3A_296 = arith.constant 1 : i32
    %dma_start3A_297 = arith.constant 0 : i32
    %dma_start3A_298 = arith.constant 0 : i32
    %dma_start3A_299 = tpu.memref_slice %arg6[%dma_start3A_296, %dma_start3A_297, %dma_start3A_298] : memref<3x8x4096xf32, #tpu.memory_space<vmem>> -> memref<1x8x4096xf32, #tpu.memory_space<vmem>>
    %dma_start3A_300 = tpu.memref_squeeze %dma_start3A_299 : memref<1x8x4096xf32, #tpu.memory_space<vmem>> -> memref<8x4096xf32, #tpu.memory_space<vmem>>
    %dma_start3A_301 = arith.constant 56 : i32
    %dma_start3A_302 = tpu.memref_slice %arg5[%dma_start3A_301] : memref<256xi32, #tpu.memory_space<vmem>> -> memref<8xi32, #tpu.memory_space<vmem>>
    %dma_start3A_303 = arith.constant 0 : i32
    %dma_start3A_304 = arith.constant 0 : i32
    %dma_start3A_305 = tpu.memref_slice %arg2[%dma_start3A_303, %dma_start3A_304] : memref<8192x4096xf32, #tpu.memory_space<hbm>> -> memref<8192x4096xf32, #tpu.memory_space<hbm>>
    tpu.enqueue_indirect_dma source(%dma_start3A_305 : memref<8192x4096xf32, #tpu.memory_space<hbm>>) target(%dma_start3A_300 : memref<8x4096xf32, #tpu.memory_space<vmem>>) offsets(%dma_start3A_302 : memref<8xi32, #tpu.memory_space<vmem>>) semaphore(%arg8 : memref<!tpu.dma_semaphore, #tpu.memory_space<semaphore_mem>>)
    %dma_wait3A_306 = arith.constant 0 : i32
    %dma_wait3A_307 = arith.constant 0 : i32
    %dma_wait3A_308 = arith.constant 0 : i32
    %dma_wait3A_309 = tpu.memref_slice %arg6[%dma_wait3A_306, %dma_wait3A_307, %dma_wait3A_308] : memref<3x8x4096xf32, #tpu.memory_space<vmem>> -> memref<1x8x4096xf32, #tpu.memory_space<vmem>>
    %dma_wait3A_310 = tpu.memref_squeeze %dma_wait3A_309 : memref<1x8x4096xf32, #tpu.memory_space<vmem>> -> memref<8x4096xf32, #tpu.memory_space<vmem>>
    %dma_wait3A_311 = arith.constant 48 : i32
    %dma_wait3A_312 = tpu.memref_slice %arg5[%dma_wait3A_311] : memref<256xi32, #tpu.memory_space<vmem>> -> memref<8xi32, #tpu.memory_space<vmem>>
    %dma_wait3A_313 = arith.constant 0 : i32
    %dma_wait3A_314 = arith.constant 0 : i32
    %dma_wait3A_315 = tpu.memref_slice %arg2[%dma_wait3A_313, %dma_wait3A_314] : memref<8192x4096xf32, #tpu.memory_space<hbm>> -> memref<8192x4096xf32, #tpu.memory_space<hbm>>
    tpu.wait_indirect_dma semaphore(%arg7 : memref<!tpu.dma_semaphore, #tpu.memory_space<semaphore_mem>>) src(%dma_wait3A_315 : memref<8192x4096xf32, #tpu.memory_space<hbm>>) dst(%dma_wait3A_310 : memref<8x4096xf32, #tpu.memory_space<vmem>>)
    %add3A_316 = arith.constant 48 : i32
    %add3A_317 = arith.addi %mul3A_2, %add3A_316 : i32
    %dma_start3A_318 = arith.constant 0 : i32
    %dma_start3A_319 = arith.constant 0 : i32
    %dma_start3A_320 = arith.constant 0 : i32
    %dma_start3A_321 = tpu.memref_slice %arg6[%dma_start3A_318, %dma_start3A_319, %dma_start3A_320] : memref<3x8x4096xf32, #tpu.memory_space<vmem>> -> memref<1x8x4096xf32, #tpu.memory_space<vmem>>
    %dma_start3A_322 = tpu.memref_squeeze %dma_start3A_321 : memref<1x8x4096xf32, #tpu.memory_space<vmem>> -> memref<8x4096xf32, #tpu.memory_space<vmem>>
    %dma_start3A_323 = arith.constant 0 : i32
    %dma_start3A_324 = tpu.memref_slice %arg4[%add3A_317, %dma_start3A_323] : memref<8192x4096xf32, #tpu.memory_space<hbm>> -> memref<8x4096xf32, #tpu.memory_space<hbm>>
    %dma_start3A_325 = arith.constant 0 : i32
    %dma_start3A_326 = tpu.memref_slice %arg4[%add3A_317, %dma_start3A_325] : memref<8192x4096xf32, #tpu.memory_space<hbm>> -> memref<8x4096xf32, #tpu.memory_space<hbm>>
    %dma_start3A_327 = arith.constant 0 : i32
    %dma_start3A_328 = arith.constant 0 : i32
    %dma_start3A_329 = tpu.memref_slice %arg6[%dma_start3A_318, %dma_start3A_327, %dma_start3A_328] : memref<3x8x4096xf32, #tpu.memory_space<vmem>> -> memref<1x8x4096xf32, #tpu.memory_space<vmem>>
    %dma_start3A_330 = tpu.memref_squeeze %dma_start3A_329 : memref<1x8x4096xf32, #tpu.memory_space<vmem>> -> memref<8x4096xf32, #tpu.memory_space<vmem>>
    tpu.enqueue_dma source(%dma_start3A_330 : memref<8x4096xf32, #tpu.memory_space<vmem>>) target(%dma_start3A_326 : memref<8x4096xf32, #tpu.memory_space<hbm>>) target_semaphore(%arg10 : memref<!tpu.dma_semaphore, #tpu.memory_space<semaphore_mem>>)
    %add3A_331 = arith.constant 40 : i32
    %add3A_332 = arith.addi %mul3A_2, %add3A_331 : i32
    %dma_wait3A_333 = arith.constant 2 : i32
    %dma_wait3A_334 = arith.constant 0 : i32
    %dma_wait3A_335 = arith.constant 0 : i32
    %dma_wait3A_336 = tpu.memref_slice %arg6[%dma_wait3A_333, %dma_wait3A_334, %dma_wait3A_335] : memref<3x8x4096xf32, #tpu.memory_space<vmem>> -> memref<1x8x4096xf32, #tpu.memory_space<vmem>>
    %dma_wait3A_337 = tpu.memref_squeeze %dma_wait3A_336 : memref<1x8x4096xf32, #tpu.memory_space<vmem>> -> memref<8x4096xf32, #tpu.memory_space<vmem>>
    %dma_wait3A_338 = arith.constant 0 : i32
    %dma_wait3A_339 = tpu.memref_slice %arg4[%add3A_332, %dma_wait3A_338] : memref<8192x4096xf32, #tpu.memory_space<hbm>> -> memref<8x4096xf32, #tpu.memory_space<hbm>>
    %dma_wait3A_340 = arith.constant 0 : i32
    %dma_wait3A_341 = tpu.memref_slice %arg4[%add3A_332, %dma_wait3A_340] : memref<8192x4096xf32, #tpu.memory_space<hbm>> -> memref<8x4096xf32, #tpu.memory_space<hbm>>
    %dma_wait3A_342 = arith.constant 0 : i32
    %dma_wait3A_343 = arith.constant 0 : i32
    %dma_wait3A_344 = tpu.memref_slice %arg6[%dma_wait3A_333, %dma_wait3A_342, %dma_wait3A_343] : memref<3x8x4096xf32, #tpu.memory_space<vmem>> -> memref<1x8x4096xf32, #tpu.memory_space<vmem>>
    %dma_wait3A_345 = tpu.memref_squeeze %dma_wait3A_344 : memref<1x8x4096xf32, #tpu.memory_space<vmem>> -> memref<8x4096xf32, #tpu.memory_space<vmem>>
    tpu.wait_dma2 semaphore(%arg12 : memref<!tpu.dma_semaphore, #tpu.memory_space<semaphore_mem>>) src(%dma_wait3A_345 : memref<8x4096xf32, #tpu.memory_space<vmem>>) dst(%dma_wait3A_341 : memref<8x4096xf32, #tpu.memory_space<hbm>>)
    %dma_start3A_346 = arith.constant 2 : i32
    %dma_start3A_347 = arith.constant 0 : i32
    %dma_start3A_348 = arith.constant 0 : i32
    %dma_start3A_349 = tpu.memref_slice %arg6[%dma_start3A_346, %dma_start3A_347, %dma_start3A_348] : memref<3x8x4096xf32, #tpu.memory_space<vmem>> -> memref<1x8x4096xf32, #tpu.memory_space<vmem>>
    %dma_start3A_350 = tpu.memref_squeeze %dma_start3A_349 : memref<1x8x4096xf32, #tpu.memory_space<vmem>> -> memref<8x4096xf32, #tpu.memory_space<vmem>>
    %dma_start3A_351 = arith.constant 64 : i32
    %dma_start3A_352 = tpu.memref_slice %arg5[%dma_start3A_351] : memref<256xi32, #tpu.memory_space<vmem>> -> memref<8xi32, #tpu.memory_space<vmem>>
    %dma_start3A_353 = arith.constant 0 : i32
    %dma_start3A_354 = arith.constant 0 : i32
    %dma_start3A_355 = tpu.memref_slice %arg2[%dma_start3A_353, %dma_start3A_354] : memref<8192x4096xf32, #tpu.memory_space<hbm>> -> memref<8192x4096xf32, #tpu.memory_space<hbm>>
    tpu.enqueue_indirect_dma source(%dma_start3A_355 : memref<8192x4096xf32, #tpu.memory_space<hbm>>) target(%dma_start3A_350 : memref<8x4096xf32, #tpu.memory_space<vmem>>) offsets(%dma_start3A_352 : memref<8xi32, #tpu.memory_space<vmem>>) semaphore(%arg9 : memref<!tpu.dma_semaphore, #tpu.memory_space<semaphore_mem>>)
    %dma_wait3A_356 = arith.constant 1 : i32
    %dma_wait3A_357 = arith.constant 0 : i32
    %dma_wait3A_358 = arith.constant 0 : i32
    %dma_wait3A_359 = tpu.memref_slice %arg6[%dma_wait3A_356, %dma_wait3A_357, %dma_wait3A_358] : memref<3x8x4096xf32, #tpu.memory_space<vmem>> -> memref<1x8x4096xf32, #tpu.memory_space<vmem>>
    %dma_wait3A_360 = tpu.memref_squeeze %dma_wait3A_359 : memref<1x8x4096xf32, #tpu.memory_space<vmem>> -> memref<8x4096xf32, #tpu.memory_space<vmem>>
    %dma_wait3A_361 = arith.constant 56 : i32
    %dma_wait3A_362 = tpu.memref_slice %arg5[%dma_wait3A_361] : memref<256xi32, #tpu.memory_space<vmem>> -> memref<8xi32, #tpu.memory_space<vmem>>
    %dma_wait3A_363 = arith.constant 0 : i32
    %dma_wait3A_364 = arith.constant 0 : i32
    %dma_wait3A_365 = tpu.memref_slice %arg2[%dma_wait3A_363, %dma_wait3A_364] : memref<8192x4096xf32, #tpu.memory_space<hbm>> -> memref<8192x4096xf32, #tpu.memory_space<hbm>>
    tpu.wait_indirect_dma semaphore(%arg8 : memref<!tpu.dma_semaphore, #tpu.memory_space<semaphore_mem>>) src(%dma_wait3A_365 : memref<8192x4096xf32, #tpu.memory_space<hbm>>) dst(%dma_wait3A_360 : memref<8x4096xf32, #tpu.memory_space<vmem>>)
    %add3A_366 = arith.constant 56 : i32
    %add3A_367 = arith.addi %mul3A_2, %add3A_366 : i32
    %dma_start3A_368 = arith.constant 1 : i32
    %dma_start3A_369 = arith.constant 0 : i32
    %dma_start3A_370 = arith.constant 0 : i32
    %dma_start3A_371 = tpu.memref_slice %arg6[%dma_start3A_368, %dma_start3A_369, %dma_start3A_370] : memref<3x8x4096xf32, #tpu.memory_space<vmem>> -> memref<1x8x4096xf32, #tpu.memory_space<vmem>>
    %dma_start3A_372 = tpu.memref_squeeze %dma_start3A_371 : memref<1x8x4096xf32, #tpu.memory_space<vmem>> -> memref<8x4096xf32, #tpu.memory_space<vmem>>
    %dma_start3A_373 = arith.constant 0 : i32
    %dma_start3A_374 = tpu.memref_slice %arg4[%add3A_367, %dma_start3A_373] : memref<8192x4096xf32, #tpu.memory_space<hbm>> -> memref<8x4096xf32, #tpu.memory_space<hbm>>
    %dma_start3A_375 = arith.constant 0 : i32
    %dma_start3A_376 = tpu.memref_slice %arg4[%add3A_367, %dma_start3A_375] : memref<8192x4096xf32, #tpu.memory_space<hbm>> -> memref<8x4096xf32, #tpu.memory_space<hbm>>
    %dma_start3A_377 = arith.constant 0 : i32
    %dma_start3A_378 = arith.constant 0 : i32
    %dma_start3A_379 = tpu.memref_slice %arg6[%dma_start3A_368, %dma_start3A_377, %dma_start3A_378] : memref<3x8x4096xf32, #tpu.memory_space<vmem>> -> memref<1x8x4096xf32, #tpu.memory_space<vmem>>
    %dma_start3A_380 = tpu.memref_squeeze %dma_start3A_379 : memref<1x8x4096xf32, #tpu.memory_space<vmem>> -> memref<8x4096xf32, #tpu.memory_space<vmem>>
    tpu.enqueue_dma source(%dma_start3A_380 : memref<8x4096xf32, #tpu.memory_space<vmem>>) target(%dma_start3A_376 : memref<8x4096xf32, #tpu.memory_space<hbm>>) target_semaphore(%arg11 : memref<!tpu.dma_semaphore, #tpu.memory_space<semaphore_mem>>)
    %add3A_381 = arith.constant 48 : i32
    %add3A_382 = arith.addi %mul3A_2, %add3A_381 : i32
    %dma_wait3A_383 = arith.constant 0 : i32
    %dma_wait3A_384 = arith.constant 0 : i32
    %dma_wait3A_385 = arith.constant 0 : i32
    %dma_wait3A_386 = tpu.memref_slice %arg6[%dma_wait3A_383, %dma_wait3A_384, %dma_wait3A_385] : memref<3x8x4096xf32, #tpu.memory_space<vmem>> -> memref<1x8x4096xf32, #tpu.memory_space<vmem>>
    %dma_wait3A_387 = tpu.memref_squeeze %dma_wait3A_386 : memref<1x8x4096xf32, #tpu.memory_space<vmem>> -> memref<8x4096xf32, #tpu.memory_space<vmem>>
    %dma_wait3A_388 = arith.constant 0 : i32
    %dma_wait3A_389 = tpu.memref_slice %arg4[%add3A_382, %dma_wait3A_388] : memref<8192x4096xf32, #tpu.memory_space<hbm>> -> memref<8x4096xf32, #tpu.memory_space<hbm>>
    %dma_wait3A_390 = arith.constant 0 : i32
    %dma_wait3A_391 = tpu.memref_slice %arg4[%add3A_382, %dma_wait3A_390] : memref<8192x4096xf32, #tpu.memory_space<hbm>> -> memref<8x4096xf32, #tpu.memory_space<hbm>>
    %dma_wait3A_392 = arith.constant 0 : i32
    %dma_wait3A_393 = arith.constant 0 : i32
    %dma_wait3A_394 = tpu.memref_slice %arg6[%dma_wait3A_383, %dma_wait3A_392, %dma_wait3A_393] : memref<3x8x4096xf32, #tpu.memory_space<vmem>> -> memref<1x8x4096xf32, #tpu.memory_space<vmem>>
    %dma_wait3A_395 = tpu.memref_squeeze %dma_wait3A_394 : memref<1x8x4096xf32, #tpu.memory_space<vmem>> -> memref<8x4096xf32, #tpu.memory_space<vmem>>
    tpu.wait_dma2 semaphore(%arg10 : memref<!tpu.dma_semaphore, #tpu.memory_space<semaphore_mem>>) src(%dma_wait3A_395 : memref<8x4096xf32, #tpu.memory_space<vmem>>) dst(%dma_wait3A_391 : memref<8x4096xf32, #tpu.memory_space<hbm>>)
    %dma_start3A_396 = arith.constant 0 : i32
    %dma_start3A_397 = arith.constant 0 : i32
    %dma_start3A_398 = arith.constant 0 : i32
    %dma_start3A_399 = tpu.memref_slice %arg6[%dma_start3A_396, %dma_start3A_397, %dma_start3A_398] : memref<3x8x4096xf32, #tpu.memory_space<vmem>> -> memref<1x8x4096xf32, #tpu.memory_space<vmem>>
    %dma_start3A_400 = tpu.memref_squeeze %dma_start3A_399 : memref<1x8x4096xf32, #tpu.memory_space<vmem>> -> memref<8x4096xf32, #tpu.memory_space<vmem>>
    %dma_start3A_401 = arith.constant 72 : i32
    %dma_start3A_402 = tpu.memref_slice %arg5[%dma_start3A_401] : memref<256xi32, #tpu.memory_space<vmem>> -> memref<8xi32, #tpu.memory_space<vmem>>
    %dma_start3A_403 = arith.constant 0 : i32
    %dma_start3A_404 = arith.constant 0 : i32
    %dma_start3A_405 = tpu.memref_slice %arg2[%dma_start3A_403, %dma_start3A_404] : memref<8192x4096xf32, #tpu.memory_space<hbm>> -> memref<8192x4096xf32, #tpu.memory_space<hbm>>
    tpu.enqueue_indirect_dma source(%dma_start3A_405 : memref<8192x4096xf32, #tpu.memory_space<hbm>>) target(%dma_start3A_400 : memref<8x4096xf32, #tpu.memory_space<vmem>>) offsets(%dma_start3A_402 : memref<8xi32, #tpu.memory_space<vmem>>) semaphore(%arg7 : memref<!tpu.dma_semaphore, #tpu.memory_space<semaphore_mem>>)
    %dma_wait3A_406 = arith.constant 2 : i32
    %dma_wait3A_407 = arith.constant 0 : i32
    %dma_wait3A_408 = arith.constant 0 : i32
    %dma_wait3A_409 = tpu.memref_slice %arg6[%dma_wait3A_406, %dma_wait3A_407, %dma_wait3A_408] : memref<3x8x4096xf32, #tpu.memory_space<vmem>> -> memref<1x8x4096xf32, #tpu.memory_space<vmem>>
    %dma_wait3A_410 = tpu.memref_squeeze %dma_wait3A_409 : memref<1x8x4096xf32, #tpu.memory_space<vmem>> -> memref<8x4096xf32, #tpu.memory_space<vmem>>
    %dma_wait3A_411 = arith.constant 64 : i32
    %dma_wait3A_412 = tpu.memref_slice %arg5[%dma_wait3A_411] : memref<256xi32, #tpu.memory_space<vmem>> -> memref<8xi32, #tpu.memory_space<vmem>>
    %dma_wait3A_413 = arith.constant 0 : i32
    %dma_wait3A_414 = arith.constant 0 : i32
    %dma_wait3A_415 = tpu.memref_slice %arg2[%dma_wait3A_413, %dma_wait3A_414] : memref<8192x4096xf32, #tpu.memory_space<hbm>> -> memref<8192x4096xf32, #tpu.memory_space<hbm>>
    tpu.wait_indirect_dma semaphore(%arg9 : memref<!tpu.dma_semaphore, #tpu.memory_space<semaphore_mem>>) src(%dma_wait3A_415 : memref<8192x4096xf32, #tpu.memory_space<hbm>>) dst(%dma_wait3A_410 : memref<8x4096xf32, #tpu.memory_space<vmem>>)
    %add3A_416 = arith.constant 64 : i32
    %add3A_417 = arith.addi %mul3A_2, %add3A_416 : i32
    %dma_start3A_418 = arith.constant 2 : i32
    %dma_start3A_419 = arith.constant 0 : i32
    %dma_start3A_420 = arith.constant 0 : i32
    %dma_start3A_421 = tpu.memref_slice %arg6[%dma_start3A_418, %dma_start3A_419, %dma_start3A_420] : memref<3x8x4096xf32, #tpu.memory_space<vmem>> -> memref<1x8x4096xf32, #tpu.memory_space<vmem>>
    %dma_start3A_422 = tpu.memref_squeeze %dma_start3A_421 : memref<1x8x4096xf32, #tpu.memory_space<vmem>> -> memref<8x4096xf32, #tpu.memory_space<vmem>>
    %dma_start3A_423 = arith.constant 0 : i32
    %dma_start3A_424 = tpu.memref_slice %arg4[%add3A_417, %dma_start3A_423] : memref<8192x4096xf32, #tpu.memory_space<hbm>> -> memref<8x4096xf32, #tpu.memory_space<hbm>>
    %dma_start3A_425 = arith.constant 0 : i32
    %dma_start3A_426 = tpu.memref_slice %arg4[%add3A_417, %dma_start3A_425] : memref<8192x4096xf32, #tpu.memory_space<hbm>> -> memref<8x4096xf32, #tpu.memory_space<hbm>>
    %dma_start3A_427 = arith.constant 0 : i32
    %dma_start3A_428 = arith.constant 0 : i32
    %dma_start3A_429 = tpu.memref_slice %arg6[%dma_start3A_418, %dma_start3A_427, %dma_start3A_428] : memref<3x8x4096xf32, #tpu.memory_space<vmem>> -> memref<1x8x4096xf32, #tpu.memory_space<vmem>>
    %dma_start3A_430 = tpu.memref_squeeze %dma_start3A_429 : memref<1x8x4096xf32, #tpu.memory_space<vmem>> -> memref<8x4096xf32, #tpu.memory_space<vmem>>
    tpu.enqueue_dma source(%dma_start3A_430 : memref<8x4096xf32, #tpu.memory_space<vmem>>) target(%dma_start3A_426 : memref<8x4096xf32, #tpu.memory_space<hbm>>) target_semaphore(%arg12 : memref<!tpu.dma_semaphore, #tpu.memory_space<semaphore_mem>>)
    %add3A_431 = arith.constant 56 : i32
    %add3A_432 = arith.addi %mul3A_2, %add3A_431 : i32
    %dma_wait3A_433 = arith.constant 1 : i32
    %dma_wait3A_434 = arith.constant 0 : i32
    %dma_wait3A_435 = arith.constant 0 : i32
    %dma_wait3A_436 = tpu.memref_slice %arg6[%dma_wait3A_433, %dma_wait3A_434, %dma_wait3A_435] : memref<3x8x4096xf32, #tpu.memory_space<vmem>> -> memref<1x8x4096xf32, #tpu.memory_space<vmem>>
    %dma_wait3A_437 = tpu.memref_squeeze %dma_wait3A_436 : memref<1x8x4096xf32, #tpu.memory_space<vmem>> -> memref<8x4096xf32, #tpu.memory_space<vmem>>
    %dma_wait3A_438 = arith.constant 0 : i32
    %dma_wait3A_439 = tpu.memref_slice %arg4[%add3A_432, %dma_wait3A_438] : memref<8192x4096xf32, #tpu.memory_space<hbm>> -> memref<8x4096xf32, #tpu.memory_space<hbm>>
    %dma_wait3A_440 = arith.constant 0 : i32
    %dma_wait3A_441 = tpu.memref_slice %arg4[%add3A_432, %dma_wait3A_440] : memref<8192x4096xf32, #tpu.memory_space<hbm>> -> memref<8x4096xf32, #tpu.memory_space<hbm>>
    %dma_wait3A_442 = arith.constant 0 : i32
    %dma_wait3A_443 = arith.constant 0 : i32
    %dma_wait3A_444 = tpu.memref_slice %arg6[%dma_wait3A_433, %dma_wait3A_442, %dma_wait3A_443] : memref<3x8x4096xf32, #tpu.memory_space<vmem>> -> memref<1x8x4096xf32, #tpu.memory_space<vmem>>
    %dma_wait3A_445 = tpu.memref_squeeze %dma_wait3A_444 : memref<1x8x4096xf32, #tpu.memory_space<vmem>> -> memref<8x4096xf32, #tpu.memory_space<vmem>>
    tpu.wait_dma2 semaphore(%arg11 : memref<!tpu.dma_semaphore, #tpu.memory_space<semaphore_mem>>) src(%dma_wait3A_445 : memref<8x4096xf32, #tpu.memory_space<vmem>>) dst(%dma_wait3A_441 : memref<8x4096xf32, #tpu.memory_space<hbm>>)
    %dma_start3A_446 = arith.constant 1 : i32
    %dma_start3A_447 = arith.constant 0 : i32
    %dma_start3A_448 = arith.constant 0 : i32
    %dma_start3A_449 = tpu.memref_slice %arg6[%dma_start3A_446, %dma_start3A_447, %dma_start3A_448] : memref<3x8x4096xf32, #tpu.memory_space<vmem>> -> memref<1x8x4096xf32, #tpu.memory_space<vmem>>
    %dma_start3A_450 = tpu.memref_squeeze %dma_start3A_449 : memref<1x8x4096xf32, #tpu.memory_space<vmem>> -> memref<8x4096xf32, #tpu.memory_space<vmem>>
    %dma_start3A_451 = arith.constant 80 : i32
    %dma_start3A_452 = tpu.memref_slice %arg5[%dma_start3A_451] : memref<256xi32, #tpu.memory_space<vmem>> -> memref<8xi32, #tpu.memory_space<vmem>>
    %dma_start3A_453 = arith.constant 0 : i32
    %dma_start3A_454 = arith.constant 0 : i32
    %dma_start3A_455 = tpu.memref_slice %arg2[%dma_start3A_453, %dma_start3A_454] : memref<8192x4096xf32, #tpu.memory_space<hbm>> -> memref<8192x4096xf32, #tpu.memory_space<hbm>>
    tpu.enqueue_indirect_dma source(%dma_start3A_455 : memref<8192x4096xf32, #tpu.memory_space<hbm>>) target(%dma_start3A_450 : memref<8x4096xf32, #tpu.memory_space<vmem>>) offsets(%dma_start3A_452 : memref<8xi32, #tpu.memory_space<vmem>>) semaphore(%arg8 : memref<!tpu.dma_semaphore, #tpu.memory_space<semaphore_mem>>)
    %dma_wait3A_456 = arith.constant 0 : i32
    %dma_wait3A_457 = arith.constant 0 : i32
    %dma_wait3A_458 = arith.constant 0 : i32
    %dma_wait3A_459 = tpu.memref_slice %arg6[%dma_wait3A_456, %dma_wait3A_457, %dma_wait3A_458] : memref<3x8x4096xf32, #tpu.memory_space<vmem>> -> memref<1x8x4096xf32, #tpu.memory_space<vmem>>
    %dma_wait3A_460 = tpu.memref_squeeze %dma_wait3A_459 : memref<1x8x4096xf32, #tpu.memory_space<vmem>> -> memref<8x4096xf32, #tpu.memory_space<vmem>>
    %dma_wait3A_461 = arith.constant 72 : i32
    %dma_wait3A_462 = tpu.memref_slice %arg5[%dma_wait3A_461] : memref<256xi32, #tpu.memory_space<vmem>> -> memref<8xi32, #tpu.memory_space<vmem>>
    %dma_wait3A_463 = arith.constant 0 : i32
    %dma_wait3A_464 = arith.constant 0 : i32
    %dma_wait3A_465 = tpu.memref_slice %arg2[%dma_wait3A_463, %dma_wait3A_464] : memref<8192x4096xf32, #tpu.memory_space<hbm>> -> memref<8192x4096xf32, #tpu.memory_space<hbm>>
    tpu.wait_indirect_dma semaphore(%arg7 : memref<!tpu.dma_semaphore, #tpu.memory_space<semaphore_mem>>) src(%dma_wait3A_465 : memref<8192x4096xf32, #tpu.memory_space<hbm>>) dst(%dma_wait3A_460 : memref<8x4096xf32, #tpu.memory_space<vmem>>)
    %add3A_466 = arith.constant 72 : i32
    %add3A_467 = arith.addi %mul3A_2, %add3A_466 : i32
    %dma_start3A_468 = arith.constant 0 : i32
    %dma_start3A_469 = arith.constant 0 : i32
    %dma_start3A_470 = arith.constant 0 : i32
    %dma_start3A_471 = tpu.memref_slice %arg6[%dma_start3A_468, %dma_start3A_469, %dma_start3A_470] : memref<3x8x4096xf32, #tpu.memory_space<vmem>> -> memref<1x8x4096xf32, #tpu.memory_space<vmem>>
    %dma_start3A_472 = tpu.memref_squeeze %dma_start3A_471 : memref<1x8x4096xf32, #tpu.memory_space<vmem>> -> memref<8x4096xf32, #tpu.memory_space<vmem>>
    %dma_start3A_473 = arith.constant 0 : i32
    %dma_start3A_474 = tpu.memref_slice %arg4[%add3A_467, %dma_start3A_473] : memref<8192x4096xf32, #tpu.memory_space<hbm>> -> memref<8x4096xf32, #tpu.memory_space<hbm>>
    %dma_start3A_475 = arith.constant 0 : i32
    %dma_start3A_476 = tpu.memref_slice %arg4[%add3A_467, %dma_start3A_475] : memref<8192x4096xf32, #tpu.memory_space<hbm>> -> memref<8x4096xf32, #tpu.memory_space<hbm>>
    %dma_start3A_477 = arith.constant 0 : i32
    %dma_start3A_478 = arith.constant 0 : i32
    %dma_start3A_479 = tpu.memref_slice %arg6[%dma_start3A_468, %dma_start3A_477, %dma_start3A_478] : memref<3x8x4096xf32, #tpu.memory_space<vmem>> -> memref<1x8x4096xf32, #tpu.memory_space<vmem>>
    %dma_start3A_480 = tpu.memref_squeeze %dma_start3A_479 : memref<1x8x4096xf32, #tpu.memory_space<vmem>> -> memref<8x4096xf32, #tpu.memory_space<vmem>>
    tpu.enqueue_dma source(%dma_start3A_480 : memref<8x4096xf32, #tpu.memory_space<vmem>>) target(%dma_start3A_476 : memref<8x4096xf32, #tpu.memory_space<hbm>>) target_semaphore(%arg10 : memref<!tpu.dma_semaphore, #tpu.memory_space<semaphore_mem>>)
    %add3A_481 = arith.constant 64 : i32
    %add3A_482 = arith.addi %mul3A_2, %add3A_481 : i32
    %dma_wait3A_483 = arith.constant 2 : i32
    %dma_wait3A_484 = arith.constant 0 : i32
    %dma_wait3A_485 = arith.constant 0 : i32
    %dma_wait3A_486 = tpu.memref_slice %arg6[%dma_wait3A_483, %dma_wait3A_484, %dma_wait3A_485] : memref<3x8x4096xf32, #tpu.memory_space<vmem>> -> memref<1x8x4096xf32, #tpu.memory_space<vmem>>
    %dma_wait3A_487 = tpu.memref_squeeze %dma_wait3A_486 : memref<1x8x4096xf32, #tpu.memory_space<vmem>> -> memref<8x4096xf32, #tpu.memory_space<vmem>>
    %dma_wait3A_488 = arith.constant 0 : i32
    %dma_wait3A_489 = tpu.memref_slice %arg4[%add3A_482, %dma_wait3A_488] : memref<8192x4096xf32, #tpu.memory_space<hbm>> -> memref<8x4096xf32, #tpu.memory_space<hbm>>
    %dma_wait3A_490 = arith.constant 0 : i32
    %dma_wait3A_491 = tpu.memref_slice %arg4[%add3A_482, %dma_wait3A_490] : memref<8192x4096xf32, #tpu.memory_space<hbm>> -> memref<8x4096xf32, #tpu.memory_space<hbm>>
    %dma_wait3A_492 = arith.constant 0 : i32
    %dma_wait3A_493 = arith.constant 0 : i32
    %dma_wait3A_494 = tpu.memref_slice %arg6[%dma_wait3A_483, %dma_wait3A_492, %dma_wait3A_493] : memref<3x8x4096xf32, #tpu.memory_space<vmem>> -> memref<1x8x4096xf32, #tpu.memory_space<vmem>>
    %dma_wait3A_495 = tpu.memref_squeeze %dma_wait3A_494 : memref<1x8x4096xf32, #tpu.memory_space<vmem>> -> memref<8x4096xf32, #tpu.memory_space<vmem>>
    tpu.wait_dma2 semaphore(%arg12 : memref<!tpu.dma_semaphore, #tpu.memory_space<semaphore_mem>>) src(%dma_wait3A_495 : memref<8x4096xf32, #tpu.memory_space<vmem>>) dst(%dma_wait3A_491 : memref<8x4096xf32, #tpu.memory_space<hbm>>)
    %dma_start3A_496 = arith.constant 2 : i32
    %dma_start3A_497 = arith.constant 0 : i32
    %dma_start3A_498 = arith.constant 0 : i32
    %dma_start3A_499 = tpu.memref_slice %arg6[%dma_start3A_496, %dma_start3A_497, %dma_start3A_498] : memref<3x8x4096xf32, #tpu.memory_space<vmem>> -> memref<1x8x4096xf32, #tpu.memory_space<vmem>>
    %dma_start3A_500 = tpu.memref_squeeze %dma_start3A_499 : memref<1x8x4096xf32, #tpu.memory_space<vmem>> -> memref<8x4096xf32, #tpu.memory_space<vmem>>
    %dma_start3A_501 = arith.constant 88 : i32
    %dma_start3A_502 = tpu.memref_slice %arg5[%dma_start3A_501] : memref<256xi32, #tpu.memory_space<vmem>> -> memref<8xi32, #tpu.memory_space<vmem>>
    %dma_start3A_503 = arith.constant 0 : i32
    %dma_start3A_504 = arith.constant 0 : i32
    %dma_start3A_505 = tpu.memref_slice %arg2[%dma_start3A_503, %dma_start3A_504] : memref<8192x4096xf32, #tpu.memory_space<hbm>> -> memref<8192x4096xf32, #tpu.memory_space<hbm>>
    tpu.enqueue_indirect_dma source(%dma_start3A_505 : memref<8192x4096xf32, #tpu.memory_space<hbm>>) target(%dma_start3A_500 : memref<8x4096xf32, #tpu.memory_space<vmem>>) offsets(%dma_start3A_502 : memref<8xi32, #tpu.memory_space<vmem>>) semaphore(%arg9 : memref<!tpu.dma_semaphore, #tpu.memory_space<semaphore_mem>>)
    %dma_wait3A_506 = arith.constant 1 : i32
    %dma_wait3A_507 = arith.constant 0 : i32
    %dma_wait3A_508 = arith.constant 0 : i32
    %dma_wait3A_509 = tpu.memref_slice %arg6[%dma_wait3A_506, %dma_wait3A_507, %dma_wait3A_508] : memref<3x8x4096xf32, #tpu.memory_space<vmem>> -> memref<1x8x4096xf32, #tpu.memory_space<vmem>>
    %dma_wait3A_510 = tpu.memref_squeeze %dma_wait3A_509 : memref<1x8x4096xf32, #tpu.memory_space<vmem>> -> memref<8x4096xf32, #tpu.memory_space<vmem>>
    %dma_wait3A_511 = arith.constant 80 : i32
    %dma_wait3A_512 = tpu.memref_slice %arg5[%dma_wait3A_511] : memref<256xi32, #tpu.memory_space<vmem>> -> memref<8xi32, #tpu.memory_space<vmem>>
    %dma_wait3A_513 = arith.constant 0 : i32
    %dma_wait3A_514 = arith.constant 0 : i32
    %dma_wait3A_515 = tpu.memref_slice %arg2[%dma_wait3A_513, %dma_wait3A_514] : memref<8192x4096xf32, #tpu.memory_space<hbm>> -> memref<8192x4096xf32, #tpu.memory_space<hbm>>
    tpu.wait_indirect_dma semaphore(%arg8 : memref<!tpu.dma_semaphore, #tpu.memory_space<semaphore_mem>>) src(%dma_wait3A_515 : memref<8192x4096xf32, #tpu.memory_space<hbm>>) dst(%dma_wait3A_510 : memref<8x4096xf32, #tpu.memory_space<vmem>>)
    %add3A_516 = arith.constant 80 : i32
    %add3A_517 = arith.addi %mul3A_2, %add3A_516 : i32
    %dma_start3A_518 = arith.constant 1 : i32
    %dma_start3A_519 = arith.constant 0 : i32
    %dma_start3A_520 = arith.constant 0 : i32
    %dma_start3A_521 = tpu.memref_slice %arg6[%dma_start3A_518, %dma_start3A_519, %dma_start3A_520] : memref<3x8x4096xf32, #tpu.memory_space<vmem>> -> memref<1x8x4096xf32, #tpu.memory_space<vmem>>
    %dma_start3A_522 = tpu.memref_squeeze %dma_start3A_521 : memref<1x8x4096xf32, #tpu.memory_space<vmem>> -> memref<8x4096xf32, #tpu.memory_space<vmem>>
    %dma_start3A_523 = arith.constant 0 : i32
    %dma_start3A_524 = tpu.memref_slice %arg4[%add3A_517, %dma_start3A_523] : memref<8192x4096xf32, #tpu.memory_space<hbm>> -> memref<8x4096xf32, #tpu.memory_space<hbm>>
    %dma_start3A_525 = arith.constant 0 : i32
    %dma_start3A_526 = tpu.memref_slice %arg4[%add3A_517, %dma_start3A_525] : memref<8192x4096xf32, #tpu.memory_space<hbm>> -> memref<8x4096xf32, #tpu.memory_space<hbm>>
    %dma_start3A_527 = arith.constant 0 : i32
    %dma_start3A_528 = arith.constant 0 : i32
    %dma_start3A_529 = tpu.memref_slice %arg6[%dma_start3A_518, %dma_start3A_527, %dma_start3A_528] : memref<3x8x4096xf32, #tpu.memory_space<vmem>> -> memref<1x8x4096xf32, #tpu.memory_space<vmem>>
    %dma_start3A_530 = tpu.memref_squeeze %dma_start3A_529 : memref<1x8x4096xf32, #tpu.memory_space<vmem>> -> memref<8x4096xf32, #tpu.memory_space<vmem>>
    tpu.enqueue_dma source(%dma_start3A_530 : memref<8x4096xf32, #tpu.memory_space<vmem>>) target(%dma_start3A_526 : memref<8x4096xf32, #tpu.memory_space<hbm>>) target_semaphore(%arg11 : memref<!tpu.dma_semaphore, #tpu.memory_space<semaphore_mem>>)
    %add3A_531 = arith.constant 72 : i32
    %add3A_532 = arith.addi %mul3A_2, %add3A_531 : i32
    %dma_wait3A_533 = arith.constant 0 : i32
    %dma_wait3A_534 = arith.constant 0 : i32
    %dma_wait3A_535 = arith.constant 0 : i32
    %dma_wait3A_536 = tpu.memref_slice %arg6[%dma_wait3A_533, %dma_wait3A_534, %dma_wait3A_535] : memref<3x8x4096xf32, #tpu.memory_space<vmem>> -> memref<1x8x4096xf32, #tpu.memory_space<vmem>>
    %dma_wait3A_537 = tpu.memref_squeeze %dma_wait3A_536 : memref<1x8x4096xf32, #tpu.memory_space<vmem>> -> memref<8x4096xf32, #tpu.memory_space<vmem>>
    %dma_wait3A_538 = arith.constant 0 : i32
    %dma_wait3A_539 = tpu.memref_slice %arg4[%add3A_532, %dma_wait3A_538] : memref<8192x4096xf32, #tpu.memory_space<hbm>> -> memref<8x4096xf32, #tpu.memory_space<hbm>>
    %dma_wait3A_540 = arith.constant 0 : i32
    %dma_wait3A_541 = tpu.memref_slice %arg4[%add3A_532, %dma_wait3A_540] : memref<8192x4096xf32, #tpu.memory_space<hbm>> -> memref<8x4096xf32, #tpu.memory_space<hbm>>
    %dma_wait3A_542 = arith.constant 0 : i32
    %dma_wait3A_543 = arith.constant 0 : i32
    %dma_wait3A_544 = tpu.memref_slice %arg6[%dma_wait3A_533, %dma_wait3A_542, %dma_wait3A_543] : memref<3x8x4096xf32, #tpu.memory_space<vmem>> -> memref<1x8x4096xf32, #tpu.memory_space<vmem>>
    %dma_wait3A_545 = tpu.memref_squeeze %dma_wait3A_544 : memref<1x8x4096xf32, #tpu.memory_space<vmem>> -> memref<8x4096xf32, #tpu.memory_space<vmem>>
    tpu.wait_dma2 semaphore(%arg10 : memref<!tpu.dma_semaphore, #tpu.memory_space<semaphore_mem>>) src(%dma_wait3A_545 : memref<8x4096xf32, #tpu.memory_space<vmem>>) dst(%dma_wait3A_541 : memref<8x4096xf32, #tpu.memory_space<hbm>>)
    %dma_start3A_546 = arith.constant 0 : i32
    %dma_start3A_547 = arith.constant 0 : i32
    %dma_start3A_548 = arith.constant 0 : i32
    %dma_start3A_549 = tpu.memref_slice %arg6[%dma_start3A_546, %dma_start3A_547, %dma_start3A_548] : memref<3x8x4096xf32, #tpu.memory_space<vmem>> -> memref<1x8x4096xf32, #tpu.memory_space<vmem>>
    %dma_start3A_550 = tpu.memref_squeeze %dma_start3A_549 : memref<1x8x4096xf32, #tpu.memory_space<vmem>> -> memref<8x4096xf32, #tpu.memory_space<vmem>>
    %dma_start3A_551 = arith.constant 96 : i32
    %dma_start3A_552 = tpu.memref_slice %arg5[%dma_start3A_551] : memref<256xi32, #tpu.memory_space<vmem>> -> memref<8xi32, #tpu.memory_space<vmem>>
    %dma_start3A_553 = arith.constant 0 : i32
    %dma_start3A_554 = arith.constant 0 : i32
    %dma_start3A_555 = tpu.memref_slice %arg2[%dma_start3A_553, %dma_start3A_554] : memref<8192x4096xf32, #tpu.memory_space<hbm>> -> memref<8192x4096xf32, #tpu.memory_space<hbm>>
    tpu.enqueue_indirect_dma source(%dma_start3A_555 : memref<8192x4096xf32, #tpu.memory_space<hbm>>) target(%dma_start3A_550 : memref<8x4096xf32, #tpu.memory_space<vmem>>) offsets(%dma_start3A_552 : memref<8xi32, #tpu.memory_space<vmem>>) semaphore(%arg7 : memref<!tpu.dma_semaphore, #tpu.memory_space<semaphore_mem>>)
    %dma_wait3A_556 = arith.constant 2 : i32
    %dma_wait3A_557 = arith.constant 0 : i32
    %dma_wait3A_558 = arith.constant 0 : i32
    %dma_wait3A_559 = tpu.memref_slice %arg6[%dma_wait3A_556, %dma_wait3A_557, %dma_wait3A_558] : memref<3x8x4096xf32, #tpu.memory_space<vmem>> -> memref<1x8x4096xf32, #tpu.memory_space<vmem>>
    %dma_wait3A_560 = tpu.memref_squeeze %dma_wait3A_559 : memref<1x8x4096xf32, #tpu.memory_space<vmem>> -> memref<8x4096xf32, #tpu.memory_space<vmem>>
    %dma_wait3A_561 = arith.constant 88 : i32
    %dma_wait3A_562 = tpu.memref_slice %arg5[%dma_wait3A_561] : memref<256xi32, #tpu.memory_space<vmem>> -> memref<8xi32, #tpu.memory_space<vmem>>
    %dma_wait3A_563 = arith.constant 0 : i32
    %dma_wait3A_564 = arith.constant 0 : i32
    %dma_wait3A_565 = tpu.memref_slice %arg2[%dma_wait3A_563, %dma_wait3A_564] : memref<8192x4096xf32, #tpu.memory_space<hbm>> -> memref<8192x4096xf32, #tpu.memory_space<hbm>>
    tpu.wait_indirect_dma semaphore(%arg9 : memref<!tpu.dma_semaphore, #tpu.memory_space<semaphore_mem>>) src(%dma_wait3A_565 : memref<8192x4096xf32, #tpu.memory_space<hbm>>) dst(%dma_wait3A_560 : memref<8x4096xf32, #tpu.memory_space<vmem>>)
    %add3A_566 = arith.constant 88 : i32
    %add3A_567 = arith.addi %mul3A_2, %add3A_566 : i32
    %dma_start3A_568 = arith.constant 2 : i32
    %dma_start3A_569 = arith.constant 0 : i32
    %dma_start3A_570 = arith.constant 0 : i32
    %dma_start3A_571 = tpu.memref_slice %arg6[%dma_start3A_568, %dma_start3A_569, %dma_start3A_570] : memref<3x8x4096xf32, #tpu.memory_space<vmem>> -> memref<1x8x4096xf32, #tpu.memory_space<vmem>>
    %dma_start3A_572 = tpu.memref_squeeze %dma_start3A_571 : memref<1x8x4096xf32, #tpu.memory_space<vmem>> -> memref<8x4096xf32, #tpu.memory_space<vmem>>
    %dma_start3A_573 = arith.constant 0 : i32
    %dma_start3A_574 = tpu.memref_slice %arg4[%add3A_567, %dma_start3A_573] : memref<8192x4096xf32, #tpu.memory_space<hbm>> -> memref<8x4096xf32, #tpu.memory_space<hbm>>
    %dma_start3A_575 = arith.constant 0 : i32
    %dma_start3A_576 = tpu.memref_slice %arg4[%add3A_567, %dma_start3A_575] : memref<8192x4096xf32, #tpu.memory_space<hbm>> -> memref<8x4096xf32, #tpu.memory_space<hbm>>
    %dma_start3A_577 = arith.constant 0 : i32
    %dma_start3A_578 = arith.constant 0 : i32
    %dma_start3A_579 = tpu.memref_slice %arg6[%dma_start3A_568, %dma_start3A_577, %dma_start3A_578] : memref<3x8x4096xf32, #tpu.memory_space<vmem>> -> memref<1x8x4096xf32, #tpu.memory_space<vmem>>
    %dma_start3A_580 = tpu.memref_squeeze %dma_start3A_579 : memref<1x8x4096xf32, #tpu.memory_space<vmem>> -> memref<8x4096xf32, #tpu.memory_space<vmem>>
    tpu.enqueue_dma source(%dma_start3A_580 : memref<8x4096xf32, #tpu.memory_space<vmem>>) target(%dma_start3A_576 : memref<8x4096xf32, #tpu.memory_space<hbm>>) target_semaphore(%arg12 : memref<!tpu.dma_semaphore, #tpu.memory_space<semaphore_mem>>)
    %add3A_581 = arith.constant 80 : i32
    %add3A_582 = arith.addi %mul3A_2, %add3A_581 : i32
    %dma_wait3A_583 = arith.constant 1 : i32
    %dma_wait3A_584 = arith.constant 0 : i32
    %dma_wait3A_585 = arith.constant 0 : i32
    %dma_wait3A_586 = tpu.memref_slice %arg6[%dma_wait3A_583, %dma_wait3A_584, %dma_wait3A_585] : memref<3x8x4096xf32, #tpu.memory_space<vmem>> -> memref<1x8x4096xf32, #tpu.memory_space<vmem>>
    %dma_wait3A_587 = tpu.memref_squeeze %dma_wait3A_586 : memref<1x8x4096xf32, #tpu.memory_space<vmem>> -> memref<8x4096xf32, #tpu.memory_space<vmem>>
    %dma_wait3A_588 = arith.constant 0 : i32
    %dma_wait3A_589 = tpu.memref_slice %arg4[%add3A_582, %dma_wait3A_588] : memref<8192x4096xf32, #tpu.memory_space<hbm>> -> memref<8x4096xf32, #tpu.memory_space<hbm>>
    %dma_wait3A_590 = arith.constant 0 : i32
    %dma_wait3A_591 = tpu.memref_slice %arg4[%add3A_582, %dma_wait3A_590] : memref<8192x4096xf32, #tpu.memory_space<hbm>> -> memref<8x4096xf32, #tpu.memory_space<hbm>>
    %dma_wait3A_592 = arith.constant 0 : i32
    %dma_wait3A_593 = arith.constant 0 : i32
    %dma_wait3A_594 = tpu.memref_slice %arg6[%dma_wait3A_583, %dma_wait3A_592, %dma_wait3A_593] : memref<3x8x4096xf32, #tpu.memory_space<vmem>> -> memref<1x8x4096xf32, #tpu.memory_space<vmem>>
    %dma_wait3A_595 = tpu.memref_squeeze %dma_wait3A_594 : memref<1x8x4096xf32, #tpu.memory_space<vmem>> -> memref<8x4096xf32, #tpu.memory_space<vmem>>
    tpu.wait_dma2 semaphore(%arg11 : memref<!tpu.dma_semaphore, #tpu.memory_space<semaphore_mem>>) src(%dma_wait3A_595 : memref<8x4096xf32, #tpu.memory_space<vmem>>) dst(%dma_wait3A_591 : memref<8x4096xf32, #tpu.memory_space<hbm>>)
    %dma_start3A_596 = arith.constant 1 : i32
    %dma_start3A_597 = arith.constant 0 : i32
    %dma_start3A_598 = arith.constant 0 : i32
    %dma_start3A_599 = tpu.memref_slice %arg6[%dma_start3A_596, %dma_start3A_597, %dma_start3A_598] : memref<3x8x4096xf32, #tpu.memory_space<vmem>> -> memref<1x8x4096xf32, #tpu.memory_space<vmem>>
    %dma_start3A_600 = tpu.memref_squeeze %dma_start3A_599 : memref<1x8x4096xf32, #tpu.memory_space<vmem>> -> memref<8x4096xf32, #tpu.memory_space<vmem>>
    %dma_start3A_601 = arith.constant 104 : i32
    %dma_start3A_602 = tpu.memref_slice %arg5[%dma_start3A_601] : memref<256xi32, #tpu.memory_space<vmem>> -> memref<8xi32, #tpu.memory_space<vmem>>
    %dma_start3A_603 = arith.constant 0 : i32
    %dma_start3A_604 = arith.constant 0 : i32
    %dma_start3A_605 = tpu.memref_slice %arg2[%dma_start3A_603, %dma_start3A_604] : memref<8192x4096xf32, #tpu.memory_space<hbm>> -> memref<8192x4096xf32, #tpu.memory_space<hbm>>
    tpu.enqueue_indirect_dma source(%dma_start3A_605 : memref<8192x4096xf32, #tpu.memory_space<hbm>>) target(%dma_start3A_600 : memref<8x4096xf32, #tpu.memory_space<vmem>>) offsets(%dma_start3A_602 : memref<8xi32, #tpu.memory_space<vmem>>) semaphore(%arg8 : memref<!tpu.dma_semaphore, #tpu.memory_space<semaphore_mem>>)
    %dma_wait3A_606 = arith.constant 0 : i32
    %dma_wait3A_607 = arith.constant 0 : i32
    %dma_wait3A_608 = arith.constant 0 : i32
    %dma_wait3A_609 = tpu.memref_slice %arg6[%dma_wait3A_606, %dma_wait3A_607, %dma_wait3A_608] : memref<3x8x4096xf32, #tpu.memory_space<vmem>> -> memref<1x8x4096xf32, #tpu.memory_space<vmem>>
    %dma_wait3A_610 = tpu.memref_squeeze %dma_wait3A_609 : memref<1x8x4096xf32, #tpu.memory_space<vmem>> -> memref<8x4096xf32, #tpu.memory_space<vmem>>
    %dma_wait3A_611 = arith.constant 96 : i32
    %dma_wait3A_612 = tpu.memref_slice %arg5[%dma_wait3A_611] : memref<256xi32, #tpu.memory_space<vmem>> -> memref<8xi32, #tpu.memory_space<vmem>>
    %dma_wait3A_613 = arith.constant 0 : i32
    %dma_wait3A_614 = arith.constant 0 : i32
    %dma_wait3A_615 = tpu.memref_slice %arg2[%dma_wait3A_613, %dma_wait3A_614] : memref<8192x4096xf32, #tpu.memory_space<hbm>> -> memref<8192x4096xf32, #tpu.memory_space<hbm>>
    tpu.wait_indirect_dma semaphore(%arg7 : memref<!tpu.dma_semaphore, #tpu.memory_space<semaphore_mem>>) src(%dma_wait3A_615 : memref<8192x4096xf32, #tpu.memory_space<hbm>>) dst(%dma_wait3A_610 : memref<8x4096xf32, #tpu.memory_space<vmem>>)
    %add3A_616 = arith.constant 96 : i32
    %add3A_617 = arith.addi %mul3A_2, %add3A_616 : i32
    %dma_start3A_618 = arith.constant 0 : i32
    %dma_start3A_619 = arith.constant 0 : i32
    %dma_start3A_620 = arith.constant 0 : i32
    %dma_start3A_621 = tpu.memref_slice %arg6[%dma_start3A_618, %dma_start3A_619, %dma_start3A_620] : memref<3x8x4096xf32, #tpu.memory_space<vmem>> -> memref<1x8x4096xf32, #tpu.memory_space<vmem>>
    %dma_start3A_622 = tpu.memref_squeeze %dma_start3A_621 : memref<1x8x4096xf32, #tpu.memory_space<vmem>> -> memref<8x4096xf32, #tpu.memory_space<vmem>>
    %dma_start3A_623 = arith.constant 0 : i32
    %dma_start3A_624 = tpu.memref_slice %arg4[%add3A_617, %dma_start3A_623] : memref<8192x4096xf32, #tpu.memory_space<hbm>> -> memref<8x4096xf32, #tpu.memory_space<hbm>>
    %dma_start3A_625 = arith.constant 0 : i32
    %dma_start3A_626 = tpu.memref_slice %arg4[%add3A_617, %dma_start3A_625] : memref<8192x4096xf32, #tpu.memory_space<hbm>> -> memref<8x4096xf32, #tpu.memory_space<hbm>>
    %dma_start3A_627 = arith.constant 0 : i32
    %dma_start3A_628 = arith.constant 0 : i32
    %dma_start3A_629 = tpu.memref_slice %arg6[%dma_start3A_618, %dma_start3A_627, %dma_start3A_628] : memref<3x8x4096xf32, #tpu.memory_space<vmem>> -> memref<1x8x4096xf32, #tpu.memory_space<vmem>>
    %dma_start3A_630 = tpu.memref_squeeze %dma_start3A_629 : memref<1x8x4096xf32, #tpu.memory_space<vmem>> -> memref<8x4096xf32, #tpu.memory_space<vmem>>
    tpu.enqueue_dma source(%dma_start3A_630 : memref<8x4096xf32, #tpu.memory_space<vmem>>) target(%dma_start3A_626 : memref<8x4096xf32, #tpu.memory_space<hbm>>) target_semaphore(%arg10 : memref<!tpu.dma_semaphore, #tpu.memory_space<semaphore_mem>>)
    %add3A_631 = arith.constant 88 : i32
    %add3A_632 = arith.addi %mul3A_2, %add3A_631 : i32
    %dma_wait3A_633 = arith.constant 2 : i32
    %dma_wait3A_634 = arith.constant 0 : i32
    %dma_wait3A_635 = arith.constant 0 : i32
    %dma_wait3A_636 = tpu.memref_slice %arg6[%dma_wait3A_633, %dma_wait3A_634, %dma_wait3A_635] : memref<3x8x4096xf32, #tpu.memory_space<vmem>> -> memref<1x8x4096xf32, #tpu.memory_space<vmem>>
    %dma_wait3A_637 = tpu.memref_squeeze %dma_wait3A_636 : memref<1x8x4096xf32, #tpu.memory_space<vmem>> -> memref<8x4096xf32, #tpu.memory_space<vmem>>
    %dma_wait3A_638 = arith.constant 0 : i32
    %dma_wait3A_639 = tpu.memref_slice %arg4[%add3A_632, %dma_wait3A_638] : memref<8192x4096xf32, #tpu.memory_space<hbm>> -> memref<8x4096xf32, #tpu.memory_space<hbm>>
    %dma_wait3A_640 = arith.constant 0 : i32
    %dma_wait3A_641 = tpu.memref_slice %arg4[%add3A_632, %dma_wait3A_640] : memref<8192x4096xf32, #tpu.memory_space<hbm>> -> memref<8x4096xf32, #tpu.memory_space<hbm>>
    %dma_wait3A_642 = arith.constant 0 : i32
    %dma_wait3A_643 = arith.constant 0 : i32
    %dma_wait3A_644 = tpu.memref_slice %arg6[%dma_wait3A_633, %dma_wait3A_642, %dma_wait3A_643] : memref<3x8x4096xf32, #tpu.memory_space<vmem>> -> memref<1x8x4096xf32, #tpu.memory_space<vmem>>
    %dma_wait3A_645 = tpu.memref_squeeze %dma_wait3A_644 : memref<1x8x4096xf32, #tpu.memory_space<vmem>> -> memref<8x4096xf32, #tpu.memory_space<vmem>>
    tpu.wait_dma2 semaphore(%arg12 : memref<!tpu.dma_semaphore, #tpu.memory_space<semaphore_mem>>) src(%dma_wait3A_645 : memref<8x4096xf32, #tpu.memory_space<vmem>>) dst(%dma_wait3A_641 : memref<8x4096xf32, #tpu.memory_space<hbm>>)
    %dma_start3A_646 = arith.constant 2 : i32
    %dma_start3A_647 = arith.constant 0 : i32
    %dma_start3A_648 = arith.constant 0 : i32
    %dma_start3A_649 = tpu.memref_slice %arg6[%dma_start3A_646, %dma_start3A_647, %dma_start3A_648] : memref<3x8x4096xf32, #tpu.memory_space<vmem>> -> memref<1x8x4096xf32, #tpu.memory_space<vmem>>
    %dma_start3A_650 = tpu.memref_squeeze %dma_start3A_649 : memref<1x8x4096xf32, #tpu.memory_space<vmem>> -> memref<8x4096xf32, #tpu.memory_space<vmem>>
    %dma_start3A_651 = arith.constant 112 : i32
    %dma_start3A_652 = tpu.memref_slice %arg5[%dma_start3A_651] : memref<256xi32, #tpu.memory_space<vmem>> -> memref<8xi32, #tpu.memory_space<vmem>>
    %dma_start3A_653 = arith.constant 0 : i32
    %dma_start3A_654 = arith.constant 0 : i32
    %dma_start3A_655 = tpu.memref_slice %arg2[%dma_start3A_653, %dma_start3A_654] : memref<8192x4096xf32, #tpu.memory_space<hbm>> -> memref<8192x4096xf32, #tpu.memory_space<hbm>>
    tpu.enqueue_indirect_dma source(%dma_start3A_655 : memref<8192x4096xf32, #tpu.memory_space<hbm>>) target(%dma_start3A_650 : memref<8x4096xf32, #tpu.memory_space<vmem>>) offsets(%dma_start3A_652 : memref<8xi32, #tpu.memory_space<vmem>>) semaphore(%arg9 : memref<!tpu.dma_semaphore, #tpu.memory_space<semaphore_mem>>)
    %dma_wait3A_656 = arith.constant 1 : i32
    %dma_wait3A_657 = arith.constant 0 : i32
    %dma_wait3A_658 = arith.constant 0 : i32
    %dma_wait3A_659 = tpu.memref_slice %arg6[%dma_wait3A_656, %dma_wait3A_657, %dma_wait3A_658] : memref<3x8x4096xf32, #tpu.memory_space<vmem>> -> memref<1x8x4096xf32, #tpu.memory_space<vmem>>
    %dma_wait3A_660 = tpu.memref_squeeze %dma_wait3A_659 : memref<1x8x4096xf32, #tpu.memory_space<vmem>> -> memref<8x4096xf32, #tpu.memory_space<vmem>>
    %dma_wait3A_661 = arith.constant 104 : i32
    %dma_wait3A_662 = tpu.memref_slice %arg5[%dma_wait3A_661] : memref<256xi32, #tpu.memory_space<vmem>> -> memref<8xi32, #tpu.memory_space<vmem>>
    %dma_wait3A_663 = arith.constant 0 : i32
    %dma_wait3A_664 = arith.constant 0 : i32
    %dma_wait3A_665 = tpu.memref_slice %arg2[%dma_wait3A_663, %dma_wait3A_664] : memref<8192x4096xf32, #tpu.memory_space<hbm>> -> memref<8192x4096xf32, #tpu.memory_space<hbm>>
    tpu.wait_indirect_dma semaphore(%arg8 : memref<!tpu.dma_semaphore, #tpu.memory_space<semaphore_mem>>) src(%dma_wait3A_665 : memref<8192x4096xf32, #tpu.memory_space<hbm>>) dst(%dma_wait3A_660 : memref<8x4096xf32, #tpu.memory_space<vmem>>)
    %add3A_666 = arith.constant 104 : i32
    %add3A_667 = arith.addi %mul3A_2, %add3A_666 : i32
    %dma_start3A_668 = arith.constant 1 : i32
    %dma_start3A_669 = arith.constant 0 : i32
    %dma_start3A_670 = arith.constant 0 : i32
    %dma_start3A_671 = tpu.memref_slice %arg6[%dma_start3A_668, %dma_start3A_669, %dma_start3A_670] : memref<3x8x4096xf32, #tpu.memory_space<vmem>> -> memref<1x8x4096xf32, #tpu.memory_space<vmem>>
    %dma_start3A_672 = tpu.memref_squeeze %dma_start3A_671 : memref<1x8x4096xf32, #tpu.memory_space<vmem>> -> memref<8x4096xf32, #tpu.memory_space<vmem>>
    %dma_start3A_673 = arith.constant 0 : i32
    %dma_start3A_674 = tpu.memref_slice %arg4[%add3A_667, %dma_start3A_673] : memref<8192x4096xf32, #tpu.memory_space<hbm>> -> memref<8x4096xf32, #tpu.memory_space<hbm>>
    %dma_start3A_675 = arith.constant 0 : i32
    %dma_start3A_676 = tpu.memref_slice %arg4[%add3A_667, %dma_start3A_675] : memref<8192x4096xf32, #tpu.memory_space<hbm>> -> memref<8x4096xf32, #tpu.memory_space<hbm>>
    %dma_start3A_677 = arith.constant 0 : i32
    %dma_start3A_678 = arith.constant 0 : i32
    %dma_start3A_679 = tpu.memref_slice %arg6[%dma_start3A_668, %dma_start3A_677, %dma_start3A_678] : memref<3x8x4096xf32, #tpu.memory_space<vmem>> -> memref<1x8x4096xf32, #tpu.memory_space<vmem>>
    %dma_start3A_680 = tpu.memref_squeeze %dma_start3A_679 : memref<1x8x4096xf32, #tpu.memory_space<vmem>> -> memref<8x4096xf32, #tpu.memory_space<vmem>>
    tpu.enqueue_dma source(%dma_start3A_680 : memref<8x4096xf32, #tpu.memory_space<vmem>>) target(%dma_start3A_676 : memref<8x4096xf32, #tpu.memory_space<hbm>>) target_semaphore(%arg11 : memref<!tpu.dma_semaphore, #tpu.memory_space<semaphore_mem>>)
    %add3A_681 = arith.constant 96 : i32
    %add3A_682 = arith.addi %mul3A_2, %add3A_681 : i32
    %dma_wait3A_683 = arith.constant 0 : i32
    %dma_wait3A_684 = arith.constant 0 : i32
    %dma_wait3A_685 = arith.constant 0 : i32
    %dma_wait3A_686 = tpu.memref_slice %arg6[%dma_wait3A_683, %dma_wait3A_684, %dma_wait3A_685] : memref<3x8x4096xf32, #tpu.memory_space<vmem>> -> memref<1x8x4096xf32, #tpu.memory_space<vmem>>
    %dma_wait3A_687 = tpu.memref_squeeze %dma_wait3A_686 : memref<1x8x4096xf32, #tpu.memory_space<vmem>> -> memref<8x4096xf32, #tpu.memory_space<vmem>>
    %dma_wait3A_688 = arith.constant 0 : i32
    %dma_wait3A_689 = tpu.memref_slice %arg4[%add3A_682, %dma_wait3A_688] : memref<8192x4096xf32, #tpu.memory_space<hbm>> -> memref<8x4096xf32, #tpu.memory_space<hbm>>
    %dma_wait3A_690 = arith.constant 0 : i32
    %dma_wait3A_691 = tpu.memref_slice %arg4[%add3A_682, %dma_wait3A_690] : memref<8192x4096xf32, #tpu.memory_space<hbm>> -> memref<8x4096xf32, #tpu.memory_space<hbm>>
    %dma_wait3A_692 = arith.constant 0 : i32
    %dma_wait3A_693 = arith.constant 0 : i32
    %dma_wait3A_694 = tpu.memref_slice %arg6[%dma_wait3A_683, %dma_wait3A_692, %dma_wait3A_693] : memref<3x8x4096xf32, #tpu.memory_space<vmem>> -> memref<1x8x4096xf32, #tpu.memory_space<vmem>>
    %dma_wait3A_695 = tpu.memref_squeeze %dma_wait3A_694 : memref<1x8x4096xf32, #tpu.memory_space<vmem>> -> memref<8x4096xf32, #tpu.memory_space<vmem>>
    tpu.wait_dma2 semaphore(%arg10 : memref<!tpu.dma_semaphore, #tpu.memory_space<semaphore_mem>>) src(%dma_wait3A_695 : memref<8x4096xf32, #tpu.memory_space<vmem>>) dst(%dma_wait3A_691 : memref<8x4096xf32, #tpu.memory_space<hbm>>)
    %dma_start3A_696 = arith.constant 0 : i32
    %dma_start3A_697 = arith.constant 0 : i32
    %dma_start3A_698 = arith.constant 0 : i32
    %dma_start3A_699 = tpu.memref_slice %arg6[%dma_start3A_696, %dma_start3A_697, %dma_start3A_698] : memref<3x8x4096xf32, #tpu.memory_space<vmem>> -> memref<1x8x4096xf32, #tpu.memory_space<vmem>>
    %dma_start3A_700 = tpu.memref_squeeze %dma_start3A_699 : memref<1x8x4096xf32, #tpu.memory_space<vmem>> -> memref<8x4096xf32, #tpu.memory_space<vmem>>
    %dma_start3A_701 = arith.constant 120 : i32
    %dma_start3A_702 = tpu.memref_slice %arg5[%dma_start3A_701] : memref<256xi32, #tpu.memory_space<vmem>> -> memref<8xi32, #tpu.memory_space<vmem>>
    %dma_start3A_703 = arith.constant 0 : i32
    %dma_start3A_704 = arith.constant 0 : i32
    %dma_start3A_705 = tpu.memref_slice %arg2[%dma_start3A_703, %dma_start3A_704] : memref<8192x4096xf32, #tpu.memory_space<hbm>> -> memref<8192x4096xf32, #tpu.memory_space<hbm>>
    tpu.enqueue_indirect_dma source(%dma_start3A_705 : memref<8192x4096xf32, #tpu.memory_space<hbm>>) target(%dma_start3A_700 : memref<8x4096xf32, #tpu.memory_space<vmem>>) offsets(%dma_start3A_702 : memref<8xi32, #tpu.memory_space<vmem>>) semaphore(%arg7 : memref<!tpu.dma_semaphore, #tpu.memory_space<semaphore_mem>>)
    %dma_wait3A_706 = arith.constant 2 : i32
    %dma_wait3A_707 = arith.constant 0 : i32
    %dma_wait3A_708 = arith.constant 0 : i32
    %dma_wait3A_709 = tpu.memref_slice %arg6[%dma_wait3A_706, %dma_wait3A_707, %dma_wait3A_708] : memref<3x8x4096xf32, #tpu.memory_space<vmem>> -> memref<1x8x4096xf32, #tpu.memory_space<vmem>>
    %dma_wait3A_710 = tpu.memref_squeeze %dma_wait3A_709 : memref<1x8x4096xf32, #tpu.memory_space<vmem>> -> memref<8x4096xf32, #tpu.memory_space<vmem>>
    %dma_wait3A_711 = arith.constant 112 : i32
    %dma_wait3A_712 = tpu.memref_slice %arg5[%dma_wait3A_711] : memref<256xi32, #tpu.memory_space<vmem>> -> memref<8xi32, #tpu.memory_space<vmem>>
    %dma_wait3A_713 = arith.constant 0 : i32
    %dma_wait3A_714 = arith.constant 0 : i32
    %dma_wait3A_715 = tpu.memref_slice %arg2[%dma_wait3A_713, %dma_wait3A_714] : memref<8192x4096xf32, #tpu.memory_space<hbm>> -> memref<8192x4096xf32, #tpu.memory_space<hbm>>
    tpu.wait_indirect_dma semaphore(%arg9 : memref<!tpu.dma_semaphore, #tpu.memory_space<semaphore_mem>>) src(%dma_wait3A_715 : memref<8192x4096xf32, #tpu.memory_space<hbm>>) dst(%dma_wait3A_710 : memref<8x4096xf32, #tpu.memory_space<vmem>>)
    %add3A_716 = arith.constant 112 : i32
    %add3A_717 = arith.addi %mul3A_2, %add3A_716 : i32
    %dma_start3A_718 = arith.constant 2 : i32
    %dma_start3A_719 = arith.constant 0 : i32
    %dma_start3A_720 = arith.constant 0 : i32
    %dma_start3A_721 = tpu.memref_slice %arg6[%dma_start3A_718, %dma_start3A_719, %dma_start3A_720] : memref<3x8x4096xf32, #tpu.memory_space<vmem>> -> memref<1x8x4096xf32, #tpu.memory_space<vmem>>
    %dma_start3A_722 = tpu.memref_squeeze %dma_start3A_721 : memref<1x8x4096xf32, #tpu.memory_space<vmem>> -> memref<8x4096xf32, #tpu.memory_space<vmem>>
    %dma_start3A_723 = arith.constant 0 : i32
    %dma_start3A_724 = tpu.memref_slice %arg4[%add3A_717, %dma_start3A_723] : memref<8192x4096xf32, #tpu.memory_space<hbm>> -> memref<8x4096xf32, #tpu.memory_space<hbm>>
    %dma_start3A_725 = arith.constant 0 : i32
    %dma_start3A_726 = tpu.memref_slice %arg4[%add3A_717, %dma_start3A_725] : memref<8192x4096xf32, #tpu.memory_space<hbm>> -> memref<8x4096xf32, #tpu.memory_space<hbm>>
    %dma_start3A_727 = arith.constant 0 : i32
    %dma_start3A_728 = arith.constant 0 : i32
    %dma_start3A_729 = tpu.memref_slice %arg6[%dma_start3A_718, %dma_start3A_727, %dma_start3A_728] : memref<3x8x4096xf32, #tpu.memory_space<vmem>> -> memref<1x8x4096xf32, #tpu.memory_space<vmem>>
    %dma_start3A_730 = tpu.memref_squeeze %dma_start3A_729 : memref<1x8x4096xf32, #tpu.memory_space<vmem>> -> memref<8x4096xf32, #tpu.memory_space<vmem>>
    tpu.enqueue_dma source(%dma_start3A_730 : memref<8x4096xf32, #tpu.memory_space<vmem>>) target(%dma_start3A_726 : memref<8x4096xf32, #tpu.memory_space<hbm>>) target_semaphore(%arg12 : memref<!tpu.dma_semaphore, #tpu.memory_space<semaphore_mem>>)
    %add3A_731 = arith.constant 104 : i32
    %add3A_732 = arith.addi %mul3A_2, %add3A_731 : i32
    %dma_wait3A_733 = arith.constant 1 : i32
    %dma_wait3A_734 = arith.constant 0 : i32
    %dma_wait3A_735 = arith.constant 0 : i32
    %dma_wait3A_736 = tpu.memref_slice %arg6[%dma_wait3A_733, %dma_wait3A_734, %dma_wait3A_735] : memref<3x8x4096xf32, #tpu.memory_space<vmem>> -> memref<1x8x4096xf32, #tpu.memory_space<vmem>>
    %dma_wait3A_737 = tpu.memref_squeeze %dma_wait3A_736 : memref<1x8x4096xf32, #tpu.memory_space<vmem>> -> memref<8x4096xf32, #tpu.memory_space<vmem>>
    %dma_wait3A_738 = arith.constant 0 : i32
    %dma_wait3A_739 = tpu.memref_slice %arg4[%add3A_732, %dma_wait3A_738] : memref<8192x4096xf32, #tpu.memory_space<hbm>> -> memref<8x4096xf32, #tpu.memory_space<hbm>>
    %dma_wait3A_740 = arith.constant 0 : i32
    %dma_wait3A_741 = tpu.memref_slice %arg4[%add3A_732, %dma_wait3A_740] : memref<8192x4096xf32, #tpu.memory_space<hbm>> -> memref<8x4096xf32, #tpu.memory_space<hbm>>
    %dma_wait3A_742 = arith.constant 0 : i32
    %dma_wait3A_743 = arith.constant 0 : i32
    %dma_wait3A_744 = tpu.memref_slice %arg6[%dma_wait3A_733, %dma_wait3A_742, %dma_wait3A_743] : memref<3x8x4096xf32, #tpu.memory_space<vmem>> -> memref<1x8x4096xf32, #tpu.memory_space<vmem>>
    %dma_wait3A_745 = tpu.memref_squeeze %dma_wait3A_744 : memref<1x8x4096xf32, #tpu.memory_space<vmem>> -> memref<8x4096xf32, #tpu.memory_space<vmem>>
    tpu.wait_dma2 semaphore(%arg11 : memref<!tpu.dma_semaphore, #tpu.memory_space<semaphore_mem>>) src(%dma_wait3A_745 : memref<8x4096xf32, #tpu.memory_space<vmem>>) dst(%dma_wait3A_741 : memref<8x4096xf32, #tpu.memory_space<hbm>>)
    %dma_start3A_746 = arith.constant 1 : i32
    %dma_start3A_747 = arith.constant 0 : i32
    %dma_start3A_748 = arith.constant 0 : i32
    %dma_start3A_749 = tpu.memref_slice %arg6[%dma_start3A_746, %dma_start3A_747, %dma_start3A_748] : memref<3x8x4096xf32, #tpu.memory_space<vmem>> -> memref<1x8x4096xf32, #tpu.memory_space<vmem>>
    %dma_start3A_750 = tpu.memref_squeeze %dma_start3A_749 : memref<1x8x4096xf32, #tpu.memory_space<vmem>> -> memref<8x4096xf32, #tpu.memory_space<vmem>>
    %dma_start3A_751 = arith.constant 128 : i32
    %dma_start3A_752 = tpu.memref_slice %arg5[%dma_start3A_751] : memref<256xi32, #tpu.memory_space<vmem>> -> memref<8xi32, #tpu.memory_space<vmem>>
    %dma_start3A_753 = arith.constant 0 : i32
    %dma_start3A_754 = arith.constant 0 : i32
    %dma_start3A_755 = tpu.memref_slice %arg2[%dma_start3A_753, %dma_start3A_754] : memref<8192x4096xf32, #tpu.memory_space<hbm>> -> memref<8192x4096xf32, #tpu.memory_space<hbm>>
    tpu.enqueue_indirect_dma source(%dma_start3A_755 : memref<8192x4096xf32, #tpu.memory_space<hbm>>) target(%dma_start3A_750 : memref<8x4096xf32, #tpu.memory_space<vmem>>) offsets(%dma_start3A_752 : memref<8xi32, #tpu.memory_space<vmem>>) semaphore(%arg8 : memref<!tpu.dma_semaphore, #tpu.memory_space<semaphore_mem>>)
    %dma_wait3A_756 = arith.constant 0 : i32
    %dma_wait3A_757 = arith.constant 0 : i32
    %dma_wait3A_758 = arith.constant 0 : i32
    %dma_wait3A_759 = tpu.memref_slice %arg6[%dma_wait3A_756, %dma_wait3A_757, %dma_wait3A_758] : memref<3x8x4096xf32, #tpu.memory_space<vmem>> -> memref<1x8x4096xf32, #tpu.memory_space<vmem>>
    %dma_wait3A_760 = tpu.memref_squeeze %dma_wait3A_759 : memref<1x8x4096xf32, #tpu.memory_space<vmem>> -> memref<8x4096xf32, #tpu.memory_space<vmem>>
    %dma_wait3A_761 = arith.constant 120 : i32
    %dma_wait3A_762 = tpu.memref_slice %arg5[%dma_wait3A_761] : memref<256xi32, #tpu.memory_space<vmem>> -> memref<8xi32, #tpu.memory_space<vmem>>
    %dma_wait3A_763 = arith.constant 0 : i32
    %dma_wait3A_764 = arith.constant 0 : i32
    %dma_wait3A_765 = tpu.memref_slice %arg2[%dma_wait3A_763, %dma_wait3A_764] : memref<8192x4096xf32, #tpu.memory_space<hbm>> -> memref<8192x4096xf32, #tpu.memory_space<hbm>>
    tpu.wait_indirect_dma semaphore(%arg7 : memref<!tpu.dma_semaphore, #tpu.memory_space<semaphore_mem>>) src(%dma_wait3A_765 : memref<8192x4096xf32, #tpu.memory_space<hbm>>) dst(%dma_wait3A_760 : memref<8x4096xf32, #tpu.memory_space<vmem>>)
    %add3A_766 = arith.constant 120 : i32
    %add3A_767 = arith.addi %mul3A_2, %add3A_766 : i32
    %dma_start3A_768 = arith.constant 0 : i32
    %dma_start3A_769 = arith.constant 0 : i32
    %dma_start3A_770 = arith.constant 0 : i32
    %dma_start3A_771 = tpu.memref_slice %arg6[%dma_start3A_768, %dma_start3A_769, %dma_start3A_770] : memref<3x8x4096xf32, #tpu.memory_space<vmem>> -> memref<1x8x4096xf32, #tpu.memory_space<vmem>>
    %dma_start3A_772 = tpu.memref_squeeze %dma_start3A_771 : memref<1x8x4096xf32, #tpu.memory_space<vmem>> -> memref<8x4096xf32, #tpu.memory_space<vmem>>
    %dma_start3A_773 = arith.constant 0 : i32
    %dma_start3A_774 = tpu.memref_slice %arg4[%add3A_767, %dma_start3A_773] : memref<8192x4096xf32, #tpu.memory_space<hbm>> -> memref<8x4096xf32, #tpu.memory_space<hbm>>
    %dma_start3A_775 = arith.constant 0 : i32
    %dma_start3A_776 = tpu.memref_slice %arg4[%add3A_767, %dma_start3A_775] : memref<8192x4096xf32, #tpu.memory_space<hbm>> -> memref<8x4096xf32, #tpu.memory_space<hbm>>
    %dma_start3A_777 = arith.constant 0 : i32
    %dma_start3A_778 = arith.constant 0 : i32
    %dma_start3A_779 = tpu.memref_slice %arg6[%dma_start3A_768, %dma_start3A_777, %dma_start3A_778] : memref<3x8x4096xf32, #tpu.memory_space<vmem>> -> memref<1x8x4096xf32, #tpu.memory_space<vmem>>
    %dma_start3A_780 = tpu.memref_squeeze %dma_start3A_779 : memref<1x8x4096xf32, #tpu.memory_space<vmem>> -> memref<8x4096xf32, #tpu.memory_space<vmem>>
    tpu.enqueue_dma source(%dma_start3A_780 : memref<8x4096xf32, #tpu.memory_space<vmem>>) target(%dma_start3A_776 : memref<8x4096xf32, #tpu.memory_space<hbm>>) target_semaphore(%arg10 : memref<!tpu.dma_semaphore, #tpu.memory_space<semaphore_mem>>)
    %add3A_781 = arith.constant 112 : i32
    %add3A_782 = arith.addi %mul3A_2, %add3A_781 : i32
    %dma_wait3A_783 = arith.constant 2 : i32
    %dma_wait3A_784 = arith.constant 0 : i32
    %dma_wait3A_785 = arith.constant 0 : i32
    %dma_wait3A_786 = tpu.memref_slice %arg6[%dma_wait3A_783, %dma_wait3A_784, %dma_wait3A_785] : memref<3x8x4096xf32, #tpu.memory_space<vmem>> -> memref<1x8x4096xf32, #tpu.memory_space<vmem>>
    %dma_wait3A_787 = tpu.memref_squeeze %dma_wait3A_786 : memref<1x8x4096xf32, #tpu.memory_space<vmem>> -> memref<8x4096xf32, #tpu.memory_space<vmem>>
    %dma_wait3A_788 = arith.constant 0 : i32
    %dma_wait3A_789 = tpu.memref_slice %arg4[%add3A_782, %dma_wait3A_788] : memref<8192x4096xf32, #tpu.memory_space<hbm>> -> memref<8x4096xf32, #tpu.memory_space<hbm>>
    %dma_wait3A_790 = arith.constant 0 : i32
    %dma_wait3A_791 = tpu.memref_slice %arg4[%add3A_782, %dma_wait3A_790] : memref<8192x4096xf32, #tpu.memory_space<hbm>> -> memref<8x4096xf32, #tpu.memory_space<hbm>>
    %dma_wait3A_792 = arith.constant 0 : i32
    %dma_wait3A_793 = arith.constant 0 : i32
    %dma_wait3A_794 = tpu.memref_slice %arg6[%dma_wait3A_783, %dma_wait3A_792, %dma_wait3A_793] : memref<3x8x4096xf32, #tpu.memory_space<vmem>> -> memref<1x8x4096xf32, #tpu.memory_space<vmem>>
    %dma_wait3A_795 = tpu.memref_squeeze %dma_wait3A_794 : memref<1x8x4096xf32, #tpu.memory_space<vmem>> -> memref<8x4096xf32, #tpu.memory_space<vmem>>
    tpu.wait_dma2 semaphore(%arg12 : memref<!tpu.dma_semaphore, #tpu.memory_space<semaphore_mem>>) src(%dma_wait3A_795 : memref<8x4096xf32, #tpu.memory_space<vmem>>) dst(%dma_wait3A_791 : memref<8x4096xf32, #tpu.memory_space<hbm>>)
    %dma_start3A_796 = arith.constant 2 : i32
    %dma_start3A_797 = arith.constant 0 : i32
    %dma_start3A_798 = arith.constant 0 : i32
    %dma_start3A_799 = tpu.memref_slice %arg6[%dma_start3A_796, %dma_start3A_797, %dma_start3A_798] : memref<3x8x4096xf32, #tpu.memory_space<vmem>> -> memref<1x8x4096xf32, #tpu.memory_space<vmem>>
    %dma_start3A_800 = tpu.memref_squeeze %dma_start3A_799 : memref<1x8x4096xf32, #tpu.memory_space<vmem>> -> memref<8x4096xf32, #tpu.memory_space<vmem>>
    %dma_start3A_801 = arith.constant 136 : i32
    %dma_start3A_802 = tpu.memref_slice %arg5[%dma_start3A_801] : memref<256xi32, #tpu.memory_space<vmem>> -> memref<8xi32, #tpu.memory_space<vmem>>
    %dma_start3A_803 = arith.constant 0 : i32
    %dma_start3A_804 = arith.constant 0 : i32
    %dma_start3A_805 = tpu.memref_slice %arg2[%dma_start3A_803, %dma_start3A_804] : memref<8192x4096xf32, #tpu.memory_space<hbm>> -> memref<8192x4096xf32, #tpu.memory_space<hbm>>
    tpu.enqueue_indirect_dma source(%dma_start3A_805 : memref<8192x4096xf32, #tpu.memory_space<hbm>>) target(%dma_start3A_800 : memref<8x4096xf32, #tpu.memory_space<vmem>>) offsets(%dma_start3A_802 : memref<8xi32, #tpu.memory_space<vmem>>) semaphore(%arg9 : memref<!tpu.dma_semaphore, #tpu.memory_space<semaphore_mem>>)
    %dma_wait3A_806 = arith.constant 1 : i32
    %dma_wait3A_807 = arith.constant 0 : i32
    %dma_wait3A_808 = arith.constant 0 : i32
    %dma_wait3A_809 = tpu.memref_slice %arg6[%dma_wait3A_806, %dma_wait3A_807, %dma_wait3A_808] : memref<3x8x4096xf32, #tpu.memory_space<vmem>> -> memref<1x8x4096xf32, #tpu.memory_space<vmem>>
    %dma_wait3A_810 = tpu.memref_squeeze %dma_wait3A_809 : memref<1x8x4096xf32, #tpu.memory_space<vmem>> -> memref<8x4096xf32, #tpu.memory_space<vmem>>
    %dma_wait3A_811 = arith.constant 128 : i32
    %dma_wait3A_812 = tpu.memref_slice %arg5[%dma_wait3A_811] : memref<256xi32, #tpu.memory_space<vmem>> -> memref<8xi32, #tpu.memory_space<vmem>>
    %dma_wait3A_813 = arith.constant 0 : i32
    %dma_wait3A_814 = arith.constant 0 : i32
    %dma_wait3A_815 = tpu.memref_slice %arg2[%dma_wait3A_813, %dma_wait3A_814] : memref<8192x4096xf32, #tpu.memory_space<hbm>> -> memref<8192x4096xf32, #tpu.memory_space<hbm>>
    tpu.wait_indirect_dma semaphore(%arg8 : memref<!tpu.dma_semaphore, #tpu.memory_space<semaphore_mem>>) src(%dma_wait3A_815 : memref<8192x4096xf32, #tpu.memory_space<hbm>>) dst(%dma_wait3A_810 : memref<8x4096xf32, #tpu.memory_space<vmem>>)
    %add3A_816 = arith.constant 128 : i32
    %add3A_817 = arith.addi %mul3A_2, %add3A_816 : i32
    %dma_start3A_818 = arith.constant 1 : i32
    %dma_start3A_819 = arith.constant 0 : i32
    %dma_start3A_820 = arith.constant 0 : i32
    %dma_start3A_821 = tpu.memref_slice %arg6[%dma_start3A_818, %dma_start3A_819, %dma_start3A_820] : memref<3x8x4096xf32, #tpu.memory_space<vmem>> -> memref<1x8x4096xf32, #tpu.memory_space<vmem>>
    %dma_start3A_822 = tpu.memref_squeeze %dma_start3A_821 : memref<1x8x4096xf32, #tpu.memory_space<vmem>> -> memref<8x4096xf32, #tpu.memory_space<vmem>>
    %dma_start3A_823 = arith.constant 0 : i32
    %dma_start3A_824 = tpu.memref_slice %arg4[%add3A_817, %dma_start3A_823] : memref<8192x4096xf32, #tpu.memory_space<hbm>> -> memref<8x4096xf32, #tpu.memory_space<hbm>>
    %dma_start3A_825 = arith.constant 0 : i32
    %dma_start3A_826 = tpu.memref_slice %arg4[%add3A_817, %dma_start3A_825] : memref<8192x4096xf32, #tpu.memory_space<hbm>> -> memref<8x4096xf32, #tpu.memory_space<hbm>>
    %dma_start3A_827 = arith.constant 0 : i32
    %dma_start3A_828 = arith.constant 0 : i32
    %dma_start3A_829 = tpu.memref_slice %arg6[%dma_start3A_818, %dma_start3A_827, %dma_start3A_828] : memref<3x8x4096xf32, #tpu.memory_space<vmem>> -> memref<1x8x4096xf32, #tpu.memory_space<vmem>>
    %dma_start3A_830 = tpu.memref_squeeze %dma_start3A_829 : memref<1x8x4096xf32, #tpu.memory_space<vmem>> -> memref<8x4096xf32, #tpu.memory_space<vmem>>
    tpu.enqueue_dma source(%dma_start3A_830 : memref<8x4096xf32, #tpu.memory_space<vmem>>) target(%dma_start3A_826 : memref<8x4096xf32, #tpu.memory_space<hbm>>) target_semaphore(%arg11 : memref<!tpu.dma_semaphore, #tpu.memory_space<semaphore_mem>>)
    %add3A_831 = arith.constant 120 : i32
    %add3A_832 = arith.addi %mul3A_2, %add3A_831 : i32
    %dma_wait3A_833 = arith.constant 0 : i32
    %dma_wait3A_834 = arith.constant 0 : i32
    %dma_wait3A_835 = arith.constant 0 : i32
    %dma_wait3A_836 = tpu.memref_slice %arg6[%dma_wait3A_833, %dma_wait3A_834, %dma_wait3A_835] : memref<3x8x4096xf32, #tpu.memory_space<vmem>> -> memref<1x8x4096xf32, #tpu.memory_space<vmem>>
    %dma_wait3A_837 = tpu.memref_squeeze %dma_wait3A_836 : memref<1x8x4096xf32, #tpu.memory_space<vmem>> -> memref<8x4096xf32, #tpu.memory_space<vmem>>
    %dma_wait3A_838 = arith.constant 0 : i32
    %dma_wait3A_839 = tpu.memref_slice %arg4[%add3A_832, %dma_wait3A_838] : memref<8192x4096xf32, #tpu.memory_space<hbm>> -> memref<8x4096xf32, #tpu.memory_space<hbm>>
    %dma_wait3A_840 = arith.constant 0 : i32
    %dma_wait3A_841 = tpu.memref_slice %arg4[%add3A_832, %dma_wait3A_840] : memref<8192x4096xf32, #tpu.memory_space<hbm>> -> memref<8x4096xf32, #tpu.memory_space<hbm>>
    %dma_wait3A_842 = arith.constant 0 : i32
    %dma_wait3A_843 = arith.constant 0 : i32
    %dma_wait3A_844 = tpu.memref_slice %arg6[%dma_wait3A_833, %dma_wait3A_842, %dma_wait3A_843] : memref<3x8x4096xf32, #tpu.memory_space<vmem>> -> memref<1x8x4096xf32, #tpu.memory_space<vmem>>
    %dma_wait3A_845 = tpu.memref_squeeze %dma_wait3A_844 : memref<1x8x4096xf32, #tpu.memory_space<vmem>> -> memref<8x4096xf32, #tpu.memory_space<vmem>>
    tpu.wait_dma2 semaphore(%arg10 : memref<!tpu.dma_semaphore, #tpu.memory_space<semaphore_mem>>) src(%dma_wait3A_845 : memref<8x4096xf32, #tpu.memory_space<vmem>>) dst(%dma_wait3A_841 : memref<8x4096xf32, #tpu.memory_space<hbm>>)
    %dma_start3A_846 = arith.constant 0 : i32
    %dma_start3A_847 = arith.constant 0 : i32
    %dma_start3A_848 = arith.constant 0 : i32
    %dma_start3A_849 = tpu.memref_slice %arg6[%dma_start3A_846, %dma_start3A_847, %dma_start3A_848] : memref<3x8x4096xf32, #tpu.memory_space<vmem>> -> memref<1x8x4096xf32, #tpu.memory_space<vmem>>
    %dma_start3A_850 = tpu.memref_squeeze %dma_start3A_849 : memref<1x8x4096xf32, #tpu.memory_space<vmem>> -> memref<8x4096xf32, #tpu.memory_space<vmem>>
    %dma_start3A_851 = arith.constant 144 : i32
    %dma_start3A_852 = tpu.memref_slice %arg5[%dma_start3A_851] : memref<256xi32, #tpu.memory_space<vmem>> -> memref<8xi32, #tpu.memory_space<vmem>>
    %dma_start3A_853 = arith.constant 0 : i32
    %dma_start3A_854 = arith.constant 0 : i32
    %dma_start3A_855 = tpu.memref_slice %arg2[%dma_start3A_853, %dma_start3A_854] : memref<8192x4096xf32, #tpu.memory_space<hbm>> -> memref<8192x4096xf32, #tpu.memory_space<hbm>>
    tpu.enqueue_indirect_dma source(%dma_start3A_855 : memref<8192x4096xf32, #tpu.memory_space<hbm>>) target(%dma_start3A_850 : memref<8x4096xf32, #tpu.memory_space<vmem>>) offsets(%dma_start3A_852 : memref<8xi32, #tpu.memory_space<vmem>>) semaphore(%arg7 : memref<!tpu.dma_semaphore, #tpu.memory_space<semaphore_mem>>)
    %dma_wait3A_856 = arith.constant 2 : i32
    %dma_wait3A_857 = arith.constant 0 : i32
    %dma_wait3A_858 = arith.constant 0 : i32
    %dma_wait3A_859 = tpu.memref_slice %arg6[%dma_wait3A_856, %dma_wait3A_857, %dma_wait3A_858] : memref<3x8x4096xf32, #tpu.memory_space<vmem>> -> memref<1x8x4096xf32, #tpu.memory_space<vmem>>
    %dma_wait3A_860 = tpu.memref_squeeze %dma_wait3A_859 : memref<1x8x4096xf32, #tpu.memory_space<vmem>> -> memref<8x4096xf32, #tpu.memory_space<vmem>>
    %dma_wait3A_861 = arith.constant 136 : i32
    %dma_wait3A_862 = tpu.memref_slice %arg5[%dma_wait3A_861] : memref<256xi32, #tpu.memory_space<vmem>> -> memref<8xi32, #tpu.memory_space<vmem>>
    %dma_wait3A_863 = arith.constant 0 : i32
    %dma_wait3A_864 = arith.constant 0 : i32
    %dma_wait3A_865 = tpu.memref_slice %arg2[%dma_wait3A_863, %dma_wait3A_864] : memref<8192x4096xf32, #tpu.memory_space<hbm>> -> memref<8192x4096xf32, #tpu.memory_space<hbm>>
    tpu.wait_indirect_dma semaphore(%arg9 : memref<!tpu.dma_semaphore, #tpu.memory_space<semaphore_mem>>) src(%dma_wait3A_865 : memref<8192x4096xf32, #tpu.memory_space<hbm>>) dst(%dma_wait3A_860 : memref<8x4096xf32, #tpu.memory_space<vmem>>)
    %add3A_866 = arith.constant 136 : i32
    %add3A_867 = arith.addi %mul3A_2, %add3A_866 : i32
    %dma_start3A_868 = arith.constant 2 : i32
    %dma_start3A_869 = arith.constant 0 : i32
    %dma_start3A_870 = arith.constant 0 : i32
    %dma_start3A_871 = tpu.memref_slice %arg6[%dma_start3A_868, %dma_start3A_869, %dma_start3A_870] : memref<3x8x4096xf32, #tpu.memory_space<vmem>> -> memref<1x8x4096xf32, #tpu.memory_space<vmem>>
    %dma_start3A_872 = tpu.memref_squeeze %dma_start3A_871 : memref<1x8x4096xf32, #tpu.memory_space<vmem>> -> memref<8x4096xf32, #tpu.memory_space<vmem>>
    %dma_start3A_873 = arith.constant 0 : i32
    %dma_start3A_874 = tpu.memref_slice %arg4[%add3A_867, %dma_start3A_873] : memref<8192x4096xf32, #tpu.memory_space<hbm>> -> memref<8x4096xf32, #tpu.memory_space<hbm>>
    %dma_start3A_875 = arith.constant 0 : i32
    %dma_start3A_876 = tpu.memref_slice %arg4[%add3A_867, %dma_start3A_875] : memref<8192x4096xf32, #tpu.memory_space<hbm>> -> memref<8x4096xf32, #tpu.memory_space<hbm>>
    %dma_start3A_877 = arith.constant 0 : i32
    %dma_start3A_878 = arith.constant 0 : i32
    %dma_start3A_879 = tpu.memref_slice %arg6[%dma_start3A_868, %dma_start3A_877, %dma_start3A_878] : memref<3x8x4096xf32, #tpu.memory_space<vmem>> -> memref<1x8x4096xf32, #tpu.memory_space<vmem>>
    %dma_start3A_880 = tpu.memref_squeeze %dma_start3A_879 : memref<1x8x4096xf32, #tpu.memory_space<vmem>> -> memref<8x4096xf32, #tpu.memory_space<vmem>>
    tpu.enqueue_dma source(%dma_start3A_880 : memref<8x4096xf32, #tpu.memory_space<vmem>>) target(%dma_start3A_876 : memref<8x4096xf32, #tpu.memory_space<hbm>>) target_semaphore(%arg12 : memref<!tpu.dma_semaphore, #tpu.memory_space<semaphore_mem>>)
    %add3A_881 = arith.constant 128 : i32
    %add3A_882 = arith.addi %mul3A_2, %add3A_881 : i32
    %dma_wait3A_883 = arith.constant 1 : i32
    %dma_wait3A_884 = arith.constant 0 : i32
    %dma_wait3A_885 = arith.constant 0 : i32
    %dma_wait3A_886 = tpu.memref_slice %arg6[%dma_wait3A_883, %dma_wait3A_884, %dma_wait3A_885] : memref<3x8x4096xf32, #tpu.memory_space<vmem>> -> memref<1x8x4096xf32, #tpu.memory_space<vmem>>
    %dma_wait3A_887 = tpu.memref_squeeze %dma_wait3A_886 : memref<1x8x4096xf32, #tpu.memory_space<vmem>> -> memref<8x4096xf32, #tpu.memory_space<vmem>>
    %dma_wait3A_888 = arith.constant 0 : i32
    %dma_wait3A_889 = tpu.memref_slice %arg4[%add3A_882, %dma_wait3A_888] : memref<8192x4096xf32, #tpu.memory_space<hbm>> -> memref<8x4096xf32, #tpu.memory_space<hbm>>
    %dma_wait3A_890 = arith.constant 0 : i32
    %dma_wait3A_891 = tpu.memref_slice %arg4[%add3A_882, %dma_wait3A_890] : memref<8192x4096xf32, #tpu.memory_space<hbm>> -> memref<8x4096xf32, #tpu.memory_space<hbm>>
    %dma_wait3A_892 = arith.constant 0 : i32
    %dma_wait3A_893 = arith.constant 0 : i32
    %dma_wait3A_894 = tpu.memref_slice %arg6[%dma_wait3A_883, %dma_wait3A_892, %dma_wait3A_893] : memref<3x8x4096xf32, #tpu.memory_space<vmem>> -> memref<1x8x4096xf32, #tpu.memory_space<vmem>>
    %dma_wait3A_895 = tpu.memref_squeeze %dma_wait3A_894 : memref<1x8x4096xf32, #tpu.memory_space<vmem>> -> memref<8x4096xf32, #tpu.memory_space<vmem>>
    tpu.wait_dma2 semaphore(%arg11 : memref<!tpu.dma_semaphore, #tpu.memory_space<semaphore_mem>>) src(%dma_wait3A_895 : memref<8x4096xf32, #tpu.memory_space<vmem>>) dst(%dma_wait3A_891 : memref<8x4096xf32, #tpu.memory_space<hbm>>)
    %dma_start3A_896 = arith.constant 1 : i32
    %dma_start3A_897 = arith.constant 0 : i32
    %dma_start3A_898 = arith.constant 0 : i32
    %dma_start3A_899 = tpu.memref_slice %arg6[%dma_start3A_896, %dma_start3A_897, %dma_start3A_898] : memref<3x8x4096xf32, #tpu.memory_space<vmem>> -> memref<1x8x4096xf32, #tpu.memory_space<vmem>>
    %dma_start3A_900 = tpu.memref_squeeze %dma_start3A_899 : memref<1x8x4096xf32, #tpu.memory_space<vmem>> -> memref<8x4096xf32, #tpu.memory_space<vmem>>
    %dma_start3A_901 = arith.constant 152 : i32
    %dma_start3A_902 = tpu.memref_slice %arg5[%dma_start3A_901] : memref<256xi32, #tpu.memory_space<vmem>> -> memref<8xi32, #tpu.memory_space<vmem>>
    %dma_start3A_903 = arith.constant 0 : i32
    %dma_start3A_904 = arith.constant 0 : i32
    %dma_start3A_905 = tpu.memref_slice %arg2[%dma_start3A_903, %dma_start3A_904] : memref<8192x4096xf32, #tpu.memory_space<hbm>> -> memref<8192x4096xf32, #tpu.memory_space<hbm>>
    tpu.enqueue_indirect_dma source(%dma_start3A_905 : memref<8192x4096xf32, #tpu.memory_space<hbm>>) target(%dma_start3A_900 : memref<8x4096xf32, #tpu.memory_space<vmem>>) offsets(%dma_start3A_902 : memref<8xi32, #tpu.memory_space<vmem>>) semaphore(%arg8 : memref<!tpu.dma_semaphore, #tpu.memory_space<semaphore_mem>>)
    %dma_wait3A_906 = arith.constant 0 : i32
    %dma_wait3A_907 = arith.constant 0 : i32
    %dma_wait3A_908 = arith.constant 0 : i32
    %dma_wait3A_909 = tpu.memref_slice %arg6[%dma_wait3A_906, %dma_wait3A_907, %dma_wait3A_908] : memref<3x8x4096xf32, #tpu.memory_space<vmem>> -> memref<1x8x4096xf32, #tpu.memory_space<vmem>>
    %dma_wait3A_910 = tpu.memref_squeeze %dma_wait3A_909 : memref<1x8x4096xf32, #tpu.memory_space<vmem>> -> memref<8x4096xf32, #tpu.memory_space<vmem>>
    %dma_wait3A_911 = arith.constant 144 : i32
    %dma_wait3A_912 = tpu.memref_slice %arg5[%dma_wait3A_911] : memref<256xi32, #tpu.memory_space<vmem>> -> memref<8xi32, #tpu.memory_space<vmem>>
    %dma_wait3A_913 = arith.constant 0 : i32
    %dma_wait3A_914 = arith.constant 0 : i32
    %dma_wait3A_915 = tpu.memref_slice %arg2[%dma_wait3A_913, %dma_wait3A_914] : memref<8192x4096xf32, #tpu.memory_space<hbm>> -> memref<8192x4096xf32, #tpu.memory_space<hbm>>
    tpu.wait_indirect_dma semaphore(%arg7 : memref<!tpu.dma_semaphore, #tpu.memory_space<semaphore_mem>>) src(%dma_wait3A_915 : memref<8192x4096xf32, #tpu.memory_space<hbm>>) dst(%dma_wait3A_910 : memref<8x4096xf32, #tpu.memory_space<vmem>>)
    %add3A_916 = arith.constant 144 : i32
    %add3A_917 = arith.addi %mul3A_2, %add3A_916 : i32
    %dma_start3A_918 = arith.constant 0 : i32
    %dma_start3A_919 = arith.constant 0 : i32
    %dma_start3A_920 = arith.constant 0 : i32
    %dma_start3A_921 = tpu.memref_slice %arg6[%dma_start3A_918, %dma_start3A_919, %dma_start3A_920] : memref<3x8x4096xf32, #tpu.memory_space<vmem>> -> memref<1x8x4096xf32, #tpu.memory_space<vmem>>
    %dma_start3A_922 = tpu.memref_squeeze %dma_start3A_921 : memref<1x8x4096xf32, #tpu.memory_space<vmem>> -> memref<8x4096xf32, #tpu.memory_space<vmem>>
    %dma_start3A_923 = arith.constant 0 : i32
    %dma_start3A_924 = tpu.memref_slice %arg4[%add3A_917, %dma_start3A_923] : memref<8192x4096xf32, #tpu.memory_space<hbm>> -> memref<8x4096xf32, #tpu.memory_space<hbm>>
    %dma_start3A_925 = arith.constant 0 : i32
    %dma_start3A_926 = tpu.memref_slice %arg4[%add3A_917, %dma_start3A_925] : memref<8192x4096xf32, #tpu.memory_space<hbm>> -> memref<8x4096xf32, #tpu.memory_space<hbm>>
    %dma_start3A_927 = arith.constant 0 : i32
    %dma_start3A_928 = arith.constant 0 : i32
    %dma_start3A_929 = tpu.memref_slice %arg6[%dma_start3A_918, %dma_start3A_927, %dma_start3A_928] : memref<3x8x4096xf32, #tpu.memory_space<vmem>> -> memref<1x8x4096xf32, #tpu.memory_space<vmem>>
    %dma_start3A_930 = tpu.memref_squeeze %dma_start3A_929 : memref<1x8x4096xf32, #tpu.memory_space<vmem>> -> memref<8x4096xf32, #tpu.memory_space<vmem>>
    tpu.enqueue_dma source(%dma_start3A_930 : memref<8x4096xf32, #tpu.memory_space<vmem>>) target(%dma_start3A_926 : memref<8x4096xf32, #tpu.memory_space<hbm>>) target_semaphore(%arg10 : memref<!tpu.dma_semaphore, #tpu.memory_space<semaphore_mem>>)
    %add3A_931 = arith.constant 136 : i32
    %add3A_932 = arith.addi %mul3A_2, %add3A_931 : i32
    %dma_wait3A_933 = arith.constant 2 : i32
    %dma_wait3A_934 = arith.constant 0 : i32
    %dma_wait3A_935 = arith.constant 0 : i32
    %dma_wait3A_936 = tpu.memref_slice %arg6[%dma_wait3A_933, %dma_wait3A_934, %dma_wait3A_935] : memref<3x8x4096xf32, #tpu.memory_space<vmem>> -> memref<1x8x4096xf32, #tpu.memory_space<vmem>>
    %dma_wait3A_937 = tpu.memref_squeeze %dma_wait3A_936 : memref<1x8x4096xf32, #tpu.memory_space<vmem>> -> memref<8x4096xf32, #tpu.memory_space<vmem>>
    %dma_wait3A_938 = arith.constant 0 : i32
    %dma_wait3A_939 = tpu.memref_slice %arg4[%add3A_932, %dma_wait3A_938] : memref<8192x4096xf32, #tpu.memory_space<hbm>> -> memref<8x4096xf32, #tpu.memory_space<hbm>>
    %dma_wait3A_940 = arith.constant 0 : i32
    %dma_wait3A_941 = tpu.memref_slice %arg4[%add3A_932, %dma_wait3A_940] : memref<8192x4096xf32, #tpu.memory_space<hbm>> -> memref<8x4096xf32, #tpu.memory_space<hbm>>
    %dma_wait3A_942 = arith.constant 0 : i32
    %dma_wait3A_943 = arith.constant 0 : i32
    %dma_wait3A_944 = tpu.memref_slice %arg6[%dma_wait3A_933, %dma_wait3A_942, %dma_wait3A_943] : memref<3x8x4096xf32, #tpu.memory_space<vmem>> -> memref<1x8x4096xf32, #tpu.memory_space<vmem>>
    %dma_wait3A_945 = tpu.memref_squeeze %dma_wait3A_944 : memref<1x8x4096xf32, #tpu.memory_space<vmem>> -> memref<8x4096xf32, #tpu.memory_space<vmem>>
    tpu.wait_dma2 semaphore(%arg12 : memref<!tpu.dma_semaphore, #tpu.memory_space<semaphore_mem>>) src(%dma_wait3A_945 : memref<8x4096xf32, #tpu.memory_space<vmem>>) dst(%dma_wait3A_941 : memref<8x4096xf32, #tpu.memory_space<hbm>>)
    %dma_start3A_946 = arith.constant 2 : i32
    %dma_start3A_947 = arith.constant 0 : i32
    %dma_start3A_948 = arith.constant 0 : i32
    %dma_start3A_949 = tpu.memref_slice %arg6[%dma_start3A_946, %dma_start3A_947, %dma_start3A_948] : memref<3x8x4096xf32, #tpu.memory_space<vmem>> -> memref<1x8x4096xf32, #tpu.memory_space<vmem>>
    %dma_start3A_950 = tpu.memref_squeeze %dma_start3A_949 : memref<1x8x4096xf32, #tpu.memory_space<vmem>> -> memref<8x4096xf32, #tpu.memory_space<vmem>>
    %dma_start3A_951 = arith.constant 160 : i32
    %dma_start3A_952 = tpu.memref_slice %arg5[%dma_start3A_951] : memref<256xi32, #tpu.memory_space<vmem>> -> memref<8xi32, #tpu.memory_space<vmem>>
    %dma_start3A_953 = arith.constant 0 : i32
    %dma_start3A_954 = arith.constant 0 : i32
    %dma_start3A_955 = tpu.memref_slice %arg2[%dma_start3A_953, %dma_start3A_954] : memref<8192x4096xf32, #tpu.memory_space<hbm>> -> memref<8192x4096xf32, #tpu.memory_space<hbm>>
    tpu.enqueue_indirect_dma source(%dma_start3A_955 : memref<8192x4096xf32, #tpu.memory_space<hbm>>) target(%dma_start3A_950 : memref<8x4096xf32, #tpu.memory_space<vmem>>) offsets(%dma_start3A_952 : memref<8xi32, #tpu.memory_space<vmem>>) semaphore(%arg9 : memref<!tpu.dma_semaphore, #tpu.memory_space<semaphore_mem>>)
    %dma_wait3A_956 = arith.constant 1 : i32
    %dma_wait3A_957 = arith.constant 0 : i32
    %dma_wait3A_958 = arith.constant 0 : i32
    %dma_wait3A_959 = tpu.memref_slice %arg6[%dma_wait3A_956, %dma_wait3A_957, %dma_wait3A_958] : memref<3x8x4096xf32, #tpu.memory_space<vmem>> -> memref<1x8x4096xf32, #tpu.memory_space<vmem>>
    %dma_wait3A_960 = tpu.memref_squeeze %dma_wait3A_959 : memref<1x8x4096xf32, #tpu.memory_space<vmem>> -> memref<8x4096xf32, #tpu.memory_space<vmem>>
    %dma_wait3A_961 = arith.constant 152 : i32
    %dma_wait3A_962 = tpu.memref_slice %arg5[%dma_wait3A_961] : memref<256xi32, #tpu.memory_space<vmem>> -> memref<8xi32, #tpu.memory_space<vmem>>
    %dma_wait3A_963 = arith.constant 0 : i32
    %dma_wait3A_964 = arith.constant 0 : i32
    %dma_wait3A_965 = tpu.memref_slice %arg2[%dma_wait3A_963, %dma_wait3A_964] : memref<8192x4096xf32, #tpu.memory_space<hbm>> -> memref<8192x4096xf32, #tpu.memory_space<hbm>>
    tpu.wait_indirect_dma semaphore(%arg8 : memref<!tpu.dma_semaphore, #tpu.memory_space<semaphore_mem>>) src(%dma_wait3A_965 : memref<8192x4096xf32, #tpu.memory_space<hbm>>) dst(%dma_wait3A_960 : memref<8x4096xf32, #tpu.memory_space<vmem>>)
    %add3A_966 = arith.constant 152 : i32
    %add3A_967 = arith.addi %mul3A_2, %add3A_966 : i32
    %dma_start3A_968 = arith.constant 1 : i32
    %dma_start3A_969 = arith.constant 0 : i32
    %dma_start3A_970 = arith.constant 0 : i32
    %dma_start3A_971 = tpu.memref_slice %arg6[%dma_start3A_968, %dma_start3A_969, %dma_start3A_970] : memref<3x8x4096xf32, #tpu.memory_space<vmem>> -> memref<1x8x4096xf32, #tpu.memory_space<vmem>>
    %dma_start3A_972 = tpu.memref_squeeze %dma_start3A_971 : memref<1x8x4096xf32, #tpu.memory_space<vmem>> -> memref<8x4096xf32, #tpu.memory_space<vmem>>
    %dma_start3A_973 = arith.constant 0 : i32
    %dma_start3A_974 = tpu.memref_slice %arg4[%add3A_967, %dma_start3A_973] : memref<8192x4096xf32, #tpu.memory_space<hbm>> -> memref<8x4096xf32, #tpu.memory_space<hbm>>
    %dma_start3A_975 = arith.constant 0 : i32
    %dma_start3A_976 = tpu.memref_slice %arg4[%add3A_967, %dma_start3A_975] : memref<8192x4096xf32, #tpu.memory_space<hbm>> -> memref<8x4096xf32, #tpu.memory_space<hbm>>
    %dma_start3A_977 = arith.constant 0 : i32
    %dma_start3A_978 = arith.constant 0 : i32
    %dma_start3A_979 = tpu.memref_slice %arg6[%dma_start3A_968, %dma_start3A_977, %dma_start3A_978] : memref<3x8x4096xf32, #tpu.memory_space<vmem>> -> memref<1x8x4096xf32, #tpu.memory_space<vmem>>
    %dma_start3A_980 = tpu.memref_squeeze %dma_start3A_979 : memref<1x8x4096xf32, #tpu.memory_space<vmem>> -> memref<8x4096xf32, #tpu.memory_space<vmem>>
    tpu.enqueue_dma source(%dma_start3A_980 : memref<8x4096xf32, #tpu.memory_space<vmem>>) target(%dma_start3A_976 : memref<8x4096xf32, #tpu.memory_space<hbm>>) target_semaphore(%arg11 : memref<!tpu.dma_semaphore, #tpu.memory_space<semaphore_mem>>)
    %add3A_981 = arith.constant 144 : i32
    %add3A_982 = arith.addi %mul3A_2, %add3A_981 : i32
    %dma_wait3A_983 = arith.constant 0 : i32
    %dma_wait3A_984 = arith.constant 0 : i32
    %dma_wait3A_985 = arith.constant 0 : i32
    %dma_wait3A_986 = tpu.memref_slice %arg6[%dma_wait3A_983, %dma_wait3A_984, %dma_wait3A_985] : memref<3x8x4096xf32, #tpu.memory_space<vmem>> -> memref<1x8x4096xf32, #tpu.memory_space<vmem>>
    %dma_wait3A_987 = tpu.memref_squeeze %dma_wait3A_986 : memref<1x8x4096xf32, #tpu.memory_space<vmem>> -> memref<8x4096xf32, #tpu.memory_space<vmem>>
    %dma_wait3A_988 = arith.constant 0 : i32
    %dma_wait3A_989 = tpu.memref_slice %arg4[%add3A_982, %dma_wait3A_988] : memref<8192x4096xf32, #tpu.memory_space<hbm>> -> memref<8x4096xf32, #tpu.memory_space<hbm>>
    %dma_wait3A_990 = arith.constant 0 : i32
    %dma_wait3A_991 = tpu.memref_slice %arg4[%add3A_982, %dma_wait3A_990] : memref<8192x4096xf32, #tpu.memory_space<hbm>> -> memref<8x4096xf32, #tpu.memory_space<hbm>>
    %dma_wait3A_992 = arith.constant 0 : i32
    %dma_wait3A_993 = arith.constant 0 : i32
    %dma_wait3A_994 = tpu.memref_slice %arg6[%dma_wait3A_983, %dma_wait3A_992, %dma_wait3A_993] : memref<3x8x4096xf32, #tpu.memory_space<vmem>> -> memref<1x8x4096xf32, #tpu.memory_space<vmem>>
    %dma_wait3A_995 = tpu.memref_squeeze %dma_wait3A_994 : memref<1x8x4096xf32, #tpu.memory_space<vmem>> -> memref<8x4096xf32, #tpu.memory_space<vmem>>
    tpu.wait_dma2 semaphore(%arg10 : memref<!tpu.dma_semaphore, #tpu.memory_space<semaphore_mem>>) src(%dma_wait3A_995 : memref<8x4096xf32, #tpu.memory_space<vmem>>) dst(%dma_wait3A_991 : memref<8x4096xf32, #tpu.memory_space<hbm>>)
    %dma_start3A_996 = arith.constant 0 : i32
    %dma_start3A_997 = arith.constant 0 : i32
    %dma_start3A_998 = arith.constant 0 : i32
    %dma_start3A_999 = tpu.memref_slice %arg6[%dma_start3A_996, %dma_start3A_997, %dma_start3A_998] : memref<3x8x4096xf32, #tpu.memory_space<vmem>> -> memref<1x8x4096xf32, #tpu.memory_space<vmem>>
    %dma_start3A_1000 = tpu.memref_squeeze %dma_start3A_999 : memref<1x8x4096xf32, #tpu.memory_space<vmem>> -> memref<8x4096xf32, #tpu.memory_space<vmem>>
    %dma_start3A_1001 = arith.constant 168 : i32
    %dma_start3A_1002 = tpu.memref_slice %arg5[%dma_start3A_1001] : memref<256xi32, #tpu.memory_space<vmem>> -> memref<8xi32, #tpu.memory_space<vmem>>
    %dma_start3A_1003 = arith.constant 0 : i32
    %dma_start3A_1004 = arith.constant 0 : i32
    %dma_start3A_1005 = tpu.memref_slice %arg2[%dma_start3A_1003, %dma_start3A_1004] : memref<8192x4096xf32, #tpu.memory_space<hbm>> -> memref<8192x4096xf32, #tpu.memory_space<hbm>>
    tpu.enqueue_indirect_dma source(%dma_start3A_1005 : memref<8192x4096xf32, #tpu.memory_space<hbm>>) target(%dma_start3A_1000 : memref<8x4096xf32, #tpu.memory_space<vmem>>) offsets(%dma_start3A_1002 : memref<8xi32, #tpu.memory_space<vmem>>) semaphore(%arg7 : memref<!tpu.dma_semaphore, #tpu.memory_space<semaphore_mem>>)
    %dma_wait3A_1006 = arith.constant 2 : i32
    %dma_wait3A_1007 = arith.constant 0 : i32
    %dma_wait3A_1008 = arith.constant 0 : i32
    %dma_wait3A_1009 = tpu.memref_slice %arg6[%dma_wait3A_1006, %dma_wait3A_1007, %dma_wait3A_1008] : memref<3x8x4096xf32, #tpu.memory_space<vmem>> -> memref<1x8x4096xf32, #tpu.memory_space<vmem>>
    %dma_wait3A_1010 = tpu.memref_squeeze %dma_wait3A_1009 : memref<1x8x4096xf32, #tpu.memory_space<vmem>> -> memref<8x4096xf32, #tpu.memory_space<vmem>>
    %dma_wait3A_1011 = arith.constant 160 : i32
    %dma_wait3A_1012 = tpu.memref_slice %arg5[%dma_wait3A_1011] : memref<256xi32, #tpu.memory_space<vmem>> -> memref<8xi32, #tpu.memory_space<vmem>>
    %dma_wait3A_1013 = arith.constant 0 : i32
    %dma_wait3A_1014 = arith.constant 0 : i32
    %dma_wait3A_1015 = tpu.memref_slice %arg2[%dma_wait3A_1013, %dma_wait3A_1014] : memref<8192x4096xf32, #tpu.memory_space<hbm>> -> memref<8192x4096xf32, #tpu.memory_space<hbm>>
    tpu.wait_indirect_dma semaphore(%arg9 : memref<!tpu.dma_semaphore, #tpu.memory_space<semaphore_mem>>) src(%dma_wait3A_1015 : memref<8192x4096xf32, #tpu.memory_space<hbm>>) dst(%dma_wait3A_1010 : memref<8x4096xf32, #tpu.memory_space<vmem>>)
    %add3A_1016 = arith.constant 160 : i32
    %add3A_1017 = arith.addi %mul3A_2, %add3A_1016 : i32
    %dma_start3A_1018 = arith.constant 2 : i32
    %dma_start3A_1019 = arith.constant 0 : i32
    %dma_start3A_1020 = arith.constant 0 : i32
    %dma_start3A_1021 = tpu.memref_slice %arg6[%dma_start3A_1018, %dma_start3A_1019, %dma_start3A_1020] : memref<3x8x4096xf32, #tpu.memory_space<vmem>> -> memref<1x8x4096xf32, #tpu.memory_space<vmem>>
    %dma_start3A_1022 = tpu.memref_squeeze %dma_start3A_1021 : memref<1x8x4096xf32, #tpu.memory_space<vmem>> -> memref<8x4096xf32, #tpu.memory_space<vmem>>
    %dma_start3A_1023 = arith.constant 0 : i32
    %dma_start3A_1024 = tpu.memref_slice %arg4[%add3A_1017, %dma_start3A_1023] : memref<8192x4096xf32, #tpu.memory_space<hbm>> -> memref<8x4096xf32, #tpu.memory_space<hbm>>
    %dma_start3A_1025 = arith.constant 0 : i32
    %dma_start3A_1026 = tpu.memref_slice %arg4[%add3A_1017, %dma_start3A_1025] : memref<8192x4096xf32, #tpu.memory_space<hbm>> -> memref<8x4096xf32, #tpu.memory_space<hbm>>
    %dma_start3A_1027 = arith.constant 0 : i32
    %dma_start3A_1028 = arith.constant 0 : i32
    %dma_start3A_1029 = tpu.memref_slice %arg6[%dma_start3A_1018, %dma_start3A_1027, %dma_start3A_1028] : memref<3x8x4096xf32, #tpu.memory_space<vmem>> -> memref<1x8x4096xf32, #tpu.memory_space<vmem>>
    %dma_start3A_1030 = tpu.memref_squeeze %dma_start3A_1029 : memref<1x8x4096xf32, #tpu.memory_space<vmem>> -> memref<8x4096xf32, #tpu.memory_space<vmem>>
    tpu.enqueue_dma source(%dma_start3A_1030 : memref<8x4096xf32, #tpu.memory_space<vmem>>) target(%dma_start3A_1026 : memref<8x4096xf32, #tpu.memory_space<hbm>>) target_semaphore(%arg12 : memref<!tpu.dma_semaphore, #tpu.memory_space<semaphore_mem>>)
    %add3A_1031 = arith.constant 152 : i32
    %add3A_1032 = arith.addi %mul3A_2, %add3A_1031 : i32
    %dma_wait3A_1033 = arith.constant 1 : i32
    %dma_wait3A_1034 = arith.constant 0 : i32
    %dma_wait3A_1035 = arith.constant 0 : i32
    %dma_wait3A_1036 = tpu.memref_slice %arg6[%dma_wait3A_1033, %dma_wait3A_1034, %dma_wait3A_1035] : memref<3x8x4096xf32, #tpu.memory_space<vmem>> -> memref<1x8x4096xf32, #tpu.memory_space<vmem>>
    %dma_wait3A_1037 = tpu.memref_squeeze %dma_wait3A_1036 : memref<1x8x4096xf32, #tpu.memory_space<vmem>> -> memref<8x4096xf32, #tpu.memory_space<vmem>>
    %dma_wait3A_1038 = arith.constant 0 : i32
    %dma_wait3A_1039 = tpu.memref_slice %arg4[%add3A_1032, %dma_wait3A_1038] : memref<8192x4096xf32, #tpu.memory_space<hbm>> -> memref<8x4096xf32, #tpu.memory_space<hbm>>
    %dma_wait3A_1040 = arith.constant 0 : i32
    %dma_wait3A_1041 = tpu.memref_slice %arg4[%add3A_1032, %dma_wait3A_1040] : memref<8192x4096xf32, #tpu.memory_space<hbm>> -> memref<8x4096xf32, #tpu.memory_space<hbm>>
    %dma_wait3A_1042 = arith.constant 0 : i32
    %dma_wait3A_1043 = arith.constant 0 : i32
    %dma_wait3A_1044 = tpu.memref_slice %arg6[%dma_wait3A_1033, %dma_wait3A_1042, %dma_wait3A_1043] : memref<3x8x4096xf32, #tpu.memory_space<vmem>> -> memref<1x8x4096xf32, #tpu.memory_space<vmem>>
    %dma_wait3A_1045 = tpu.memref_squeeze %dma_wait3A_1044 : memref<1x8x4096xf32, #tpu.memory_space<vmem>> -> memref<8x4096xf32, #tpu.memory_space<vmem>>
    tpu.wait_dma2 semaphore(%arg11 : memref<!tpu.dma_semaphore, #tpu.memory_space<semaphore_mem>>) src(%dma_wait3A_1045 : memref<8x4096xf32, #tpu.memory_space<vmem>>) dst(%dma_wait3A_1041 : memref<8x4096xf32, #tpu.memory_space<hbm>>)
    %dma_start3A_1046 = arith.constant 1 : i32
    %dma_start3A_1047 = arith.constant 0 : i32
    %dma_start3A_1048 = arith.constant 0 : i32
    %dma_start3A_1049 = tpu.memref_slice %arg6[%dma_start3A_1046, %dma_start3A_1047, %dma_start3A_1048] : memref<3x8x4096xf32, #tpu.memory_space<vmem>> -> memref<1x8x4096xf32, #tpu.memory_space<vmem>>
    %dma_start3A_1050 = tpu.memref_squeeze %dma_start3A_1049 : memref<1x8x4096xf32, #tpu.memory_space<vmem>> -> memref<8x4096xf32, #tpu.memory_space<vmem>>
    %dma_start3A_1051 = arith.constant 176 : i32
    %dma_start3A_1052 = tpu.memref_slice %arg5[%dma_start3A_1051] : memref<256xi32, #tpu.memory_space<vmem>> -> memref<8xi32, #tpu.memory_space<vmem>>
    %dma_start3A_1053 = arith.constant 0 : i32
    %dma_start3A_1054 = arith.constant 0 : i32
    %dma_start3A_1055 = tpu.memref_slice %arg2[%dma_start3A_1053, %dma_start3A_1054] : memref<8192x4096xf32, #tpu.memory_space<hbm>> -> memref<8192x4096xf32, #tpu.memory_space<hbm>>
    tpu.enqueue_indirect_dma source(%dma_start3A_1055 : memref<8192x4096xf32, #tpu.memory_space<hbm>>) target(%dma_start3A_1050 : memref<8x4096xf32, #tpu.memory_space<vmem>>) offsets(%dma_start3A_1052 : memref<8xi32, #tpu.memory_space<vmem>>) semaphore(%arg8 : memref<!tpu.dma_semaphore, #tpu.memory_space<semaphore_mem>>)
    %dma_wait3A_1056 = arith.constant 0 : i32
    %dma_wait3A_1057 = arith.constant 0 : i32
    %dma_wait3A_1058 = arith.constant 0 : i32
    %dma_wait3A_1059 = tpu.memref_slice %arg6[%dma_wait3A_1056, %dma_wait3A_1057, %dma_wait3A_1058] : memref<3x8x4096xf32, #tpu.memory_space<vmem>> -> memref<1x8x4096xf32, #tpu.memory_space<vmem>>
    %dma_wait3A_1060 = tpu.memref_squeeze %dma_wait3A_1059 : memref<1x8x4096xf32, #tpu.memory_space<vmem>> -> memref<8x4096xf32, #tpu.memory_space<vmem>>
    %dma_wait3A_1061 = arith.constant 168 : i32
    %dma_wait3A_1062 = tpu.memref_slice %arg5[%dma_wait3A_1061] : memref<256xi32, #tpu.memory_space<vmem>> -> memref<8xi32, #tpu.memory_space<vmem>>
    %dma_wait3A_1063 = arith.constant 0 : i32
    %dma_wait3A_1064 = arith.constant 0 : i32
    %dma_wait3A_1065 = tpu.memref_slice %arg2[%dma_wait3A_1063, %dma_wait3A_1064] : memref<8192x4096xf32, #tpu.memory_space<hbm>> -> memref<8192x4096xf32, #tpu.memory_space<hbm>>
    tpu.wait_indirect_dma semaphore(%arg7 : memref<!tpu.dma_semaphore, #tpu.memory_space<semaphore_mem>>) src(%dma_wait3A_1065 : memref<8192x4096xf32, #tpu.memory_space<hbm>>) dst(%dma_wait3A_1060 : memref<8x4096xf32, #tpu.memory_space<vmem>>)
    %add3A_1066 = arith.constant 168 : i32
    %add3A_1067 = arith.addi %mul3A_2, %add3A_1066 : i32
    %dma_start3A_1068 = arith.constant 0 : i32
    %dma_start3A_1069 = arith.constant 0 : i32
    %dma_start3A_1070 = arith.constant 0 : i32
    %dma_start3A_1071 = tpu.memref_slice %arg6[%dma_start3A_1068, %dma_start3A_1069, %dma_start3A_1070] : memref<3x8x4096xf32, #tpu.memory_space<vmem>> -> memref<1x8x4096xf32, #tpu.memory_space<vmem>>
    %dma_start3A_1072 = tpu.memref_squeeze %dma_start3A_1071 : memref<1x8x4096xf32, #tpu.memory_space<vmem>> -> memref<8x4096xf32, #tpu.memory_space<vmem>>
    %dma_start3A_1073 = arith.constant 0 : i32
    %dma_start3A_1074 = tpu.memref_slice %arg4[%add3A_1067, %dma_start3A_1073] : memref<8192x4096xf32, #tpu.memory_space<hbm>> -> memref<8x4096xf32, #tpu.memory_space<hbm>>
    %dma_start3A_1075 = arith.constant 0 : i32
    %dma_start3A_1076 = tpu.memref_slice %arg4[%add3A_1067, %dma_start3A_1075] : memref<8192x4096xf32, #tpu.memory_space<hbm>> -> memref<8x4096xf32, #tpu.memory_space<hbm>>
    %dma_start3A_1077 = arith.constant 0 : i32
    %dma_start3A_1078 = arith.constant 0 : i32
    %dma_start3A_1079 = tpu.memref_slice %arg6[%dma_start3A_1068, %dma_start3A_1077, %dma_start3A_1078] : memref<3x8x4096xf32, #tpu.memory_space<vmem>> -> memref<1x8x4096xf32, #tpu.memory_space<vmem>>
    %dma_start3A_1080 = tpu.memref_squeeze %dma_start3A_1079 : memref<1x8x4096xf32, #tpu.memory_space<vmem>> -> memref<8x4096xf32, #tpu.memory_space<vmem>>
    tpu.enqueue_dma source(%dma_start3A_1080 : memref<8x4096xf32, #tpu.memory_space<vmem>>) target(%dma_start3A_1076 : memref<8x4096xf32, #tpu.memory_space<hbm>>) target_semaphore(%arg10 : memref<!tpu.dma_semaphore, #tpu.memory_space<semaphore_mem>>)
    %add3A_1081 = arith.constant 160 : i32
    %add3A_1082 = arith.addi %mul3A_2, %add3A_1081 : i32
    %dma_wait3A_1083 = arith.constant 2 : i32
    %dma_wait3A_1084 = arith.constant 0 : i32
    %dma_wait3A_1085 = arith.constant 0 : i32
    %dma_wait3A_1086 = tpu.memref_slice %arg6[%dma_wait3A_1083, %dma_wait3A_1084, %dma_wait3A_1085] : memref<3x8x4096xf32, #tpu.memory_space<vmem>> -> memref<1x8x4096xf32, #tpu.memory_space<vmem>>
    %dma_wait3A_1087 = tpu.memref_squeeze %dma_wait3A_1086 : memref<1x8x4096xf32, #tpu.memory_space<vmem>> -> memref<8x4096xf32, #tpu.memory_space<vmem>>
    %dma_wait3A_1088 = arith.constant 0 : i32
    %dma_wait3A_1089 = tpu.memref_slice %arg4[%add3A_1082, %dma_wait3A_1088] : memref<8192x4096xf32, #tpu.memory_space<hbm>> -> memref<8x4096xf32, #tpu.memory_space<hbm>>
    %dma_wait3A_1090 = arith.constant 0 : i32
    %dma_wait3A_1091 = tpu.memref_slice %arg4[%add3A_1082, %dma_wait3A_1090] : memref<8192x4096xf32, #tpu.memory_space<hbm>> -> memref<8x4096xf32, #tpu.memory_space<hbm>>
    %dma_wait3A_1092 = arith.constant 0 : i32
    %dma_wait3A_1093 = arith.constant 0 : i32
    %dma_wait3A_1094 = tpu.memref_slice %arg6[%dma_wait3A_1083, %dma_wait3A_1092, %dma_wait3A_1093] : memref<3x8x4096xf32, #tpu.memory_space<vmem>> -> memref<1x8x4096xf32, #tpu.memory_space<vmem>>
    %dma_wait3A_1095 = tpu.memref_squeeze %dma_wait3A_1094 : memref<1x8x4096xf32, #tpu.memory_space<vmem>> -> memref<8x4096xf32, #tpu.memory_space<vmem>>
    tpu.wait_dma2 semaphore(%arg12 : memref<!tpu.dma_semaphore, #tpu.memory_space<semaphore_mem>>) src(%dma_wait3A_1095 : memref<8x4096xf32, #tpu.memory_space<vmem>>) dst(%dma_wait3A_1091 : memref<8x4096xf32, #tpu.memory_space<hbm>>)
    %dma_start3A_1096 = arith.constant 2 : i32
    %dma_start3A_1097 = arith.constant 0 : i32
    %dma_start3A_1098 = arith.constant 0 : i32
    %dma_start3A_1099 = tpu.memref_slice %arg6[%dma_start3A_1096, %dma_start3A_1097, %dma_start3A_1098] : memref<3x8x4096xf32, #tpu.memory_space<vmem>> -> memref<1x8x4096xf32, #tpu.memory_space<vmem>>
    %dma_start3A_1100 = tpu.memref_squeeze %dma_start3A_1099 : memref<1x8x4096xf32, #tpu.memory_space<vmem>> -> memref<8x4096xf32, #tpu.memory_space<vmem>>
    %dma_start3A_1101 = arith.constant 184 : i32
    %dma_start3A_1102 = tpu.memref_slice %arg5[%dma_start3A_1101] : memref<256xi32, #tpu.memory_space<vmem>> -> memref<8xi32, #tpu.memory_space<vmem>>
    %dma_start3A_1103 = arith.constant 0 : i32
    %dma_start3A_1104 = arith.constant 0 : i32
    %dma_start3A_1105 = tpu.memref_slice %arg2[%dma_start3A_1103, %dma_start3A_1104] : memref<8192x4096xf32, #tpu.memory_space<hbm>> -> memref<8192x4096xf32, #tpu.memory_space<hbm>>
    tpu.enqueue_indirect_dma source(%dma_start3A_1105 : memref<8192x4096xf32, #tpu.memory_space<hbm>>) target(%dma_start3A_1100 : memref<8x4096xf32, #tpu.memory_space<vmem>>) offsets(%dma_start3A_1102 : memref<8xi32, #tpu.memory_space<vmem>>) semaphore(%arg9 : memref<!tpu.dma_semaphore, #tpu.memory_space<semaphore_mem>>)
    %dma_wait3A_1106 = arith.constant 1 : i32
    %dma_wait3A_1107 = arith.constant 0 : i32
    %dma_wait3A_1108 = arith.constant 0 : i32
    %dma_wait3A_1109 = tpu.memref_slice %arg6[%dma_wait3A_1106, %dma_wait3A_1107, %dma_wait3A_1108] : memref<3x8x4096xf32, #tpu.memory_space<vmem>> -> memref<1x8x4096xf32, #tpu.memory_space<vmem>>
    %dma_wait3A_1110 = tpu.memref_squeeze %dma_wait3A_1109 : memref<1x8x4096xf32, #tpu.memory_space<vmem>> -> memref<8x4096xf32, #tpu.memory_space<vmem>>
    %dma_wait3A_1111 = arith.constant 176 : i32
    %dma_wait3A_1112 = tpu.memref_slice %arg5[%dma_wait3A_1111] : memref<256xi32, #tpu.memory_space<vmem>> -> memref<8xi32, #tpu.memory_space<vmem>>
    %dma_wait3A_1113 = arith.constant 0 : i32
    %dma_wait3A_1114 = arith.constant 0 : i32
    %dma_wait3A_1115 = tpu.memref_slice %arg2[%dma_wait3A_1113, %dma_wait3A_1114] : memref<8192x4096xf32, #tpu.memory_space<hbm>> -> memref<8192x4096xf32, #tpu.memory_space<hbm>>
    tpu.wait_indirect_dma semaphore(%arg8 : memref<!tpu.dma_semaphore, #tpu.memory_space<semaphore_mem>>) src(%dma_wait3A_1115 : memref<8192x4096xf32, #tpu.memory_space<hbm>>) dst(%dma_wait3A_1110 : memref<8x4096xf32, #tpu.memory_space<vmem>>)
    %add3A_1116 = arith.constant 176 : i32
    %add3A_1117 = arith.addi %mul3A_2, %add3A_1116 : i32
    %dma_start3A_1118 = arith.constant 1 : i32
    %dma_start3A_1119 = arith.constant 0 : i32
    %dma_start3A_1120 = arith.constant 0 : i32
    %dma_start3A_1121 = tpu.memref_slice %arg6[%dma_start3A_1118, %dma_start3A_1119, %dma_start3A_1120] : memref<3x8x4096xf32, #tpu.memory_space<vmem>> -> memref<1x8x4096xf32, #tpu.memory_space<vmem>>
    %dma_start3A_1122 = tpu.memref_squeeze %dma_start3A_1121 : memref<1x8x4096xf32, #tpu.memory_space<vmem>> -> memref<8x4096xf32, #tpu.memory_space<vmem>>
    %dma_start3A_1123 = arith.constant 0 : i32
    %dma_start3A_1124 = tpu.memref_slice %arg4[%add3A_1117, %dma_start3A_1123] : memref<8192x4096xf32, #tpu.memory_space<hbm>> -> memref<8x4096xf32, #tpu.memory_space<hbm>>
    %dma_start3A_1125 = arith.constant 0 : i32
    %dma_start3A_1126 = tpu.memref_slice %arg4[%add3A_1117, %dma_start3A_1125] : memref<8192x4096xf32, #tpu.memory_space<hbm>> -> memref<8x4096xf32, #tpu.memory_space<hbm>>
    %dma_start3A_1127 = arith.constant 0 : i32
    %dma_start3A_1128 = arith.constant 0 : i32
    %dma_start3A_1129 = tpu.memref_slice %arg6[%dma_start3A_1118, %dma_start3A_1127, %dma_start3A_1128] : memref<3x8x4096xf32, #tpu.memory_space<vmem>> -> memref<1x8x4096xf32, #tpu.memory_space<vmem>>
    %dma_start3A_1130 = tpu.memref_squeeze %dma_start3A_1129 : memref<1x8x4096xf32, #tpu.memory_space<vmem>> -> memref<8x4096xf32, #tpu.memory_space<vmem>>
    tpu.enqueue_dma source(%dma_start3A_1130 : memref<8x4096xf32, #tpu.memory_space<vmem>>) target(%dma_start3A_1126 : memref<8x4096xf32, #tpu.memory_space<hbm>>) target_semaphore(%arg11 : memref<!tpu.dma_semaphore, #tpu.memory_space<semaphore_mem>>)
    %add3A_1131 = arith.constant 168 : i32
    %add3A_1132 = arith.addi %mul3A_2, %add3A_1131 : i32
    %dma_wait3A_1133 = arith.constant 0 : i32
    %dma_wait3A_1134 = arith.constant 0 : i32
    %dma_wait3A_1135 = arith.constant 0 : i32
    %dma_wait3A_1136 = tpu.memref_slice %arg6[%dma_wait3A_1133, %dma_wait3A_1134, %dma_wait3A_1135] : memref<3x8x4096xf32, #tpu.memory_space<vmem>> -> memref<1x8x4096xf32, #tpu.memory_space<vmem>>
    %dma_wait3A_1137 = tpu.memref_squeeze %dma_wait3A_1136 : memref<1x8x4096xf32, #tpu.memory_space<vmem>> -> memref<8x4096xf32, #tpu.memory_space<vmem>>
    %dma_wait3A_1138 = arith.constant 0 : i32
    %dma_wait3A_1139 = tpu.memref_slice %arg4[%add3A_1132, %dma_wait3A_1138] : memref<8192x4096xf32, #tpu.memory_space<hbm>> -> memref<8x4096xf32, #tpu.memory_space<hbm>>
    %dma_wait3A_1140 = arith.constant 0 : i32
    %dma_wait3A_1141 = tpu.memref_slice %arg4[%add3A_1132, %dma_wait3A_1140] : memref<8192x4096xf32, #tpu.memory_space<hbm>> -> memref<8x4096xf32, #tpu.memory_space<hbm>>
    %dma_wait3A_1142 = arith.constant 0 : i32
    %dma_wait3A_1143 = arith.constant 0 : i32
    %dma_wait3A_1144 = tpu.memref_slice %arg6[%dma_wait3A_1133, %dma_wait3A_1142, %dma_wait3A_1143] : memref<3x8x4096xf32, #tpu.memory_space<vmem>> -> memref<1x8x4096xf32, #tpu.memory_space<vmem>>
    %dma_wait3A_1145 = tpu.memref_squeeze %dma_wait3A_1144 : memref<1x8x4096xf32, #tpu.memory_space<vmem>> -> memref<8x4096xf32, #tpu.memory_space<vmem>>
    tpu.wait_dma2 semaphore(%arg10 : memref<!tpu.dma_semaphore, #tpu.memory_space<semaphore_mem>>) src(%dma_wait3A_1145 : memref<8x4096xf32, #tpu.memory_space<vmem>>) dst(%dma_wait3A_1141 : memref<8x4096xf32, #tpu.memory_space<hbm>>)
    %dma_start3A_1146 = arith.constant 0 : i32
    %dma_start3A_1147 = arith.constant 0 : i32
    %dma_start3A_1148 = arith.constant 0 : i32
    %dma_start3A_1149 = tpu.memref_slice %arg6[%dma_start3A_1146, %dma_start3A_1147, %dma_start3A_1148] : memref<3x8x4096xf32, #tpu.memory_space<vmem>> -> memref<1x8x4096xf32, #tpu.memory_space<vmem>>
    %dma_start3A_1150 = tpu.memref_squeeze %dma_start3A_1149 : memref<1x8x4096xf32, #tpu.memory_space<vmem>> -> memref<8x4096xf32, #tpu.memory_space<vmem>>
    %dma_start3A_1151 = arith.constant 192 : i32
    %dma_start3A_1152 = tpu.memref_slice %arg5[%dma_start3A_1151] : memref<256xi32, #tpu.memory_space<vmem>> -> memref<8xi32, #tpu.memory_space<vmem>>
    %dma_start3A_1153 = arith.constant 0 : i32
    %dma_start3A_1154 = arith.constant 0 : i32
    %dma_start3A_1155 = tpu.memref_slice %arg2[%dma_start3A_1153, %dma_start3A_1154] : memref<8192x4096xf32, #tpu.memory_space<hbm>> -> memref<8192x4096xf32, #tpu.memory_space<hbm>>
    tpu.enqueue_indirect_dma source(%dma_start3A_1155 : memref<8192x4096xf32, #tpu.memory_space<hbm>>) target(%dma_start3A_1150 : memref<8x4096xf32, #tpu.memory_space<vmem>>) offsets(%dma_start3A_1152 : memref<8xi32, #tpu.memory_space<vmem>>) semaphore(%arg7 : memref<!tpu.dma_semaphore, #tpu.memory_space<semaphore_mem>>)
    %dma_wait3A_1156 = arith.constant 2 : i32
    %dma_wait3A_1157 = arith.constant 0 : i32
    %dma_wait3A_1158 = arith.constant 0 : i32
    %dma_wait3A_1159 = tpu.memref_slice %arg6[%dma_wait3A_1156, %dma_wait3A_1157, %dma_wait3A_1158] : memref<3x8x4096xf32, #tpu.memory_space<vmem>> -> memref<1x8x4096xf32, #tpu.memory_space<vmem>>
    %dma_wait3A_1160 = tpu.memref_squeeze %dma_wait3A_1159 : memref<1x8x4096xf32, #tpu.memory_space<vmem>> -> memref<8x4096xf32, #tpu.memory_space<vmem>>
    %dma_wait3A_1161 = arith.constant 184 : i32
    %dma_wait3A_1162 = tpu.memref_slice %arg5[%dma_wait3A_1161] : memref<256xi32, #tpu.memory_space<vmem>> -> memref<8xi32, #tpu.memory_space<vmem>>
    %dma_wait3A_1163 = arith.constant 0 : i32
    %dma_wait3A_1164 = arith.constant 0 : i32
    %dma_wait3A_1165 = tpu.memref_slice %arg2[%dma_wait3A_1163, %dma_wait3A_1164] : memref<8192x4096xf32, #tpu.memory_space<hbm>> -> memref<8192x4096xf32, #tpu.memory_space<hbm>>
    tpu.wait_indirect_dma semaphore(%arg9 : memref<!tpu.dma_semaphore, #tpu.memory_space<semaphore_mem>>) src(%dma_wait3A_1165 : memref<8192x4096xf32, #tpu.memory_space<hbm>>) dst(%dma_wait3A_1160 : memref<8x4096xf32, #tpu.memory_space<vmem>>)
    %add3A_1166 = arith.constant 184 : i32
    %add3A_1167 = arith.addi %mul3A_2, %add3A_1166 : i32
    %dma_start3A_1168 = arith.constant 2 : i32
    %dma_start3A_1169 = arith.constant 0 : i32
    %dma_start3A_1170 = arith.constant 0 : i32
    %dma_start3A_1171 = tpu.memref_slice %arg6[%dma_start3A_1168, %dma_start3A_1169, %dma_start3A_1170] : memref<3x8x4096xf32, #tpu.memory_space<vmem>> -> memref<1x8x4096xf32, #tpu.memory_space<vmem>>
    %dma_start3A_1172 = tpu.memref_squeeze %dma_start3A_1171 : memref<1x8x4096xf32, #tpu.memory_space<vmem>> -> memref<8x4096xf32, #tpu.memory_space<vmem>>
    %dma_start3A_1173 = arith.constant 0 : i32
    %dma_start3A_1174 = tpu.memref_slice %arg4[%add3A_1167, %dma_start3A_1173] : memref<8192x4096xf32, #tpu.memory_space<hbm>> -> memref<8x4096xf32, #tpu.memory_space<hbm>>
    %dma_start3A_1175 = arith.constant 0 : i32
    %dma_start3A_1176 = tpu.memref_slice %arg4[%add3A_1167, %dma_start3A_1175] : memref<8192x4096xf32, #tpu.memory_space<hbm>> -> memref<8x4096xf32, #tpu.memory_space<hbm>>
    %dma_start3A_1177 = arith.constant 0 : i32
    %dma_start3A_1178 = arith.constant 0 : i32
    %dma_start3A_1179 = tpu.memref_slice %arg6[%dma_start3A_1168, %dma_start3A_1177, %dma_start3A_1178] : memref<3x8x4096xf32, #tpu.memory_space<vmem>> -> memref<1x8x4096xf32, #tpu.memory_space<vmem>>
    %dma_start3A_1180 = tpu.memref_squeeze %dma_start3A_1179 : memref<1x8x4096xf32, #tpu.memory_space<vmem>> -> memref<8x4096xf32, #tpu.memory_space<vmem>>
    tpu.enqueue_dma source(%dma_start3A_1180 : memref<8x4096xf32, #tpu.memory_space<vmem>>) target(%dma_start3A_1176 : memref<8x4096xf32, #tpu.memory_space<hbm>>) target_semaphore(%arg12 : memref<!tpu.dma_semaphore, #tpu.memory_space<semaphore_mem>>)
    %add3A_1181 = arith.constant 176 : i32
    %add3A_1182 = arith.addi %mul3A_2, %add3A_1181 : i32
    %dma_wait3A_1183 = arith.constant 1 : i32
    %dma_wait3A_1184 = arith.constant 0 : i32
    %dma_wait3A_1185 = arith.constant 0 : i32
    %dma_wait3A_1186 = tpu.memref_slice %arg6[%dma_wait3A_1183, %dma_wait3A_1184, %dma_wait3A_1185] : memref<3x8x4096xf32, #tpu.memory_space<vmem>> -> memref<1x8x4096xf32, #tpu.memory_space<vmem>>
    %dma_wait3A_1187 = tpu.memref_squeeze %dma_wait3A_1186 : memref<1x8x4096xf32, #tpu.memory_space<vmem>> -> memref<8x4096xf32, #tpu.memory_space<vmem>>
    %dma_wait3A_1188 = arith.constant 0 : i32
    %dma_wait3A_1189 = tpu.memref_slice %arg4[%add3A_1182, %dma_wait3A_1188] : memref<8192x4096xf32, #tpu.memory_space<hbm>> -> memref<8x4096xf32, #tpu.memory_space<hbm>>
    %dma_wait3A_1190 = arith.constant 0 : i32
    %dma_wait3A_1191 = tpu.memref_slice %arg4[%add3A_1182, %dma_wait3A_1190] : memref<8192x4096xf32, #tpu.memory_space<hbm>> -> memref<8x4096xf32, #tpu.memory_space<hbm>>
    %dma_wait3A_1192 = arith.constant 0 : i32
    %dma_wait3A_1193 = arith.constant 0 : i32
    %dma_wait3A_1194 = tpu.memref_slice %arg6[%dma_wait3A_1183, %dma_wait3A_1192, %dma_wait3A_1193] : memref<3x8x4096xf32, #tpu.memory_space<vmem>> -> memref<1x8x4096xf32, #tpu.memory_space<vmem>>
    %dma_wait3A_1195 = tpu.memref_squeeze %dma_wait3A_1194 : memref<1x8x4096xf32, #tpu.memory_space<vmem>> -> memref<8x4096xf32, #tpu.memory_space<vmem>>
    tpu.wait_dma2 semaphore(%arg11 : memref<!tpu.dma_semaphore, #tpu.memory_space<semaphore_mem>>) src(%dma_wait3A_1195 : memref<8x4096xf32, #tpu.memory_space<vmem>>) dst(%dma_wait3A_1191 : memref<8x4096xf32, #tpu.memory_space<hbm>>)
    %dma_start3A_1196 = arith.constant 1 : i32
    %dma_start3A_1197 = arith.constant 0 : i32
    %dma_start3A_1198 = arith.constant 0 : i32
    %dma_start3A_1199 = tpu.memref_slice %arg6[%dma_start3A_1196, %dma_start3A_1197, %dma_start3A_1198] : memref<3x8x4096xf32, #tpu.memory_space<vmem>> -> memref<1x8x4096xf32, #tpu.memory_space<vmem>>
    %dma_start3A_1200 = tpu.memref_squeeze %dma_start3A_1199 : memref<1x8x4096xf32, #tpu.memory_space<vmem>> -> memref<8x4096xf32, #tpu.memory_space<vmem>>
    %dma_start3A_1201 = arith.constant 200 : i32
    %dma_start3A_1202 = tpu.memref_slice %arg5[%dma_start3A_1201] : memref<256xi32, #tpu.memory_space<vmem>> -> memref<8xi32, #tpu.memory_space<vmem>>
    %dma_start3A_1203 = arith.constant 0 : i32
    %dma_start3A_1204 = arith.constant 0 : i32
    %dma_start3A_1205 = tpu.memref_slice %arg2[%dma_start3A_1203, %dma_start3A_1204] : memref<8192x4096xf32, #tpu.memory_space<hbm>> -> memref<8192x4096xf32, #tpu.memory_space<hbm>>
    tpu.enqueue_indirect_dma source(%dma_start3A_1205 : memref<8192x4096xf32, #tpu.memory_space<hbm>>) target(%dma_start3A_1200 : memref<8x4096xf32, #tpu.memory_space<vmem>>) offsets(%dma_start3A_1202 : memref<8xi32, #tpu.memory_space<vmem>>) semaphore(%arg8 : memref<!tpu.dma_semaphore, #tpu.memory_space<semaphore_mem>>)
    %dma_wait3A_1206 = arith.constant 0 : i32
    %dma_wait3A_1207 = arith.constant 0 : i32
    %dma_wait3A_1208 = arith.constant 0 : i32
    %dma_wait3A_1209 = tpu.memref_slice %arg6[%dma_wait3A_1206, %dma_wait3A_1207, %dma_wait3A_1208] : memref<3x8x4096xf32, #tpu.memory_space<vmem>> -> memref<1x8x4096xf32, #tpu.memory_space<vmem>>
    %dma_wait3A_1210 = tpu.memref_squeeze %dma_wait3A_1209 : memref<1x8x4096xf32, #tpu.memory_space<vmem>> -> memref<8x4096xf32, #tpu.memory_space<vmem>>
    %dma_wait3A_1211 = arith.constant 192 : i32
    %dma_wait3A_1212 = tpu.memref_slice %arg5[%dma_wait3A_1211] : memref<256xi32, #tpu.memory_space<vmem>> -> memref<8xi32, #tpu.memory_space<vmem>>
    %dma_wait3A_1213 = arith.constant 0 : i32
    %dma_wait3A_1214 = arith.constant 0 : i32
    %dma_wait3A_1215 = tpu.memref_slice %arg2[%dma_wait3A_1213, %dma_wait3A_1214] : memref<8192x4096xf32, #tpu.memory_space<hbm>> -> memref<8192x4096xf32, #tpu.memory_space<hbm>>
    tpu.wait_indirect_dma semaphore(%arg7 : memref<!tpu.dma_semaphore, #tpu.memory_space<semaphore_mem>>) src(%dma_wait3A_1215 : memref<8192x4096xf32, #tpu.memory_space<hbm>>) dst(%dma_wait3A_1210 : memref<8x4096xf32, #tpu.memory_space<vmem>>)
    %add3A_1216 = arith.constant 192 : i32
    %add3A_1217 = arith.addi %mul3A_2, %add3A_1216 : i32
    %dma_start3A_1218 = arith.constant 0 : i32
    %dma_start3A_1219 = arith.constant 0 : i32
    %dma_start3A_1220 = arith.constant 0 : i32
    %dma_start3A_1221 = tpu.memref_slice %arg6[%dma_start3A_1218, %dma_start3A_1219, %dma_start3A_1220] : memref<3x8x4096xf32, #tpu.memory_space<vmem>> -> memref<1x8x4096xf32, #tpu.memory_space<vmem>>
    %dma_start3A_1222 = tpu.memref_squeeze %dma_start3A_1221 : memref<1x8x4096xf32, #tpu.memory_space<vmem>> -> memref<8x4096xf32, #tpu.memory_space<vmem>>
    %dma_start3A_1223 = arith.constant 0 : i32
    %dma_start3A_1224 = tpu.memref_slice %arg4[%add3A_1217, %dma_start3A_1223] : memref<8192x4096xf32, #tpu.memory_space<hbm>> -> memref<8x4096xf32, #tpu.memory_space<hbm>>
    %dma_start3A_1225 = arith.constant 0 : i32
    %dma_start3A_1226 = tpu.memref_slice %arg4[%add3A_1217, %dma_start3A_1225] : memref<8192x4096xf32, #tpu.memory_space<hbm>> -> memref<8x4096xf32, #tpu.memory_space<hbm>>
    %dma_start3A_1227 = arith.constant 0 : i32
    %dma_start3A_1228 = arith.constant 0 : i32
    %dma_start3A_1229 = tpu.memref_slice %arg6[%dma_start3A_1218, %dma_start3A_1227, %dma_start3A_1228] : memref<3x8x4096xf32, #tpu.memory_space<vmem>> -> memref<1x8x4096xf32, #tpu.memory_space<vmem>>
    %dma_start3A_1230 = tpu.memref_squeeze %dma_start3A_1229 : memref<1x8x4096xf32, #tpu.memory_space<vmem>> -> memref<8x4096xf32, #tpu.memory_space<vmem>>
    tpu.enqueue_dma source(%dma_start3A_1230 : memref<8x4096xf32, #tpu.memory_space<vmem>>) target(%dma_start3A_1226 : memref<8x4096xf32, #tpu.memory_space<hbm>>) target_semaphore(%arg10 : memref<!tpu.dma_semaphore, #tpu.memory_space<semaphore_mem>>)
    %add3A_1231 = arith.constant 184 : i32
    %add3A_1232 = arith.addi %mul3A_2, %add3A_1231 : i32
    %dma_wait3A_1233 = arith.constant 2 : i32
    %dma_wait3A_1234 = arith.constant 0 : i32
    %dma_wait3A_1235 = arith.constant 0 : i32
    %dma_wait3A_1236 = tpu.memref_slice %arg6[%dma_wait3A_1233, %dma_wait3A_1234, %dma_wait3A_1235] : memref<3x8x4096xf32, #tpu.memory_space<vmem>> -> memref<1x8x4096xf32, #tpu.memory_space<vmem>>
    %dma_wait3A_1237 = tpu.memref_squeeze %dma_wait3A_1236 : memref<1x8x4096xf32, #tpu.memory_space<vmem>> -> memref<8x4096xf32, #tpu.memory_space<vmem>>
    %dma_wait3A_1238 = arith.constant 0 : i32
    %dma_wait3A_1239 = tpu.memref_slice %arg4[%add3A_1232, %dma_wait3A_1238] : memref<8192x4096xf32, #tpu.memory_space<hbm>> -> memref<8x4096xf32, #tpu.memory_space<hbm>>
    %dma_wait3A_1240 = arith.constant 0 : i32
    %dma_wait3A_1241 = tpu.memref_slice %arg4[%add3A_1232, %dma_wait3A_1240] : memref<8192x4096xf32, #tpu.memory_space<hbm>> -> memref<8x4096xf32, #tpu.memory_space<hbm>>
    %dma_wait3A_1242 = arith.constant 0 : i32
    %dma_wait3A_1243 = arith.constant 0 : i32
    %dma_wait3A_1244 = tpu.memref_slice %arg6[%dma_wait3A_1233, %dma_wait3A_1242, %dma_wait3A_1243] : memref<3x8x4096xf32, #tpu.memory_space<vmem>> -> memref<1x8x4096xf32, #tpu.memory_space<vmem>>
    %dma_wait3A_1245 = tpu.memref_squeeze %dma_wait3A_1244 : memref<1x8x4096xf32, #tpu.memory_space<vmem>> -> memref<8x4096xf32, #tpu.memory_space<vmem>>
    tpu.wait_dma2 semaphore(%arg12 : memref<!tpu.dma_semaphore, #tpu.memory_space<semaphore_mem>>) src(%dma_wait3A_1245 : memref<8x4096xf32, #tpu.memory_space<vmem>>) dst(%dma_wait3A_1241 : memref<8x4096xf32, #tpu.memory_space<hbm>>)
    %dma_start3A_1246 = arith.constant 2 : i32
    %dma_start3A_1247 = arith.constant 0 : i32
    %dma_start3A_1248 = arith.constant 0 : i32
    %dma_start3A_1249 = tpu.memref_slice %arg6[%dma_start3A_1246, %dma_start3A_1247, %dma_start3A_1248] : memref<3x8x4096xf32, #tpu.memory_space<vmem>> -> memref<1x8x4096xf32, #tpu.memory_space<vmem>>
    %dma_start3A_1250 = tpu.memref_squeeze %dma_start3A_1249 : memref<1x8x4096xf32, #tpu.memory_space<vmem>> -> memref<8x4096xf32, #tpu.memory_space<vmem>>
    %dma_start3A_1251 = arith.constant 208 : i32
    %dma_start3A_1252 = tpu.memref_slice %arg5[%dma_start3A_1251] : memref<256xi32, #tpu.memory_space<vmem>> -> memref<8xi32, #tpu.memory_space<vmem>>
    %dma_start3A_1253 = arith.constant 0 : i32
    %dma_start3A_1254 = arith.constant 0 : i32
    %dma_start3A_1255 = tpu.memref_slice %arg2[%dma_start3A_1253, %dma_start3A_1254] : memref<8192x4096xf32, #tpu.memory_space<hbm>> -> memref<8192x4096xf32, #tpu.memory_space<hbm>>
    tpu.enqueue_indirect_dma source(%dma_start3A_1255 : memref<8192x4096xf32, #tpu.memory_space<hbm>>) target(%dma_start3A_1250 : memref<8x4096xf32, #tpu.memory_space<vmem>>) offsets(%dma_start3A_1252 : memref<8xi32, #tpu.memory_space<vmem>>) semaphore(%arg9 : memref<!tpu.dma_semaphore, #tpu.memory_space<semaphore_mem>>)
    %dma_wait3A_1256 = arith.constant 1 : i32
    %dma_wait3A_1257 = arith.constant 0 : i32
    %dma_wait3A_1258 = arith.constant 0 : i32
    %dma_wait3A_1259 = tpu.memref_slice %arg6[%dma_wait3A_1256, %dma_wait3A_1257, %dma_wait3A_1258] : memref<3x8x4096xf32, #tpu.memory_space<vmem>> -> memref<1x8x4096xf32, #tpu.memory_space<vmem>>
    %dma_wait3A_1260 = tpu.memref_squeeze %dma_wait3A_1259 : memref<1x8x4096xf32, #tpu.memory_space<vmem>> -> memref<8x4096xf32, #tpu.memory_space<vmem>>
    %dma_wait3A_1261 = arith.constant 200 : i32
    %dma_wait3A_1262 = tpu.memref_slice %arg5[%dma_wait3A_1261] : memref<256xi32, #tpu.memory_space<vmem>> -> memref<8xi32, #tpu.memory_space<vmem>>
    %dma_wait3A_1263 = arith.constant 0 : i32
    %dma_wait3A_1264 = arith.constant 0 : i32
    %dma_wait3A_1265 = tpu.memref_slice %arg2[%dma_wait3A_1263, %dma_wait3A_1264] : memref<8192x4096xf32, #tpu.memory_space<hbm>> -> memref<8192x4096xf32, #tpu.memory_space<hbm>>
    tpu.wait_indirect_dma semaphore(%arg8 : memref<!tpu.dma_semaphore, #tpu.memory_space<semaphore_mem>>) src(%dma_wait3A_1265 : memref<8192x4096xf32, #tpu.memory_space<hbm>>) dst(%dma_wait3A_1260 : memref<8x4096xf32, #tpu.memory_space<vmem>>)
    %add3A_1266 = arith.constant 200 : i32
    %add3A_1267 = arith.addi %mul3A_2, %add3A_1266 : i32
    %dma_start3A_1268 = arith.constant 1 : i32
    %dma_start3A_1269 = arith.constant 0 : i32
    %dma_start3A_1270 = arith.constant 0 : i32
    %dma_start3A_1271 = tpu.memref_slice %arg6[%dma_start3A_1268, %dma_start3A_1269, %dma_start3A_1270] : memref<3x8x4096xf32, #tpu.memory_space<vmem>> -> memref<1x8x4096xf32, #tpu.memory_space<vmem>>
    %dma_start3A_1272 = tpu.memref_squeeze %dma_start3A_1271 : memref<1x8x4096xf32, #tpu.memory_space<vmem>> -> memref<8x4096xf32, #tpu.memory_space<vmem>>
    %dma_start3A_1273 = arith.constant 0 : i32
    %dma_start3A_1274 = tpu.memref_slice %arg4[%add3A_1267, %dma_start3A_1273] : memref<8192x4096xf32, #tpu.memory_space<hbm>> -> memref<8x4096xf32, #tpu.memory_space<hbm>>
    %dma_start3A_1275 = arith.constant 0 : i32
    %dma_start3A_1276 = tpu.memref_slice %arg4[%add3A_1267, %dma_start3A_1275] : memref<8192x4096xf32, #tpu.memory_space<hbm>> -> memref<8x4096xf32, #tpu.memory_space<hbm>>
    %dma_start3A_1277 = arith.constant 0 : i32
    %dma_start3A_1278 = arith.constant 0 : i32
    %dma_start3A_1279 = tpu.memref_slice %arg6[%dma_start3A_1268, %dma_start3A_1277, %dma_start3A_1278] : memref<3x8x4096xf32, #tpu.memory_space<vmem>> -> memref<1x8x4096xf32, #tpu.memory_space<vmem>>
    %dma_start3A_1280 = tpu.memref_squeeze %dma_start3A_1279 : memref<1x8x4096xf32, #tpu.memory_space<vmem>> -> memref<8x4096xf32, #tpu.memory_space<vmem>>
    tpu.enqueue_dma source(%dma_start3A_1280 : memref<8x4096xf32, #tpu.memory_space<vmem>>) target(%dma_start3A_1276 : memref<8x4096xf32, #tpu.memory_space<hbm>>) target_semaphore(%arg11 : memref<!tpu.dma_semaphore, #tpu.memory_space<semaphore_mem>>)
    %add3A_1281 = arith.constant 192 : i32
    %add3A_1282 = arith.addi %mul3A_2, %add3A_1281 : i32
    %dma_wait3A_1283 = arith.constant 0 : i32
    %dma_wait3A_1284 = arith.constant 0 : i32
    %dma_wait3A_1285 = arith.constant 0 : i32
    %dma_wait3A_1286 = tpu.memref_slice %arg6[%dma_wait3A_1283, %dma_wait3A_1284, %dma_wait3A_1285] : memref<3x8x4096xf32, #tpu.memory_space<vmem>> -> memref<1x8x4096xf32, #tpu.memory_space<vmem>>
    %dma_wait3A_1287 = tpu.memref_squeeze %dma_wait3A_1286 : memref<1x8x4096xf32, #tpu.memory_space<vmem>> -> memref<8x4096xf32, #tpu.memory_space<vmem>>
    %dma_wait3A_1288 = arith.constant 0 : i32
    %dma_wait3A_1289 = tpu.memref_slice %arg4[%add3A_1282, %dma_wait3A_1288] : memref<8192x4096xf32, #tpu.memory_space<hbm>> -> memref<8x4096xf32, #tpu.memory_space<hbm>>
    %dma_wait3A_1290 = arith.constant 0 : i32
    %dma_wait3A_1291 = tpu.memref_slice %arg4[%add3A_1282, %dma_wait3A_1290] : memref<8192x4096xf32, #tpu.memory_space<hbm>> -> memref<8x4096xf32, #tpu.memory_space<hbm>>
    %dma_wait3A_1292 = arith.constant 0 : i32
    %dma_wait3A_1293 = arith.constant 0 : i32
    %dma_wait3A_1294 = tpu.memref_slice %arg6[%dma_wait3A_1283, %dma_wait3A_1292, %dma_wait3A_1293] : memref<3x8x4096xf32, #tpu.memory_space<vmem>> -> memref<1x8x4096xf32, #tpu.memory_space<vmem>>
    %dma_wait3A_1295 = tpu.memref_squeeze %dma_wait3A_1294 : memref<1x8x4096xf32, #tpu.memory_space<vmem>> -> memref<8x4096xf32, #tpu.memory_space<vmem>>
    tpu.wait_dma2 semaphore(%arg10 : memref<!tpu.dma_semaphore, #tpu.memory_space<semaphore_mem>>) src(%dma_wait3A_1295 : memref<8x4096xf32, #tpu.memory_space<vmem>>) dst(%dma_wait3A_1291 : memref<8x4096xf32, #tpu.memory_space<hbm>>)
    %dma_start3A_1296 = arith.constant 0 : i32
    %dma_start3A_1297 = arith.constant 0 : i32
    %dma_start3A_1298 = arith.constant 0 : i32
    %dma_start3A_1299 = tpu.memref_slice %arg6[%dma_start3A_1296, %dma_start3A_1297, %dma_start3A_1298] : memref<3x8x4096xf32, #tpu.memory_space<vmem>> -> memref<1x8x4096xf32, #tpu.memory_space<vmem>>
    %dma_start3A_1300 = tpu.memref_squeeze %dma_start3A_1299 : memref<1x8x4096xf32, #tpu.memory_space<vmem>> -> memref<8x4096xf32, #tpu.memory_space<vmem>>
    %dma_start3A_1301 = arith.constant 216 : i32
    %dma_start3A_1302 = tpu.memref_slice %arg5[%dma_start3A_1301] : memref<256xi32, #tpu.memory_space<vmem>> -> memref<8xi32, #tpu.memory_space<vmem>>
    %dma_start3A_1303 = arith.constant 0 : i32
    %dma_start3A_1304 = arith.constant 0 : i32
    %dma_start3A_1305 = tpu.memref_slice %arg2[%dma_start3A_1303, %dma_start3A_1304] : memref<8192x4096xf32, #tpu.memory_space<hbm>> -> memref<8192x4096xf32, #tpu.memory_space<hbm>>
    tpu.enqueue_indirect_dma source(%dma_start3A_1305 : memref<8192x4096xf32, #tpu.memory_space<hbm>>) target(%dma_start3A_1300 : memref<8x4096xf32, #tpu.memory_space<vmem>>) offsets(%dma_start3A_1302 : memref<8xi32, #tpu.memory_space<vmem>>) semaphore(%arg7 : memref<!tpu.dma_semaphore, #tpu.memory_space<semaphore_mem>>)
    %dma_wait3A_1306 = arith.constant 2 : i32
    %dma_wait3A_1307 = arith.constant 0 : i32
    %dma_wait3A_1308 = arith.constant 0 : i32
    %dma_wait3A_1309 = tpu.memref_slice %arg6[%dma_wait3A_1306, %dma_wait3A_1307, %dma_wait3A_1308] : memref<3x8x4096xf32, #tpu.memory_space<vmem>> -> memref<1x8x4096xf32, #tpu.memory_space<vmem>>
    %dma_wait3A_1310 = tpu.memref_squeeze %dma_wait3A_1309 : memref<1x8x4096xf32, #tpu.memory_space<vmem>> -> memref<8x4096xf32, #tpu.memory_space<vmem>>
    %dma_wait3A_1311 = arith.constant 208 : i32
    %dma_wait3A_1312 = tpu.memref_slice %arg5[%dma_wait3A_1311] : memref<256xi32, #tpu.memory_space<vmem>> -> memref<8xi32, #tpu.memory_space<vmem>>
    %dma_wait3A_1313 = arith.constant 0 : i32
    %dma_wait3A_1314 = arith.constant 0 : i32
    %dma_wait3A_1315 = tpu.memref_slice %arg2[%dma_wait3A_1313, %dma_wait3A_1314] : memref<8192x4096xf32, #tpu.memory_space<hbm>> -> memref<8192x4096xf32, #tpu.memory_space<hbm>>
    tpu.wait_indirect_dma semaphore(%arg9 : memref<!tpu.dma_semaphore, #tpu.memory_space<semaphore_mem>>) src(%dma_wait3A_1315 : memref<8192x4096xf32, #tpu.memory_space<hbm>>) dst(%dma_wait3A_1310 : memref<8x4096xf32, #tpu.memory_space<vmem>>)
    %add3A_1316 = arith.constant 208 : i32
    %add3A_1317 = arith.addi %mul3A_2, %add3A_1316 : i32
    %dma_start3A_1318 = arith.constant 2 : i32
    %dma_start3A_1319 = arith.constant 0 : i32
    %dma_start3A_1320 = arith.constant 0 : i32
    %dma_start3A_1321 = tpu.memref_slice %arg6[%dma_start3A_1318, %dma_start3A_1319, %dma_start3A_1320] : memref<3x8x4096xf32, #tpu.memory_space<vmem>> -> memref<1x8x4096xf32, #tpu.memory_space<vmem>>
    %dma_start3A_1322 = tpu.memref_squeeze %dma_start3A_1321 : memref<1x8x4096xf32, #tpu.memory_space<vmem>> -> memref<8x4096xf32, #tpu.memory_space<vmem>>
    %dma_start3A_1323 = arith.constant 0 : i32
    %dma_start3A_1324 = tpu.memref_slice %arg4[%add3A_1317, %dma_start3A_1323] : memref<8192x4096xf32, #tpu.memory_space<hbm>> -> memref<8x4096xf32, #tpu.memory_space<hbm>>
    %dma_start3A_1325 = arith.constant 0 : i32
    %dma_start3A_1326 = tpu.memref_slice %arg4[%add3A_1317, %dma_start3A_1325] : memref<8192x4096xf32, #tpu.memory_space<hbm>> -> memref<8x4096xf32, #tpu.memory_space<hbm>>
    %dma_start3A_1327 = arith.constant 0 : i32
    %dma_start3A_1328 = arith.constant 0 : i32
    %dma_start3A_1329 = tpu.memref_slice %arg6[%dma_start3A_1318, %dma_start3A_1327, %dma_start3A_1328] : memref<3x8x4096xf32, #tpu.memory_space<vmem>> -> memref<1x8x4096xf32, #tpu.memory_space<vmem>>
    %dma_start3A_1330 = tpu.memref_squeeze %dma_start3A_1329 : memref<1x8x4096xf32, #tpu.memory_space<vmem>> -> memref<8x4096xf32, #tpu.memory_space<vmem>>
    tpu.enqueue_dma source(%dma_start3A_1330 : memref<8x4096xf32, #tpu.memory_space<vmem>>) target(%dma_start3A_1326 : memref<8x4096xf32, #tpu.memory_space<hbm>>) target_semaphore(%arg12 : memref<!tpu.dma_semaphore, #tpu.memory_space<semaphore_mem>>)
    %add3A_1331 = arith.constant 200 : i32
    %add3A_1332 = arith.addi %mul3A_2, %add3A_1331 : i32
    %dma_wait3A_1333 = arith.constant 1 : i32
    %dma_wait3A_1334 = arith.constant 0 : i32
    %dma_wait3A_1335 = arith.constant 0 : i32
    %dma_wait3A_1336 = tpu.memref_slice %arg6[%dma_wait3A_1333, %dma_wait3A_1334, %dma_wait3A_1335] : memref<3x8x4096xf32, #tpu.memory_space<vmem>> -> memref<1x8x4096xf32, #tpu.memory_space<vmem>>
    %dma_wait3A_1337 = tpu.memref_squeeze %dma_wait3A_1336 : memref<1x8x4096xf32, #tpu.memory_space<vmem>> -> memref<8x4096xf32, #tpu.memory_space<vmem>>
    %dma_wait3A_1338 = arith.constant 0 : i32
    %dma_wait3A_1339 = tpu.memref_slice %arg4[%add3A_1332, %dma_wait3A_1338] : memref<8192x4096xf32, #tpu.memory_space<hbm>> -> memref<8x4096xf32, #tpu.memory_space<hbm>>
    %dma_wait3A_1340 = arith.constant 0 : i32
    %dma_wait3A_1341 = tpu.memref_slice %arg4[%add3A_1332, %dma_wait3A_1340] : memref<8192x4096xf32, #tpu.memory_space<hbm>> -> memref<8x4096xf32, #tpu.memory_space<hbm>>
    %dma_wait3A_1342 = arith.constant 0 : i32
    %dma_wait3A_1343 = arith.constant 0 : i32
    %dma_wait3A_1344 = tpu.memref_slice %arg6[%dma_wait3A_1333, %dma_wait3A_1342, %dma_wait3A_1343] : memref<3x8x4096xf32, #tpu.memory_space<vmem>> -> memref<1x8x4096xf32, #tpu.memory_space<vmem>>
    %dma_wait3A_1345 = tpu.memref_squeeze %dma_wait3A_1344 : memref<1x8x4096xf32, #tpu.memory_space<vmem>> -> memref<8x4096xf32, #tpu.memory_space<vmem>>
    tpu.wait_dma2 semaphore(%arg11 : memref<!tpu.dma_semaphore, #tpu.memory_space<semaphore_mem>>) src(%dma_wait3A_1345 : memref<8x4096xf32, #tpu.memory_space<vmem>>) dst(%dma_wait3A_1341 : memref<8x4096xf32, #tpu.memory_space<hbm>>)
    %dma_start3A_1346 = arith.constant 1 : i32
    %dma_start3A_1347 = arith.constant 0 : i32
    %dma_start3A_1348 = arith.constant 0 : i32
    %dma_start3A_1349 = tpu.memref_slice %arg6[%dma_start3A_1346, %dma_start3A_1347, %dma_start3A_1348] : memref<3x8x4096xf32, #tpu.memory_space<vmem>> -> memref<1x8x4096xf32, #tpu.memory_space<vmem>>
    %dma_start3A_1350 = tpu.memref_squeeze %dma_start3A_1349 : memref<1x8x4096xf32, #tpu.memory_space<vmem>> -> memref<8x4096xf32, #tpu.memory_space<vmem>>
    %dma_start3A_1351 = arith.constant 224 : i32
    %dma_start3A_1352 = tpu.memref_slice %arg5[%dma_start3A_1351] : memref<256xi32, #tpu.memory_space<vmem>> -> memref<8xi32, #tpu.memory_space<vmem>>
    %dma_start3A_1353 = arith.constant 0 : i32
    %dma_start3A_1354 = arith.constant 0 : i32
    %dma_start3A_1355 = tpu.memref_slice %arg2[%dma_start3A_1353, %dma_start3A_1354] : memref<8192x4096xf32, #tpu.memory_space<hbm>> -> memref<8192x4096xf32, #tpu.memory_space<hbm>>
    tpu.enqueue_indirect_dma source(%dma_start3A_1355 : memref<8192x4096xf32, #tpu.memory_space<hbm>>) target(%dma_start3A_1350 : memref<8x4096xf32, #tpu.memory_space<vmem>>) offsets(%dma_start3A_1352 : memref<8xi32, #tpu.memory_space<vmem>>) semaphore(%arg8 : memref<!tpu.dma_semaphore, #tpu.memory_space<semaphore_mem>>)
    %dma_wait3A_1356 = arith.constant 0 : i32
    %dma_wait3A_1357 = arith.constant 0 : i32
    %dma_wait3A_1358 = arith.constant 0 : i32
    %dma_wait3A_1359 = tpu.memref_slice %arg6[%dma_wait3A_1356, %dma_wait3A_1357, %dma_wait3A_1358] : memref<3x8x4096xf32, #tpu.memory_space<vmem>> -> memref<1x8x4096xf32, #tpu.memory_space<vmem>>
    %dma_wait3A_1360 = tpu.memref_squeeze %dma_wait3A_1359 : memref<1x8x4096xf32, #tpu.memory_space<vmem>> -> memref<8x4096xf32, #tpu.memory_space<vmem>>
    %dma_wait3A_1361 = arith.constant 216 : i32
    %dma_wait3A_1362 = tpu.memref_slice %arg5[%dma_wait3A_1361] : memref<256xi32, #tpu.memory_space<vmem>> -> memref<8xi32, #tpu.memory_space<vmem>>
    %dma_wait3A_1363 = arith.constant 0 : i32
    %dma_wait3A_1364 = arith.constant 0 : i32
    %dma_wait3A_1365 = tpu.memref_slice %arg2[%dma_wait3A_1363, %dma_wait3A_1364] : memref<8192x4096xf32, #tpu.memory_space<hbm>> -> memref<8192x4096xf32, #tpu.memory_space<hbm>>
    tpu.wait_indirect_dma semaphore(%arg7 : memref<!tpu.dma_semaphore, #tpu.memory_space<semaphore_mem>>) src(%dma_wait3A_1365 : memref<8192x4096xf32, #tpu.memory_space<hbm>>) dst(%dma_wait3A_1360 : memref<8x4096xf32, #tpu.memory_space<vmem>>)
    %add3A_1366 = arith.constant 216 : i32
    %add3A_1367 = arith.addi %mul3A_2, %add3A_1366 : i32
    %dma_start3A_1368 = arith.constant 0 : i32
    %dma_start3A_1369 = arith.constant 0 : i32
    %dma_start3A_1370 = arith.constant 0 : i32
    %dma_start3A_1371 = tpu.memref_slice %arg6[%dma_start3A_1368, %dma_start3A_1369, %dma_start3A_1370] : memref<3x8x4096xf32, #tpu.memory_space<vmem>> -> memref<1x8x4096xf32, #tpu.memory_space<vmem>>
    %dma_start3A_1372 = tpu.memref_squeeze %dma_start3A_1371 : memref<1x8x4096xf32, #tpu.memory_space<vmem>> -> memref<8x4096xf32, #tpu.memory_space<vmem>>
    %dma_start3A_1373 = arith.constant 0 : i32
    %dma_start3A_1374 = tpu.memref_slice %arg4[%add3A_1367, %dma_start3A_1373] : memref<8192x4096xf32, #tpu.memory_space<hbm>> -> memref<8x4096xf32, #tpu.memory_space<hbm>>
    %dma_start3A_1375 = arith.constant 0 : i32
    %dma_start3A_1376 = tpu.memref_slice %arg4[%add3A_1367, %dma_start3A_1375] : memref<8192x4096xf32, #tpu.memory_space<hbm>> -> memref<8x4096xf32, #tpu.memory_space<hbm>>
    %dma_start3A_1377 = arith.constant 0 : i32
    %dma_start3A_1378 = arith.constant 0 : i32
    %dma_start3A_1379 = tpu.memref_slice %arg6[%dma_start3A_1368, %dma_start3A_1377, %dma_start3A_1378] : memref<3x8x4096xf32, #tpu.memory_space<vmem>> -> memref<1x8x4096xf32, #tpu.memory_space<vmem>>
    %dma_start3A_1380 = tpu.memref_squeeze %dma_start3A_1379 : memref<1x8x4096xf32, #tpu.memory_space<vmem>> -> memref<8x4096xf32, #tpu.memory_space<vmem>>
    tpu.enqueue_dma source(%dma_start3A_1380 : memref<8x4096xf32, #tpu.memory_space<vmem>>) target(%dma_start3A_1376 : memref<8x4096xf32, #tpu.memory_space<hbm>>) target_semaphore(%arg10 : memref<!tpu.dma_semaphore, #tpu.memory_space<semaphore_mem>>)
    %add3A_1381 = arith.constant 208 : i32
    %add3A_1382 = arith.addi %mul3A_2, %add3A_1381 : i32
    %dma_wait3A_1383 = arith.constant 2 : i32
    %dma_wait3A_1384 = arith.constant 0 : i32
    %dma_wait3A_1385 = arith.constant 0 : i32
    %dma_wait3A_1386 = tpu.memref_slice %arg6[%dma_wait3A_1383, %dma_wait3A_1384, %dma_wait3A_1385] : memref<3x8x4096xf32, #tpu.memory_space<vmem>> -> memref<1x8x4096xf32, #tpu.memory_space<vmem>>
    %dma_wait3A_1387 = tpu.memref_squeeze %dma_wait3A_1386 : memref<1x8x4096xf32, #tpu.memory_space<vmem>> -> memref<8x4096xf32, #tpu.memory_space<vmem>>
    %dma_wait3A_1388 = arith.constant 0 : i32
    %dma_wait3A_1389 = tpu.memref_slice %arg4[%add3A_1382, %dma_wait3A_1388] : memref<8192x4096xf32, #tpu.memory_space<hbm>> -> memref<8x4096xf32, #tpu.memory_space<hbm>>
    %dma_wait3A_1390 = arith.constant 0 : i32
    %dma_wait3A_1391 = tpu.memref_slice %arg4[%add3A_1382, %dma_wait3A_1390] : memref<8192x4096xf32, #tpu.memory_space<hbm>> -> memref<8x4096xf32, #tpu.memory_space<hbm>>
    %dma_wait3A_1392 = arith.constant 0 : i32
    %dma_wait3A_1393 = arith.constant 0 : i32
    %dma_wait3A_1394 = tpu.memref_slice %arg6[%dma_wait3A_1383, %dma_wait3A_1392, %dma_wait3A_1393] : memref<3x8x4096xf32, #tpu.memory_space<vmem>> -> memref<1x8x4096xf32, #tpu.memory_space<vmem>>
    %dma_wait3A_1395 = tpu.memref_squeeze %dma_wait3A_1394 : memref<1x8x4096xf32, #tpu.memory_space<vmem>> -> memref<8x4096xf32, #tpu.memory_space<vmem>>
    tpu.wait_dma2 semaphore(%arg12 : memref<!tpu.dma_semaphore, #tpu.memory_space<semaphore_mem>>) src(%dma_wait3A_1395 : memref<8x4096xf32, #tpu.memory_space<vmem>>) dst(%dma_wait3A_1391 : memref<8x4096xf32, #tpu.memory_space<hbm>>)
    %dma_start3A_1396 = arith.constant 2 : i32
    %dma_start3A_1397 = arith.constant 0 : i32
    %dma_start3A_1398 = arith.constant 0 : i32
    %dma_start3A_1399 = tpu.memref_slice %arg6[%dma_start3A_1396, %dma_start3A_1397, %dma_start3A_1398] : memref<3x8x4096xf32, #tpu.memory_space<vmem>> -> memref<1x8x4096xf32, #tpu.memory_space<vmem>>
    %dma_start3A_1400 = tpu.memref_squeeze %dma_start3A_1399 : memref<1x8x4096xf32, #tpu.memory_space<vmem>> -> memref<8x4096xf32, #tpu.memory_space<vmem>>
    %dma_start3A_1401 = arith.constant 232 : i32
    %dma_start3A_1402 = tpu.memref_slice %arg5[%dma_start3A_1401] : memref<256xi32, #tpu.memory_space<vmem>> -> memref<8xi32, #tpu.memory_space<vmem>>
    %dma_start3A_1403 = arith.constant 0 : i32
    %dma_start3A_1404 = arith.constant 0 : i32
    %dma_start3A_1405 = tpu.memref_slice %arg2[%dma_start3A_1403, %dma_start3A_1404] : memref<8192x4096xf32, #tpu.memory_space<hbm>> -> memref<8192x4096xf32, #tpu.memory_space<hbm>>
    tpu.enqueue_indirect_dma source(%dma_start3A_1405 : memref<8192x4096xf32, #tpu.memory_space<hbm>>) target(%dma_start3A_1400 : memref<8x4096xf32, #tpu.memory_space<vmem>>) offsets(%dma_start3A_1402 : memref<8xi32, #tpu.memory_space<vmem>>) semaphore(%arg9 : memref<!tpu.dma_semaphore, #tpu.memory_space<semaphore_mem>>)
    %dma_wait3A_1406 = arith.constant 1 : i32
    %dma_wait3A_1407 = arith.constant 0 : i32
    %dma_wait3A_1408 = arith.constant 0 : i32
    %dma_wait3A_1409 = tpu.memref_slice %arg6[%dma_wait3A_1406, %dma_wait3A_1407, %dma_wait3A_1408] : memref<3x8x4096xf32, #tpu.memory_space<vmem>> -> memref<1x8x4096xf32, #tpu.memory_space<vmem>>
    %dma_wait3A_1410 = tpu.memref_squeeze %dma_wait3A_1409 : memref<1x8x4096xf32, #tpu.memory_space<vmem>> -> memref<8x4096xf32, #tpu.memory_space<vmem>>
    %dma_wait3A_1411 = arith.constant 224 : i32
    %dma_wait3A_1412 = tpu.memref_slice %arg5[%dma_wait3A_1411] : memref<256xi32, #tpu.memory_space<vmem>> -> memref<8xi32, #tpu.memory_space<vmem>>
    %dma_wait3A_1413 = arith.constant 0 : i32
    %dma_wait3A_1414 = arith.constant 0 : i32
    %dma_wait3A_1415 = tpu.memref_slice %arg2[%dma_wait3A_1413, %dma_wait3A_1414] : memref<8192x4096xf32, #tpu.memory_space<hbm>> -> memref<8192x4096xf32, #tpu.memory_space<hbm>>
    tpu.wait_indirect_dma semaphore(%arg8 : memref<!tpu.dma_semaphore, #tpu.memory_space<semaphore_mem>>) src(%dma_wait3A_1415 : memref<8192x4096xf32, #tpu.memory_space<hbm>>) dst(%dma_wait3A_1410 : memref<8x4096xf32, #tpu.memory_space<vmem>>)
    %add3A_1416 = arith.constant 224 : i32
    %add3A_1417 = arith.addi %mul3A_2, %add3A_1416 : i32
    %dma_start3A_1418 = arith.constant 1 : i32
    %dma_start3A_1419 = arith.constant 0 : i32
    %dma_start3A_1420 = arith.constant 0 : i32
    %dma_start3A_1421 = tpu.memref_slice %arg6[%dma_start3A_1418, %dma_start3A_1419, %dma_start3A_1420] : memref<3x8x4096xf32, #tpu.memory_space<vmem>> -> memref<1x8x4096xf32, #tpu.memory_space<vmem>>
    %dma_start3A_1422 = tpu.memref_squeeze %dma_start3A_1421 : memref<1x8x4096xf32, #tpu.memory_space<vmem>> -> memref<8x4096xf32, #tpu.memory_space<vmem>>
    %dma_start3A_1423 = arith.constant 0 : i32
    %dma_start3A_1424 = tpu.memref_slice %arg4[%add3A_1417, %dma_start3A_1423] : memref<8192x4096xf32, #tpu.memory_space<hbm>> -> memref<8x4096xf32, #tpu.memory_space<hbm>>
    %dma_start3A_1425 = arith.constant 0 : i32
    %dma_start3A_1426 = tpu.memref_slice %arg4[%add3A_1417, %dma_start3A_1425] : memref<8192x4096xf32, #tpu.memory_space<hbm>> -> memref<8x4096xf32, #tpu.memory_space<hbm>>
    %dma_start3A_1427 = arith.constant 0 : i32
    %dma_start3A_1428 = arith.constant 0 : i32
    %dma_start3A_1429 = tpu.memref_slice %arg6[%dma_start3A_1418, %dma_start3A_1427, %dma_start3A_1428] : memref<3x8x4096xf32, #tpu.memory_space<vmem>> -> memref<1x8x4096xf32, #tpu.memory_space<vmem>>
    %dma_start3A_1430 = tpu.memref_squeeze %dma_start3A_1429 : memref<1x8x4096xf32, #tpu.memory_space<vmem>> -> memref<8x4096xf32, #tpu.memory_space<vmem>>
    tpu.enqueue_dma source(%dma_start3A_1430 : memref<8x4096xf32, #tpu.memory_space<vmem>>) target(%dma_start3A_1426 : memref<8x4096xf32, #tpu.memory_space<hbm>>) target_semaphore(%arg11 : memref<!tpu.dma_semaphore, #tpu.memory_space<semaphore_mem>>)
    %add3A_1431 = arith.constant 216 : i32
    %add3A_1432 = arith.addi %mul3A_2, %add3A_1431 : i32
    %dma_wait3A_1433 = arith.constant 0 : i32
    %dma_wait3A_1434 = arith.constant 0 : i32
    %dma_wait3A_1435 = arith.constant 0 : i32
    %dma_wait3A_1436 = tpu.memref_slice %arg6[%dma_wait3A_1433, %dma_wait3A_1434, %dma_wait3A_1435] : memref<3x8x4096xf32, #tpu.memory_space<vmem>> -> memref<1x8x4096xf32, #tpu.memory_space<vmem>>
    %dma_wait3A_1437 = tpu.memref_squeeze %dma_wait3A_1436 : memref<1x8x4096xf32, #tpu.memory_space<vmem>> -> memref<8x4096xf32, #tpu.memory_space<vmem>>
    %dma_wait3A_1438 = arith.constant 0 : i32
    %dma_wait3A_1439 = tpu.memref_slice %arg4[%add3A_1432, %dma_wait3A_1438] : memref<8192x4096xf32, #tpu.memory_space<hbm>> -> memref<8x4096xf32, #tpu.memory_space<hbm>>
    %dma_wait3A_1440 = arith.constant 0 : i32
    %dma_wait3A_1441 = tpu.memref_slice %arg4[%add3A_1432, %dma_wait3A_1440] : memref<8192x4096xf32, #tpu.memory_space<hbm>> -> memref<8x4096xf32, #tpu.memory_space<hbm>>
    %dma_wait3A_1442 = arith.constant 0 : i32
    %dma_wait3A_1443 = arith.constant 0 : i32
    %dma_wait3A_1444 = tpu.memref_slice %arg6[%dma_wait3A_1433, %dma_wait3A_1442, %dma_wait3A_1443] : memref<3x8x4096xf32, #tpu.memory_space<vmem>> -> memref<1x8x4096xf32, #tpu.memory_space<vmem>>
    %dma_wait3A_1445 = tpu.memref_squeeze %dma_wait3A_1444 : memref<1x8x4096xf32, #tpu.memory_space<vmem>> -> memref<8x4096xf32, #tpu.memory_space<vmem>>
    tpu.wait_dma2 semaphore(%arg10 : memref<!tpu.dma_semaphore, #tpu.memory_space<semaphore_mem>>) src(%dma_wait3A_1445 : memref<8x4096xf32, #tpu.memory_space<vmem>>) dst(%dma_wait3A_1441 : memref<8x4096xf32, #tpu.memory_space<hbm>>)
    %dma_start3A_1446 = arith.constant 0 : i32
    %dma_start3A_1447 = arith.constant 0 : i32
    %dma_start3A_1448 = arith.constant 0 : i32
    %dma_start3A_1449 = tpu.memref_slice %arg6[%dma_start3A_1446, %dma_start3A_1447, %dma_start3A_1448] : memref<3x8x4096xf32, #tpu.memory_space<vmem>> -> memref<1x8x4096xf32, #tpu.memory_space<vmem>>
    %dma_start3A_1450 = tpu.memref_squeeze %dma_start3A_1449 : memref<1x8x4096xf32, #tpu.memory_space<vmem>> -> memref<8x4096xf32, #tpu.memory_space<vmem>>
    %dma_start3A_1451 = arith.constant 240 : i32
    %dma_start3A_1452 = tpu.memref_slice %arg5[%dma_start3A_1451] : memref<256xi32, #tpu.memory_space<vmem>> -> memref<8xi32, #tpu.memory_space<vmem>>
    %dma_start3A_1453 = arith.constant 0 : i32
    %dma_start3A_1454 = arith.constant 0 : i32
    %dma_start3A_1455 = tpu.memref_slice %arg2[%dma_start3A_1453, %dma_start3A_1454] : memref<8192x4096xf32, #tpu.memory_space<hbm>> -> memref<8192x4096xf32, #tpu.memory_space<hbm>>
    tpu.enqueue_indirect_dma source(%dma_start3A_1455 : memref<8192x4096xf32, #tpu.memory_space<hbm>>) target(%dma_start3A_1450 : memref<8x4096xf32, #tpu.memory_space<vmem>>) offsets(%dma_start3A_1452 : memref<8xi32, #tpu.memory_space<vmem>>) semaphore(%arg7 : memref<!tpu.dma_semaphore, #tpu.memory_space<semaphore_mem>>)
    %dma_wait3A_1456 = arith.constant 2 : i32
    %dma_wait3A_1457 = arith.constant 0 : i32
    %dma_wait3A_1458 = arith.constant 0 : i32
    %dma_wait3A_1459 = tpu.memref_slice %arg6[%dma_wait3A_1456, %dma_wait3A_1457, %dma_wait3A_1458] : memref<3x8x4096xf32, #tpu.memory_space<vmem>> -> memref<1x8x4096xf32, #tpu.memory_space<vmem>>
    %dma_wait3A_1460 = tpu.memref_squeeze %dma_wait3A_1459 : memref<1x8x4096xf32, #tpu.memory_space<vmem>> -> memref<8x4096xf32, #tpu.memory_space<vmem>>
    %dma_wait3A_1461 = arith.constant 232 : i32
    %dma_wait3A_1462 = tpu.memref_slice %arg5[%dma_wait3A_1461] : memref<256xi32, #tpu.memory_space<vmem>> -> memref<8xi32, #tpu.memory_space<vmem>>
    %dma_wait3A_1463 = arith.constant 0 : i32
    %dma_wait3A_1464 = arith.constant 0 : i32
    %dma_wait3A_1465 = tpu.memref_slice %arg2[%dma_wait3A_1463, %dma_wait3A_1464] : memref<8192x4096xf32, #tpu.memory_space<hbm>> -> memref<8192x4096xf32, #tpu.memory_space<hbm>>
    tpu.wait_indirect_dma semaphore(%arg9 : memref<!tpu.dma_semaphore, #tpu.memory_space<semaphore_mem>>) src(%dma_wait3A_1465 : memref<8192x4096xf32, #tpu.memory_space<hbm>>) dst(%dma_wait3A_1460 : memref<8x4096xf32, #tpu.memory_space<vmem>>)
    %add3A_1466 = arith.constant 232 : i32
    %add3A_1467 = arith.addi %mul3A_2, %add3A_1466 : i32
    %dma_start3A_1468 = arith.constant 2 : i32
    %dma_start3A_1469 = arith.constant 0 : i32
    %dma_start3A_1470 = arith.constant 0 : i32
    %dma_start3A_1471 = tpu.memref_slice %arg6[%dma_start3A_1468, %dma_start3A_1469, %dma_start3A_1470] : memref<3x8x4096xf32, #tpu.memory_space<vmem>> -> memref<1x8x4096xf32, #tpu.memory_space<vmem>>
    %dma_start3A_1472 = tpu.memref_squeeze %dma_start3A_1471 : memref<1x8x4096xf32, #tpu.memory_space<vmem>> -> memref<8x4096xf32, #tpu.memory_space<vmem>>
    %dma_start3A_1473 = arith.constant 0 : i32
    %dma_start3A_1474 = tpu.memref_slice %arg4[%add3A_1467, %dma_start3A_1473] : memref<8192x4096xf32, #tpu.memory_space<hbm>> -> memref<8x4096xf32, #tpu.memory_space<hbm>>
    %dma_start3A_1475 = arith.constant 0 : i32
    %dma_start3A_1476 = tpu.memref_slice %arg4[%add3A_1467, %dma_start3A_1475] : memref<8192x4096xf32, #tpu.memory_space<hbm>> -> memref<8x4096xf32, #tpu.memory_space<hbm>>
    %dma_start3A_1477 = arith.constant 0 : i32
    %dma_start3A_1478 = arith.constant 0 : i32
    %dma_start3A_1479 = tpu.memref_slice %arg6[%dma_start3A_1468, %dma_start3A_1477, %dma_start3A_1478] : memref<3x8x4096xf32, #tpu.memory_space<vmem>> -> memref<1x8x4096xf32, #tpu.memory_space<vmem>>
    %dma_start3A_1480 = tpu.memref_squeeze %dma_start3A_1479 : memref<1x8x4096xf32, #tpu.memory_space<vmem>> -> memref<8x4096xf32, #tpu.memory_space<vmem>>
    tpu.enqueue_dma source(%dma_start3A_1480 : memref<8x4096xf32, #tpu.memory_space<vmem>>) target(%dma_start3A_1476 : memref<8x4096xf32, #tpu.memory_space<hbm>>) target_semaphore(%arg12 : memref<!tpu.dma_semaphore, #tpu.memory_space<semaphore_mem>>)
    %add3A_1481 = arith.constant 224 : i32
    %add3A_1482 = arith.addi %mul3A_2, %add3A_1481 : i32
    %dma_wait3A_1483 = arith.constant 1 : i32
    %dma_wait3A_1484 = arith.constant 0 : i32
    %dma_wait3A_1485 = arith.constant 0 : i32
    %dma_wait3A_1486 = tpu.memref_slice %arg6[%dma_wait3A_1483, %dma_wait3A_1484, %dma_wait3A_1485] : memref<3x8x4096xf32, #tpu.memory_space<vmem>> -> memref<1x8x4096xf32, #tpu.memory_space<vmem>>
    %dma_wait3A_1487 = tpu.memref_squeeze %dma_wait3A_1486 : memref<1x8x4096xf32, #tpu.memory_space<vmem>> -> memref<8x4096xf32, #tpu.memory_space<vmem>>
    %dma_wait3A_1488 = arith.constant 0 : i32
    %dma_wait3A_1489 = tpu.memref_slice %arg4[%add3A_1482, %dma_wait3A_1488] : memref<8192x4096xf32, #tpu.memory_space<hbm>> -> memref<8x4096xf32, #tpu.memory_space<hbm>>
    %dma_wait3A_1490 = arith.constant 0 : i32
    %dma_wait3A_1491 = tpu.memref_slice %arg4[%add3A_1482, %dma_wait3A_1490] : memref<8192x4096xf32, #tpu.memory_space<hbm>> -> memref<8x4096xf32, #tpu.memory_space<hbm>>
    %dma_wait3A_1492 = arith.constant 0 : i32
    %dma_wait3A_1493 = arith.constant 0 : i32
    %dma_wait3A_1494 = tpu.memref_slice %arg6[%dma_wait3A_1483, %dma_wait3A_1492, %dma_wait3A_1493] : memref<3x8x4096xf32, #tpu.memory_space<vmem>> -> memref<1x8x4096xf32, #tpu.memory_space<vmem>>
    %dma_wait3A_1495 = tpu.memref_squeeze %dma_wait3A_1494 : memref<1x8x4096xf32, #tpu.memory_space<vmem>> -> memref<8x4096xf32, #tpu.memory_space<vmem>>
    tpu.wait_dma2 semaphore(%arg11 : memref<!tpu.dma_semaphore, #tpu.memory_space<semaphore_mem>>) src(%dma_wait3A_1495 : memref<8x4096xf32, #tpu.memory_space<vmem>>) dst(%dma_wait3A_1491 : memref<8x4096xf32, #tpu.memory_space<hbm>>)
    %dma_start3A_1496 = arith.constant 1 : i32
    %dma_start3A_1497 = arith.constant 0 : i32
    %dma_start3A_1498 = arith.constant 0 : i32
    %dma_start3A_1499 = tpu.memref_slice %arg6[%dma_start3A_1496, %dma_start3A_1497, %dma_start3A_1498] : memref<3x8x4096xf32, #tpu.memory_space<vmem>> -> memref<1x8x4096xf32, #tpu.memory_space<vmem>>
    %dma_start3A_1500 = tpu.memref_squeeze %dma_start3A_1499 : memref<1x8x4096xf32, #tpu.memory_space<vmem>> -> memref<8x4096xf32, #tpu.memory_space<vmem>>
    %dma_start3A_1501 = arith.constant 248 : i32
    %dma_start3A_1502 = tpu.memref_slice %arg5[%dma_start3A_1501] : memref<256xi32, #tpu.memory_space<vmem>> -> memref<8xi32, #tpu.memory_space<vmem>>
    %dma_start3A_1503 = arith.constant 0 : i32
    %dma_start3A_1504 = arith.constant 0 : i32
    %dma_start3A_1505 = tpu.memref_slice %arg2[%dma_start3A_1503, %dma_start3A_1504] : memref<8192x4096xf32, #tpu.memory_space<hbm>> -> memref<8192x4096xf32, #tpu.memory_space<hbm>>
    tpu.enqueue_indirect_dma source(%dma_start3A_1505 : memref<8192x4096xf32, #tpu.memory_space<hbm>>) target(%dma_start3A_1500 : memref<8x4096xf32, #tpu.memory_space<vmem>>) offsets(%dma_start3A_1502 : memref<8xi32, #tpu.memory_space<vmem>>) semaphore(%arg8 : memref<!tpu.dma_semaphore, #tpu.memory_space<semaphore_mem>>)
    %dma_wait3A_1506 = arith.constant 0 : i32
    %dma_wait3A_1507 = arith.constant 0 : i32
    %dma_wait3A_1508 = arith.constant 0 : i32
    %dma_wait3A_1509 = tpu.memref_slice %arg6[%dma_wait3A_1506, %dma_wait3A_1507, %dma_wait3A_1508] : memref<3x8x4096xf32, #tpu.memory_space<vmem>> -> memref<1x8x4096xf32, #tpu.memory_space<vmem>>
    %dma_wait3A_1510 = tpu.memref_squeeze %dma_wait3A_1509 : memref<1x8x4096xf32, #tpu.memory_space<vmem>> -> memref<8x4096xf32, #tpu.memory_space<vmem>>
    %dma_wait3A_1511 = arith.constant 240 : i32
    %dma_wait3A_1512 = tpu.memref_slice %arg5[%dma_wait3A_1511] : memref<256xi32, #tpu.memory_space<vmem>> -> memref<8xi32, #tpu.memory_space<vmem>>
    %dma_wait3A_1513 = arith.constant 0 : i32
    %dma_wait3A_1514 = arith.constant 0 : i32
    %dma_wait3A_1515 = tpu.memref_slice %arg2[%dma_wait3A_1513, %dma_wait3A_1514] : memref<8192x4096xf32, #tpu.memory_space<hbm>> -> memref<8192x4096xf32, #tpu.memory_space<hbm>>
    tpu.wait_indirect_dma semaphore(%arg7 : memref<!tpu.dma_semaphore, #tpu.memory_space<semaphore_mem>>) src(%dma_wait3A_1515 : memref<8192x4096xf32, #tpu.memory_space<hbm>>) dst(%dma_wait3A_1510 : memref<8x4096xf32, #tpu.memory_space<vmem>>)
    %add3A_1516 = arith.constant 240 : i32
    %add3A_1517 = arith.addi %mul3A_2, %add3A_1516 : i32
    %dma_start3A_1518 = arith.constant 0 : i32
    %dma_start3A_1519 = arith.constant 0 : i32
    %dma_start3A_1520 = arith.constant 0 : i32
    %dma_start3A_1521 = tpu.memref_slice %arg6[%dma_start3A_1518, %dma_start3A_1519, %dma_start3A_1520] : memref<3x8x4096xf32, #tpu.memory_space<vmem>> -> memref<1x8x4096xf32, #tpu.memory_space<vmem>>
    %dma_start3A_1522 = tpu.memref_squeeze %dma_start3A_1521 : memref<1x8x4096xf32, #tpu.memory_space<vmem>> -> memref<8x4096xf32, #tpu.memory_space<vmem>>
    %dma_start3A_1523 = arith.constant 0 : i32
    %dma_start3A_1524 = tpu.memref_slice %arg4[%add3A_1517, %dma_start3A_1523] : memref<8192x4096xf32, #tpu.memory_space<hbm>> -> memref<8x4096xf32, #tpu.memory_space<hbm>>
    %dma_start3A_1525 = arith.constant 0 : i32
    %dma_start3A_1526 = tpu.memref_slice %arg4[%add3A_1517, %dma_start3A_1525] : memref<8192x4096xf32, #tpu.memory_space<hbm>> -> memref<8x4096xf32, #tpu.memory_space<hbm>>
    %dma_start3A_1527 = arith.constant 0 : i32
    %dma_start3A_1528 = arith.constant 0 : i32
    %dma_start3A_1529 = tpu.memref_slice %arg6[%dma_start3A_1518, %dma_start3A_1527, %dma_start3A_1528] : memref<3x8x4096xf32, #tpu.memory_space<vmem>> -> memref<1x8x4096xf32, #tpu.memory_space<vmem>>
    %dma_start3A_1530 = tpu.memref_squeeze %dma_start3A_1529 : memref<1x8x4096xf32, #tpu.memory_space<vmem>> -> memref<8x4096xf32, #tpu.memory_space<vmem>>
    tpu.enqueue_dma source(%dma_start3A_1530 : memref<8x4096xf32, #tpu.memory_space<vmem>>) target(%dma_start3A_1526 : memref<8x4096xf32, #tpu.memory_space<hbm>>) target_semaphore(%arg10 : memref<!tpu.dma_semaphore, #tpu.memory_space<semaphore_mem>>)
    %dma_wait3A_1531 = arith.constant 1 : i32
    %dma_wait3A_1532 = arith.constant 0 : i32
    %dma_wait3A_1533 = arith.constant 0 : i32
    %dma_wait3A_1534 = tpu.memref_slice %arg6[%dma_wait3A_1531, %dma_wait3A_1532, %dma_wait3A_1533] : memref<3x8x4096xf32, #tpu.memory_space<vmem>> -> memref<1x8x4096xf32, #tpu.memory_space<vmem>>
    %dma_wait3A_1535 = tpu.memref_squeeze %dma_wait3A_1534 : memref<1x8x4096xf32, #tpu.memory_space<vmem>> -> memref<8x4096xf32, #tpu.memory_space<vmem>>
    %dma_wait3A_1536 = arith.constant 248 : i32
    %dma_wait3A_1537 = tpu.memref_slice %arg5[%dma_wait3A_1536] : memref<256xi32, #tpu.memory_space<vmem>> -> memref<8xi32, #tpu.memory_space<vmem>>
    %dma_wait3A_1538 = arith.constant 0 : i32
    %dma_wait3A_1539 = arith.constant 0 : i32
    %dma_wait3A_1540 = tpu.memref_slice %arg2[%dma_wait3A_1538, %dma_wait3A_1539] : memref<8192x4096xf32, #tpu.memory_space<hbm>> -> memref<8192x4096xf32, #tpu.memory_space<hbm>>
    tpu.wait_indirect_dma semaphore(%arg8 : memref<!tpu.dma_semaphore, #tpu.memory_space<semaphore_mem>>) src(%dma_wait3A_1540 : memref<8192x4096xf32, #tpu.memory_space<hbm>>) dst(%dma_wait3A_1535 : memref<8x4096xf32, #tpu.memory_space<vmem>>)
    %add3A_1541 = arith.constant 248 : i32
    %add3A_1542 = arith.addi %mul3A_2, %add3A_1541 : i32
    %dma_start3A_1543 = arith.constant 1 : i32
    %dma_start3A_1544 = arith.constant 0 : i32
    %dma_start3A_1545 = arith.constant 0 : i32
    %dma_start3A_1546 = tpu.memref_slice %arg6[%dma_start3A_1543, %dma_start3A_1544, %dma_start3A_1545] : memref<3x8x4096xf32, #tpu.memory_space<vmem>> -> memref<1x8x4096xf32, #tpu.memory_space<vmem>>
    %dma_start3A_1547 = tpu.memref_squeeze %dma_start3A_1546 : memref<1x8x4096xf32, #tpu.memory_space<vmem>> -> memref<8x4096xf32, #tpu.memory_space<vmem>>
    %dma_start3A_1548 = arith.constant 0 : i32
    %dma_start3A_1549 = tpu.memref_slice %arg4[%add3A_1542, %dma_start3A_1548] : memref<8192x4096xf32, #tpu.memory_space<hbm>> -> memref<8x4096xf32, #tpu.memory_space<hbm>>
    %dma_start3A_1550 = arith.constant 0 : i32
    %dma_start3A_1551 = tpu.memref_slice %arg4[%add3A_1542, %dma_start3A_1550] : memref<8192x4096xf32, #tpu.memory_space<hbm>> -> memref<8x4096xf32, #tpu.memory_space<hbm>>
    %dma_start3A_1552 = arith.constant 0 : i32
    %dma_start3A_1553 = arith.constant 0 : i32
    %dma_start3A_1554 = tpu.memref_slice %arg6[%dma_start3A_1543, %dma_start3A_1552, %dma_start3A_1553] : memref<3x8x4096xf32, #tpu.memory_space<vmem>> -> memref<1x8x4096xf32, #tpu.memory_space<vmem>>
    %dma_start3A_1555 = tpu.memref_squeeze %dma_start3A_1554 : memref<1x8x4096xf32, #tpu.memory_space<vmem>> -> memref<8x4096xf32, #tpu.memory_space<vmem>>
    tpu.enqueue_dma source(%dma_start3A_1555 : memref<8x4096xf32, #tpu.memory_space<vmem>>) target(%dma_start3A_1551 : memref<8x4096xf32, #tpu.memory_space<hbm>>) target_semaphore(%arg11 : memref<!tpu.dma_semaphore, #tpu.memory_space<semaphore_mem>>)
    %add3A_1556 = arith.constant 232 : i32
    %add3A_1557 = arith.addi %mul3A_2, %add3A_1556 : i32
    %dma_wait3A_1558 = arith.constant 2 : i32
    %dma_wait3A_1559 = arith.constant 0 : i32
    %dma_wait3A_1560 = arith.constant 0 : i32
    %dma_wait3A_1561 = tpu.memref_slice %arg6[%dma_wait3A_1558, %dma_wait3A_1559, %dma_wait3A_1560] : memref<3x8x4096xf32, #tpu.memory_space<vmem>> -> memref<1x8x4096xf32, #tpu.memory_space<vmem>>
    %dma_wait3A_1562 = tpu.memref_squeeze %dma_wait3A_1561 : memref<1x8x4096xf32, #tpu.memory_space<vmem>> -> memref<8x4096xf32, #tpu.memory_space<vmem>>
    %dma_wait3A_1563 = arith.constant 0 : i32
    %dma_wait3A_1564 = tpu.memref_slice %arg4[%add3A_1557, %dma_wait3A_1563] : memref<8192x4096xf32, #tpu.memory_space<hbm>> -> memref<8x4096xf32, #tpu.memory_space<hbm>>
    %dma_wait3A_1565 = arith.constant 0 : i32
    %dma_wait3A_1566 = tpu.memref_slice %arg4[%add3A_1557, %dma_wait3A_1565] : memref<8192x4096xf32, #tpu.memory_space<hbm>> -> memref<8x4096xf32, #tpu.memory_space<hbm>>
    %dma_wait3A_1567 = arith.constant 0 : i32
    %dma_wait3A_1568 = arith.constant 0 : i32
    %dma_wait3A_1569 = tpu.memref_slice %arg6[%dma_wait3A_1558, %dma_wait3A_1567, %dma_wait3A_1568] : memref<3x8x4096xf32, #tpu.memory_space<vmem>> -> memref<1x8x4096xf32, #tpu.memory_space<vmem>>
    %dma_wait3A_1570 = tpu.memref_squeeze %dma_wait3A_1569 : memref<1x8x4096xf32, #tpu.memory_space<vmem>> -> memref<8x4096xf32, #tpu.memory_space<vmem>>
    tpu.wait_dma2 semaphore(%arg12 : memref<!tpu.dma_semaphore, #tpu.memory_space<semaphore_mem>>) src(%dma_wait3A_1570 : memref<8x4096xf32, #tpu.memory_space<vmem>>) dst(%dma_wait3A_1566 : memref<8x4096xf32, #tpu.memory_space<hbm>>)
    %add3A_1571 = arith.constant 240 : i32
    %add3A_1572 = arith.addi %mul3A_2, %add3A_1571 : i32
    %dma_wait3A_1573 = arith.constant 0 : i32
    %dma_wait3A_1574 = arith.constant 0 : i32
    %dma_wait3A_1575 = arith.constant 0 : i32
    %dma_wait3A_1576 = tpu.memref_slice %arg6[%dma_wait3A_1573, %dma_wait3A_1574, %dma_wait3A_1575] : memref<3x8x4096xf32, #tpu.memory_space<vmem>> -> memref<1x8x4096xf32, #tpu.memory_space<vmem>>
    %dma_wait3A_1577 = tpu.memref_squeeze %dma_wait3A_1576 : memref<1x8x4096xf32, #tpu.memory_space<vmem>> -> memref<8x4096xf32, #tpu.memory_space<vmem>>
    %dma_wait3A_1578 = arith.constant 0 : i32
    %dma_wait3A_1579 = tpu.memref_slice %arg4[%add3A_1572, %dma_wait3A_1578] : memref<8192x4096xf32, #tpu.memory_space<hbm>> -> memref<8x4096xf32, #tpu.memory_space<hbm>>
    %dma_wait3A_1580 = arith.constant 0 : i32
    %dma_wait3A_1581 = tpu.memref_slice %arg4[%add3A_1572, %dma_wait3A_1580] : memref<8192x4096xf32, #tpu.memory_space<hbm>> -> memref<8x4096xf32, #tpu.memory_space<hbm>>
    %dma_wait3A_1582 = arith.constant 0 : i32
    %dma_wait3A_1583 = arith.constant 0 : i32
    %dma_wait3A_1584 = tpu.memref_slice %arg6[%dma_wait3A_1573, %dma_wait3A_1582, %dma_wait3A_1583] : memref<3x8x4096xf32, #tpu.memory_space<vmem>> -> memref<1x8x4096xf32, #tpu.memory_space<vmem>>
    %dma_wait3A_1585 = tpu.memref_squeeze %dma_wait3A_1584 : memref<1x8x4096xf32, #tpu.memory_space<vmem>> -> memref<8x4096xf32, #tpu.memory_space<vmem>>
    tpu.wait_dma2 semaphore(%arg10 : memref<!tpu.dma_semaphore, #tpu.memory_space<semaphore_mem>>) src(%dma_wait3A_1585 : memref<8x4096xf32, #tpu.memory_space<vmem>>) dst(%dma_wait3A_1581 : memref<8x4096xf32, #tpu.memory_space<hbm>>)
    %add3A_1586 = arith.constant 248 : i32
    %add3A_1587 = arith.addi %mul3A_2, %add3A_1586 : i32
    %dma_wait3A_1588 = arith.constant 1 : i32
    %dma_wait3A_1589 = arith.constant 0 : i32
    %dma_wait3A_1590 = arith.constant 0 : i32
    %dma_wait3A_1591 = tpu.memref_slice %arg6[%dma_wait3A_1588, %dma_wait3A_1589, %dma_wait3A_1590] : memref<3x8x4096xf32, #tpu.memory_space<vmem>> -> memref<1x8x4096xf32, #tpu.memory_space<vmem>>
    %dma_wait3A_1592 = tpu.memref_squeeze %dma_wait3A_1591 : memref<1x8x4096xf32, #tpu.memory_space<vmem>> -> memref<8x4096xf32, #tpu.memory_space<vmem>>
    %dma_wait3A_1593 = arith.constant 0 : i32
    %dma_wait3A_1594 = tpu.memref_slice %arg4[%add3A_1587, %dma_wait3A_1593] : memref<8192x4096xf32, #tpu.memory_space<hbm>> -> memref<8x4096xf32, #tpu.memory_space<hbm>>
    %dma_wait3A_1595 = arith.constant 0 : i32
    %dma_wait3A_1596 = tpu.memref_slice %arg4[%add3A_1587, %dma_wait3A_1595] : memref<8192x4096xf32, #tpu.memory_space<hbm>> -> memref<8x4096xf32, #tpu.memory_space<hbm>>
    %dma_wait3A_1597 = arith.constant 0 : i32
    %dma_wait3A_1598 = arith.constant 0 : i32
    %dma_wait3A_1599 = tpu.memref_slice %arg6[%dma_wait3A_1588, %dma_wait3A_1597, %dma_wait3A_1598] : memref<3x8x4096xf32, #tpu.memory_space<vmem>> -> memref<1x8x4096xf32, #tpu.memory_space<vmem>>
    %dma_wait3A_1600 = tpu.memref_squeeze %dma_wait3A_1599 : memref<1x8x4096xf32, #tpu.memory_space<vmem>> -> memref<8x4096xf32, #tpu.memory_space<vmem>>
    tpu.wait_dma2 semaphore(%arg11 : memref<!tpu.dma_semaphore, #tpu.memory_space<semaphore_mem>>) src(%dma_wait3A_1600 : memref<8x4096xf32, #tpu.memory_space<vmem>>) dst(%dma_wait3A_1596 : memref<8x4096xf32, #tpu.memory_space<hbm>>)
    return
  }
}

</mosaic_0001>

<sc_bundles>
// kernel: kernel.3.cloned.1.call-start
scs
__scs_entry_jumppad:
0x0: {  	(pc) =	sbr.rel $0x88, $3  }
0x1: {  	(tag) =	ssettag $0x0;
	lr =	simm.s32 $0x1  }
0x2: {  	[smem:$0x3F9F] =	sst lr;
	_ =	strace $0xD0000000  }
0x3: {  	_ = 	snop  }
0x4: {  	_ = 	snop  }
0x5: {  	_ = 	snop  }
0x6: {  	_ = 	snop  }
0x7: {  	_ = 	snop  }
__scs_overlays_trampoline_lowered:
0x8: {  	[smem:$0x3FAE] =	sst s0  }
0x9: {  	[smem:$0x3FAF] =	sst s1  }
0xa: {  	[smem:$0x3FB0] =	sst s2  }
0xb: {  	[smem:$0x3FB1] =	sst s3  }
0xc: {  	[smem:$0x3FB2] =	sst s4  }
0xd: {  	[smem:$0x3FB3] =	sst s5  }
0xe: {  	[smem:$0x3FB4] =	sst s6  }
0xf: {  	[smem:$0x3FB5] =	sst s7  }
0x10: {  	[smem:$0x3FB6] =	sst s8  }
0x11: {  	[smem:$0x3FB7] =	sst s9;
	s0 =	simm.s32 @!p0 $0x0  }
0x12: {  	s1 =	sld [smem:$0x3F9D];
	s0 =	simm.s32 @p0 $0x1  }
0x13: {  	[smem:$0x3FB8] =	sst s0;
	s0 =	simm.s32 @!p1 $0x0  }
0x14: {  	s2 =	sld [smem:$0x3F9C];
	s0 =	simm.s32 @p1 $0x1  }
0x15: {  	[smem:$0x3FB9] =	sst s0;
	s0 =	simm.s32 @!p2 $0x0  }
0x16: {  	s3 =	sld [smem:$0x3FDB];
	s0 =	simm.s32 @p2 $0x1  }
0x17: {  	s4 =	simm.s32 $0x1BF5;
	[smem:$0x3FBB] =	sst s0  }
0x18: {  	s0 =	sld [smem:$0x3F9E];
	_ =	swait.ge [sflag:s4], $0x0  }
0x19: {  	s7 =	sld [smem:$0x3F9F]  }
0x1a: {  	s8 =	sadd.s32 $0xFFFFE003, lr  }
0x1b: {  	s9 =	sadd.s32 $0xFFFFFEF7, lr;
	s5 =	simm.s32 $0xFFFFFFFF;
	p2 =	slt.u32 s8, $0xFFFFF086  }
0x1c: {  	p1 =	slt.u32 s9, $0xF7A;
	s5 =	simm.s32 @!p2 $0x0  }
0x1d: {  	s5 =	simm.s32 @p1 $0x1;
	p0 =	seq.s32 s7, s2  }
0x1e: {  	s7 =	smul.u32 @!p0 $0xF7A, s2;
	p2 =	seq.s32 @!p0 s5, $0x0  }
0x1f: {  	s9 =	smul.u32 $0xF7A, s1;
	s8 =	simm.s32 @!p0 $0x1BF5;
	p2 =	por !p2, p0  }
0x20: {  	[sflag:s8] =	ssyncset.s32 @!p0 $0xFFFFF086;
	s6 =	sadd.s32 @!p0 s3, s7;
	s7 =	simm.s32 @!p0 $0x108  }
0x21: {  	s3 =	sadd.s32 s3, s9;
	s6 =	sadd.s32 @!p0 $0x88, s6;
	s7 =	simm.s32 @p2 $0x1082  }
0x22: {  	[simem:s7], [sflag:s8] =	dma.local @!p0 [hbm:s6], $0xF7A  }
0x23: {  	s9 =	sor.u32 $0xD0000000, s2;
	s6 =	simm.s32 $0x108;
	_ =	swait.ge @!p0 [sflag:s8], $0x0  }
0x24: {  	s3 =	sadd.s32 $0x88, s3;
	s6 =	simm.s32 @!p1 $0x1082;
	[sflag:s4] =	ssyncset.s32 $0xFFFFF086  }
0x25: {  	[simem:s6], [sflag:s4] =	dma.local [hbm:s3], $0xF7A  }
0x26: {  	[smem:$0x3F9F] =	sst s1;
	(tag) =	ssettag s2;
	_ =	strace s9  }
0x27: {  	s1 =	sld [smem:$0x3FAF]  }
0x28: {  	s2 =	sld [smem:$0x3FB0]  }
0x29: {  	s4 =	sld [smem:$0x3FB2]  }
0x2a: {  	p0 =	seq.s32 s5, $0x0;
	s5 =	sld [smem:$0x3FB3]  }
0x2b: {  	s6 =	sld [smem:$0x3FB4]  }
0x2c: {  	s7 =	sld [smem:$0x3FB5]  }
0x2d: {  	s3 =	simm.s32 $0x108;
	s8 =	sld [smem:$0x3FB6]  }
0x2e: {  	s3 =	simm.s32 @!p0 $0x1082;
	s9 =	sld [smem:$0x3FB7]  }
0x2f: {  	lr =	sadd.s32 s0, s3;
	s0 =	sld [smem:$0x3FAE]  }
0x30: {  	s3 =	sld [smem:$0x3FB1]  }
0x31: {  	[smem:$0x3FBA] =	sst s10  }
0x32: {  	s10 =	sld [smem:$0x3FB8];
	_ =	sdelay $0x3  }
0x33: {  	p0 =	seq.s32 s10, $0x1;
	s10 =	sld [smem:$0x3FBA];
	_ =	sdelay $0x3  }
0x34: {  	[smem:$0x3FBA] =	sst s10  }
0x35: {  	s10 =	sld [smem:$0x3FB9];
	_ =	sdelay $0x3  }
0x36: {  	p1 =	seq.s32 s10, $0x1;
	s10 =	sld [smem:$0x3FBA];
	_ =	sdelay $0x3  }
0x37: {  	[smem:$0x3FBA] =	sst s10  }
0x38: {  	s10 =	sld [smem:$0x3FBB]  }
0x39: {  	_ = 	snop;
	(pc) =	sbr.ind lr, $3  }
0x3a: {  	_ = 	snop  }
0x3b: {  	_ = 	snop  }
0x3c: {  	p2 =	seq.s32 s10, $0x1;
	s10 =	sld [smem:$0x3FBA]  }
0x3d: {  	_ =	shalt  }
0x3e: {  	_ =	shalt  }
0x3f: {  	_ =	shalt  }
0x40: {  	_ =	shalt  }
0x41: {  	_ =	shalt  }
0x42: {  	_ =	shalt  }
0x43: {  	_ =	shalt  }
0x44: {  	_ =	shalt  }
0x45: {  	_ =	shalt  }
0x46: {  	_ =	shalt  }
0x47: {  	_ =	shalt  }
0x48: {  	_ =	shalt  }
0x49: {  	_ =	shalt  }
0x4a: {  	_ =	shalt  }
0x4b: {  	_ =	shalt  }
0x4c: {  	_ =	shalt  }
0x4d: {  	_ =	shalt  }
0x4e: {  	_ =	shalt  }
0x4f: {  	_ =	shalt  }
0x50: {  	_ =	shalt  }
0x51: {  	_ =	shalt  }
0x52: {  	_ =	shalt  }
0x53: {  	_ =	shalt  }
0x54: {  	_ =	shalt  }
0x55: {  	_ =	shalt  }
0x56: {  	_ =	shalt  }
0x57: {  	_ =	shalt  }
0x58: {  	_ =	shalt  }
0x59: {  	_ =	shalt  }
0x5a: {  	_ =	shalt  }
0x5b: {  	_ =	shalt  }
0x5c: {  	_ =	shalt  }
0x5d: {  	_ =	shalt  }
0x5e: {  	_ =	shalt  }
0x5f: {  	_ =	shalt  }
0x60: {  	_ =	shalt  }
0x61: {  	_ =	shalt  }
0x62: {  	_ =	shalt  }
0x63: {  	_ =	shalt  }
0x64: {  	_ =	shalt  }
0x65: {  	_ =	shalt  }
0x66: {  	_ =	shalt  }
0x67: {  	_ =	shalt  }
0x68: {  	_ =	shalt  }
0x69: {  	_ =	shalt  }
0x6a: {  	_ =	shalt  }
0x6b: {  	_ =	shalt  }
0x6c: {  	_ =	shalt  }
0x6d: {  	_ =	shalt  }
0x6e: {  	_ =	shalt  }
0x6f: {  	_ =	shalt  }
0x70: {  	_ =	shalt  }
0x71: {  	_ =	shalt  }
0x72: {  	_ =	shalt  }
0x73: {  	_ =	shalt  }
0x74: {  	_ =	shalt  }
0x75: {  	_ =	shalt  }
0x76: {  	_ =	shalt  }
0x77: {  	_ =	shalt  }
0x78: {  	_ =	shalt  }
0x79: {  	_ =	shalt  }
0x7a: {  	_ =	shalt  }
0x7b: {  	_ =	shalt  }
0x7c: {  	_ =	shalt  }
0x7d: {  	_ =	shalt  }
0x7e: {  	_ =	shalt  }
0x7f: {  	_ =	shalt  }
0x80: {  	_ =	shalt  }
0x81: {  	_ =	shalt  }
0x82: {  	_ =	shalt  }
0x83: {  	_ =	shalt  }
0x84: {  	_ =	shalt  }
0x85: {  	_ =	shalt  }
0x86: {  	_ =	shalt  }
0x87: {  	_ =	shalt  }
.Lfunc_end0:
.L_simem_size_0:
called_computation_lowered:
.L_overlay_start_0:
0x88: {  	s2 =	sld [smem:$0x3FD9]  }
0x89: {  	s3 =	sld [smem:$0x3FFE];
	_ =	sdelay $0x1  }
0x8a: {  	s1 =	srdreg.scid  }
0x8b: {  	s0 =	sand.u32 $0x1, s1  }
0x8c: {  	s18 =	sshll.u32 s0, $0xA;
	s2 =	sadd.s32 s3, s2  }
0x8d: {  	s2 =	sadd.s32 s2, s18  }
0x8e: {  	[smem:$0x3FC6] =	sst s2  }
0x8f: {  	_ = 	snop  }
0x90: {  	s2 =	sld [smem:$0x3FC9]  }
0x91: {  	s19 =	sld [smem:$0x3FC8]  }
0x92: {  	s4 =	sld [smem:$0x3FD0];
	(tm) =	ssettm $0x1  }
0x93: {  	s5 =	sld [smem:$0x3FFB];
	_ =	sdelay $0x3  }
0x94: {  	_ =	strace s5  }
0x95: {  	s5 =	sld [smem:$0x3FFC];
	_ =	sdelay $0x3  }
0x96: {  	_ =	strace s5  }
0x97: {  	s5 =	sld [smem:$0x3FFD];
	_ =	sdelay $0x3  }
0x98: {  	_ =	strace s5  }
0x99: {  	_ =	strace $0x8FFFFFFF  }
0x9a: {  	s20 =	sld [smem:$0x3FDB];
	_ =	sdelay $0x1  }
0x9b: {  	s6 =	simm.s32 $_scs_section_size  }
0x9c: {  	s7 =	simm.s32 $_size__tile_overlayer_lowered;
	s8 =	simm.s32 $_tile_overlayer_lowered  }
0x9d: {  	s23 =	simm.s32 $0x1BFF;
	s22 =	sshll.u32 s8, $0x1;
	s5 =	sadd.s32 s6, s20  }
0x9e: {  	s9 =	simm.s32 $0x0;
	s21 =	sshll.u32 s7, $0x1;
	s7 =	sadd.s32 s22, s5  }
0x9f: {  	[timem:s9], [sflag:s23] =	dma.local [hbm:s7], s21  }
0xa0: {  	_ =	swait.ge [sflag:s23], s21  }
0xa1: {  	s6 =	ssub.s32 $0x0, s21;
	[sflag:s23] =	ssyncset.done $0x0  }
0xa2: {  	[sflag:s23] =	ssyncadd.s32 s6;
	_ =	sdelay $0x1  }
0xa3: {  	s24 =	simm.s32 $0x1B8B  }
0xa4: {  	_ =	swait.ge [sflag:s24], $0x1  }
0xa5: {  	[sflag:s24] =	ssyncset.done $0x0  }
0xa6: {  	s25 =	simm.s32 $0x1B8E;
	[sflag:s24] =	ssyncadd.s32 $0xFFFFFFFF  }
0xa7: {  	s26 =	simm.s32 $execute0_lowered;
	[smem:$0x3FD2] =	sst s25  }
0xa8: {  	s6 =	sshll.u32 s26, $0x1;
	_ =	strace $0x80000046;
	[dreg:$0x1] =	wrdreg $0xFFFFFFFF  }
0xa9: {  	s28 =	simm.s32 $_size_execute0_lowered;
	s5 =	sadd.s32 s5, s6;
	[dreg:$0x0] =	wrdreg $0x0  }
0xaa: {  	s6 =	sshll.u32 s28, $0x1;
	[dreg:$0x2] =	wrdreg s5  }
0xab: {  	[dreg:$0x3] =	wrdreg s6  }
0xac: {  	[dreg:$0x4] =	wrdreg $0xC0  }
0xad: {  	_ =	task [dreg:s9], $0x5FFFF  }
0xae: {  	[dreg:$0x1] =	wrdreg $0xFFFFFFFF  }
0xaf: {  	[dreg:$0x0] =	wrdreg $0x60  }
0xb0: {  	[dreg:$0x2] =	wrdreg s19  }
0xb1: {  	[dreg:$0x3] =	wrdreg s2  }
0xb2: {  	[dreg:$0x4] =	wrdreg s4  }
0xb3: {  	[dreg:$0x5] =	wrdreg $0x9  }
0xb4: {  	_ =	task.clear_ibuf [dreg:s9], $0x6FFFF;
	_ =	strace $0x90000046  }
0xb5: {  	s29 =	simm.s32 $0x9;
	_ =	strace $0x80000048  }
0xb6: {  	_ =	swait.ge [sflag:s29], $0x1  }
0xb7: {  	[sflag:s29] =	ssyncadd.s32 $0xFFFFFFFF  }
0xb8: {  	_ =	strace $0x90000048  }
0xb9: {  	_ =	sfence  }
0xba: {  	s30 =	sld [smem:$0x0];
	_ =	sdelay $0x2  }
0xbb: {  	s31 =	sshll.u32 s1, $0xD;
	s1 =	sshrl.u32 s1, $0x2  }
0xbc: {  	s3 =	sand.u32 $0x4000, s31;
	s1 =	sadd.s32 s1, s30  }
0xbd: {  	s0 =	sor.u32 s3, s0;
	s1 =	sshll.u32 s1, $0x11  }
0xbe: {  	s0 =	sor.u32 s1, s0  }
0xbf: {  	s0 =	sadd.s32 $0x8F2B, s0  }
0xc0: {  	[sflag:s0] =	ssyncadd.remote.s32 $0x1  }
0xc1: {  	_ =	sfence.sel $0xFFFF  }
0xc2: {  	[dreg:$0x0] =	wrdreg $0xFFFFFFFF;
	(pc) =	sbr.abs _section_cstart, $3  }
0xc3: {  	[dreg:$0x1] =	wrdreg $0xFFFFFFFF  }
0xc4: {  	_ =	task.clear_ibuf [dreg:s9], $0x2FFFF;
	_ =	strace $0x9FFFFFFF  }
0xc5: {  	(tm) =	ssettm $0x7FFFFFFF  }
tec
execute0_lowered:
.L_overlay_start_1:
0x0: {  	(tag) =	ssettag $0x1  }
0x1: {  	s0 =	srdreg.scid  }
0x2: {  	s3 =	stileid.u32;
	s0 =	sand.u32 $0x1, s0  }
0x3: {  	s22 =	rddreg [dreg:$0x0];
	s5 =	sshll.u32 s3, $0x9;
	s6 =	sshll.u32 s0, $0x8  }
0x4: {  	s2 =	rddreg [dreg:$0x1];
	s5 =	sor.u32 s6, s5  }
0x5: {  	s4 =	rddreg [dreg:$0x2];
	s3 =	simm.s32 $0x0;
	s6 =	sshrl.u32 s5, $0x3  }
0x6: {  	[smem:$0x7FF] =	sst s3;
	s5 =	sshll.u32 s5, $0x9;
	s2 =	sadd.s32 s2, s6  }
0x7: {  	_ =	strace $0x80000047;
	s20 =	sadd.s32 s4, s5;
	[dreg:$0x4] =	wrdreg s2  }
0x8: {  	s25 =	sadd.s32 $0x1000, s20;
	[smem:$0x7FC] =	sst s20  }
0x9: {  	s26 =	sadd.s32 $0x2000, s20;
	[dreg:$0x5] =	wrdreg s25  }
0xa: {  	s28 =	sadd.s32 $0x3000, s20;
	[dreg:$0x6] =	wrdreg s26  }
0xb: {  	s29 =	sadd.s32 $0x4000, s20;
	[dreg:$0x7] =	wrdreg s28  }
0xc: {  	s30 =	sadd.s32 $0x5000, s20;
	[dreg:$0x8] =	wrdreg s29  }
0xd: {  	s31 =	sadd.s32 $0x6000, s20;
	[dreg:$0x9] =	wrdreg s30  }
0xe: {  	s1 =	sadd.s32 $0x7000, s20;
	[dreg:$0xa] =	wrdreg s31  }
0xf: {  	s4 =	sadd.s32 $0x8000, s20;
	[dreg:$0xb] =	wrdreg s1  }
0x10: {  	s5 =	sadd.s32 $0x9000, s20;
	[dreg:$0xc] =	wrdreg s4  }
0x11: {  	s6 =	sadd.s32 $0xA000, s20;
	[dreg:$0xd] =	wrdreg s5  }
0x12: {  	s7 =	sadd.s32 $0xB000, s20;
	[dreg:$0xe] =	wrdreg s6  }
0x13: {  	s0 =	ssub.s32 $0x2, s0;
	s8 =	sadd.s32 $0xC000, s20;
	[dreg:$0xf] =	wrdreg s7  }
0x14: {  	s11 =	sshrl.u32 s0, $0x1;
	s9 =	sadd.s32 $0xD000, s20;
	[dreg:$0x10] =	wrdreg s8  }
0x15: {  	s0 =	ssub.s32 s0, s11;
	s10 =	sadd.s32 $0xE000, s20;
	[dreg:$0x11] =	wrdreg s9  }
0x16: {  	s11 =	sadd.s32 $0x700, s22;
	s12 =	sadd.s32 $0xF000, s20;
	[dreg:$0x12] =	wrdreg s10  }
0x17: {  	s13 =	sadd.s32 $0x10000, s20;
	s14 =	sadd.s32 $0x11000, s20;
	[dreg:$0x13] =	wrdreg s12  }
0x18: {  	s15 =	sadd.s32 $0x12000, s20;
	s16 =	sadd.s32 $0x13000, s20;
	[dreg:$0x14] =	wrdreg s13  }
0x19: {  	s17 =	sadd.s32 $0x14000, s20;
	s18 =	sadd.s32 $0x15000, s20;
	[dreg:$0x15] =	wrdreg s14  }
0x1a: {  	s19 =	sadd.s32 $0x16000, s20;
	s21 =	sadd.s32 $0x17000, s20;
	[dreg:$0x16] =	wrdreg s15  }
0x1b: {  	s23 =	sadd.s32 $0x18000, s20;
	s24 =	sadd.s32 $0x19000, s20;
	[dreg:$0x17] =	wrdreg s16  }
0x1c: {  	s2 =	simm.s32 $0x1;
	s5 =	sadd.s32 $0x100, s22;
	[dreg:$0x18] =	wrdreg s17  }
0x1d: {  	s6 =	sadd.s32 $0x200, s22;
	s7 =	sadd.s32 $0x300, s22;
	[dreg:$0x19] =	wrdreg s18  }
0x1e: {  	s8 =	sadd.s32 $0x400, s22;
	s9 =	sadd.s32 $0x500, s22;
	[dreg:$0x1a] =	wrdreg s19  }
0x1f: {  	s10 =	sadd.s32 $0x600, s22;
	s12 =	sadd.s32 $0x800, s22;
	[dreg:$0x1b] =	wrdreg s21  }
0x20: {  	s13 =	sadd.s32 $0x900, s22;
	[dreg:$0x1c] =	wrdreg s23;
	s14 =	sadd.s32 $0xA00, s22  }
0x21: {  	[dreg:$0x1d] =	wrdreg s24;
	s25 =	sadd.s32 $0x1A000, s20;
	s15 =	sadd.s32 $0xB00, s22  }
0x22: {  	s26 =	sadd.s32 $0x1B000, s20;
	s16 =	sadd.s32 $0xC00, s22;
	s28 =	sadd.s32 $0x1C000, s20  }
0x23: {  	s17 =	sadd.s32 $0xD00, s22;
	s29 =	sadd.s32 $0x1D000, s20;
	[dreg:$0x1e] =	wrdreg s25  }
0x24: {  	s18 =	sadd.s32 $0xE00, s22;
	s30 =	sadd.s32 $0x1E000, s20;
	[dreg:$0x1f] =	wrdreg s26  }
0x25: {  	s19 =	sadd.s32 $0xF00, s22;
	s31 =	sadd.s32 $0x1F000, s20;
	[smem:$0x7F9] =	sst s28  }
0x26: {  	v0 =	vlaneseq.u32;
	s20 =	smax.u32 s0, $0x1;
	s21 =	simm.s32 $0x2;
	[smem:$0x7FA] =	sst s29  }
0x27: {  	v1 =	vshrl.u32 v0, $0x3;
	s4 =	simm.s32 $0x4;
	s23 =	simm.s32 $0x3;
	[smem:$0x7FB] =	sst s30  }
0x28: {  	vm0 =	vmmov $0xffff;
	v0 =	vand.u32 $0x7, v0;
	v1 =	vmul.u32 $0x8, v1;
	s24 =	simm.s32 $0x5;
	[smem:$0x7FD] =	sst s31;
	s25 =	simm.s32 $0x6  }
.LBB2_1:
0x29: {  	[smem:$0x7F8] =	sst s20  }
0x2a: {  	s28 =	rddreg [dreg:$0x4];
	s29 =	simm.s32 $0x7  }
0x2b: {  	[tilespmem:s3], [sflag:$0x7] =	stream.linear.gather [hbm4b:s28+s3], $0x100, $0x38;
	[tilespmem:$0x18100] =	vst v63  }
0x2c: {  	_ =	swait.ge [sflag:s29], $0x100  }
0x2d: {  	[sflag:s29] =	ssyncset.done $0x0  }
0x2e: {  	[sflag:s29] =	ssyncadd.s32 $0xFFFFFF00  }
0x2f: {  	v2 =	vld.msk [tilespmem:$0x0], $0xff;
	_ =	sdelay $0x4  }
0x30: {  	v3 =	vshll.u32 v2, $0x5  }
0x31: {  	v2 =	vand.u32 $0x7, v2;
	v3 =	vand.u32 $0xFFFFFF00, v3  }
0x32: {  	v2 =	vor.u32 v2, v3  }
0x33: {  	v2 =	vperm.xlane v2, v0;
	_ =	sdelay $0x1  }
0x34: {  	v2 =	vadd.s32 v1, v2;
	_ =	sdelay $0x3  }
0x35: {  	s0 =	simm.s32 $0x100  }
0x36: {  	[tilespmem:s0], [sflag:$0x1] =	stream.indirect_vreg.gather [hbm4b:s22+s3], $0x80, v2, vm0, $0xb8;
	[tilespmem:$0x18100] =	vst v63  }
0x37: {  	s30 =	simm.s32 $0x900  }
0x38: {  	[tilespmem:s30], [sflag:$0x1] =	stream.indirect_vreg.gather [hbm4b:s5+s3], $0x80, v2, vm0, $0xb8;
	[tilespmem:$0x18100] =	vst v63  }
0x39: {  	s31 =	simm.s32 $0x1100  }
0x3a: {  	[tilespmem:s31], [sflag:$0x1] =	stream.indirect_vreg.gather [hbm4b:s6+s3], $0x80, v2, vm0, $0xb8;
	[tilespmem:$0x18100] =	vst v63  }
0x3b: {  	s0 =	simm.s32 $0x1900  }
0x3c: {  	[tilespmem:s0], [sflag:$0x1] =	stream.indirect_vreg.gather [hbm4b:s7+s3], $0x80, v2, vm0, $0xb8;
	[tilespmem:$0x18100] =	vst v63  }
0x3d: {  	s1 =	simm.s32 $0x2100  }
0x3e: {  	[tilespmem:s1], [sflag:$0x1] =	stream.indirect_vreg.gather [hbm4b:s8+s3], $0x80, v2, vm0, $0xb8;
	[tilespmem:$0x18100] =	vst v63  }
0x3f: {  	s26 =	simm.s32 $0x2900  }
0x40: {  	[tilespmem:s26], [sflag:$0x1] =	stream.indirect_vreg.gather [hbm4b:s9+s3], $0x80, v2, vm0, $0xb8;
	[tilespmem:$0x18100] =	vst v63  }
0x41: {  	s28 =	simm.s32 $0x3100  }
0x42: {  	[tilespmem:s28], [sflag:$0x1] =	stream.indirect_vreg.gather [hbm4b:s10+s3], $0x80, v2, vm0, $0xb8;
	[tilespmem:$0x18100] =	vst v63  }
0x43: {  	s29 =	simm.s32 $0x3900  }
0x44: {  	[tilespmem:s29], [sflag:$0x1] =	stream.indirect_vreg.gather [hbm4b:s11+s3], $0x80, v2, vm0, $0xb8;
	[tilespmem:$0x18100] =	vst v63  }
0x45: {  	s30 =	simm.s32 $0x4100  }
0x46: {  	[tilespmem:s30], [sflag:$0x1] =	stream.indirect_vreg.gather [hbm4b:s12+s3], $0x80, v2, vm0, $0xb8;
	[tilespmem:$0x18100] =	vst v63  }
0x47: {  	s31 =	simm.s32 $0x4900  }
0x48: {  	[tilespmem:s31], [sflag:$0x1] =	stream.indirect_vreg.gather [hbm4b:s13+s3], $0x80, v2, vm0, $0xb8;
	[tilespmem:$0x18100] =	vst v63  }
0x49: {  	s0 =	simm.s32 $0x5100  }
0x4a: {  	[tilespmem:s0], [sflag:$0x1] =	stream.indirect_vreg.gather [hbm4b:s14+s3], $0x80, v2, vm0, $0xb8;
	[tilespmem:$0x18100] =	vst v63  }
0x4b: {  	s1 =	simm.s32 $0x5900  }
0x4c: {  	[tilespmem:s1], [sflag:$0x1] =	stream.indirect_vreg.gather [hbm4b:s15+s3], $0x80, v2, vm0, $0xb8;
	[tilespmem:$0x18100] =	vst v63  }
0x4d: {  	s26 =	simm.s32 $0x6100  }
0x4e: {  	[tilespmem:s26], [sflag:$0x1] =	stream.indirect_vreg.gather [hbm4b:s16+s3], $0x80, v2, vm0, $0xb8;
	[tilespmem:$0x18100] =	vst v63  }
0x4f: {  	s28 =	simm.s32 $0x6900  }
0x50: {  	[tilespmem:s28], [sflag:$0x1] =	stream.indirect_vreg.gather [hbm4b:s17+s3], $0x80, v2, vm0, $0xb8;
	[tilespmem:$0x18100] =	vst v63  }
0x51: {  	s29 =	simm.s32 $0x7100  }
0x52: {  	[tilespmem:s29], [sflag:$0x1] =	stream.indirect_vreg.gather [hbm4b:s18+s3], $0x80, v2, vm0, $0xb8;
	[tilespmem:$0x18100] =	vst v63  }
0x53: {  	s30 =	simm.s32 $0x7900  }
0x54: {  	[tilespmem:s30], [sflag:$0x1] =	stream.indirect_vreg.gather [hbm4b:s19+s3], $0x80, v2, vm0, $0xb8;
	[tilespmem:$0x18100] =	vst v63  }
0x55: {  	v2 =	vld.msk [tilespmem:$0x8], $0xff;
	_ =	sdelay $0x4  }
0x56: {  	v3 =	vshll.u32 v2, $0x5  }
0x57: {  	v2 =	vand.u32 $0x7, v2;
	v3 =	vand.u32 $0xFFFFFF00, v3  }
0x58: {  	v2 =	vor.u32 v2, v3  }
0x59: {  	v2 =	vperm.xlane v2, v0;
	_ =	sdelay $0x1  }
0x5a: {  	v2 =	vadd.s32 v1, v2;
	_ =	sdelay $0x3  }
0x5b: {  	s31 =	simm.s32 $0x8100  }
0x5c: {  	[tilespmem:s31], [sflag:$0x2] =	stream.indirect_vreg.gather [hbm4b:s22+s3], $0x80, v2, vm0, $0xb8;
	[tilespmem:$0x18100] =	vst v63  }
0x5d: {  	s0 =	simm.s32 $0x8900  }
0x5e: {  	[tilespmem:s0], [sflag:$0x2] =	stream.indirect_vreg.gather [hbm4b:s5+s3], $0x80, v2, vm0, $0xb8;
	[tilespmem:$0x18100] =	vst v63  }
0x5f: {  	s1 =	simm.s32 $0x9100  }
0x60: {  	[tilespmem:s1], [sflag:$0x2] =	stream.indirect_vreg.gather [hbm4b:s6+s3], $0x80, v2, vm0, $0xb8;
	[tilespmem:$0x18100] =	vst v63  }
0x61: {  	s26 =	simm.s32 $0x9900  }
0x62: {  	[tilespmem:s26], [sflag:$0x2] =	stream.indirect_vreg.gather [hbm4b:s7+s3], $0x80, v2, vm0, $0xb8;
	[tilespmem:$0x18100] =	vst v63  }
0x63: {  	s29 =	simm.s32 $0xA100  }
0x64: {  	[tilespmem:s29], [sflag:$0x2] =	stream.indirect_vreg.gather [hbm4b:s8+s3], $0x80, v2, vm0, $0xb8;
	[tilespmem:$0x18100] =	vst v63  }
0x65: {  	s30 =	simm.s32 $0xA900  }
0x66: {  	[tilespmem:s30], [sflag:$0x2] =	stream.indirect_vreg.gather [hbm4b:s9+s3], $0x80, v2, vm0, $0xb8;
	[tilespmem:$0x18100] =	vst v63  }
0x67: {  	s31 =	simm.s32 $0xB100  }
0x68: {  	[tilespmem:s31], [sflag:$0x2] =	stream.indirect_vreg.gather [hbm4b:s10+s3], $0x80, v2, vm0, $0xb8;
	[tilespmem:$0x18100] =	vst v63  }
0x69: {  	s0 =	simm.s32 $0xB900  }
0x6a: {  	[tilespmem:s0], [sflag:$0x2] =	stream.indirect_vreg.gather [hbm4b:s11+s3], $0x80, v2, vm0, $0xb8;
	[tilespmem:$0x18100] =	vst v63  }
0x6b: {  	s1 =	simm.s32 $0xC100  }
0x6c: {  	[tilespmem:s1], [sflag:$0x2] =	stream.indirect_vreg.gather [hbm4b:s12+s3], $0x80, v2, vm0, $0xb8;
	[tilespmem:$0x18100] =	vst v63  }
0x6d: {  	s26 =	simm.s32 $0xC900  }
0x6e: {  	[tilespmem:s26], [sflag:$0x2] =	stream.indirect_vreg.gather [hbm4b:s13+s3], $0x80, v2, vm0, $0xb8;
	[tilespmem:$0x18100] =	vst v63  }
0x6f: {  	s29 =	simm.s32 $0xD100  }
0x70: {  	[tilespmem:s29], [sflag:$0x2] =	stream.indirect_vreg.gather [hbm4b:s14+s3], $0x80, v2, vm0, $0xb8;
	[tilespmem:$0x18100] =	vst v63  }
0x71: {  	s30 =	simm.s32 $0xD900  }
0x72: {  	[tilespmem:s30], [sflag:$0x2] =	stream.indirect_vreg.gather [hbm4b:s15+s3], $0x80, v2, vm0, $0xb8;
	[tilespmem:$0x18100] =	vst v63  }
0x73: {  	s31 =	simm.s32 $0xE100  }
0x74: {  	[tilespmem:s31], [sflag:$0x2] =	stream.indirect_vreg.gather [hbm4b:s16+s3], $0x80, v2, vm0, $0xb8;
	[tilespmem:$0x18100] =	vst v63  }
0x75: {  	s0 =	simm.s32 $0xE900  }
0x76: {  	[tilespmem:s0], [sflag:$0x2] =	stream.indirect_vreg.gather [hbm4b:s17+s3], $0x80, v2, vm0, $0xb8;
	[tilespmem:$0x18100] =	vst v63  }
0x77: {  	s1 =	simm.s32 $0xF100  }
0x78: {  	[tilespmem:s1], [sflag:$0x2] =	stream.indirect_vreg.gather [hbm4b:s18+s3], $0x80, v2, vm0, $0xb8;
	[tilespmem:$0x18100] =	vst v63  }
0x79: {  	s26 =	simm.s32 $0xF900  }
0x7a: {  	[tilespmem:s26], [sflag:$0x2] =	stream.indirect_vreg.gather [hbm4b:s19+s3], $0x80, v2, vm0, $0xb8;
	[tilespmem:$0x18100] =	vst v63  }
0x7b: {  	_ =	swait.ge [sflag:s2], $0x8000  }
0x7c: {  	s29 =	sld [smem:$0x7FC]  }
0x7d: {  	[sflag:s2] =	ssyncset.done $0x0  }
0x7e: {  	s0 =	simm.s32 $0x100;
	[sflag:s2] =	ssyncadd.s32 $0xFFFF8000  }
0x7f: {  	[hbm4b:s29+s3] =	stream.linear.scatter [tilespmem:s0], [sflag:$0x4], $0x8000, $0x38;
	[tilespmem:$0x18100] =	vst v63  }
0x80: {  	v2 =	vld.msk [tilespmem:$0x10], $0xff;
	_ =	sdelay $0x4  }
0x81: {  	v3 =	vshll.u32 v2, $0x5  }
0x82: {  	v2 =	vand.u32 $0x7, v2;
	v3 =	vand.u32 $0xFFFFFF00, v3  }
0x83: {  	v2 =	vor.u32 v2, v3  }
0x84: {  	v2 =	vperm.xlane v2, v0;
	_ =	sdelay $0x1  }
0x85: {  	v2 =	vadd.s32 v1, v2;
	_ =	sdelay $0x3  }
0x86: {  	s1 =	simm.s32 $0x10100  }
0x87: {  	[tilespmem:s1], [sflag:$0x3] =	stream.indirect_vreg.gather [hbm4b:s22+s3], $0x80, v2, vm0, $0xb8;
	[tilespmem:$0x18100] =	vst v63  }
0x88: {  	s30 =	simm.s32 $0x10900  }
0x89: {  	[tilespmem:s30], [sflag:$0x3] =	stream.indirect_vreg.gather [hbm4b:s5+s3], $0x80, v2, vm0, $0xb8;
	[tilespmem:$0x18100] =	vst v63  }
0x8a: {  	s31 =	simm.s32 $0x11100  }
0x8b: {  	[tilespmem:s31], [sflag:$0x3] =	stream.indirect_vreg.gather [hbm4b:s6+s3], $0x80, v2, vm0, $0xb8;
	[tilespmem:$0x18100] =	vst v63  }
0x8c: {  	s28 =	simm.s32 $0x11900  }
0x8d: {  	[tilespmem:s28], [sflag:$0x3] =	stream.indirect_vreg.gather [hbm4b:s7+s3], $0x80, v2, vm0, $0xb8;
	[tilespmem:$0x18100] =	vst v63  }
0x8e: {  	s29 =	simm.s32 $0x12100  }
0x8f: {  	[tilespmem:s29], [sflag:$0x3] =	stream.indirect_vreg.gather [hbm4b:s8+s3], $0x80, v2, vm0, $0xb8;
	[tilespmem:$0x18100] =	vst v63  }
0x90: {  	s30 =	simm.s32 $0x12900  }
0x91: {  	[tilespmem:s30], [sflag:$0x3] =	stream.indirect_vreg.gather [hbm4b:s9+s3], $0x80, v2, vm0, $0xb8;
	[tilespmem:$0x18100] =	vst v63  }
0x92: {  	s31 =	simm.s32 $0x13100  }
0x93: {  	[tilespmem:s31], [sflag:$0x3] =	stream.indirect_vreg.gather [hbm4b:s10+s3], $0x80, v2, vm0, $0xb8;
	[tilespmem:$0x18100] =	vst v63  }
0x94: {  	s28 =	simm.s32 $0x13900  }
0x95: {  	[tilespmem:s28], [sflag:$0x3] =	stream.indirect_vreg.gather [hbm4b:s11+s3], $0x80, v2, vm0, $0xb8;
	[tilespmem:$0x18100] =	vst v63  }
0x96: {  	s29 =	simm.s32 $0x14100  }
0x97: {  	[tilespmem:s29], [sflag:$0x3] =	stream.indirect_vreg.gather [hbm4b:s12+s3], $0x80, v2, vm0, $0xb8;
	[tilespmem:$0x18100] =	vst v63  }
0x98: {  	s30 =	simm.s32 $0x14900  }
0x99: {  	[tilespmem:s30], [sflag:$0x3] =	stream.indirect_vreg.gather [hbm4b:s13+s3], $0x80, v2, vm0, $0xb8;
	[tilespmem:$0x18100] =	vst v63  }
0x9a: {  	s31 =	simm.s32 $0x15100  }
0x9b: {  	[tilespmem:s31], [sflag:$0x3] =	stream.indirect_vreg.gather [hbm4b:s14+s3], $0x80, v2, vm0, $0xb8;
	[tilespmem:$0x18100] =	vst v63  }
0x9c: {  	s28 =	simm.s32 $0x15900  }
0x9d: {  	[tilespmem:s28], [sflag:$0x3] =	stream.indirect_vreg.gather [hbm4b:s15+s3], $0x80, v2, vm0, $0xb8;
	[tilespmem:$0x18100] =	vst v63  }
0x9e: {  	s29 =	simm.s32 $0x16100  }
0x9f: {  	[tilespmem:s29], [sflag:$0x3] =	stream.indirect_vreg.gather [hbm4b:s16+s3], $0x80, v2, vm0, $0xb8;
	[tilespmem:$0x18100] =	vst v63  }
0xa0: {  	s30 =	simm.s32 $0x16900  }
0xa1: {  	[tilespmem:s30], [sflag:$0x3] =	stream.indirect_vreg.gather [hbm4b:s17+s3], $0x80, v2, vm0, $0xb8;
	[tilespmem:$0x18100] =	vst v63  }
0xa2: {  	s31 =	simm.s32 $0x17100  }
0xa3: {  	[tilespmem:s31], [sflag:$0x3] =	stream.indirect_vreg.gather [hbm4b:s18+s3], $0x80, v2, vm0, $0xb8;
	[tilespmem:$0x18100] =	vst v63  }
0xa4: {  	s28 =	simm.s32 $0x17900  }
0xa5: {  	[tilespmem:s28], [sflag:$0x3] =	stream.indirect_vreg.gather [hbm4b:s19+s3], $0x80, v2, vm0, $0xb8;
	[tilespmem:$0x18100] =	vst v63  }
0xa6: {  	_ =	swait.ge [sflag:s21], $0x8000  }
0xa7: {  	[sflag:s21] =	ssyncset.done $0x0  }
0xa8: {  	s20 =	simm.s32 $0x8100;
	s29 =	rddreg [dreg:$0x5];
	[sflag:s21] =	ssyncadd.s32 $0xFFFF8000  }
0xa9: {  	[hbm4b:s29+s3] =	stream.linear.scatter [tilespmem:s20], [sflag:$0x5], $0x8000, $0x38;
	[tilespmem:$0x18100] =	vst v63  }
0xaa: {  	_ =	swait.ge [sflag:s4], $0x8000  }
0xab: {  	[sflag:s4] =	ssyncset.done $0x0  }
0xac: {  	[sflag:s4] =	ssyncadd.s32 $0xFFFF8000  }
0xad: {  	v2 =	vld.msk [tilespmem:$0x18], $0xff;
	_ =	sdelay $0x4  }
0xae: {  	v3 =	vshll.u32 v2, $0x5  }
0xaf: {  	v2 =	vand.u32 $0x7, v2;
	v3 =	vand.u32 $0xFFFFFF00, v3  }
0xb0: {  	v2 =	vor.u32 v2, v3  }
0xb1: {  	v2 =	vperm.xlane v2, v0;
	_ =	sdelay $0x1  }
0xb2: {  	v2 =	vadd.s32 v1, v2;
	_ =	sdelay $0x4  }
0xb3: {  	[tilespmem:s0], [sflag:$0x1] =	stream.indirect_vreg.gather [hbm4b:s22+s3], $0x80, v2, vm0, $0xb8;
	[tilespmem:$0x18100] =	vst v63  }
0xb4: {  	s30 =	simm.s32 $0x900  }
0xb5: {  	[tilespmem:s30], [sflag:$0x1] =	stream.indirect_vreg.gather [hbm4b:s5+s3], $0x80, v2, vm0, $0xb8;
	[tilespmem:$0x18100] =	vst v63  }
0xb6: {  	s31 =	simm.s32 $0x1100  }
0xb7: {  	[tilespmem:s31], [sflag:$0x1] =	stream.indirect_vreg.gather [hbm4b:s6+s3], $0x80, v2, vm0, $0xb8;
	[tilespmem:$0x18100] =	vst v63  }
0xb8: {  	s31 =	simm.s32 $0x1900  }
0xb9: {  	[tilespmem:s31], [sflag:$0x1] =	stream.indirect_vreg.gather [hbm4b:s7+s3], $0x80, v2, vm0, $0xb8;
	[tilespmem:$0x18100] =	vst v63  }
0xba: {  	s30 =	simm.s32 $0x2100  }
0xbb: {  	[tilespmem:s30], [sflag:$0x1] =	stream.indirect_vreg.gather [hbm4b:s8+s3], $0x80, v2, vm0, $0xb8;
	[tilespmem:$0x18100] =	vst v63  }
0xbc: {  	s29 =	simm.s32 $0x2900  }
0xbd: {  	[tilespmem:s29], [sflag:$0x1] =	stream.indirect_vreg.gather [hbm4b:s9+s3], $0x80, v2, vm0, $0xb8;
	[tilespmem:$0x18100] =	vst v63  }
0xbe: {  	s28 =	simm.s32 $0x3100  }
0xbf: {  	[tilespmem:s28], [sflag:$0x1] =	stream.indirect_vreg.gather [hbm4b:s10+s3], $0x80, v2, vm0, $0xb8;
	[tilespmem:$0x18100] =	vst v63  }
0xc0: {  	s28 =	simm.s32 $0x3900  }
0xc1: {  	[tilespmem:s28], [sflag:$0x1] =	stream.indirect_vreg.gather [hbm4b:s11+s3], $0x80, v2, vm0, $0xb8;
	[tilespmem:$0x18100] =	vst v63  }
0xc2: {  	s28 =	simm.s32 $0x4100  }
0xc3: {  	[tilespmem:s28], [sflag:$0x1] =	stream.indirect_vreg.gather [hbm4b:s12+s3], $0x80, v2, vm0, $0xb8;
	[tilespmem:$0x18100] =	vst v63  }
0xc4: {  	s28 =	simm.s32 $0x4900  }
0xc5: {  	[tilespmem:s28], [sflag:$0x1] =	stream.indirect_vreg.gather [hbm4b:s13+s3], $0x80, v2, vm0, $0xb8;
	[tilespmem:$0x18100] =	vst v63  }
0xc6: {  	s28 =	simm.s32 $0x5100  }
0xc7: {  	[tilespmem:s28], [sflag:$0x1] =	stream.indirect_vreg.gather [hbm4b:s14+s3], $0x80, v2, vm0, $0xb8;
	[tilespmem:$0x18100] =	vst v63  }
0xc8: {  	s28 =	simm.s32 $0x5900  }
0xc9: {  	[tilespmem:s28], [sflag:$0x1] =	stream.indirect_vreg.gather [hbm4b:s15+s3], $0x80, v2, vm0, $0xb8;
	[tilespmem:$0x18100] =	vst v63  }
0xca: {  	s28 =	simm.s32 $0x6100  }
0xcb: {  	[tilespmem:s28], [sflag:$0x1] =	stream.indirect_vreg.gather [hbm4b:s16+s3], $0x80, v2, vm0, $0xb8;
	[tilespmem:$0x18100] =	vst v63  }
0xcc: {  	s28 =	simm.s32 $0x6900  }
0xcd: {  	[tilespmem:s28], [sflag:$0x1] =	stream.indirect_vreg.gather [hbm4b:s17+s3], $0x80, v2, vm0, $0xb8;
	[tilespmem:$0x18100] =	vst v63  }
0xce: {  	s28 =	simm.s32 $0x7100  }
0xcf: {  	[tilespmem:s28], [sflag:$0x1] =	stream.indirect_vreg.gather [hbm4b:s18+s3], $0x80, v2, vm0, $0xb8;
	[tilespmem:$0x18100] =	vst v63  }
0xd0: {  	s28 =	simm.s32 $0x7900  }
0xd1: {  	[tilespmem:s28], [sflag:$0x1] =	stream.indirect_vreg.gather [hbm4b:s19+s3], $0x80, v2, vm0, $0xb8;
	[tilespmem:$0x18100] =	vst v63  }
0xd2: {  	_ =	swait.ge [sflag:s23], $0x8000  }
0xd3: {  	[sflag:s23] =	ssyncset.done $0x0  }
0xd4: {  	s26 =	simm.s32 $0x10100;
	s0 =	rddreg [dreg:$0x6];
	[sflag:s23] =	ssyncadd.s32 $0xFFFF8000  }
0xd5: {  	[hbm4b:s0+s3] =	stream.linear.scatter [tilespmem:s26], [sflag:$0x6], $0x8000, $0x38;
	[tilespmem:$0x18100] =	vst v63  }
0xd6: {  	_ =	swait.ge [sflag:s24], $0x8000  }
0xd7: {  	[sflag:s24] =	ssyncset.done $0x0  }
0xd8: {  	[sflag:s24] =	ssyncadd.s32 $0xFFFF8000  }
0xd9: {  	v2 =	vld.msk [tilespmem:$0x20], $0xff;
	_ =	sdelay $0x4  }
0xda: {  	v3 =	vshll.u32 v2, $0x5  }
0xdb: {  	v2 =	vand.u32 $0x7, v2;
	v3 =	vand.u32 $0xFFFFFF00, v3  }
0xdc: {  	v2 =	vor.u32 v2, v3  }
0xdd: {  	v2 =	vperm.xlane v2, v0;
	_ =	sdelay $0x1  }
0xde: {  	v2 =	vadd.s32 v1, v2;
	_ =	sdelay $0x3  }
0xdf: {  	s1 =	simm.s32 $0x8100  }
0xe0: {  	[tilespmem:s1], [sflag:$0x2] =	stream.indirect_vreg.gather [hbm4b:s22+s3], $0x80, v2, vm0, $0xb8;
	[tilespmem:$0x18100] =	vst v63  }
0xe1: {  	s28 =	simm.s32 $0x8900  }
0xe2: {  	[tilespmem:s28], [sflag:$0x2] =	stream.indirect_vreg.gather [hbm4b:s5+s3], $0x80, v2, vm0, $0xb8;
	[tilespmem:$0x18100] =	vst v63  }
0xe3: {  	s28 =	simm.s32 $0x9100  }
0xe4: {  	[tilespmem:s28], [sflag:$0x2] =	stream.indirect_vreg.gather [hbm4b:s6+s3], $0x80, v2, vm0, $0xb8;
	[tilespmem:$0x18100] =	vst v63  }
0xe5: {  	s28 =	simm.s32 $0x9900  }
0xe6: {  	[tilespmem:s28], [sflag:$0x2] =	stream.indirect_vreg.gather [hbm4b:s7+s3], $0x80, v2, vm0, $0xb8;
	[tilespmem:$0x18100] =	vst v63  }
0xe7: {  	s28 =	simm.s32 $0xA100  }
0xe8: {  	[tilespmem:s28], [sflag:$0x2] =	stream.indirect_vreg.gather [hbm4b:s8+s3], $0x80, v2, vm0, $0xb8;
	[tilespmem:$0x18100] =	vst v63  }
0xe9: {  	s28 =	simm.s32 $0xA900  }
0xea: {  	[tilespmem:s28], [sflag:$0x2] =	stream.indirect_vreg.gather [hbm4b:s9+s3], $0x80, v2, vm0, $0xb8;
	[tilespmem:$0x18100] =	vst v63  }
0xeb: {  	s28 =	simm.s32 $0xB100  }
0xec: {  	[tilespmem:s28], [sflag:$0x2] =	stream.indirect_vreg.gather [hbm4b:s10+s3], $0x80, v2, vm0, $0xb8;
	[tilespmem:$0x18100] =	vst v63  }
0xed: {  	s28 =	simm.s32 $0xB900  }
0xee: {  	[tilespmem:s28], [sflag:$0x2] =	stream.indirect_vreg.gather [hbm4b:s11+s3], $0x80, v2, vm0, $0xb8;
	[tilespmem:$0x18100] =	vst v63  }
0xef: {  	s28 =	simm.s32 $0xC100  }
0xf0: {  	[tilespmem:s28], [sflag:$0x2] =	stream.indirect_vreg.gather [hbm4b:s12+s3], $0x80, v2, vm0, $0xb8;
	[tilespmem:$0x18100] =	vst v63  }
0xf1: {  	s28 =	simm.s32 $0xC900  }
0xf2: {  	[tilespmem:s28], [sflag:$0x2] =	stream.indirect_vreg.gather [hbm4b:s13+s3], $0x80, v2, vm0, $0xb8;
	[tilespmem:$0x18100] =	vst v63  }
0xf3: {  	s28 =	simm.s32 $0xD100  }
0xf4: {  	[tilespmem:s28], [sflag:$0x2] =	stream.indirect_vreg.gather [hbm4b:s14+s3], $0x80, v2, vm0, $0xb8;
	[tilespmem:$0x18100] =	vst v63  }
0xf5: {  	s28 =	simm.s32 $0xD900  }
0xf6: {  	[tilespmem:s28], [sflag:$0x2] =	stream.indirect_vreg.gather [hbm4b:s15+s3], $0x80, v2, vm0, $0xb8;
	[tilespmem:$0x18100] =	vst v63  }
0xf7: {  	s28 =	simm.s32 $0xE100  }
0xf8: {  	[tilespmem:s28], [sflag:$0x2] =	stream.indirect_vreg.gather [hbm4b:s16+s3], $0x80, v2, vm0, $0xb8;
	[tilespmem:$0x18100] =	vst v63  }
0xf9: {  	s28 =	simm.s32 $0xE900  }
0xfa: {  	[tilespmem:s28], [sflag:$0x2] =	stream.indirect_vreg.gather [hbm4b:s17+s3], $0x80, v2, vm0, $0xb8;
	[tilespmem:$0x18100] =	vst v63  }
0xfb: {  	s28 =	simm.s32 $0xF100  }
0xfc: {  	[tilespmem:s28], [sflag:$0x2] =	stream.indirect_vreg.gather [hbm4b:s18+s3], $0x80, v2, vm0, $0xb8;
	[tilespmem:$0x18100] =	vst v63  }
0xfd: {  	s28 =	simm.s32 $0xF900  }
0xfe: {  	[tilespmem:s28], [sflag:$0x2] =	stream.indirect_vreg.gather [hbm4b:s19+s3], $0x80, v2, vm0, $0xb8;
	[tilespmem:$0x18100] =	vst v63  }
0xff: {  	_ =	swait.ge [sflag:s2], $0x8000  }
0x100: {  	[sflag:s2] =	ssyncset.done $0x0  }
0x101: {  	s20 =	simm.s32 $0x100;
	s1 =	rddreg [dreg:$0x7];
	[sflag:s2] =	ssyncadd.s32 $0xFFFF8000  }
0x102: {  	[hbm4b:s1+s3] =	stream.linear.scatter [tilespmem:s20], [sflag:$0x4], $0x8000, $0x38;
	[tilespmem:$0x18100] =	vst v63  }
0x103: {  	_ =	swait.ge [sflag:s25], $0x8000  }
0x104: {  	[sflag:s25] =	ssyncset.done $0x0  }
0x105: {  	[sflag:s25] =	ssyncadd.s32 $0xFFFF8000  }
0x106: {  	v2 =	vld.msk [tilespmem:$0x28], $0xff;
	_ =	sdelay $0x4  }
0x107: {  	v3 =	vshll.u32 v2, $0x5  }
0x108: {  	v2 =	vand.u32 $0x7, v2;
	v3 =	vand.u32 $0xFFFFFF00, v3  }
0x109: {  	v2 =	vor.u32 v2, v3  }
0x10a: {  	v2 =	vperm.xlane v2, v0;
	_ =	sdelay $0x1  }
0x10b: {  	v2 =	vadd.s32 v1, v2;
	_ =	sdelay $0x3  }
0x10c: {  	s0 =	simm.s32 $0x10100  }
0x10d: {  	[tilespmem:s0], [sflag:$0x3] =	stream.indirect_vreg.gather [hbm4b:s22+s3], $0x80, v2, vm0, $0xb8;
	[tilespmem:$0x18100] =	vst v63  }
0x10e: {  	s20 =	simm.s32 $0x10900  }
0x10f: {  	[tilespmem:s20], [sflag:$0x3] =	stream.indirect_vreg.gather [hbm4b:s5+s3], $0x80, v2, vm0, $0xb8;
	[tilespmem:$0x18100] =	vst v63  }
0x110: {  	s28 =	simm.s32 $0x11100  }
0x111: {  	[tilespmem:s28], [sflag:$0x3] =	stream.indirect_vreg.gather [hbm4b:s6+s3], $0x80, v2, vm0, $0xb8;
	[tilespmem:$0x18100] =	vst v63  }
0x112: {  	s28 =	simm.s32 $0x11900  }
0x113: {  	[tilespmem:s28], [sflag:$0x3] =	stream.indirect_vreg.gather [hbm4b:s7+s3], $0x80, v2, vm0, $0xb8;
	[tilespmem:$0x18100] =	vst v63  }
0x114: {  	s28 =	simm.s32 $0x12100  }
0x115: {  	[tilespmem:s28], [sflag:$0x3] =	stream.indirect_vreg.gather [hbm4b:s8+s3], $0x80, v2, vm0, $0xb8;
	[tilespmem:$0x18100] =	vst v63  }
0x116: {  	s28 =	simm.s32 $0x12900  }
0x117: {  	[tilespmem:s28], [sflag:$0x3] =	stream.indirect_vreg.gather [hbm4b:s9+s3], $0x80, v2, vm0, $0xb8;
	[tilespmem:$0x18100] =	vst v63  }
0x118: {  	s28 =	simm.s32 $0x13100  }
0x119: {  	[tilespmem:s28], [sflag:$0x3] =	stream.indirect_vreg.gather [hbm4b:s10+s3], $0x80, v2, vm0, $0xb8;
	[tilespmem:$0x18100] =	vst v63  }
0x11a: {  	s28 =	simm.s32 $0x13900  }
0x11b: {  	[tilespmem:s28], [sflag:$0x3] =	stream.indirect_vreg.gather [hbm4b:s11+s3], $0x80, v2, vm0, $0xb8;
	[tilespmem:$0x18100] =	vst v63  }
0x11c: {  	s28 =	simm.s32 $0x14100  }
0x11d: {  	[tilespmem:s28], [sflag:$0x3] =	stream.indirect_vreg.gather [hbm4b:s12+s3], $0x80, v2, vm0, $0xb8;
	[tilespmem:$0x18100] =	vst v63  }
0x11e: {  	s28 =	simm.s32 $0x14900  }
0x11f: {  	[tilespmem:s28], [sflag:$0x3] =	stream.indirect_vreg.gather [hbm4b:s13+s3], $0x80, v2, vm0, $0xb8;
	[tilespmem:$0x18100] =	vst v63  }
0x120: {  	s28 =	simm.s32 $0x15100  }
0x121: {  	[tilespmem:s28], [sflag:$0x3] =	stream.indirect_vreg.gather [hbm4b:s14+s3], $0x80, v2, vm0, $0xb8;
	[tilespmem:$0x18100] =	vst v63  }
0x122: {  	s28 =	simm.s32 $0x15900  }
0x123: {  	[tilespmem:s28], [sflag:$0x3] =	stream.indirect_vreg.gather [hbm4b:s15+s3], $0x80, v2, vm0, $0xb8;
	[tilespmem:$0x18100] =	vst v63  }
0x124: {  	s28 =	simm.s32 $0x16100  }
0x125: {  	[tilespmem:s28], [sflag:$0x3] =	stream.indirect_vreg.gather [hbm4b:s16+s3], $0x80, v2, vm0, $0xb8;
	[tilespmem:$0x18100] =	vst v63  }
0x126: {  	s28 =	simm.s32 $0x16900  }
0x127: {  	[tilespmem:s28], [sflag:$0x3] =	stream.indirect_vreg.gather [hbm4b:s17+s3], $0x80, v2, vm0, $0xb8;
	[tilespmem:$0x18100] =	vst v63  }
0x128: {  	s28 =	simm.s32 $0x17100  }
0x129: {  	[tilespmem:s28], [sflag:$0x3] =	stream.indirect_vreg.gather [hbm4b:s18+s3], $0x80, v2, vm0, $0xb8;
	[tilespmem:$0x18100] =	vst v63  }
0x12a: {  	s28 =	simm.s32 $0x17900  }
0x12b: {  	[tilespmem:s28], [sflag:$0x3] =	stream.indirect_vreg.gather [hbm4b:s19+s3], $0x80, v2, vm0, $0xb8;
	[tilespmem:$0x18100] =	vst v63  }
0x12c: {  	_ =	swait.ge [sflag:s21], $0x8000  }
0x12d: {  	[sflag:s21] =	ssyncset.done $0x0  }
0x12e: {  	s26 =	simm.s32 $0x8100;
	s28 =	rddreg [dreg:$0x8];
	[sflag:s21] =	ssyncadd.s32 $0xFFFF8000  }
0x12f: {  	[hbm4b:s28+s3] =	stream.linear.scatter [tilespmem:s26], [sflag:$0x5], $0x8000, $0x38;
	[tilespmem:$0x18100] =	vst v63  }
0x130: {  	_ =	swait.ge [sflag:s4], $0x8000  }
0x131: {  	[sflag:s4] =	ssyncset.done $0x0  }
0x132: {  	[sflag:s4] =	ssyncadd.s32 $0xFFFF8000  }
0x133: {  	v2 =	vld.msk [tilespmem:$0x30], $0xff;
	_ =	sdelay $0x4  }
0x134: {  	v3 =	vshll.u32 v2, $0x5  }
0x135: {  	v2 =	vand.u32 $0x7, v2;
	v3 =	vand.u32 $0xFFFFFF00, v3  }
0x136: {  	v2 =	vor.u32 v2, v3  }
0x137: {  	v2 =	vperm.xlane v2, v0;
	_ =	sdelay $0x1  }
0x138: {  	v2 =	vadd.s32 v1, v2;
	_ =	sdelay $0x3  }
0x139: {  	s1 =	simm.s32 $0x100  }
0x13a: {  	[tilespmem:s1], [sflag:$0x1] =	stream.indirect_vreg.gather [hbm4b:s22+s3], $0x80, v2, vm0, $0xb8;
	[tilespmem:$0x18100] =	vst v63  }
0x13b: {  	s28 =	simm.s32 $0x900  }
0x13c: {  	[tilespmem:s28], [sflag:$0x1] =	stream.indirect_vreg.gather [hbm4b:s5+s3], $0x80, v2, vm0, $0xb8;
	[tilespmem:$0x18100] =	vst v63  }
0x13d: {  	s28 =	simm.s32 $0x1100  }
0x13e: {  	[tilespmem:s28], [sflag:$0x1] =	stream.indirect_vreg.gather [hbm4b:s6+s3], $0x80, v2, vm0, $0xb8;
	[tilespmem:$0x18100] =	vst v63  }
0x13f: {  	_ = 	snop  }
0x140: {  	[tilespmem:s31], [sflag:$0x1] =	stream.indirect_vreg.gather [hbm4b:s7+s3], $0x80, v2, vm0, $0xb8;
	[tilespmem:$0x18100] =	vst v63  }
0x141: {  	_ = 	snop  }
0x142: {  	[tilespmem:s30], [sflag:$0x1] =	stream.indirect_vreg.gather [hbm4b:s8+s3], $0x80, v2, vm0, $0xb8;
	[tilespmem:$0x18100] =	vst v63  }
0x143: {  	_ = 	snop  }
0x144: {  	[tilespmem:s29], [sflag:$0x1] =	stream.indirect_vreg.gather [hbm4b:s9+s3], $0x80, v2, vm0, $0xb8;
	[tilespmem:$0x18100] =	vst v63  }
0x145: {  	s29 =	simm.s32 $0x3100  }
0x146: {  	[tilespmem:s29], [sflag:$0x1] =	stream.indirect_vreg.gather [hbm4b:s10+s3], $0x80, v2, vm0, $0xb8;
	[tilespmem:$0x18100] =	vst v63  }
0x147: {  	s29 =	simm.s32 $0x3900  }
0x148: {  	[tilespmem:s29], [sflag:$0x1] =	stream.indirect_vreg.gather [hbm4b:s11+s3], $0x80, v2, vm0, $0xb8;
	[tilespmem:$0x18100] =	vst v63  }
0x149: {  	s29 =	simm.s32 $0x4100  }
0x14a: {  	[tilespmem:s29], [sflag:$0x1] =	stream.indirect_vreg.gather [hbm4b:s12+s3], $0x80, v2, vm0, $0xb8;
	[tilespmem:$0x18100] =	vst v63  }
0x14b: {  	s29 =	simm.s32 $0x4900  }
0x14c: {  	[tilespmem:s29], [sflag:$0x1] =	stream.indirect_vreg.gather [hbm4b:s13+s3], $0x80, v2, vm0, $0xb8;
	[tilespmem:$0x18100] =	vst v63  }
0x14d: {  	s29 =	simm.s32 $0x5100  }
0x14e: {  	[tilespmem:s29], [sflag:$0x1] =	stream.indirect_vreg.gather [hbm4b:s14+s3], $0x80, v2, vm0, $0xb8;
	[tilespmem:$0x18100] =	vst v63  }
0x14f: {  	s29 =	simm.s32 $0x5900  }
0x150: {  	[tilespmem:s29], [sflag:$0x1] =	stream.indirect_vreg.gather [hbm4b:s15+s3], $0x80, v2, vm0, $0xb8;
	[tilespmem:$0x18100] =	vst v63  }
0x151: {  	s29 =	simm.s32 $0x6100  }
0x152: {  	[tilespmem:s29], [sflag:$0x1] =	stream.indirect_vreg.gather [hbm4b:s16+s3], $0x80, v2, vm0, $0xb8;
	[tilespmem:$0x18100] =	vst v63  }
0x153: {  	s29 =	simm.s32 $0x6900  }
0x154: {  	[tilespmem:s29], [sflag:$0x1] =	stream.indirect_vreg.gather [hbm4b:s17+s3], $0x80, v2, vm0, $0xb8;
	[tilespmem:$0x18100] =	vst v63  }
0x155: {  	s29 =	simm.s32 $0x7100  }
0x156: {  	[tilespmem:s29], [sflag:$0x1] =	stream.indirect_vreg.gather [hbm4b:s18+s3], $0x80, v2, vm0, $0xb8;
	[tilespmem:$0x18100] =	vst v63  }
0x157: {  	s29 =	simm.s32 $0x7900  }
0x158: {  	[tilespmem:s29], [sflag:$0x1] =	stream.indirect_vreg.gather [hbm4b:s19+s3], $0x80, v2, vm0, $0xb8;
	[tilespmem:$0x18100] =	vst v63  }
0x159: {  	_ =	swait.ge [sflag:s23], $0x8000  }
0x15a: {  	[sflag:s23] =	ssyncset.done $0x0  }
0x15b: {  	s0 =	simm.s32 $0x10100;
	s29 =	rddreg [dreg:$0x9];
	[sflag:s23] =	ssyncadd.s32 $0xFFFF8000  }
0x15c: {  	[hbm4b:s29+s3] =	stream.linear.scatter [tilespmem:s0], [sflag:$0x6], $0x8000, $0x38;
	[tilespmem:$0x18100] =	vst v63  }
0x15d: {  	_ =	swait.ge [sflag:s24], $0x8000  }
0x15e: {  	[sflag:s24] =	ssyncset.done $0x0  }
0x15f: {  	[sflag:s24] =	ssyncadd.s32 $0xFFFF8000  }
0x160: {  	v2 =	vld.msk [tilespmem:$0x38], $0xff;
	_ =	sdelay $0x4  }
0x161: {  	v3 =	vshll.u32 v2, $0x5  }
0x162: {  	v2 =	vand.u32 $0x7, v2;
	v3 =	vand.u32 $0xFFFFFF00, v3  }
0x163: {  	v2 =	vor.u32 v2, v3  }
0x164: {  	v2 =	vperm.xlane v2, v0;
	_ =	sdelay $0x1  }
0x165: {  	v2 =	vadd.s32 v1, v2;
	_ =	sdelay $0x3  }
0x166: {  	s26 =	simm.s32 $0x8100  }
0x167: {  	[tilespmem:s26], [sflag:$0x2] =	stream.indirect_vreg.gather [hbm4b:s22+s3], $0x80, v2, vm0, $0xb8;
	[tilespmem:$0x18100] =	vst v63  }
0x168: {  	s28 =	simm.s32 $0x8900  }
0x169: {  	[tilespmem:s28], [sflag:$0x2] =	stream.indirect_vreg.gather [hbm4b:s5+s3], $0x80, v2, vm0, $0xb8;
	[tilespmem:$0x18100] =	vst v63  }
0x16a: {  	s28 =	simm.s32 $0x9100  }
0x16b: {  	[tilespmem:s28], [sflag:$0x2] =	stream.indirect_vreg.gather [hbm4b:s6+s3], $0x80, v2, vm0, $0xb8;
	[tilespmem:$0x18100] =	vst v63  }
0x16c: {  	s28 =	simm.s32 $0x9900  }
0x16d: {  	[tilespmem:s28], [sflag:$0x2] =	stream.indirect_vreg.gather [hbm4b:s7+s3], $0x80, v2, vm0, $0xb8;
	[tilespmem:$0x18100] =	vst v63  }
0x16e: {  	s28 =	simm.s32 $0xA100  }
0x16f: {  	[tilespmem:s28], [sflag:$0x2] =	stream.indirect_vreg.gather [hbm4b:s8+s3], $0x80, v2, vm0, $0xb8;
	[tilespmem:$0x18100] =	vst v63  }
0x170: {  	s28 =	simm.s32 $0xA900  }
0x171: {  	[tilespmem:s28], [sflag:$0x2] =	stream.indirect_vreg.gather [hbm4b:s9+s3], $0x80, v2, vm0, $0xb8;
	[tilespmem:$0x18100] =	vst v63  }
0x172: {  	s28 =	simm.s32 $0xB100  }
0x173: {  	[tilespmem:s28], [sflag:$0x2] =	stream.indirect_vreg.gather [hbm4b:s10+s3], $0x80, v2, vm0, $0xb8;
	[tilespmem:$0x18100] =	vst v63  }
0x174: {  	s28 =	simm.s32 $0xB900  }
0x175: {  	[tilespmem:s28], [sflag:$0x2] =	stream.indirect_vreg.gather [hbm4b:s11+s3], $0x80, v2, vm0, $0xb8;
	[tilespmem:$0x18100] =	vst v63  }
0x176: {  	s28 =	simm.s32 $0xC100  }
0x177: {  	[tilespmem:s28], [sflag:$0x2] =	stream.indirect_vreg.gather [hbm4b:s12+s3], $0x80, v2, vm0, $0xb8;
	[tilespmem:$0x18100] =	vst v63  }
0x178: {  	s28 =	simm.s32 $0xC900  }
0x179: {  	[tilespmem:s28], [sflag:$0x2] =	stream.indirect_vreg.gather [hbm4b:s13+s3], $0x80, v2, vm0, $0xb8;
	[tilespmem:$0x18100] =	vst v63  }
0x17a: {  	s28 =	simm.s32 $0xD100  }
0x17b: {  	[tilespmem:s28], [sflag:$0x2] =	stream.indirect_vreg.gather [hbm4b:s14+s3], $0x80, v2, vm0, $0xb8;
	[tilespmem:$0x18100] =	vst v63  }
0x17c: {  	s28 =	simm.s32 $0xD900  }
0x17d: {  	[tilespmem:s28], [sflag:$0x2] =	stream.indirect_vreg.gather [hbm4b:s15+s3], $0x80, v2, vm0, $0xb8;
	[tilespmem:$0x18100] =	vst v63  }
0x17e: {  	s28 =	simm.s32 $0xE100  }
0x17f: {  	[tilespmem:s28], [sflag:$0x2] =	stream.indirect_vreg.gather [hbm4b:s16+s3], $0x80, v2, vm0, $0xb8;
	[tilespmem:$0x18100] =	vst v63  }
0x180: {  	s28 =	simm.s32 $0xE900  }
0x181: {  	[tilespmem:s28], [sflag:$0x2] =	stream.indirect_vreg.gather [hbm4b:s17+s3], $0x80, v2, vm0, $0xb8;
	[tilespmem:$0x18100] =	vst v63  }
0x182: {  	s28 =	simm.s32 $0xF100  }
0x183: {  	[tilespmem:s28], [sflag:$0x2] =	stream.indirect_vreg.gather [hbm4b:s18+s3], $0x80, v2, vm0, $0xb8;
	[tilespmem:$0x18100] =	vst v63  }
0x184: {  	s28 =	simm.s32 $0xF900  }
0x185: {  	[tilespmem:s28], [sflag:$0x2] =	stream.indirect_vreg.gather [hbm4b:s19+s3], $0x80, v2, vm0, $0xb8;
	[tilespmem:$0x18100] =	vst v63  }
0x186: {  	_ =	swait.ge [sflag:s2], $0x8000  }
0x187: {  	[sflag:s2] =	ssyncset.done $0x0  }
0x188: {  	s1 =	simm.s32 $0x100;
	s0 =	rddreg [dreg:$0xa];
	[sflag:s2] =	ssyncadd.s32 $0xFFFF8000  }
0x189: {  	[hbm4b:s0+s3] =	stream.linear.scatter [tilespmem:s1], [sflag:$0x4], $0x8000, $0x38;
	[tilespmem:$0x18100] =	vst v63  }
0x18a: {  	_ =	swait.ge [sflag:s25], $0x8000  }
0x18b: {  	[sflag:s25] =	ssyncset.done $0x0  }
0x18c: {  	[sflag:s25] =	ssyncadd.s32 $0xFFFF8000  }
0x18d: {  	v2 =	vld.msk [tilespmem:$0x40], $0xff;
	_ =	sdelay $0x4  }
0x18e: {  	v3 =	vshll.u32 v2, $0x5  }
0x18f: {  	v2 =	vand.u32 $0x7, v2;
	v3 =	vand.u32 $0xFFFFFF00, v3  }
0x190: {  	v2 =	vor.u32 v2, v3  }
0x191: {  	v2 =	vperm.xlane v2, v0;
	_ =	sdelay $0x1  }
0x192: {  	v2 =	vadd.s32 v1, v2;
	_ =	sdelay $0x3  }
0x193: {  	s29 =	simm.s32 $0x10100  }
0x194: {  	[tilespmem:s29], [sflag:$0x3] =	stream.indirect_vreg.gather [hbm4b:s22+s3], $0x80, v2, vm0, $0xb8;
	[tilespmem:$0x18100] =	vst v63  }
0x195: {  	_ = 	snop  }
0x196: {  	[tilespmem:s20], [sflag:$0x3] =	stream.indirect_vreg.gather [hbm4b:s5+s3], $0x80, v2, vm0, $0xb8;
	[tilespmem:$0x18100] =	vst v63  }
0x197: {  	s20 =	simm.s32 $0x11100  }
0x198: {  	[tilespmem:s20], [sflag:$0x3] =	stream.indirect_vreg.gather [hbm4b:s6+s3], $0x80, v2, vm0, $0xb8;
	[tilespmem:$0x18100] =	vst v63  }
0x199: {  	s28 =	simm.s32 $0x11900  }
0x19a: {  	[tilespmem:s28], [sflag:$0x3] =	stream.indirect_vreg.gather [hbm4b:s7+s3], $0x80, v2, vm0, $0xb8;
	[tilespmem:$0x18100] =	vst v63  }
0x19b: {  	s28 =	simm.s32 $0x12100  }
0x19c: {  	[tilespmem:s28], [sflag:$0x3] =	stream.indirect_vreg.gather [hbm4b:s8+s3], $0x80, v2, vm0, $0xb8;
	[tilespmem:$0x18100] =	vst v63  }
0x19d: {  	s28 =	simm.s32 $0x12900  }
0x19e: {  	[tilespmem:s28], [sflag:$0x3] =	stream.indirect_vreg.gather [hbm4b:s9+s3], $0x80, v2, vm0, $0xb8;
	[tilespmem:$0x18100] =	vst v63  }
0x19f: {  	s28 =	simm.s32 $0x13100  }
0x1a0: {  	[tilespmem:s28], [sflag:$0x3] =	stream.indirect_vreg.gather [hbm4b:s10+s3], $0x80, v2, vm0, $0xb8;
	[tilespmem:$0x18100] =	vst v63  }
0x1a1: {  	s28 =	simm.s32 $0x13900  }
0x1a2: {  	[tilespmem:s28], [sflag:$0x3] =	stream.indirect_vreg.gather [hbm4b:s11+s3], $0x80, v2, vm0, $0xb8;
	[tilespmem:$0x18100] =	vst v63  }
0x1a3: {  	s28 =	simm.s32 $0x14100  }
0x1a4: {  	[tilespmem:s28], [sflag:$0x3] =	stream.indirect_vreg.gather [hbm4b:s12+s3], $0x80, v2, vm0, $0xb8;
	[tilespmem:$0x18100] =	vst v63  }
0x1a5: {  	s28 =	simm.s32 $0x14900  }
0x1a6: {  	[tilespmem:s28], [sflag:$0x3] =	stream.indirect_vreg.gather [hbm4b:s13+s3], $0x80, v2, vm0, $0xb8;
	[tilespmem:$0x18100] =	vst v63  }
0x1a7: {  	s28 =	simm.s32 $0x15100  }
0x1a8: {  	[tilespmem:s28], [sflag:$0x3] =	stream.indirect_vreg.gather [hbm4b:s14+s3], $0x80, v2, vm0, $0xb8;
	[tilespmem:$0x18100] =	vst v63  }
0x1a9: {  	s28 =	simm.s32 $0x15900  }
0x1aa: {  	[tilespmem:s28], [sflag:$0x3] =	stream.indirect_vreg.gather [hbm4b:s15+s3], $0x80, v2, vm0, $0xb8;
	[tilespmem:$0x18100] =	vst v63  }
0x1ab: {  	s28 =	simm.s32 $0x16100  }
0x1ac: {  	[tilespmem:s28], [sflag:$0x3] =	stream.indirect_vreg.gather [hbm4b:s16+s3], $0x80, v2, vm0, $0xb8;
	[tilespmem:$0x18100] =	vst v63  }
0x1ad: {  	s28 =	simm.s32 $0x16900  }
0x1ae: {  	[tilespmem:s28], [sflag:$0x3] =	stream.indirect_vreg.gather [hbm4b:s17+s3], $0x80, v2, vm0, $0xb8;
	[tilespmem:$0x18100] =	vst v63  }
0x1af: {  	s28 =	simm.s32 $0x17100  }
0x1b0: {  	[tilespmem:s28], [sflag:$0x3] =	stream.indirect_vreg.gather [hbm4b:s18+s3], $0x80, v2, vm0, $0xb8;
	[tilespmem:$0x18100] =	vst v63  }
0x1b1: {  	s28 =	simm.s32 $0x17900  }
0x1b2: {  	[tilespmem:s28], [sflag:$0x3] =	stream.indirect_vreg.gather [hbm4b:s19+s3], $0x80, v2, vm0, $0xb8;
	[tilespmem:$0x18100] =	vst v63  }
0x1b3: {  	_ =	swait.ge [sflag:s21], $0x8000  }
0x1b4: {  	[sflag:s21] =	ssyncset.done $0x0  }
0x1b5: {  	s28 =	rddreg [dreg:$0xb];
	[sflag:s21] =	ssyncadd.s32 $0xFFFF8000  }
0x1b6: {  	[hbm4b:s28+s3] =	stream.linear.scatter [tilespmem:s26], [sflag:$0x5], $0x8000, $0x38;
	[tilespmem:$0x18100] =	vst v63  }
0x1b7: {  	_ =	swait.ge [sflag:s4], $0x8000  }
0x1b8: {  	[sflag:s4] =	ssyncset.done $0x0  }
0x1b9: {  	[sflag:s4] =	ssyncadd.s32 $0xFFFF8000  }
0x1ba: {  	v2 =	vld.msk [tilespmem:$0x48], $0xff;
	_ =	sdelay $0x4  }
0x1bb: {  	v3 =	vshll.u32 v2, $0x5  }
0x1bc: {  	v2 =	vand.u32 $0x7, v2;
	v3 =	vand.u32 $0xFFFFFF00, v3  }
0x1bd: {  	v2 =	vor.u32 v2, v3  }
0x1be: {  	v2 =	vperm.xlane v2, v0;
	_ =	sdelay $0x1  }
0x1bf: {  	v2 =	vadd.s32 v1, v2;
	_ =	sdelay $0x3  }
0x1c0: {  	s0 =	simm.s32 $0x100  }
0x1c1: {  	[tilespmem:s0], [sflag:$0x1] =	stream.indirect_vreg.gather [hbm4b:s22+s3], $0x80, v2, vm0, $0xb8;
	[tilespmem:$0x18100] =	vst v63  }
0x1c2: {  	s28 =	simm.s32 $0x900  }
0x1c3: {  	[tilespmem:s28], [sflag:$0x1] =	stream.indirect_vreg.gather [hbm4b:s5+s3], $0x80, v2, vm0, $0xb8;
	[tilespmem:$0x18100] =	vst v63  }
0x1c4: {  	s28 =	simm.s32 $0x1100  }
0x1c5: {  	[tilespmem:s28], [sflag:$0x1] =	stream.indirect_vreg.gather [hbm4b:s6+s3], $0x80, v2, vm0, $0xb8;
	[tilespmem:$0x18100] =	vst v63  }
0x1c6: {  	s31 =	simm.s32 $0x1900  }
0x1c7: {  	[tilespmem:s31], [sflag:$0x1] =	stream.indirect_vreg.gather [hbm4b:s7+s3], $0x80, v2, vm0, $0xb8;
	[tilespmem:$0x18100] =	vst v63  }
0x1c8: {  	s30 =	simm.s32 $0x2100  }
0x1c9: {  	[tilespmem:s30], [sflag:$0x1] =	stream.indirect_vreg.gather [hbm4b:s8+s3], $0x80, v2, vm0, $0xb8;
	[tilespmem:$0x18100] =	vst v63  }
0x1ca: {  	s28 =	simm.s32 $0x2900  }
0x1cb: {  	[tilespmem:s28], [sflag:$0x1] =	stream.indirect_vreg.gather [hbm4b:s9+s3], $0x80, v2, vm0, $0xb8;
	[tilespmem:$0x18100] =	vst v63  }
0x1cc: {  	s28 =	simm.s32 $0x3100  }
0x1cd: {  	[tilespmem:s28], [sflag:$0x1] =	stream.indirect_vreg.gather [hbm4b:s10+s3], $0x80, v2, vm0, $0xb8;
	[tilespmem:$0x18100] =	vst v63  }
0x1ce: {  	s28 =	simm.s32 $0x3900  }
0x1cf: {  	[tilespmem:s28], [sflag:$0x1] =	stream.indirect_vreg.gather [hbm4b:s11+s3], $0x80, v2, vm0, $0xb8;
	[tilespmem:$0x18100] =	vst v63  }
0x1d0: {  	s28 =	simm.s32 $0x4100  }
0x1d1: {  	[tilespmem:s28], [sflag:$0x1] =	stream.indirect_vreg.gather [hbm4b:s12+s3], $0x80, v2, vm0, $0xb8;
	[tilespmem:$0x18100] =	vst v63  }
0x1d2: {  	s28 =	simm.s32 $0x4900  }
0x1d3: {  	[tilespmem:s28], [sflag:$0x1] =	stream.indirect_vreg.gather [hbm4b:s13+s3], $0x80, v2, vm0, $0xb8;
	[tilespmem:$0x18100] =	vst v63  }
0x1d4: {  	s28 =	simm.s32 $0x5100  }
0x1d5: {  	[tilespmem:s28], [sflag:$0x1] =	stream.indirect_vreg.gather [hbm4b:s14+s3], $0x80, v2, vm0, $0xb8;
	[tilespmem:$0x18100] =	vst v63  }
0x1d6: {  	s28 =	simm.s32 $0x5900  }
0x1d7: {  	[tilespmem:s28], [sflag:$0x1] =	stream.indirect_vreg.gather [hbm4b:s15+s3], $0x80, v2, vm0, $0xb8;
	[tilespmem:$0x18100] =	vst v63  }
0x1d8: {  	s28 =	simm.s32 $0x6100  }
0x1d9: {  	[tilespmem:s28], [sflag:$0x1] =	stream.indirect_vreg.gather [hbm4b:s16+s3], $0x80, v2, vm0, $0xb8;
	[tilespmem:$0x18100] =	vst v63  }
0x1da: {  	s28 =	simm.s32 $0x6900  }
0x1db: {  	[tilespmem:s28], [sflag:$0x1] =	stream.indirect_vreg.gather [hbm4b:s17+s3], $0x80, v2, vm0, $0xb8;
	[tilespmem:$0x18100] =	vst v63  }
0x1dc: {  	s28 =	simm.s32 $0x7100  }
0x1dd: {  	[tilespmem:s28], [sflag:$0x1] =	stream.indirect_vreg.gather [hbm4b:s18+s3], $0x80, v2, vm0, $0xb8;
	[tilespmem:$0x18100] =	vst v63  }
0x1de: {  	s28 =	simm.s32 $0x7900  }
0x1df: {  	[tilespmem:s28], [sflag:$0x1] =	stream.indirect_vreg.gather [hbm4b:s19+s3], $0x80, v2, vm0, $0xb8;
	[tilespmem:$0x18100] =	vst v63  }
0x1e0: {  	_ =	swait.ge [sflag:s23], $0x8000  }
0x1e1: {  	[sflag:s23] =	ssyncset.done $0x0  }
0x1e2: {  	s28 =	rddreg [dreg:$0xc];
	[sflag:s23] =	ssyncadd.s32 $0xFFFF8000  }
0x1e3: {  	[hbm4b:s28+s3] =	stream.linear.scatter [tilespmem:s29], [sflag:$0x6], $0x8000, $0x38;
	[tilespmem:$0x18100] =	vst v63  }
0x1e4: {  	_ =	swait.ge [sflag:s24], $0x8000  }
0x1e5: {  	[sflag:s24] =	ssyncset.done $0x0  }
0x1e6: {  	[sflag:s24] =	ssyncadd.s32 $0xFFFF8000  }
0x1e7: {  	v2 =	vld.msk [tilespmem:$0x50], $0xff;
	_ =	sdelay $0x4  }
0x1e8: {  	v3 =	vshll.u32 v2, $0x5  }
0x1e9: {  	v2 =	vand.u32 $0x7, v2;
	v3 =	vand.u32 $0xFFFFFF00, v3  }
0x1ea: {  	v2 =	vor.u32 v2, v3  }
0x1eb: {  	v2 =	vperm.xlane v2, v0;
	_ =	sdelay $0x1  }
0x1ec: {  	v2 =	vadd.s32 v1, v2;
	_ =	sdelay $0x4  }
0x1ed: {  	[tilespmem:s26], [sflag:$0x2] =	stream.indirect_vreg.gather [hbm4b:s22+s3], $0x80, v2, vm0, $0xb8;
	[tilespmem:$0x18100] =	vst v63  }
0x1ee: {  	s28 =	simm.s32 $0x8900  }
0x1ef: {  	[tilespmem:s28], [sflag:$0x2] =	stream.indirect_vreg.gather [hbm4b:s5+s3], $0x80, v2, vm0, $0xb8;
	[tilespmem:$0x18100] =	vst v63  }
0x1f0: {  	s28 =	simm.s32 $0x9100  }
0x1f1: {  	[tilespmem:s28], [sflag:$0x2] =	stream.indirect_vreg.gather [hbm4b:s6+s3], $0x80, v2, vm0, $0xb8;
	[tilespmem:$0x18100] =	vst v63  }
0x1f2: {  	s28 =	simm.s32 $0x9900  }
0x1f3: {  	[tilespmem:s28], [sflag:$0x2] =	stream.indirect_vreg.gather [hbm4b:s7+s3], $0x80, v2, vm0, $0xb8;
	[tilespmem:$0x18100] =	vst v63  }
0x1f4: {  	s28 =	simm.s32 $0xA100  }
0x1f5: {  	[tilespmem:s28], [sflag:$0x2] =	stream.indirect_vreg.gather [hbm4b:s8+s3], $0x80, v2, vm0, $0xb8;
	[tilespmem:$0x18100] =	vst v63  }
0x1f6: {  	s28 =	simm.s32 $0xA900  }
0x1f7: {  	[tilespmem:s28], [sflag:$0x2] =	stream.indirect_vreg.gather [hbm4b:s9+s3], $0x80, v2, vm0, $0xb8;
	[tilespmem:$0x18100] =	vst v63  }
0x1f8: {  	s28 =	simm.s32 $0xB100  }
0x1f9: {  	[tilespmem:s28], [sflag:$0x2] =	stream.indirect_vreg.gather [hbm4b:s10+s3], $0x80, v2, vm0, $0xb8;
	[tilespmem:$0x18100] =	vst v63  }
0x1fa: {  	s28 =	simm.s32 $0xB900  }
0x1fb: {  	[tilespmem:s28], [sflag:$0x2] =	stream.indirect_vreg.gather [hbm4b:s11+s3], $0x80, v2, vm0, $0xb8;
	[tilespmem:$0x18100] =	vst v63  }
0x1fc: {  	s28 =	simm.s32 $0xC100  }
0x1fd: {  	[tilespmem:s28], [sflag:$0x2] =	stream.indirect_vreg.gather [hbm4b:s12+s3], $0x80, v2, vm0, $0xb8;
	[tilespmem:$0x18100] =	vst v63  }
0x1fe: {  	s28 =	simm.s32 $0xC900  }
0x1ff: {  	[tilespmem:s28], [sflag:$0x2] =	stream.indirect_vreg.gather [hbm4b:s13+s3], $0x80, v2, vm0, $0xb8;
	[tilespmem:$0x18100] =	vst v63  }
0x200: {  	s28 =	simm.s32 $0xD100  }
0x201: {  	[tilespmem:s28], [sflag:$0x2] =	stream.indirect_vreg.gather [hbm4b:s14+s3], $0x80, v2, vm0, $0xb8;
	[tilespmem:$0x18100] =	vst v63  }
0x202: {  	s28 =	simm.s32 $0xD900  }
0x203: {  	[tilespmem:s28], [sflag:$0x2] =	stream.indirect_vreg.gather [hbm4b:s15+s3], $0x80, v2, vm0, $0xb8;
	[tilespmem:$0x18100] =	vst v63  }
0x204: {  	s28 =	simm.s32 $0xE100  }
0x205: {  	[tilespmem:s28], [sflag:$0x2] =	stream.indirect_vreg.gather [hbm4b:s16+s3], $0x80, v2, vm0, $0xb8;
	[tilespmem:$0x18100] =	vst v63  }
0x206: {  	s28 =	simm.s32 $0xE900  }
0x207: {  	[tilespmem:s28], [sflag:$0x2] =	stream.indirect_vreg.gather [hbm4b:s17+s3], $0x80, v2, vm0, $0xb8;
	[tilespmem:$0x18100] =	vst v63  }
0x208: {  	s28 =	simm.s32 $0xF100  }
0x209: {  	[tilespmem:s28], [sflag:$0x2] =	stream.indirect_vreg.gather [hbm4b:s18+s3], $0x80, v2, vm0, $0xb8;
	[tilespmem:$0x18100] =	vst v63  }
0x20a: {  	s28 =	simm.s32 $0xF900  }
0x20b: {  	[tilespmem:s28], [sflag:$0x2] =	stream.indirect_vreg.gather [hbm4b:s19+s3], $0x80, v2, vm0, $0xb8;
	[tilespmem:$0x18100] =	vst v63  }
0x20c: {  	_ =	swait.ge [sflag:s2], $0x8000  }
0x20d: {  	[sflag:s2] =	ssyncset.done $0x0  }
0x20e: {  	s28 =	rddreg [dreg:$0xd];
	[sflag:s2] =	ssyncadd.s32 $0xFFFF8000  }
0x20f: {  	[hbm4b:s28+s3] =	stream.linear.scatter [tilespmem:s0], [sflag:$0x4], $0x8000, $0x38;
	[tilespmem:$0x18100] =	vst v63  }
0x210: {  	_ =	swait.ge [sflag:s25], $0x8000  }
0x211: {  	[sflag:s25] =	ssyncset.done $0x0  }
0x212: {  	[sflag:s25] =	ssyncadd.s32 $0xFFFF8000  }
0x213: {  	v2 =	vld.msk [tilespmem:$0x58], $0xff;
	_ =	sdelay $0x4  }
0x214: {  	v3 =	vshll.u32 v2, $0x5  }
0x215: {  	v2 =	vand.u32 $0x7, v2;
	v3 =	vand.u32 $0xFFFFFF00, v3  }
0x216: {  	v2 =	vor.u32 v2, v3  }
0x217: {  	v2 =	vperm.xlane v2, v0;
	_ =	sdelay $0x1  }
0x218: {  	v2 =	vadd.s32 v1, v2;
	_ =	sdelay $0x4  }
0x219: {  	[tilespmem:s29], [sflag:$0x3] =	stream.indirect_vreg.gather [hbm4b:s22+s3], $0x80, v2, vm0, $0xb8;
	[tilespmem:$0x18100] =	vst v63  }
0x21a: {  	s28 =	simm.s32 $0x10900  }
0x21b: {  	[tilespmem:s28], [sflag:$0x3] =	stream.indirect_vreg.gather [hbm4b:s5+s3], $0x80, v2, vm0, $0xb8;
	[tilespmem:$0x18100] =	vst v63  }
0x21c: {  	s1 =	simm.s32 $0x11100  }
0x21d: {  	[tilespmem:s1], [sflag:$0x3] =	stream.indirect_vreg.gather [hbm4b:s6+s3], $0x80, v2, vm0, $0xb8;
	[tilespmem:$0x18100] =	vst v63  }
0x21e: {  	s20 =	simm.s32 $0x11900  }
0x21f: {  	[tilespmem:s20], [sflag:$0x3] =	stream.indirect_vreg.gather [hbm4b:s7+s3], $0x80, v2, vm0, $0xb8;
	[tilespmem:$0x18100] =	vst v63  }
0x220: {  	s28 =	simm.s32 $0x12100  }
0x221: {  	[tilespmem:s28], [sflag:$0x3] =	stream.indirect_vreg.gather [hbm4b:s8+s3], $0x80, v2, vm0, $0xb8;
	[tilespmem:$0x18100] =	vst v63  }
0x222: {  	s28 =	simm.s32 $0x12900  }
0x223: {  	[tilespmem:s28], [sflag:$0x3] =	stream.indirect_vreg.gather [hbm4b:s9+s3], $0x80, v2, vm0, $0xb8;
	[tilespmem:$0x18100] =	vst v63  }
0x224: {  	s28 =	simm.s32 $0x13100  }
0x225: {  	[tilespmem:s28], [sflag:$0x3] =	stream.indirect_vreg.gather [hbm4b:s10+s3], $0x80, v2, vm0, $0xb8;
	[tilespmem:$0x18100] =	vst v63  }
0x226: {  	s28 =	simm.s32 $0x13900  }
0x227: {  	[tilespmem:s28], [sflag:$0x3] =	stream.indirect_vreg.gather [hbm4b:s11+s3], $0x80, v2, vm0, $0xb8;
	[tilespmem:$0x18100] =	vst v63  }
0x228: {  	s28 =	simm.s32 $0x14100  }
0x229: {  	[tilespmem:s28], [sflag:$0x3] =	stream.indirect_vreg.gather [hbm4b:s12+s3], $0x80, v2, vm0, $0xb8;
	[tilespmem:$0x18100] =	vst v63  }
0x22a: {  	s28 =	simm.s32 $0x14900  }
0x22b: {  	[tilespmem:s28], [sflag:$0x3] =	stream.indirect_vreg.gather [hbm4b:s13+s3], $0x80, v2, vm0, $0xb8;
	[tilespmem:$0x18100] =	vst v63  }
0x22c: {  	s28 =	simm.s32 $0x15100  }
0x22d: {  	[tilespmem:s28], [sflag:$0x3] =	stream.indirect_vreg.gather [hbm4b:s14+s3], $0x80, v2, vm0, $0xb8;
	[tilespmem:$0x18100] =	vst v63  }
0x22e: {  	s28 =	simm.s32 $0x15900  }
0x22f: {  	[tilespmem:s28], [sflag:$0x3] =	stream.indirect_vreg.gather [hbm4b:s15+s3], $0x80, v2, vm0, $0xb8;
	[tilespmem:$0x18100] =	vst v63  }
0x230: {  	s28 =	simm.s32 $0x16100  }
0x231: {  	[tilespmem:s28], [sflag:$0x3] =	stream.indirect_vreg.gather [hbm4b:s16+s3], $0x80, v2, vm0, $0xb8;
	[tilespmem:$0x18100] =	vst v63  }
0x232: {  	s28 =	simm.s32 $0x16900  }
0x233: {  	[tilespmem:s28], [sflag:$0x3] =	stream.indirect_vreg.gather [hbm4b:s17+s3], $0x80, v2, vm0, $0xb8;
	[tilespmem:$0x18100] =	vst v63  }
0x234: {  	s28 =	simm.s32 $0x17100  }
0x235: {  	[tilespmem:s28], [sflag:$0x3] =	stream.indirect_vreg.gather [hbm4b:s18+s3], $0x80, v2, vm0, $0xb8;
	[tilespmem:$0x18100] =	vst v63  }
0x236: {  	s28 =	simm.s32 $0x17900  }
0x237: {  	[tilespmem:s28], [sflag:$0x3] =	stream.indirect_vreg.gather [hbm4b:s19+s3], $0x80, v2, vm0, $0xb8;
	[tilespmem:$0x18100] =	vst v63  }
0x238: {  	_ =	swait.ge [sflag:s21], $0x8000  }
0x239: {  	[sflag:s21] =	ssyncset.done $0x0  }
0x23a: {  	s28 =	rddreg [dreg:$0xe];
	[sflag:s21] =	ssyncadd.s32 $0xFFFF8000  }
0x23b: {  	[hbm4b:s28+s3] =	stream.linear.scatter [tilespmem:s26], [sflag:$0x5], $0x8000, $0x38;
	[tilespmem:$0x18100] =	vst v63  }
0x23c: {  	_ =	swait.ge [sflag:s4], $0x8000  }
0x23d: {  	[sflag:s4] =	ssyncset.done $0x0  }
0x23e: {  	[sflag:s4] =	ssyncadd.s32 $0xFFFF8000  }
0x23f: {  	v2 =	vld.msk [tilespmem:$0x60], $0xff;
	_ =	sdelay $0x4  }
0x240: {  	v3 =	vshll.u32 v2, $0x5  }
0x241: {  	v2 =	vand.u32 $0x7, v2;
	v3 =	vand.u32 $0xFFFFFF00, v3  }
0x242: {  	v2 =	vor.u32 v2, v3  }
0x243: {  	v2 =	vperm.xlane v2, v0;
	_ =	sdelay $0x1  }
0x244: {  	v2 =	vadd.s32 v1, v2;
	_ =	sdelay $0x4  }
0x245: {  	[tilespmem:s0], [sflag:$0x1] =	stream.indirect_vreg.gather [hbm4b:s22+s3], $0x80, v2, vm0, $0xb8;
	[tilespmem:$0x18100] =	vst v63  }
0x246: {  	s28 =	simm.s32 $0x900  }
0x247: {  	[tilespmem:s28], [sflag:$0x1] =	stream.indirect_vreg.gather [hbm4b:s5+s3], $0x80, v2, vm0, $0xb8;
	[tilespmem:$0x18100] =	vst v63  }
0x248: {  	s28 =	simm.s32 $0x1100  }
0x249: {  	[tilespmem:s28], [sflag:$0x1] =	stream.indirect_vreg.gather [hbm4b:s6+s3], $0x80, v2, vm0, $0xb8;
	[tilespmem:$0x18100] =	vst v63  }
0x24a: {  	s31 =	simm.s32 $0x1900  }
0x24b: {  	[tilespmem:s31], [sflag:$0x1] =	stream.indirect_vreg.gather [hbm4b:s7+s3], $0x80, v2, vm0, $0xb8;
	[tilespmem:$0x18100] =	vst v63  }
0x24c: {  	s30 =	simm.s32 $0x2100  }
0x24d: {  	[tilespmem:s30], [sflag:$0x1] =	stream.indirect_vreg.gather [hbm4b:s8+s3], $0x80, v2, vm0, $0xb8;
	[tilespmem:$0x18100] =	vst v63  }
0x24e: {  	s28 =	simm.s32 $0x2900  }
0x24f: {  	[tilespmem:s28], [sflag:$0x1] =	stream.indirect_vreg.gather [hbm4b:s9+s3], $0x80, v2, vm0, $0xb8;
	[tilespmem:$0x18100] =	vst v63  }
0x250: {  	s28 =	simm.s32 $0x3100  }
0x251: {  	[tilespmem:s28], [sflag:$0x1] =	stream.indirect_vreg.gather [hbm4b:s10+s3], $0x80, v2, vm0, $0xb8;
	[tilespmem:$0x18100] =	vst v63  }
0x252: {  	s28 =	simm.s32 $0x3900  }
0x253: {  	[tilespmem:s28], [sflag:$0x1] =	stream.indirect_vreg.gather [hbm4b:s11+s3], $0x80, v2, vm0, $0xb8;
	[tilespmem:$0x18100] =	vst v63  }
0x254: {  	s28 =	simm.s32 $0x4100  }
0x255: {  	[tilespmem:s28], [sflag:$0x1] =	stream.indirect_vreg.gather [hbm4b:s12+s3], $0x80, v2, vm0, $0xb8;
	[tilespmem:$0x18100] =	vst v63  }
0x256: {  	s28 =	simm.s32 $0x4900  }
0x257: {  	[tilespmem:s28], [sflag:$0x1] =	stream.indirect_vreg.gather [hbm4b:s13+s3], $0x80, v2, vm0, $0xb8;
	[tilespmem:$0x18100] =	vst v63  }
0x258: {  	s28 =	simm.s32 $0x5100  }
0x259: {  	[tilespmem:s28], [sflag:$0x1] =	stream.indirect_vreg.gather [hbm4b:s14+s3], $0x80, v2, vm0, $0xb8;
	[tilespmem:$0x18100] =	vst v63  }
0x25a: {  	s28 =	simm.s32 $0x5900  }
0x25b: {  	[tilespmem:s28], [sflag:$0x1] =	stream.indirect_vreg.gather [hbm4b:s15+s3], $0x80, v2, vm0, $0xb8;
	[tilespmem:$0x18100] =	vst v63  }
0x25c: {  	s28 =	simm.s32 $0x6100  }
0x25d: {  	[tilespmem:s28], [sflag:$0x1] =	stream.indirect_vreg.gather [hbm4b:s16+s3], $0x80, v2, vm0, $0xb8;
	[tilespmem:$0x18100] =	vst v63  }
0x25e: {  	s28 =	simm.s32 $0x6900  }
0x25f: {  	[tilespmem:s28], [sflag:$0x1] =	stream.indirect_vreg.gather [hbm4b:s17+s3], $0x80, v2, vm0, $0xb8;
	[tilespmem:$0x18100] =	vst v63  }
0x260: {  	s28 =	simm.s32 $0x7100  }
0x261: {  	[tilespmem:s28], [sflag:$0x1] =	stream.indirect_vreg.gather [hbm4b:s18+s3], $0x80, v2, vm0, $0xb8;
	[tilespmem:$0x18100] =	vst v63  }
0x262: {  	s28 =	simm.s32 $0x7900  }
0x263: {  	[tilespmem:s28], [sflag:$0x1] =	stream.indirect_vreg.gather [hbm4b:s19+s3], $0x80, v2, vm0, $0xb8;
	[tilespmem:$0x18100] =	vst v63  }
0x264: {  	_ =	swait.ge [sflag:s23], $0x8000  }
0x265: {  	[sflag:s23] =	ssyncset.done $0x0  }
0x266: {  	s28 =	rddreg [dreg:$0xf];
	[sflag:s23] =	ssyncadd.s32 $0xFFFF8000  }
0x267: {  	[hbm4b:s28+s3] =	stream.linear.scatter [tilespmem:s29], [sflag:$0x6], $0x8000, $0x38;
	[tilespmem:$0x18100] =	vst v63  }
0x268: {  	_ =	swait.ge [sflag:s24], $0x8000  }
0x269: {  	[sflag:s24] =	ssyncset.done $0x0  }
0x26a: {  	[sflag:s24] =	ssyncadd.s32 $0xFFFF8000  }
0x26b: {  	v2 =	vld.msk [tilespmem:$0x68], $0xff;
	_ =	sdelay $0x4  }
0x26c: {  	v3 =	vshll.u32 v2, $0x5  }
0x26d: {  	v2 =	vand.u32 $0x7, v2;
	v3 =	vand.u32 $0xFFFFFF00, v3  }
0x26e: {  	v2 =	vor.u32 v2, v3  }
0x26f: {  	v2 =	vperm.xlane v2, v0;
	_ =	sdelay $0x1  }
0x270: {  	v2 =	vadd.s32 v1, v2;
	_ =	sdelay $0x4  }
0x271: {  	[tilespmem:s26], [sflag:$0x2] =	stream.indirect_vreg.gather [hbm4b:s22+s3], $0x80, v2, vm0, $0xb8;
	[tilespmem:$0x18100] =	vst v63  }
0x272: {  	s28 =	simm.s32 $0x8900  }
0x273: {  	[tilespmem:s28], [sflag:$0x2] =	stream.indirect_vreg.gather [hbm4b:s5+s3], $0x80, v2, vm0, $0xb8;
	[tilespmem:$0x18100] =	vst v63  }
0x274: {  	s28 =	simm.s32 $0x9100  }
0x275: {  	[tilespmem:s28], [sflag:$0x2] =	stream.indirect_vreg.gather [hbm4b:s6+s3], $0x80, v2, vm0, $0xb8;
	[tilespmem:$0x18100] =	vst v63  }
0x276: {  	s28 =	simm.s32 $0x9900  }
0x277: {  	[tilespmem:s28], [sflag:$0x2] =	stream.indirect_vreg.gather [hbm4b:s7+s3], $0x80, v2, vm0, $0xb8;
	[tilespmem:$0x18100] =	vst v63  }
0x278: {  	s28 =	simm.s32 $0xA100  }
0x279: {  	[tilespmem:s28], [sflag:$0x2] =	stream.indirect_vreg.gather [hbm4b:s8+s3], $0x80, v2, vm0, $0xb8;
	[tilespmem:$0x18100] =	vst v63  }
0x27a: {  	s28 =	simm.s32 $0xA900  }
0x27b: {  	[tilespmem:s28], [sflag:$0x2] =	stream.indirect_vreg.gather [hbm4b:s9+s3], $0x80, v2, vm0, $0xb8;
	[tilespmem:$0x18100] =	vst v63  }
0x27c: {  	s28 =	simm.s32 $0xB100  }
0x27d: {  	[tilespmem:s28], [sflag:$0x2] =	stream.indirect_vreg.gather [hbm4b:s10+s3], $0x80, v2, vm0, $0xb8;
	[tilespmem:$0x18100] =	vst v63  }
0x27e: {  	s28 =	simm.s32 $0xB900  }
0x27f: {  	[tilespmem:s28], [sflag:$0x2] =	stream.indirect_vreg.gather [hbm4b:s11+s3], $0x80, v2, vm0, $0xb8;
	[tilespmem:$0x18100] =	vst v63  }
0x280: {  	s28 =	simm.s32 $0xC100  }
0x281: {  	[tilespmem:s28], [sflag:$0x2] =	stream.indirect_vreg.gather [hbm4b:s12+s3], $0x80, v2, vm0, $0xb8;
	[tilespmem:$0x18100] =	vst v63  }
0x282: {  	s28 =	simm.s32 $0xC900  }
0x283: {  	[tilespmem:s28], [sflag:$0x2] =	stream.indirect_vreg.gather [hbm4b:s13+s3], $0x80, v2, vm0, $0xb8;
	[tilespmem:$0x18100] =	vst v63  }
0x284: {  	s28 =	simm.s32 $0xD100  }
0x285: {  	[tilespmem:s28], [sflag:$0x2] =	stream.indirect_vreg.gather [hbm4b:s14+s3], $0x80, v2, vm0, $0xb8;
	[tilespmem:$0x18100] =	vst v63  }
0x286: {  	s28 =	simm.s32 $0xD900  }
0x287: {  	[tilespmem:s28], [sflag:$0x2] =	stream.indirect_vreg.gather [hbm4b:s15+s3], $0x80, v2, vm0, $0xb8;
	[tilespmem:$0x18100] =	vst v63  }
0x288: {  	s28 =	simm.s32 $0xE100  }
0x289: {  	[tilespmem:s28], [sflag:$0x2] =	stream.indirect_vreg.gather [hbm4b:s16+s3], $0x80, v2, vm0, $0xb8;
	[tilespmem:$0x18100] =	vst v63  }
0x28a: {  	s28 =	simm.s32 $0xE900  }
0x28b: {  	[tilespmem:s28], [sflag:$0x2] =	stream.indirect_vreg.gather [hbm4b:s17+s3], $0x80, v2, vm0, $0xb8;
	[tilespmem:$0x18100] =	vst v63  }
0x28c: {  	s28 =	simm.s32 $0xF100  }
0x28d: {  	[tilespmem:s28], [sflag:$0x2] =	stream.indirect_vreg.gather [hbm4b:s18+s3], $0x80, v2, vm0, $0xb8;
	[tilespmem:$0x18100] =	vst v63  }
0x28e: {  	s28 =	simm.s32 $0xF900  }
0x28f: {  	[tilespmem:s28], [sflag:$0x2] =	stream.indirect_vreg.gather [hbm4b:s19+s3], $0x80, v2, vm0, $0xb8;
	[tilespmem:$0x18100] =	vst v63  }
0x290: {  	_ =	swait.ge [sflag:s2], $0x8000  }
0x291: {  	[sflag:s2] =	ssyncset.done $0x0  }
0x292: {  	s28 =	rddreg [dreg:$0x10];
	[sflag:s2] =	ssyncadd.s32 $0xFFFF8000  }
0x293: {  	[hbm4b:s28+s3] =	stream.linear.scatter [tilespmem:s0], [sflag:$0x4], $0x8000, $0x38;
	[tilespmem:$0x18100] =	vst v63  }
0x294: {  	_ =	swait.ge [sflag:s25], $0x8000  }
0x295: {  	[sflag:s25] =	ssyncset.done $0x0  }
0x296: {  	[sflag:s25] =	ssyncadd.s32 $0xFFFF8000  }
0x297: {  	v2 =	vld.msk [tilespmem:$0x70], $0xff;
	_ =	sdelay $0x4  }
0x298: {  	v3 =	vshll.u32 v2, $0x5  }
0x299: {  	v2 =	vand.u32 $0x7, v2;
	v3 =	vand.u32 $0xFFFFFF00, v3  }
0x29a: {  	v2 =	vor.u32 v2, v3  }
0x29b: {  	v2 =	vperm.xlane v2, v0;
	_ =	sdelay $0x1  }
0x29c: {  	v2 =	vadd.s32 v1, v2;
	_ =	sdelay $0x4  }
0x29d: {  	[tilespmem:s29], [sflag:$0x3] =	stream.indirect_vreg.gather [hbm4b:s22+s3], $0x80, v2, vm0, $0xb8;
	[tilespmem:$0x18100] =	vst v63  }
0x29e: {  	s28 =	simm.s32 $0x10900  }
0x29f: {  	[tilespmem:s28], [sflag:$0x3] =	stream.indirect_vreg.gather [hbm4b:s5+s3], $0x80, v2, vm0, $0xb8;
	[tilespmem:$0x18100] =	vst v63  }
0x2a0: {  	s1 =	simm.s32 $0x11100  }
0x2a1: {  	[tilespmem:s1], [sflag:$0x3] =	stream.indirect_vreg.gather [hbm4b:s6+s3], $0x80, v2, vm0, $0xb8;
	[tilespmem:$0x18100] =	vst v63  }
0x2a2: {  	s20 =	simm.s32 $0x11900  }
0x2a3: {  	[tilespmem:s20], [sflag:$0x3] =	stream.indirect_vreg.gather [hbm4b:s7+s3], $0x80, v2, vm0, $0xb8;
	[tilespmem:$0x18100] =	vst v63  }
0x2a4: {  	s28 =	simm.s32 $0x12100  }
0x2a5: {  	[tilespmem:s28], [sflag:$0x3] =	stream.indirect_vreg.gather [hbm4b:s8+s3], $0x80, v2, vm0, $0xb8;
	[tilespmem:$0x18100] =	vst v63  }
0x2a6: {  	s28 =	simm.s32 $0x12900  }
0x2a7: {  	[tilespmem:s28], [sflag:$0x3] =	stream.indirect_vreg.gather [hbm4b:s9+s3], $0x80, v2, vm0, $0xb8;
	[tilespmem:$0x18100] =	vst v63  }
0x2a8: {  	s28 =	simm.s32 $0x13100  }
0x2a9: {  	[tilespmem:s28], [sflag:$0x3] =	stream.indirect_vreg.gather [hbm4b:s10+s3], $0x80, v2, vm0, $0xb8;
	[tilespmem:$0x18100] =	vst v63  }
0x2aa: {  	s28 =	simm.s32 $0x13900  }
0x2ab: {  	[tilespmem:s28], [sflag:$0x3] =	stream.indirect_vreg.gather [hbm4b:s11+s3], $0x80, v2, vm0, $0xb8;
	[tilespmem:$0x18100] =	vst v63  }
0x2ac: {  	s28 =	simm.s32 $0x14100  }
0x2ad: {  	[tilespmem:s28], [sflag:$0x3] =	stream.indirect_vreg.gather [hbm4b:s12+s3], $0x80, v2, vm0, $0xb8;
	[tilespmem:$0x18100] =	vst v63  }
0x2ae: {  	s28 =	simm.s32 $0x14900  }
0x2af: {  	[tilespmem:s28], [sflag:$0x3] =	stream.indirect_vreg.gather [hbm4b:s13+s3], $0x80, v2, vm0, $0xb8;
	[tilespmem:$0x18100] =	vst v63  }
0x2b0: {  	s28 =	simm.s32 $0x15100  }
0x2b1: {  	[tilespmem:s28], [sflag:$0x3] =	stream.indirect_vreg.gather [hbm4b:s14+s3], $0x80, v2, vm0, $0xb8;
	[tilespmem:$0x18100] =	vst v63  }
0x2b2: {  	s28 =	simm.s32 $0x15900  }
0x2b3: {  	[tilespmem:s28], [sflag:$0x3] =	stream.indirect_vreg.gather [hbm4b:s15+s3], $0x80, v2, vm0, $0xb8;
	[tilespmem:$0x18100] =	vst v63  }
0x2b4: {  	s28 =	simm.s32 $0x16100  }
0x2b5: {  	[tilespmem:s28], [sflag:$0x3] =	stream.indirect_vreg.gather [hbm4b:s16+s3], $0x80, v2, vm0, $0xb8;
	[tilespmem:$0x18100] =	vst v63  }
0x2b6: {  	s28 =	simm.s32 $0x16900  }
0x2b7: {  	[tilespmem:s28], [sflag:$0x3] =	stream.indirect_vreg.gather [hbm4b:s17+s3], $0x80, v2, vm0, $0xb8;
	[tilespmem:$0x18100] =	vst v63  }
0x2b8: {  	s28 =	simm.s32 $0x17100  }
0x2b9: {  	[tilespmem:s28], [sflag:$0x3] =	stream.indirect_vreg.gather [hbm4b:s18+s3], $0x80, v2, vm0, $0xb8;
	[tilespmem:$0x18100] =	vst v63  }
0x2ba: {  	s28 =	simm.s32 $0x17900  }
0x2bb: {  	[tilespmem:s28], [sflag:$0x3] =	stream.indirect_vreg.gather [hbm4b:s19+s3], $0x80, v2, vm0, $0xb8;
	[tilespmem:$0x18100] =	vst v63  }
0x2bc: {  	_ =	swait.ge [sflag:s21], $0x8000  }
0x2bd: {  	[sflag:s21] =	ssyncset.done $0x0  }
0x2be: {  	s28 =	rddreg [dreg:$0x11];
	[sflag:s21] =	ssyncadd.s32 $0xFFFF8000  }
0x2bf: {  	[hbm4b:s28+s3] =	stream.linear.scatter [tilespmem:s26], [sflag:$0x5], $0x8000, $0x38;
	[tilespmem:$0x18100] =	vst v63  }
0x2c0: {  	_ =	swait.ge [sflag:s4], $0x8000  }
0x2c1: {  	[sflag:s4] =	ssyncset.done $0x0  }
0x2c2: {  	[sflag:s4] =	ssyncadd.s32 $0xFFFF8000  }
0x2c3: {  	v2 =	vld.msk [tilespmem:$0x78], $0xff;
	_ =	sdelay $0x4  }
0x2c4: {  	v3 =	vshll.u32 v2, $0x5  }
0x2c5: {  	v2 =	vand.u32 $0x7, v2;
	v3 =	vand.u32 $0xFFFFFF00, v3  }
0x2c6: {  	v2 =	vor.u32 v2, v3  }
0x2c7: {  	v2 =	vperm.xlane v2, v0;
	_ =	sdelay $0x1  }
0x2c8: {  	v2 =	vadd.s32 v1, v2;
	_ =	sdelay $0x4  }
0x2c9: {  	[tilespmem:s0], [sflag:$0x1] =	stream.indirect_vreg.gather [hbm4b:s22+s3], $0x80, v2, vm0, $0xb8;
	[tilespmem:$0x18100] =	vst v63  }
0x2ca: {  	s28 =	simm.s32 $0x900  }
0x2cb: {  	[tilespmem:s28], [sflag:$0x1] =	stream.indirect_vreg.gather [hbm4b:s5+s3], $0x80, v2, vm0, $0xb8;
	[tilespmem:$0x18100] =	vst v63  }
0x2cc: {  	s28 =	simm.s32 $0x1100  }
0x2cd: {  	[tilespmem:s28], [sflag:$0x1] =	stream.indirect_vreg.gather [hbm4b:s6+s3], $0x80, v2, vm0, $0xb8;
	[tilespmem:$0x18100] =	vst v63  }
0x2ce: {  	s31 =	simm.s32 $0x1900  }
0x2cf: {  	[tilespmem:s31], [sflag:$0x1] =	stream.indirect_vreg.gather [hbm4b:s7+s3], $0x80, v2, vm0, $0xb8;
	[tilespmem:$0x18100] =	vst v63  }
0x2d0: {  	s30 =	simm.s32 $0x2100  }
0x2d1: {  	[tilespmem:s30], [sflag:$0x1] =	stream.indirect_vreg.gather [hbm4b:s8+s3], $0x80, v2, vm0, $0xb8;
	[tilespmem:$0x18100] =	vst v63  }
0x2d2: {  	s28 =	simm.s32 $0x2900  }
0x2d3: {  	[tilespmem:s28], [sflag:$0x1] =	stream.indirect_vreg.gather [hbm4b:s9+s3], $0x80, v2, vm0, $0xb8;
	[tilespmem:$0x18100] =	vst v63  }
0x2d4: {  	s28 =	simm.s32 $0x3100  }
0x2d5: {  	[tilespmem:s28], [sflag:$0x1] =	stream.indirect_vreg.gather [hbm4b:s10+s3], $0x80, v2, vm0, $0xb8;
	[tilespmem:$0x18100] =	vst v63  }
0x2d6: {  	s28 =	simm.s32 $0x3900  }
0x2d7: {  	[tilespmem:s28], [sflag:$0x1] =	stream.indirect_vreg.gather [hbm4b:s11+s3], $0x80, v2, vm0, $0xb8;
	[tilespmem:$0x18100] =	vst v63  }
0x2d8: {  	s28 =	simm.s32 $0x4100  }
0x2d9: {  	[tilespmem:s28], [sflag:$0x1] =	stream.indirect_vreg.gather [hbm4b:s12+s3], $0x80, v2, vm0, $0xb8;
	[tilespmem:$0x18100] =	vst v63  }
0x2da: {  	s28 =	simm.s32 $0x4900  }
0x2db: {  	[tilespmem:s28], [sflag:$0x1] =	stream.indirect_vreg.gather [hbm4b:s13+s3], $0x80, v2, vm0, $0xb8;
	[tilespmem:$0x18100] =	vst v63  }
0x2dc: {  	s28 =	simm.s32 $0x5100  }
0x2dd: {  	[tilespmem:s28], [sflag:$0x1] =	stream.indirect_vreg.gather [hbm4b:s14+s3], $0x80, v2, vm0, $0xb8;
	[tilespmem:$0x18100] =	vst v63  }
0x2de: {  	s28 =	simm.s32 $0x5900  }
0x2df: {  	[tilespmem:s28], [sflag:$0x1] =	stream.indirect_vreg.gather [hbm4b:s15+s3], $0x80, v2, vm0, $0xb8;
	[tilespmem:$0x18100] =	vst v63  }
0x2e0: {  	s28 =	simm.s32 $0x6100  }
0x2e1: {  	[tilespmem:s28], [sflag:$0x1] =	stream.indirect_vreg.gather [hbm4b:s16+s3], $0x80, v2, vm0, $0xb8;
	[tilespmem:$0x18100] =	vst v63  }
0x2e2: {  	s28 =	simm.s32 $0x6900  }
0x2e3: {  	[tilespmem:s28], [sflag:$0x1] =	stream.indirect_vreg.gather [hbm4b:s17+s3], $0x80, v2, vm0, $0xb8;
	[tilespmem:$0x18100] =	vst v63  }
0x2e4: {  	s28 =	simm.s32 $0x7100  }
0x2e5: {  	[tilespmem:s28], [sflag:$0x1] =	stream.indirect_vreg.gather [hbm4b:s18+s3], $0x80, v2, vm0, $0xb8;
	[tilespmem:$0x18100] =	vst v63  }
0x2e6: {  	s28 =	simm.s32 $0x7900  }
0x2e7: {  	[tilespmem:s28], [sflag:$0x1] =	stream.indirect_vreg.gather [hbm4b:s19+s3], $0x80, v2, vm0, $0xb8;
	[tilespmem:$0x18100] =	vst v63  }
0x2e8: {  	_ =	swait.ge [sflag:s23], $0x8000  }
0x2e9: {  	[sflag:s23] =	ssyncset.done $0x0  }
0x2ea: {  	s28 =	rddreg [dreg:$0x12];
	[sflag:s23] =	ssyncadd.s32 $0xFFFF8000  }
0x2eb: {  	[hbm4b:s28+s3] =	stream.linear.scatter [tilespmem:s29], [sflag:$0x6], $0x8000, $0x38;
	[tilespmem:$0x18100] =	vst v63  }
0x2ec: {  	_ =	swait.ge [sflag:s24], $0x8000  }
0x2ed: {  	[sflag:s24] =	ssyncset.done $0x0  }
0x2ee: {  	[sflag:s24] =	ssyncadd.s32 $0xFFFF8000  }
0x2ef: {  	v2 =	vld.msk [tilespmem:$0x80], $0xff;
	_ =	sdelay $0x4  }
0x2f0: {  	v3 =	vshll.u32 v2, $0x5  }
0x2f1: {  	v2 =	vand.u32 $0x7, v2;
	v3 =	vand.u32 $0xFFFFFF00, v3  }
0x2f2: {  	v2 =	vor.u32 v2, v3  }
0x2f3: {  	v2 =	vperm.xlane v2, v0;
	_ =	sdelay $0x1  }
0x2f4: {  	v2 =	vadd.s32 v1, v2;
	_ =	sdelay $0x4  }
0x2f5: {  	[tilespmem:s26], [sflag:$0x2] =	stream.indirect_vreg.gather [hbm4b:s22+s3], $0x80, v2, vm0, $0xb8;
	[tilespmem:$0x18100] =	vst v63  }
0x2f6: {  	s28 =	simm.s32 $0x8900  }
0x2f7: {  	[tilespmem:s28], [sflag:$0x2] =	stream.indirect_vreg.gather [hbm4b:s5+s3], $0x80, v2, vm0, $0xb8;
	[tilespmem:$0x18100] =	vst v63  }
0x2f8: {  	s28 =	simm.s32 $0x9100  }
0x2f9: {  	[tilespmem:s28], [sflag:$0x2] =	stream.indirect_vreg.gather [hbm4b:s6+s3], $0x80, v2, vm0, $0xb8;
	[tilespmem:$0x18100] =	vst v63  }
0x2fa: {  	s28 =	simm.s32 $0x9900  }
0x2fb: {  	[tilespmem:s28], [sflag:$0x2] =	stream.indirect_vreg.gather [hbm4b:s7+s3], $0x80, v2, vm0, $0xb8;
	[tilespmem:$0x18100] =	vst v63  }
0x2fc: {  	s28 =	simm.s32 $0xA100  }
0x2fd: {  	[tilespmem:s28], [sflag:$0x2] =	stream.indirect_vreg.gather [hbm4b:s8+s3], $0x80, v2, vm0, $0xb8;
	[tilespmem:$0x18100] =	vst v63  }
0x2fe: {  	s28 =	simm.s32 $0xA900  }
0x2ff: {  	[tilespmem:s28], [sflag:$0x2] =	stream.indirect_vreg.gather [hbm4b:s9+s3], $0x80, v2, vm0, $0xb8;
	[tilespmem:$0x18100] =	vst v63  }
0x300: {  	s28 =	simm.s32 $0xB100  }
0x301: {  	[tilespmem:s28], [sflag:$0x2] =	stream.indirect_vreg.gather [hbm4b:s10+s3], $0x80, v2, vm0, $0xb8;
	[tilespmem:$0x18100] =	vst v63  }
0x302: {  	s28 =	simm.s32 $0xB900  }
0x303: {  	[tilespmem:s28], [sflag:$0x2] =	stream.indirect_vreg.gather [hbm4b:s11+s3], $0x80, v2, vm0, $0xb8;
	[tilespmem:$0x18100] =	vst v63  }
0x304: {  	s28 =	simm.s32 $0xC100  }
0x305: {  	[tilespmem:s28], [sflag:$0x2] =	stream.indirect_vreg.gather [hbm4b:s12+s3], $0x80, v2, vm0, $0xb8;
	[tilespmem:$0x18100] =	vst v63  }
0x306: {  	s28 =	simm.s32 $0xC900  }
0x307: {  	[tilespmem:s28], [sflag:$0x2] =	stream.indirect_vreg.gather [hbm4b:s13+s3], $0x80, v2, vm0, $0xb8;
	[tilespmem:$0x18100] =	vst v63  }
0x308: {  	s28 =	simm.s32 $0xD100  }
0x309: {  	[tilespmem:s28], [sflag:$0x2] =	stream.indirect_vreg.gather [hbm4b:s14+s3], $0x80, v2, vm0, $0xb8;
	[tilespmem:$0x18100] =	vst v63  }
0x30a: {  	s28 =	simm.s32 $0xD900  }
0x30b: {  	[tilespmem:s28], [sflag:$0x2] =	stream.indirect_vreg.gather [hbm4b:s15+s3], $0x80, v2, vm0, $0xb8;
	[tilespmem:$0x18100] =	vst v63  }
0x30c: {  	s28 =	simm.s32 $0xE100  }
0x30d: {  	[tilespmem:s28], [sflag:$0x2] =	stream.indirect_vreg.gather [hbm4b:s16+s3], $0x80, v2, vm0, $0xb8;
	[tilespmem:$0x18100] =	vst v63  }
0x30e: {  	s28 =	simm.s32 $0xE900  }
0x30f: {  	[tilespmem:s28], [sflag:$0x2] =	stream.indirect_vreg.gather [hbm4b:s17+s3], $0x80, v2, vm0, $0xb8;
	[tilespmem:$0x18100] =	vst v63  }
0x310: {  	s28 =	simm.s32 $0xF100  }
0x311: {  	[tilespmem:s28], [sflag:$0x2] =	stream.indirect_vreg.gather [hbm4b:s18+s3], $0x80, v2, vm0, $0xb8;
	[tilespmem:$0x18100] =	vst v63  }
0x312: {  	s28 =	simm.s32 $0xF900  }
0x313: {  	[tilespmem:s28], [sflag:$0x2] =	stream.indirect_vreg.gather [hbm4b:s19+s3], $0x80, v2, vm0, $0xb8;
	[tilespmem:$0x18100] =	vst v63  }
0x314: {  	_ =	swait.ge [sflag:s2], $0x8000  }
0x315: {  	[sflag:s2] =	ssyncset.done $0x0  }
0x316: {  	s28 =	rddreg [dreg:$0x13];
	[sflag:s2] =	ssyncadd.s32 $0xFFFF8000  }
0x317: {  	[hbm4b:s28+s3] =	stream.linear.scatter [tilespmem:s0], [sflag:$0x4], $0x8000, $0x38;
	[tilespmem:$0x18100] =	vst v63  }
0x318: {  	_ =	swait.ge [sflag:s25], $0x8000  }
0x319: {  	[sflag:s25] =	ssyncset.done $0x0  }
0x31a: {  	[sflag:s25] =	ssyncadd.s32 $0xFFFF8000  }
0x31b: {  	v2 =	vld.msk [tilespmem:$0x88], $0xff;
	_ =	sdelay $0x4  }
0x31c: {  	v3 =	vshll.u32 v2, $0x5  }
0x31d: {  	v2 =	vand.u32 $0x7, v2;
	v3 =	vand.u32 $0xFFFFFF00, v3  }
0x31e: {  	v2 =	vor.u32 v2, v3  }
0x31f: {  	v2 =	vperm.xlane v2, v0;
	_ =	sdelay $0x1  }
0x320: {  	v2 =	vadd.s32 v1, v2;
	_ =	sdelay $0x4  }
0x321: {  	[tilespmem:s29], [sflag:$0x3] =	stream.indirect_vreg.gather [hbm4b:s22+s3], $0x80, v2, vm0, $0xb8;
	[tilespmem:$0x18100] =	vst v63  }
0x322: {  	s28 =	simm.s32 $0x10900  }
0x323: {  	[tilespmem:s28], [sflag:$0x3] =	stream.indirect_vreg.gather [hbm4b:s5+s3], $0x80, v2, vm0, $0xb8;
	[tilespmem:$0x18100] =	vst v63  }
0x324: {  	s1 =	simm.s32 $0x11100  }
0x325: {  	[tilespmem:s1], [sflag:$0x3] =	stream.indirect_vreg.gather [hbm4b:s6+s3], $0x80, v2, vm0, $0xb8;
	[tilespmem:$0x18100] =	vst v63  }
0x326: {  	s20 =	simm.s32 $0x11900  }
0x327: {  	[tilespmem:s20], [sflag:$0x3] =	stream.indirect_vreg.gather [hbm4b:s7+s3], $0x80, v2, vm0, $0xb8;
	[tilespmem:$0x18100] =	vst v63  }
0x328: {  	s28 =	simm.s32 $0x12100  }
0x329: {  	[tilespmem:s28], [sflag:$0x3] =	stream.indirect_vreg.gather [hbm4b:s8+s3], $0x80, v2, vm0, $0xb8;
	[tilespmem:$0x18100] =	vst v63  }
0x32a: {  	s28 =	simm.s32 $0x12900  }
0x32b: {  	[tilespmem:s28], [sflag:$0x3] =	stream.indirect_vreg.gather [hbm4b:s9+s3], $0x80, v2, vm0, $0xb8;
	[tilespmem:$0x18100] =	vst v63  }
0x32c: {  	s28 =	simm.s32 $0x13100  }
0x32d: {  	[tilespmem:s28], [sflag:$0x3] =	stream.indirect_vreg.gather [hbm4b:s10+s3], $0x80, v2, vm0, $0xb8;
	[tilespmem:$0x18100] =	vst v63  }
0x32e: {  	s28 =	simm.s32 $0x13900  }
0x32f: {  	[tilespmem:s28], [sflag:$0x3] =	stream.indirect_vreg.gather [hbm4b:s11+s3], $0x80, v2, vm0, $0xb8;
	[tilespmem:$0x18100] =	vst v63  }
0x330: {  	s28 =	simm.s32 $0x14100  }
0x331: {  	[tilespmem:s28], [sflag:$0x3] =	stream.indirect_vreg.gather [hbm4b:s12+s3], $0x80, v2, vm0, $0xb8;
	[tilespmem:$0x18100] =	vst v63  }
0x332: {  	s28 =	simm.s32 $0x14900  }
0x333: {  	[tilespmem:s28], [sflag:$0x3] =	stream.indirect_vreg.gather [hbm4b:s13+s3], $0x80, v2, vm0, $0xb8;
	[tilespmem:$0x18100] =	vst v63  }
0x334: {  	s28 =	simm.s32 $0x15100  }
0x335: {  	[tilespmem:s28], [sflag:$0x3] =	stream.indirect_vreg.gather [hbm4b:s14+s3], $0x80, v2, vm0, $0xb8;
	[tilespmem:$0x18100] =	vst v63  }
0x336: {  	s28 =	simm.s32 $0x15900  }
0x337: {  	[tilespmem:s28], [sflag:$0x3] =	stream.indirect_vreg.gather [hbm4b:s15+s3], $0x80, v2, vm0, $0xb8;
	[tilespmem:$0x18100] =	vst v63  }
0x338: {  	s28 =	simm.s32 $0x16100  }
0x339: {  	[tilespmem:s28], [sflag:$0x3] =	stream.indirect_vreg.gather [hbm4b:s16+s3], $0x80, v2, vm0, $0xb8;
	[tilespmem:$0x18100] =	vst v63  }
0x33a: {  	s28 =	simm.s32 $0x16900  }
0x33b: {  	[tilespmem:s28], [sflag:$0x3] =	stream.indirect_vreg.gather [hbm4b:s17+s3], $0x80, v2, vm0, $0xb8;
	[tilespmem:$0x18100] =	vst v63  }
0x33c: {  	s28 =	simm.s32 $0x17100  }
0x33d: {  	[tilespmem:s28], [sflag:$0x3] =	stream.indirect_vreg.gather [hbm4b:s18+s3], $0x80, v2, vm0, $0xb8;
	[tilespmem:$0x18100] =	vst v63  }
0x33e: {  	s28 =	simm.s32 $0x17900  }
0x33f: {  	[tilespmem:s28], [sflag:$0x3] =	stream.indirect_vreg.gather [hbm4b:s19+s3], $0x80, v2, vm0, $0xb8;
	[tilespmem:$0x18100] =	vst v63  }
0x340: {  	_ =	swait.ge [sflag:s21], $0x8000  }
0x341: {  	[sflag:s21] =	ssyncset.done $0x0  }
0x342: {  	s28 =	rddreg [dreg:$0x14];
	[sflag:s21] =	ssyncadd.s32 $0xFFFF8000  }
0x343: {  	[hbm4b:s28+s3] =	stream.linear.scatter [tilespmem:s26], [sflag:$0x5], $0x8000, $0x38;
	[tilespmem:$0x18100] =	vst v63  }
0x344: {  	_ =	swait.ge [sflag:s4], $0x8000  }
0x345: {  	[sflag:s4] =	ssyncset.done $0x0  }
0x346: {  	[sflag:s4] =	ssyncadd.s32 $0xFFFF8000  }
0x347: {  	v2 =	vld.msk [tilespmem:$0x90], $0xff;
	_ =	sdelay $0x4  }
0x348: {  	v3 =	vshll.u32 v2, $0x5  }
0x349: {  	v2 =	vand.u32 $0x7, v2;
	v3 =	vand.u32 $0xFFFFFF00, v3  }
0x34a: {  	v2 =	vor.u32 v2, v3  }
0x34b: {  	v2 =	vperm.xlane v2, v0;
	_ =	sdelay $0x1  }
0x34c: {  	v2 =	vadd.s32 v1, v2;
	_ =	sdelay $0x4  }
0x34d: {  	[tilespmem:s0], [sflag:$0x1] =	stream.indirect_vreg.gather [hbm4b:s22+s3], $0x80, v2, vm0, $0xb8;
	[tilespmem:$0x18100] =	vst v63  }
0x34e: {  	s28 =	simm.s32 $0x900  }
0x34f: {  	[tilespmem:s28], [sflag:$0x1] =	stream.indirect_vreg.gather [hbm4b:s5+s3], $0x80, v2, vm0, $0xb8;
	[tilespmem:$0x18100] =	vst v63  }
0x350: {  	s28 =	simm.s32 $0x1100  }
0x351: {  	[tilespmem:s28], [sflag:$0x1] =	stream.indirect_vreg.gather [hbm4b:s6+s3], $0x80, v2, vm0, $0xb8;
	[tilespmem:$0x18100] =	vst v63  }
0x352: {  	s31 =	simm.s32 $0x1900  }
0x353: {  	[tilespmem:s31], [sflag:$0x1] =	stream.indirect_vreg.gather [hbm4b:s7+s3], $0x80, v2, vm0, $0xb8;
	[tilespmem:$0x18100] =	vst v63  }
0x354: {  	s30 =	simm.s32 $0x2100  }
0x355: {  	[tilespmem:s30], [sflag:$0x1] =	stream.indirect_vreg.gather [hbm4b:s8+s3], $0x80, v2, vm0, $0xb8;
	[tilespmem:$0x18100] =	vst v63  }
0x356: {  	s28 =	simm.s32 $0x2900  }
0x357: {  	[tilespmem:s28], [sflag:$0x1] =	stream.indirect_vreg.gather [hbm4b:s9+s3], $0x80, v2, vm0, $0xb8;
	[tilespmem:$0x18100] =	vst v63  }
0x358: {  	s28 =	simm.s32 $0x3100  }
0x359: {  	[tilespmem:s28], [sflag:$0x1] =	stream.indirect_vreg.gather [hbm4b:s10+s3], $0x80, v2, vm0, $0xb8;
	[tilespmem:$0x18100] =	vst v63  }
0x35a: {  	s28 =	simm.s32 $0x3900  }
0x35b: {  	[tilespmem:s28], [sflag:$0x1] =	stream.indirect_vreg.gather [hbm4b:s11+s3], $0x80, v2, vm0, $0xb8;
	[tilespmem:$0x18100] =	vst v63  }
0x35c: {  	s28 =	simm.s32 $0x4100  }
0x35d: {  	[tilespmem:s28], [sflag:$0x1] =	stream.indirect_vreg.gather [hbm4b:s12+s3], $0x80, v2, vm0, $0xb8;
	[tilespmem:$0x18100] =	vst v63  }
0x35e: {  	s28 =	simm.s32 $0x4900  }
0x35f: {  	[tilespmem:s28], [sflag:$0x1] =	stream.indirect_vreg.gather [hbm4b:s13+s3], $0x80, v2, vm0, $0xb8;
	[tilespmem:$0x18100] =	vst v63  }
0x360: {  	s28 =	simm.s32 $0x5100  }
0x361: {  	[tilespmem:s28], [sflag:$0x1] =	stream.indirect_vreg.gather [hbm4b:s14+s3], $0x80, v2, vm0, $0xb8;
	[tilespmem:$0x18100] =	vst v63  }
0x362: {  	s28 =	simm.s32 $0x5900  }
0x363: {  	[tilespmem:s28], [sflag:$0x1] =	stream.indirect_vreg.gather [hbm4b:s15+s3], $0x80, v2, vm0, $0xb8;
	[tilespmem:$0x18100] =	vst v63  }
0x364: {  	s28 =	simm.s32 $0x6100  }
0x365: {  	[tilespmem:s28], [sflag:$0x1] =	stream.indirect_vreg.gather [hbm4b:s16+s3], $0x80, v2, vm0, $0xb8;
	[tilespmem:$0x18100] =	vst v63  }
0x366: {  	s28 =	simm.s32 $0x6900  }
0x367: {  	[tilespmem:s28], [sflag:$0x1] =	stream.indirect_vreg.gather [hbm4b:s17+s3], $0x80, v2, vm0, $0xb8;
	[tilespmem:$0x18100] =	vst v63  }
0x368: {  	s28 =	simm.s32 $0x7100  }
0x369: {  	[tilespmem:s28], [sflag:$0x1] =	stream.indirect_vreg.gather [hbm4b:s18+s3], $0x80, v2, vm0, $0xb8;
	[tilespmem:$0x18100] =	vst v63  }
0x36a: {  	s28 =	simm.s32 $0x7900  }
0x36b: {  	[tilespmem:s28], [sflag:$0x1] =	stream.indirect_vreg.gather [hbm4b:s19+s3], $0x80, v2, vm0, $0xb8;
	[tilespmem:$0x18100] =	vst v63  }
0x36c: {  	_ =	swait.ge [sflag:s23], $0x8000  }
0x36d: {  	[sflag:s23] =	ssyncset.done $0x0  }
0x36e: {  	s28 =	rddreg [dreg:$0x15];
	[sflag:s23] =	ssyncadd.s32 $0xFFFF8000  }
0x36f: {  	[hbm4b:s28+s3] =	stream.linear.scatter [tilespmem:s29], [sflag:$0x6], $0x8000, $0x38;
	[tilespmem:$0x18100] =	vst v63  }
0x370: {  	_ =	swait.ge [sflag:s24], $0x8000  }
0x371: {  	[sflag:s24] =	ssyncset.done $0x0  }
0x372: {  	[sflag:s24] =	ssyncadd.s32 $0xFFFF8000  }
0x373: {  	v2 =	vld.msk [tilespmem:$0x98], $0xff;
	_ =	sdelay $0x4  }
0x374: {  	v3 =	vshll.u32 v2, $0x5  }
0x375: {  	v2 =	vand.u32 $0x7, v2;
	v3 =	vand.u32 $0xFFFFFF00, v3  }
0x376: {  	v2 =	vor.u32 v2, v3  }
0x377: {  	v2 =	vperm.xlane v2, v0;
	_ =	sdelay $0x1  }
0x378: {  	v2 =	vadd.s32 v1, v2;
	_ =	sdelay $0x4  }
0x379: {  	[tilespmem:s26], [sflag:$0x2] =	stream.indirect_vreg.gather [hbm4b:s22+s3], $0x80, v2, vm0, $0xb8;
	[tilespmem:$0x18100] =	vst v63  }
0x37a: {  	s28 =	simm.s32 $0x8900  }
0x37b: {  	[tilespmem:s28], [sflag:$0x2] =	stream.indirect_vreg.gather [hbm4b:s5+s3], $0x80, v2, vm0, $0xb8;
	[tilespmem:$0x18100] =	vst v63  }
0x37c: {  	s28 =	simm.s32 $0x9100  }
0x37d: {  	[tilespmem:s28], [sflag:$0x2] =	stream.indirect_vreg.gather [hbm4b:s6+s3], $0x80, v2, vm0, $0xb8;
	[tilespmem:$0x18100] =	vst v63  }
0x37e: {  	s28 =	simm.s32 $0x9900  }
0x37f: {  	[tilespmem:s28], [sflag:$0x2] =	stream.indirect_vreg.gather [hbm4b:s7+s3], $0x80, v2, vm0, $0xb8;
	[tilespmem:$0x18100] =	vst v63  }
0x380: {  	s28 =	simm.s32 $0xA100  }
0x381: {  	[tilespmem:s28], [sflag:$0x2] =	stream.indirect_vreg.gather [hbm4b:s8+s3], $0x80, v2, vm0, $0xb8;
	[tilespmem:$0x18100] =	vst v63  }
0x382: {  	s28 =	simm.s32 $0xA900  }
0x383: {  	[tilespmem:s28], [sflag:$0x2] =	stream.indirect_vreg.gather [hbm4b:s9+s3], $0x80, v2, vm0, $0xb8;
	[tilespmem:$0x18100] =	vst v63  }
0x384: {  	s28 =	simm.s32 $0xB100  }
0x385: {  	[tilespmem:s28], [sflag:$0x2] =	stream.indirect_vreg.gather [hbm4b:s10+s3], $0x80, v2, vm0, $0xb8;
	[tilespmem:$0x18100] =	vst v63  }
0x386: {  	s28 =	simm.s32 $0xB900  }
0x387: {  	[tilespmem:s28], [sflag:$0x2] =	stream.indirect_vreg.gather [hbm4b:s11+s3], $0x80, v2, vm0, $0xb8;
	[tilespmem:$0x18100] =	vst v63  }
0x388: {  	s28 =	simm.s32 $0xC100  }
0x389: {  	[tilespmem:s28], [sflag:$0x2] =	stream.indirect_vreg.gather [hbm4b:s12+s3], $0x80, v2, vm0, $0xb8;
	[tilespmem:$0x18100] =	vst v63  }
0x38a: {  	s28 =	simm.s32 $0xC900  }
0x38b: {  	[tilespmem:s28], [sflag:$0x2] =	stream.indirect_vreg.gather [hbm4b:s13+s3], $0x80, v2, vm0, $0xb8;
	[tilespmem:$0x18100] =	vst v63  }
0x38c: {  	s28 =	simm.s32 $0xD100  }
0x38d: {  	[tilespmem:s28], [sflag:$0x2] =	stream.indirect_vreg.gather [hbm4b:s14+s3], $0x80, v2, vm0, $0xb8;
	[tilespmem:$0x18100] =	vst v63  }
0x38e: {  	s28 =	simm.s32 $0xD900  }
0x38f: {  	[tilespmem:s28], [sflag:$0x2] =	stream.indirect_vreg.gather [hbm4b:s15+s3], $0x80, v2, vm0, $0xb8;
	[tilespmem:$0x18100] =	vst v63  }
0x390: {  	s28 =	simm.s32 $0xE100  }
0x391: {  	[tilespmem:s28], [sflag:$0x2] =	stream.indirect_vreg.gather [hbm4b:s16+s3], $0x80, v2, vm0, $0xb8;
	[tilespmem:$0x18100] =	vst v63  }
0x392: {  	s28 =	simm.s32 $0xE900  }
0x393: {  	[tilespmem:s28], [sflag:$0x2] =	stream.indirect_vreg.gather [hbm4b:s17+s3], $0x80, v2, vm0, $0xb8;
	[tilespmem:$0x18100] =	vst v63  }
0x394: {  	s28 =	simm.s32 $0xF100  }
0x395: {  	[tilespmem:s28], [sflag:$0x2] =	stream.indirect_vreg.gather [hbm4b:s18+s3], $0x80, v2, vm0, $0xb8;
	[tilespmem:$0x18100] =	vst v63  }
0x396: {  	s28 =	simm.s32 $0xF900  }
0x397: {  	[tilespmem:s28], [sflag:$0x2] =	stream.indirect_vreg.gather [hbm4b:s19+s3], $0x80, v2, vm0, $0xb8;
	[tilespmem:$0x18100] =	vst v63  }
0x398: {  	_ =	swait.ge [sflag:s2], $0x8000  }
0x399: {  	[sflag:s2] =	ssyncset.done $0x0  }
0x39a: {  	s28 =	rddreg [dreg:$0x16];
	[sflag:s2] =	ssyncadd.s32 $0xFFFF8000  }
0x39b: {  	[hbm4b:s28+s3] =	stream.linear.scatter [tilespmem:s0], [sflag:$0x4], $0x8000, $0x38;
	[tilespmem:$0x18100] =	vst v63  }
0x39c: {  	_ =	swait.ge [sflag:s25], $0x8000  }
0x39d: {  	[sflag:s25] =	ssyncset.done $0x0  }
0x39e: {  	[sflag:s25] =	ssyncadd.s32 $0xFFFF8000  }
0x39f: {  	v2 =	vld.msk [tilespmem:$0xA0], $0xff;
	_ =	sdelay $0x4  }
0x3a0: {  	v3 =	vshll.u32 v2, $0x5  }
0x3a1: {  	v2 =	vand.u32 $0x7, v2;
	v3 =	vand.u32 $0xFFFFFF00, v3  }
0x3a2: {  	v2 =	vor.u32 v2, v3  }
0x3a3: {  	v2 =	vperm.xlane v2, v0;
	_ =	sdelay $0x1  }
0x3a4: {  	v2 =	vadd.s32 v1, v2;
	_ =	sdelay $0x4  }
0x3a5: {  	[tilespmem:s29], [sflag:$0x3] =	stream.indirect_vreg.gather [hbm4b:s22+s3], $0x80, v2, vm0, $0xb8;
	[tilespmem:$0x18100] =	vst v63  }
0x3a6: {  	s28 =	simm.s32 $0x10900  }
0x3a7: {  	[tilespmem:s28], [sflag:$0x3] =	stream.indirect_vreg.gather [hbm4b:s5+s3], $0x80, v2, vm0, $0xb8;
	[tilespmem:$0x18100] =	vst v63  }
0x3a8: {  	s1 =	simm.s32 $0x11100  }
0x3a9: {  	[tilespmem:s1], [sflag:$0x3] =	stream.indirect_vreg.gather [hbm4b:s6+s3], $0x80, v2, vm0, $0xb8;
	[tilespmem:$0x18100] =	vst v63  }
0x3aa: {  	s20 =	simm.s32 $0x11900  }
0x3ab: {  	[tilespmem:s20], [sflag:$0x3] =	stream.indirect_vreg.gather [hbm4b:s7+s3], $0x80, v2, vm0, $0xb8;
	[tilespmem:$0x18100] =	vst v63  }
0x3ac: {  	s28 =	simm.s32 $0x12100  }
0x3ad: {  	[tilespmem:s28], [sflag:$0x3] =	stream.indirect_vreg.gather [hbm4b:s8+s3], $0x80, v2, vm0, $0xb8;
	[tilespmem:$0x18100] =	vst v63  }
0x3ae: {  	s28 =	simm.s32 $0x12900  }
0x3af: {  	[tilespmem:s28], [sflag:$0x3] =	stream.indirect_vreg.gather [hbm4b:s9+s3], $0x80, v2, vm0, $0xb8;
	[tilespmem:$0x18100] =	vst v63  }
0x3b0: {  	s28 =	simm.s32 $0x13100  }
0x3b1: {  	[tilespmem:s28], [sflag:$0x3] =	stream.indirect_vreg.gather [hbm4b:s10+s3], $0x80, v2, vm0, $0xb8;
	[tilespmem:$0x18100] =	vst v63  }
0x3b2: {  	s28 =	simm.s32 $0x13900  }
0x3b3: {  	[tilespmem:s28], [sflag:$0x3] =	stream.indirect_vreg.gather [hbm4b:s11+s3], $0x80, v2, vm0, $0xb8;
	[tilespmem:$0x18100] =	vst v63  }
0x3b4: {  	s28 =	simm.s32 $0x14100  }
0x3b5: {  	[tilespmem:s28], [sflag:$0x3] =	stream.indirect_vreg.gather [hbm4b:s12+s3], $0x80, v2, vm0, $0xb8;
	[tilespmem:$0x18100] =	vst v63  }
0x3b6: {  	s28 =	simm.s32 $0x14900  }
0x3b7: {  	[tilespmem:s28], [sflag:$0x3] =	stream.indirect_vreg.gather [hbm4b:s13+s3], $0x80, v2, vm0, $0xb8;
	[tilespmem:$0x18100] =	vst v63  }
0x3b8: {  	s28 =	simm.s32 $0x15100  }
0x3b9: {  	[tilespmem:s28], [sflag:$0x3] =	stream.indirect_vreg.gather [hbm4b:s14+s3], $0x80, v2, vm0, $0xb8;
	[tilespmem:$0x18100] =	vst v63  }
0x3ba: {  	s28 =	simm.s32 $0x15900  }
0x3bb: {  	[tilespmem:s28], [sflag:$0x3] =	stream.indirect_vreg.gather [hbm4b:s15+s3], $0x80, v2, vm0, $0xb8;
	[tilespmem:$0x18100] =	vst v63  }
0x3bc: {  	s28 =	simm.s32 $0x16100  }
0x3bd: {  	[tilespmem:s28], [sflag:$0x3] =	stream.indirect_vreg.gather [hbm4b:s16+s3], $0x80, v2, vm0, $0xb8;
	[tilespmem:$0x18100] =	vst v63  }
0x3be: {  	s28 =	simm.s32 $0x16900  }
0x3bf: {  	[tilespmem:s28], [sflag:$0x3] =	stream.indirect_vreg.gather [hbm4b:s17+s3], $0x80, v2, vm0, $0xb8;
	[tilespmem:$0x18100] =	vst v63  }
0x3c0: {  	s28 =	simm.s32 $0x17100  }
0x3c1: {  	[tilespmem:s28], [sflag:$0x3] =	stream.indirect_vreg.gather [hbm4b:s18+s3], $0x80, v2, vm0, $0xb8;
	[tilespmem:$0x18100] =	vst v63  }
0x3c2: {  	s28 =	simm.s32 $0x17900  }
0x3c3: {  	[tilespmem:s28], [sflag:$0x3] =	stream.indirect_vreg.gather [hbm4b:s19+s3], $0x80, v2, vm0, $0xb8;
	[tilespmem:$0x18100] =	vst v63  }
0x3c4: {  	_ =	swait.ge [sflag:s21], $0x8000  }
0x3c5: {  	[sflag:s21] =	ssyncset.done $0x0  }
0x3c6: {  	s28 =	rddreg [dreg:$0x17];
	[sflag:s21] =	ssyncadd.s32 $0xFFFF8000  }
0x3c7: {  	[hbm4b:s28+s3] =	stream.linear.scatter [tilespmem:s26], [sflag:$0x5], $0x8000, $0x38;
	[tilespmem:$0x18100] =	vst v63  }
0x3c8: {  	_ =	swait.ge [sflag:s4], $0x8000  }
0x3c9: {  	[sflag:s4] =	ssyncset.done $0x0  }
0x3ca: {  	[sflag:s4] =	ssyncadd.s32 $0xFFFF8000  }
0x3cb: {  	v2 =	vld.msk [tilespmem:$0xA8], $0xff;
	_ =	sdelay $0x4  }
0x3cc: {  	v3 =	vshll.u32 v2, $0x5  }
0x3cd: {  	v2 =	vand.u32 $0x7, v2;
	v3 =	vand.u32 $0xFFFFFF00, v3  }
0x3ce: {  	v2 =	vor.u32 v2, v3  }
0x3cf: {  	v2 =	vperm.xlane v2, v0;
	_ =	sdelay $0x1  }
0x3d0: {  	v2 =	vadd.s32 v1, v2;
	_ =	sdelay $0x4  }
0x3d1: {  	[tilespmem:s0], [sflag:$0x1] =	stream.indirect_vreg.gather [hbm4b:s22+s3], $0x80, v2, vm0, $0xb8;
	[tilespmem:$0x18100] =	vst v63  }
0x3d2: {  	s28 =	simm.s32 $0x900  }
0x3d3: {  	[tilespmem:s28], [sflag:$0x1] =	stream.indirect_vreg.gather [hbm4b:s5+s3], $0x80, v2, vm0, $0xb8;
	[tilespmem:$0x18100] =	vst v63  }
0x3d4: {  	s28 =	simm.s32 $0x1100  }
0x3d5: {  	[tilespmem:s28], [sflag:$0x1] =	stream.indirect_vreg.gather [hbm4b:s6+s3], $0x80, v2, vm0, $0xb8;
	[tilespmem:$0x18100] =	vst v63  }
0x3d6: {  	s31 =	simm.s32 $0x1900  }
0x3d7: {  	[tilespmem:s31], [sflag:$0x1] =	stream.indirect_vreg.gather [hbm4b:s7+s3], $0x80, v2, vm0, $0xb8;
	[tilespmem:$0x18100] =	vst v63  }
0x3d8: {  	s30 =	simm.s32 $0x2100  }
0x3d9: {  	[tilespmem:s30], [sflag:$0x1] =	stream.indirect_vreg.gather [hbm4b:s8+s3], $0x80, v2, vm0, $0xb8;
	[tilespmem:$0x18100] =	vst v63  }
0x3da: {  	s28 =	simm.s32 $0x2900  }
0x3db: {  	[tilespmem:s28], [sflag:$0x1] =	stream.indirect_vreg.gather [hbm4b:s9+s3], $0x80, v2, vm0, $0xb8;
	[tilespmem:$0x18100] =	vst v63  }
0x3dc: {  	s28 =	simm.s32 $0x3100  }
0x3dd: {  	[tilespmem:s28], [sflag:$0x1] =	stream.indirect_vreg.gather [hbm4b:s10+s3], $0x80, v2, vm0, $0xb8;
	[tilespmem:$0x18100] =	vst v63  }
0x3de: {  	s28 =	simm.s32 $0x3900  }
0x3df: {  	[tilespmem:s28], [sflag:$0x1] =	stream.indirect_vreg.gather [hbm4b:s11+s3], $0x80, v2, vm0, $0xb8;
	[tilespmem:$0x18100] =	vst v63  }
0x3e0: {  	s28 =	simm.s32 $0x4100  }
0x3e1: {  	[tilespmem:s28], [sflag:$0x1] =	stream.indirect_vreg.gather [hbm4b:s12+s3], $0x80, v2, vm0, $0xb8;
	[tilespmem:$0x18100] =	vst v63  }
0x3e2: {  	s28 =	simm.s32 $0x4900  }
0x3e3: {  	[tilespmem:s28], [sflag:$0x1] =	stream.indirect_vreg.gather [hbm4b:s13+s3], $0x80, v2, vm0, $0xb8;
	[tilespmem:$0x18100] =	vst v63  }
0x3e4: {  	s28 =	simm.s32 $0x5100  }
0x3e5: {  	[tilespmem:s28], [sflag:$0x1] =	stream.indirect_vreg.gather [hbm4b:s14+s3], $0x80, v2, vm0, $0xb8;
	[tilespmem:$0x18100] =	vst v63  }
0x3e6: {  	s28 =	simm.s32 $0x5900  }
0x3e7: {  	[tilespmem:s28], [sflag:$0x1] =	stream.indirect_vreg.gather [hbm4b:s15+s3], $0x80, v2, vm0, $0xb8;
	[tilespmem:$0x18100] =	vst v63  }
0x3e8: {  	s28 =	simm.s32 $0x6100  }
0x3e9: {  	[tilespmem:s28], [sflag:$0x1] =	stream.indirect_vreg.gather [hbm4b:s16+s3], $0x80, v2, vm0, $0xb8;
	[tilespmem:$0x18100] =	vst v63  }
0x3ea: {  	s28 =	simm.s32 $0x6900  }
0x3eb: {  	[tilespmem:s28], [sflag:$0x1] =	stream.indirect_vreg.gather [hbm4b:s17+s3], $0x80, v2, vm0, $0xb8;
	[tilespmem:$0x18100] =	vst v63  }
0x3ec: {  	s28 =	simm.s32 $0x7100  }
0x3ed: {  	[tilespmem:s28], [sflag:$0x1] =	stream.indirect_vreg.gather [hbm4b:s18+s3], $0x80, v2, vm0, $0xb8;
	[tilespmem:$0x18100] =	vst v63  }
0x3ee: {  	s28 =	simm.s32 $0x7900  }
0x3ef: {  	[tilespmem:s28], [sflag:$0x1] =	stream.indirect_vreg.gather [hbm4b:s19+s3], $0x80, v2, vm0, $0xb8;
	[tilespmem:$0x18100] =	vst v63  }
0x3f0: {  	_ =	swait.ge [sflag:s23], $0x8000  }
0x3f1: {  	[sflag:s23] =	ssyncset.done $0x0  }
0x3f2: {  	s28 =	rddreg [dreg:$0x18];
	[sflag:s23] =	ssyncadd.s32 $0xFFFF8000  }
0x3f3: {  	[hbm4b:s28+s3] =	stream.linear.scatter [tilespmem:s29], [sflag:$0x6], $0x8000, $0x38;
	[tilespmem:$0x18100] =	vst v63  }
0x3f4: {  	_ =	swait.ge [sflag:s24], $0x8000  }
0x3f5: {  	[sflag:s24] =	ssyncset.done $0x0  }
0x3f6: {  	[sflag:s24] =	ssyncadd.s32 $0xFFFF8000  }
0x3f7: {  	v2 =	vld.msk [tilespmem:$0xB0], $0xff;
	_ =	sdelay $0x4  }
0x3f8: {  	v3 =	vshll.u32 v2, $0x5  }
0x3f9: {  	v2 =	vand.u32 $0x7, v2;
	v3 =	vand.u32 $0xFFFFFF00, v3  }
0x3fa: {  	v2 =	vor.u32 v2, v3  }
0x3fb: {  	v2 =	vperm.xlane v2, v0;
	_ =	sdelay $0x1  }
0x3fc: {  	v2 =	vadd.s32 v1, v2;
	_ =	sdelay $0x4  }
0x3fd: {  	[tilespmem:s26], [sflag:$0x2] =	stream.indirect_vreg.gather [hbm4b:s22+s3], $0x80, v2, vm0, $0xb8;
	[tilespmem:$0x18100] =	vst v63  }
0x3fe: {  	s28 =	simm.s32 $0x8900  }
0x3ff: {  	[tilespmem:s28], [sflag:$0x2] =	stream.indirect_vreg.gather [hbm4b:s5+s3], $0x80, v2, vm0, $0xb8;
	[tilespmem:$0x18100] =	vst v63  }
0x400: {  	s28 =	simm.s32 $0x9100  }
0x401: {  	[tilespmem:s28], [sflag:$0x2] =	stream.indirect_vreg.gather [hbm4b:s6+s3], $0x80, v2, vm0, $0xb8;
	[tilespmem:$0x18100] =	vst v63  }
0x402: {  	s28 =	simm.s32 $0x9900  }
0x403: {  	[tilespmem:s28], [sflag:$0x2] =	stream.indirect_vreg.gather [hbm4b:s7+s3], $0x80, v2, vm0, $0xb8;
	[tilespmem:$0x18100] =	vst v63  }
0x404: {  	s28 =	simm.s32 $0xA100  }
0x405: {  	[tilespmem:s28], [sflag:$0x2] =	stream.indirect_vreg.gather [hbm4b:s8+s3], $0x80, v2, vm0, $0xb8;
	[tilespmem:$0x18100] =	vst v63  }
0x406: {  	s28 =	simm.s32 $0xA900  }
0x407: {  	[tilespmem:s28], [sflag:$0x2] =	stream.indirect_vreg.gather [hbm4b:s9+s3], $0x80, v2, vm0, $0xb8;
	[tilespmem:$0x18100] =	vst v63  }
0x408: {  	s28 =	simm.s32 $0xB100  }
0x409: {  	[tilespmem:s28], [sflag:$0x2] =	stream.indirect_vreg.gather [hbm4b:s10+s3], $0x80, v2, vm0, $0xb8;
	[tilespmem:$0x18100] =	vst v63  }
0x40a: {  	s28 =	simm.s32 $0xB900  }
0x40b: {  	[tilespmem:s28], [sflag:$0x2] =	stream.indirect_vreg.gather [hbm4b:s11+s3], $0x80, v2, vm0, $0xb8;
	[tilespmem:$0x18100] =	vst v63  }
0x40c: {  	s28 =	simm.s32 $0xC100  }
0x40d: {  	[tilespmem:s28], [sflag:$0x2] =	stream.indirect_vreg.gather [hbm4b:s12+s3], $0x80, v2, vm0, $0xb8;
	[tilespmem:$0x18100] =	vst v63  }
0x40e: {  	s28 =	simm.s32 $0xC900  }
0x40f: {  	[tilespmem:s28], [sflag:$0x2] =	stream.indirect_vreg.gather [hbm4b:s13+s3], $0x80, v2, vm0, $0xb8;
	[tilespmem:$0x18100] =	vst v63  }
0x410: {  	s28 =	simm.s32 $0xD100  }
0x411: {  	[tilespmem:s28], [sflag:$0x2] =	stream.indirect_vreg.gather [hbm4b:s14+s3], $0x80, v2, vm0, $0xb8;
	[tilespmem:$0x18100] =	vst v63  }
0x412: {  	s28 =	simm.s32 $0xD900  }
0x413: {  	[tilespmem:s28], [sflag:$0x2] =	stream.indirect_vreg.gather [hbm4b:s15+s3], $0x80, v2, vm0, $0xb8;
	[tilespmem:$0x18100] =	vst v63  }
0x414: {  	s28 =	simm.s32 $0xE100  }
0x415: {  	[tilespmem:s28], [sflag:$0x2] =	stream.indirect_vreg.gather [hbm4b:s16+s3], $0x80, v2, vm0, $0xb8;
	[tilespmem:$0x18100] =	vst v63  }
0x416: {  	s28 =	simm.s32 $0xE900  }
0x417: {  	[tilespmem:s28], [sflag:$0x2] =	stream.indirect_vreg.gather [hbm4b:s17+s3], $0x80, v2, vm0, $0xb8;
	[tilespmem:$0x18100] =	vst v63  }
0x418: {  	s28 =	simm.s32 $0xF100  }
0x419: {  	[tilespmem:s28], [sflag:$0x2] =	stream.indirect_vreg.gather [hbm4b:s18+s3], $0x80, v2, vm0, $0xb8;
	[tilespmem:$0x18100] =	vst v63  }
0x41a: {  	s28 =	simm.s32 $0xF900  }
0x41b: {  	[tilespmem:s28], [sflag:$0x2] =	stream.indirect_vreg.gather [hbm4b:s19+s3], $0x80, v2, vm0, $0xb8;
	[tilespmem:$0x18100] =	vst v63  }
0x41c: {  	_ =	swait.ge [sflag:s2], $0x8000  }
0x41d: {  	[sflag:s2] =	ssyncset.done $0x0  }
0x41e: {  	s28 =	rddreg [dreg:$0x19];
	[sflag:s2] =	ssyncadd.s32 $0xFFFF8000  }
0x41f: {  	[hbm4b:s28+s3] =	stream.linear.scatter [tilespmem:s0], [sflag:$0x4], $0x8000, $0x38;
	[tilespmem:$0x18100] =	vst v63  }
0x420: {  	_ =	swait.ge [sflag:s25], $0x8000  }
0x421: {  	[sflag:s25] =	ssyncset.done $0x0  }
0x422: {  	[sflag:s25] =	ssyncadd.s32 $0xFFFF8000  }
0x423: {  	v2 =	vld.msk [tilespmem:$0xB8], $0xff;
	_ =	sdelay $0x4  }
0x424: {  	v3 =	vshll.u32 v2, $0x5  }
0x425: {  	v2 =	vand.u32 $0x7, v2;
	v3 =	vand.u32 $0xFFFFFF00, v3  }
0x426: {  	v2 =	vor.u32 v2, v3  }
0x427: {  	v2 =	vperm.xlane v2, v0;
	_ =	sdelay $0x1  }
0x428: {  	v2 =	vadd.s32 v1, v2;
	_ =	sdelay $0x4  }
0x429: {  	[tilespmem:s29], [sflag:$0x3] =	stream.indirect_vreg.gather [hbm4b:s22+s3], $0x80, v2, vm0, $0xb8;
	[tilespmem:$0x18100] =	vst v63  }
0x42a: {  	s28 =	simm.s32 $0x10900  }
0x42b: {  	[tilespmem:s28], [sflag:$0x3] =	stream.indirect_vreg.gather [hbm4b:s5+s3], $0x80, v2, vm0, $0xb8;
	[tilespmem:$0x18100] =	vst v63  }
0x42c: {  	s1 =	simm.s32 $0x11100  }
0x42d: {  	[tilespmem:s1], [sflag:$0x3] =	stream.indirect_vreg.gather [hbm4b:s6+s3], $0x80, v2, vm0, $0xb8;
	[tilespmem:$0x18100] =	vst v63  }
0x42e: {  	s20 =	simm.s32 $0x11900  }
0x42f: {  	[tilespmem:s20], [sflag:$0x3] =	stream.indirect_vreg.gather [hbm4b:s7+s3], $0x80, v2, vm0, $0xb8;
	[tilespmem:$0x18100] =	vst v63  }
0x430: {  	s20 =	simm.s32 $0x12100  }
0x431: {  	[tilespmem:s20], [sflag:$0x3] =	stream.indirect_vreg.gather [hbm4b:s8+s3], $0x80, v2, vm0, $0xb8;
	[tilespmem:$0x18100] =	vst v63  }
0x432: {  	s28 =	simm.s32 $0x12900  }
0x433: {  	[tilespmem:s28], [sflag:$0x3] =	stream.indirect_vreg.gather [hbm4b:s9+s3], $0x80, v2, vm0, $0xb8;
	[tilespmem:$0x18100] =	vst v63  }
0x434: {  	s20 =	simm.s32 $0x13100  }
0x435: {  	[tilespmem:s20], [sflag:$0x3] =	stream.indirect_vreg.gather [hbm4b:s10+s3], $0x80, v2, vm0, $0xb8;
	[tilespmem:$0x18100] =	vst v63  }
0x436: {  	s28 =	simm.s32 $0x13900  }
0x437: {  	[tilespmem:s28], [sflag:$0x3] =	stream.indirect_vreg.gather [hbm4b:s11+s3], $0x80, v2, vm0, $0xb8;
	[tilespmem:$0x18100] =	vst v63  }
0x438: {  	s20 =	simm.s32 $0x14100  }
0x439: {  	[tilespmem:s20], [sflag:$0x3] =	stream.indirect_vreg.gather [hbm4b:s12+s3], $0x80, v2, vm0, $0xb8;
	[tilespmem:$0x18100] =	vst v63  }
0x43a: {  	s28 =	simm.s32 $0x14900  }
0x43b: {  	[tilespmem:s28], [sflag:$0x3] =	stream.indirect_vreg.gather [hbm4b:s13+s3], $0x80, v2, vm0, $0xb8;
	[tilespmem:$0x18100] =	vst v63  }
0x43c: {  	s20 =	simm.s32 $0x15100  }
0x43d: {  	[tilespmem:s20], [sflag:$0x3] =	stream.indirect_vreg.gather [hbm4b:s14+s3], $0x80, v2, vm0, $0xb8;
	[tilespmem:$0x18100] =	vst v63  }
0x43e: {  	s28 =	simm.s32 $0x15900  }
0x43f: {  	[tilespmem:s28], [sflag:$0x3] =	stream.indirect_vreg.gather [hbm4b:s15+s3], $0x80, v2, vm0, $0xb8;
	[tilespmem:$0x18100] =	vst v63  }
0x440: {  	s20 =	simm.s32 $0x16100  }
0x441: {  	[tilespmem:s20], [sflag:$0x3] =	stream.indirect_vreg.gather [hbm4b:s16+s3], $0x80, v2, vm0, $0xb8;
	[tilespmem:$0x18100] =	vst v63  }
0x442: {  	s28 =	simm.s32 $0x16900  }
0x443: {  	[tilespmem:s28], [sflag:$0x3] =	stream.indirect_vreg.gather [hbm4b:s17+s3], $0x80, v2, vm0, $0xb8;
	[tilespmem:$0x18100] =	vst v63  }
0x444: {  	s20 =	simm.s32 $0x17100  }
0x445: {  	[tilespmem:s20], [sflag:$0x3] =	stream.indirect_vreg.gather [hbm4b:s18+s3], $0x80, v2, vm0, $0xb8;
	[tilespmem:$0x18100] =	vst v63  }
0x446: {  	s28 =	simm.s32 $0x17900  }
0x447: {  	[tilespmem:s28], [sflag:$0x3] =	stream.indirect_vreg.gather [hbm4b:s19+s3], $0x80, v2, vm0, $0xb8;
	[tilespmem:$0x18100] =	vst v63  }
0x448: {  	_ =	swait.ge [sflag:s21], $0x8000  }
0x449: {  	[sflag:s21] =	ssyncset.done $0x0  }
0x44a: {  	s20 =	rddreg [dreg:$0x1a];
	[sflag:s21] =	ssyncadd.s32 $0xFFFF8000  }
0x44b: {  	[hbm4b:s20+s3] =	stream.linear.scatter [tilespmem:s26], [sflag:$0x5], $0x8000, $0x38;
	[tilespmem:$0x18100] =	vst v63  }
0x44c: {  	_ =	swait.ge [sflag:s4], $0x8000  }
0x44d: {  	[sflag:s4] =	ssyncset.done $0x0  }
0x44e: {  	[sflag:s4] =	ssyncadd.s32 $0xFFFF8000  }
0x44f: {  	v2 =	vld.msk [tilespmem:$0xC0], $0xff;
	_ =	sdelay $0x4  }
0x450: {  	v3 =	vshll.u32 v2, $0x5  }
0x451: {  	v2 =	vand.u32 $0x7, v2;
	v3 =	vand.u32 $0xFFFFFF00, v3  }
0x452: {  	v2 =	vor.u32 v2, v3  }
0x453: {  	v2 =	vperm.xlane v2, v0;
	_ =	sdelay $0x1  }
0x454: {  	v2 =	vadd.s32 v1, v2;
	_ =	sdelay $0x4  }
0x455: {  	[tilespmem:s0], [sflag:$0x1] =	stream.indirect_vreg.gather [hbm4b:s22+s3], $0x80, v2, vm0, $0xb8;
	[tilespmem:$0x18100] =	vst v63  }
0x456: {  	s28 =	simm.s32 $0x900  }
0x457: {  	[tilespmem:s28], [sflag:$0x1] =	stream.indirect_vreg.gather [hbm4b:s5+s3], $0x80, v2, vm0, $0xb8;
	[tilespmem:$0x18100] =	vst v63  }
0x458: {  	s20 =	simm.s32 $0x1100  }
0x459: {  	[tilespmem:s20], [sflag:$0x1] =	stream.indirect_vreg.gather [hbm4b:s6+s3], $0x80, v2, vm0, $0xb8;
	[tilespmem:$0x18100] =	vst v63  }
0x45a: {  	s31 =	simm.s32 $0x1900  }
0x45b: {  	[tilespmem:s31], [sflag:$0x1] =	stream.indirect_vreg.gather [hbm4b:s7+s3], $0x80, v2, vm0, $0xb8;
	[tilespmem:$0x18100] =	vst v63  }
0x45c: {  	s30 =	simm.s32 $0x2100  }
0x45d: {  	[tilespmem:s30], [sflag:$0x1] =	stream.indirect_vreg.gather [hbm4b:s8+s3], $0x80, v2, vm0, $0xb8;
	[tilespmem:$0x18100] =	vst v63  }
0x45e: {  	s28 =	simm.s32 $0x2900  }
0x45f: {  	[tilespmem:s28], [sflag:$0x1] =	stream.indirect_vreg.gather [hbm4b:s9+s3], $0x80, v2, vm0, $0xb8;
	[tilespmem:$0x18100] =	vst v63  }
0x460: {  	s30 =	simm.s32 $0x3100  }
0x461: {  	[tilespmem:s30], [sflag:$0x1] =	stream.indirect_vreg.gather [hbm4b:s10+s3], $0x80, v2, vm0, $0xb8;
	[tilespmem:$0x18100] =	vst v63  }
0x462: {  	s31 =	simm.s32 $0x3900  }
0x463: {  	[tilespmem:s31], [sflag:$0x1] =	stream.indirect_vreg.gather [hbm4b:s11+s3], $0x80, v2, vm0, $0xb8;
	[tilespmem:$0x18100] =	vst v63  }
0x464: {  	s20 =	simm.s32 $0x4100  }
0x465: {  	[tilespmem:s20], [sflag:$0x1] =	stream.indirect_vreg.gather [hbm4b:s12+s3], $0x80, v2, vm0, $0xb8;
	[tilespmem:$0x18100] =	vst v63  }
0x466: {  	s28 =	simm.s32 $0x4900  }
0x467: {  	[tilespmem:s28], [sflag:$0x1] =	stream.indirect_vreg.gather [hbm4b:s13+s3], $0x80, v2, vm0, $0xb8;
	[tilespmem:$0x18100] =	vst v63  }
0x468: {  	s30 =	simm.s32 $0x5100  }
0x469: {  	[tilespmem:s30], [sflag:$0x1] =	stream.indirect_vreg.gather [hbm4b:s14+s3], $0x80, v2, vm0, $0xb8;
	[tilespmem:$0x18100] =	vst v63  }
0x46a: {  	s31 =	simm.s32 $0x5900  }
0x46b: {  	[tilespmem:s31], [sflag:$0x1] =	stream.indirect_vreg.gather [hbm4b:s15+s3], $0x80, v2, vm0, $0xb8;
	[tilespmem:$0x18100] =	vst v63  }
0x46c: {  	s20 =	simm.s32 $0x6100  }
0x46d: {  	[tilespmem:s20], [sflag:$0x1] =	stream.indirect_vreg.gather [hbm4b:s16+s3], $0x80, v2, vm0, $0xb8;
	[tilespmem:$0x18100] =	vst v63  }
0x46e: {  	s28 =	simm.s32 $0x6900  }
0x46f: {  	[tilespmem:s28], [sflag:$0x1] =	stream.indirect_vreg.gather [hbm4b:s17+s3], $0x80, v2, vm0, $0xb8;
	[tilespmem:$0x18100] =	vst v63  }
0x470: {  	s30 =	simm.s32 $0x7100  }
0x471: {  	[tilespmem:s30], [sflag:$0x1] =	stream.indirect_vreg.gather [hbm4b:s18+s3], $0x80, v2, vm0, $0xb8;
	[tilespmem:$0x18100] =	vst v63  }
0x472: {  	s31 =	simm.s32 $0x7900  }
0x473: {  	[tilespmem:s31], [sflag:$0x1] =	stream.indirect_vreg.gather [hbm4b:s19+s3], $0x80, v2, vm0, $0xb8;
	[tilespmem:$0x18100] =	vst v63  }
0x474: {  	_ =	swait.ge [sflag:s23], $0x8000  }
0x475: {  	[sflag:s23] =	ssyncset.done $0x0  }
0x476: {  	s20 =	rddreg [dreg:$0x1b];
	[sflag:s23] =	ssyncadd.s32 $0xFFFF8000  }
0x477: {  	[hbm4b:s20+s3] =	stream.linear.scatter [tilespmem:s29], [sflag:$0x6], $0x8000, $0x38;
	[tilespmem:$0x18100] =	vst v63  }
0x478: {  	_ =	swait.ge [sflag:s24], $0x8000  }
0x479: {  	[sflag:s24] =	ssyncset.done $0x0  }
0x47a: {  	[sflag:s24] =	ssyncadd.s32 $0xFFFF8000  }
0x47b: {  	v2 =	vld.msk [tilespmem:$0xC8], $0xff;
	_ =	sdelay $0x4  }
0x47c: {  	v3 =	vshll.u32 v2, $0x5  }
0x47d: {  	v2 =	vand.u32 $0x7, v2;
	v3 =	vand.u32 $0xFFFFFF00, v3  }
0x47e: {  	v2 =	vor.u32 v2, v3  }
0x47f: {  	v2 =	vperm.xlane v2, v0;
	_ =	sdelay $0x1  }
0x480: {  	v2 =	vadd.s32 v1, v2;
	_ =	sdelay $0x4  }
0x481: {  	[tilespmem:s26], [sflag:$0x2] =	stream.indirect_vreg.gather [hbm4b:s22+s3], $0x80, v2, vm0, $0xb8;
	[tilespmem:$0x18100] =	vst v63  }
0x482: {  	s28 =	simm.s32 $0x8900  }
0x483: {  	[tilespmem:s28], [sflag:$0x2] =	stream.indirect_vreg.gather [hbm4b:s5+s3], $0x80, v2, vm0, $0xb8;
	[tilespmem:$0x18100] =	vst v63  }
0x484: {  	s30 =	simm.s32 $0x9100  }
0x485: {  	[tilespmem:s30], [sflag:$0x2] =	stream.indirect_vreg.gather [hbm4b:s6+s3], $0x80, v2, vm0, $0xb8;
	[tilespmem:$0x18100] =	vst v63  }
0x486: {  	s31 =	simm.s32 $0x9900  }
0x487: {  	[tilespmem:s31], [sflag:$0x2] =	stream.indirect_vreg.gather [hbm4b:s7+s3], $0x80, v2, vm0, $0xb8;
	[tilespmem:$0x18100] =	vst v63  }
0x488: {  	s20 =	simm.s32 $0xA100  }
0x489: {  	[tilespmem:s20], [sflag:$0x2] =	stream.indirect_vreg.gather [hbm4b:s8+s3], $0x80, v2, vm0, $0xb8;
	[tilespmem:$0x18100] =	vst v63  }
0x48a: {  	s28 =	simm.s32 $0xA900  }
0x48b: {  	[tilespmem:s28], [sflag:$0x2] =	stream.indirect_vreg.gather [hbm4b:s9+s3], $0x80, v2, vm0, $0xb8;
	[tilespmem:$0x18100] =	vst v63  }
0x48c: {  	s30 =	simm.s32 $0xB100  }
0x48d: {  	[tilespmem:s30], [sflag:$0x2] =	stream.indirect_vreg.gather [hbm4b:s10+s3], $0x80, v2, vm0, $0xb8;
	[tilespmem:$0x18100] =	vst v63  }
0x48e: {  	s31 =	simm.s32 $0xB900  }
0x48f: {  	[tilespmem:s31], [sflag:$0x2] =	stream.indirect_vreg.gather [hbm4b:s11+s3], $0x80, v2, vm0, $0xb8;
	[tilespmem:$0x18100] =	vst v63  }
0x490: {  	s20 =	simm.s32 $0xC100  }
0x491: {  	[tilespmem:s20], [sflag:$0x2] =	stream.indirect_vreg.gather [hbm4b:s12+s3], $0x80, v2, vm0, $0xb8;
	[tilespmem:$0x18100] =	vst v63  }
0x492: {  	s28 =	simm.s32 $0xC900  }
0x493: {  	[tilespmem:s28], [sflag:$0x2] =	stream.indirect_vreg.gather [hbm4b:s13+s3], $0x80, v2, vm0, $0xb8;
	[tilespmem:$0x18100] =	vst v63  }
0x494: {  	s30 =	simm.s32 $0xD100  }
0x495: {  	[tilespmem:s30], [sflag:$0x2] =	stream.indirect_vreg.gather [hbm4b:s14+s3], $0x80, v2, vm0, $0xb8;
	[tilespmem:$0x18100] =	vst v63  }
0x496: {  	s31 =	simm.s32 $0xD900  }
0x497: {  	[tilespmem:s31], [sflag:$0x2] =	stream.indirect_vreg.gather [hbm4b:s15+s3], $0x80, v2, vm0, $0xb8;
	[tilespmem:$0x18100] =	vst v63  }
0x498: {  	s20 =	simm.s32 $0xE100  }
0x499: {  	[tilespmem:s20], [sflag:$0x2] =	stream.indirect_vreg.gather [hbm4b:s16+s3], $0x80, v2, vm0, $0xb8;
	[tilespmem:$0x18100] =	vst v63  }
0x49a: {  	s28 =	simm.s32 $0xE900  }
0x49b: {  	[tilespmem:s28], [sflag:$0x2] =	stream.indirect_vreg.gather [hbm4b:s17+s3], $0x80, v2, vm0, $0xb8;
	[tilespmem:$0x18100] =	vst v63  }
0x49c: {  	s30 =	simm.s32 $0xF100  }
0x49d: {  	[tilespmem:s30], [sflag:$0x2] =	stream.indirect_vreg.gather [hbm4b:s18+s3], $0x80, v2, vm0, $0xb8;
	[tilespmem:$0x18100] =	vst v63  }
0x49e: {  	s31 =	simm.s32 $0xF900  }
0x49f: {  	[tilespmem:s31], [sflag:$0x2] =	stream.indirect_vreg.gather [hbm4b:s19+s3], $0x80, v2, vm0, $0xb8;
	[tilespmem:$0x18100] =	vst v63  }
0x4a0: {  	_ =	swait.ge [sflag:s2], $0x8000  }
0x4a1: {  	[sflag:s2] =	ssyncset.done $0x0  }
0x4a2: {  	s1 =	rddreg [dreg:$0x1c];
	[sflag:s2] =	ssyncadd.s32 $0xFFFF8000  }
0x4a3: {  	[hbm4b:s1+s3] =	stream.linear.scatter [tilespmem:s0], [sflag:$0x4], $0x8000, $0x38;
	[tilespmem:$0x18100] =	vst v63  }
0x4a4: {  	_ =	swait.ge [sflag:s25], $0x8000  }
0x4a5: {  	[sflag:s25] =	ssyncset.done $0x0  }
0x4a6: {  	[sflag:s25] =	ssyncadd.s32 $0xFFFF8000  }
0x4a7: {  	v2 =	vld.msk [tilespmem:$0xD0], $0xff;
	_ =	sdelay $0x4  }
0x4a8: {  	v3 =	vshll.u32 v2, $0x5  }
0x4a9: {  	v2 =	vand.u32 $0x7, v2;
	v3 =	vand.u32 $0xFFFFFF00, v3  }
0x4aa: {  	v2 =	vor.u32 v2, v3  }
0x4ab: {  	v2 =	vperm.xlane v2, v0;
	_ =	sdelay $0x1  }
0x4ac: {  	v2 =	vadd.s32 v1, v2;
	_ =	sdelay $0x4  }
0x4ad: {  	[tilespmem:s29], [sflag:$0x3] =	stream.indirect_vreg.gather [hbm4b:s22+s3], $0x80, v2, vm0, $0xb8;
	[tilespmem:$0x18100] =	vst v63  }
0x4ae: {  	s20 =	simm.s32 $0x10900  }
0x4af: {  	[tilespmem:s20], [sflag:$0x3] =	stream.indirect_vreg.gather [hbm4b:s5+s3], $0x80, v2, vm0, $0xb8;
	[tilespmem:$0x18100] =	vst v63  }
0x4b0: {  	s28 =	simm.s32 $0x11100  }
0x4b1: {  	[tilespmem:s28], [sflag:$0x3] =	stream.indirect_vreg.gather [hbm4b:s6+s3], $0x80, v2, vm0, $0xb8;
	[tilespmem:$0x18100] =	vst v63  }
0x4b2: {  	s30 =	simm.s32 $0x11900  }
0x4b3: {  	[tilespmem:s30], [sflag:$0x3] =	stream.indirect_vreg.gather [hbm4b:s7+s3], $0x80, v2, vm0, $0xb8;
	[tilespmem:$0x18100] =	vst v63  }
0x4b4: {  	s31 =	simm.s32 $0x12100  }
0x4b5: {  	[tilespmem:s31], [sflag:$0x3] =	stream.indirect_vreg.gather [hbm4b:s8+s3], $0x80, v2, vm0, $0xb8;
	[tilespmem:$0x18100] =	vst v63  }
0x4b6: {  	s28 =	simm.s32 $0x12900  }
0x4b7: {  	[tilespmem:s28], [sflag:$0x3] =	stream.indirect_vreg.gather [hbm4b:s9+s3], $0x80, v2, vm0, $0xb8;
	[tilespmem:$0x18100] =	vst v63  }
0x4b8: {  	s28 =	simm.s32 $0x13100  }
0x4b9: {  	[tilespmem:s28], [sflag:$0x3] =	stream.indirect_vreg.gather [hbm4b:s10+s3], $0x80, v2, vm0, $0xb8;
	[tilespmem:$0x18100] =	vst v63  }
0x4ba: {  	s28 =	simm.s32 $0x13900  }
0x4bb: {  	[tilespmem:s28], [sflag:$0x3] =	stream.indirect_vreg.gather [hbm4b:s11+s3], $0x80, v2, vm0, $0xb8;
	[tilespmem:$0x18100] =	vst v63  }
0x4bc: {  	s28 =	simm.s32 $0x14100  }
0x4bd: {  	[tilespmem:s28], [sflag:$0x3] =	stream.indirect_vreg.gather [hbm4b:s12+s3], $0x80, v2, vm0, $0xb8;
	[tilespmem:$0x18100] =	vst v63  }
0x4be: {  	s28 =	simm.s32 $0x14900  }
0x4bf: {  	[tilespmem:s28], [sflag:$0x3] =	stream.indirect_vreg.gather [hbm4b:s13+s3], $0x80, v2, vm0, $0xb8;
	[tilespmem:$0x18100] =	vst v63  }
0x4c0: {  	s28 =	simm.s32 $0x15100  }
0x4c1: {  	[tilespmem:s28], [sflag:$0x3] =	stream.indirect_vreg.gather [hbm4b:s14+s3], $0x80, v2, vm0, $0xb8;
	[tilespmem:$0x18100] =	vst v63  }
0x4c2: {  	s28 =	simm.s32 $0x15900  }
0x4c3: {  	[tilespmem:s28], [sflag:$0x3] =	stream.indirect_vreg.gather [hbm4b:s15+s3], $0x80, v2, vm0, $0xb8;
	[tilespmem:$0x18100] =	vst v63  }
0x4c4: {  	s28 =	simm.s32 $0x16100  }
0x4c5: {  	[tilespmem:s28], [sflag:$0x3] =	stream.indirect_vreg.gather [hbm4b:s16+s3], $0x80, v2, vm0, $0xb8;
	[tilespmem:$0x18100] =	vst v63  }
0x4c6: {  	s28 =	simm.s32 $0x16900  }
0x4c7: {  	[tilespmem:s28], [sflag:$0x3] =	stream.indirect_vreg.gather [hbm4b:s17+s3], $0x80, v2, vm0, $0xb8;
	[tilespmem:$0x18100] =	vst v63  }
0x4c8: {  	s28 =	simm.s32 $0x17100  }
0x4c9: {  	[tilespmem:s28], [sflag:$0x3] =	stream.indirect_vreg.gather [hbm4b:s18+s3], $0x80, v2, vm0, $0xb8;
	[tilespmem:$0x18100] =	vst v63  }
0x4ca: {  	s28 =	simm.s32 $0x17900  }
0x4cb: {  	[tilespmem:s28], [sflag:$0x3] =	stream.indirect_vreg.gather [hbm4b:s19+s3], $0x80, v2, vm0, $0xb8;
	[tilespmem:$0x18100] =	vst v63  }
0x4cc: {  	_ =	swait.ge [sflag:s21], $0x8000  }
0x4cd: {  	[sflag:s21] =	ssyncset.done $0x0  }
0x4ce: {  	s28 =	rddreg [dreg:$0x1d];
	[sflag:s21] =	ssyncadd.s32 $0xFFFF8000  }
0x4cf: {  	[hbm4b:s28+s3] =	stream.linear.scatter [tilespmem:s26], [sflag:$0x5], $0x8000, $0x38;
	[tilespmem:$0x18100] =	vst v63  }
0x4d0: {  	_ =	swait.ge [sflag:s4], $0x8000  }
0x4d1: {  	[sflag:s4] =	ssyncset.done $0x0  }
0x4d2: {  	[sflag:s4] =	ssyncadd.s32 $0xFFFF8000  }
0x4d3: {  	v2 =	vld.msk [tilespmem:$0xD8], $0xff;
	_ =	sdelay $0x4  }
0x4d4: {  	v3 =	vshll.u32 v2, $0x5  }
0x4d5: {  	v2 =	vand.u32 $0x7, v2;
	v3 =	vand.u32 $0xFFFFFF00, v3  }
0x4d6: {  	v2 =	vor.u32 v2, v3  }
0x4d7: {  	v2 =	vperm.xlane v2, v0;
	_ =	sdelay $0x1  }
0x4d8: {  	v2 =	vadd.s32 v1, v2;
	_ =	sdelay $0x4  }
0x4d9: {  	[tilespmem:s0], [sflag:$0x1] =	stream.indirect_vreg.gather [hbm4b:s22+s3], $0x80, v2, vm0, $0xb8;
	[tilespmem:$0x18100] =	vst v63  }
0x4da: {  	s28 =	simm.s32 $0x900  }
0x4db: {  	[tilespmem:s28], [sflag:$0x1] =	stream.indirect_vreg.gather [hbm4b:s5+s3], $0x80, v2, vm0, $0xb8;
	[tilespmem:$0x18100] =	vst v63  }
0x4dc: {  	s28 =	simm.s32 $0x1100  }
0x4dd: {  	[tilespmem:s28], [sflag:$0x1] =	stream.indirect_vreg.gather [hbm4b:s6+s3], $0x80, v2, vm0, $0xb8;
	[tilespmem:$0x18100] =	vst v63  }
0x4de: {  	s28 =	simm.s32 $0x1900  }
0x4df: {  	[tilespmem:s28], [sflag:$0x1] =	stream.indirect_vreg.gather [hbm4b:s7+s3], $0x80, v2, vm0, $0xb8;
	[tilespmem:$0x18100] =	vst v63  }
0x4e0: {  	s28 =	simm.s32 $0x2100  }
0x4e1: {  	[tilespmem:s28], [sflag:$0x1] =	stream.indirect_vreg.gather [hbm4b:s8+s3], $0x80, v2, vm0, $0xb8;
	[tilespmem:$0x18100] =	vst v63  }
0x4e2: {  	s28 =	simm.s32 $0x2900  }
0x4e3: {  	[tilespmem:s28], [sflag:$0x1] =	stream.indirect_vreg.gather [hbm4b:s9+s3], $0x80, v2, vm0, $0xb8;
	[tilespmem:$0x18100] =	vst v63  }
0x4e4: {  	s28 =	simm.s32 $0x3100  }
0x4e5: {  	[tilespmem:s28], [sflag:$0x1] =	stream.indirect_vreg.gather [hbm4b:s10+s3], $0x80, v2, vm0, $0xb8;
	[tilespmem:$0x18100] =	vst v63  }
0x4e6: {  	s28 =	simm.s32 $0x3900  }
0x4e7: {  	[tilespmem:s28], [sflag:$0x1] =	stream.indirect_vreg.gather [hbm4b:s11+s3], $0x80, v2, vm0, $0xb8;
	[tilespmem:$0x18100] =	vst v63  }
0x4e8: {  	s28 =	simm.s32 $0x4100  }
0x4e9: {  	[tilespmem:s28], [sflag:$0x1] =	stream.indirect_vreg.gather [hbm4b:s12+s3], $0x80, v2, vm0, $0xb8;
	[tilespmem:$0x18100] =	vst v63  }
0x4ea: {  	s28 =	simm.s32 $0x4900  }
0x4eb: {  	[tilespmem:s28], [sflag:$0x1] =	stream.indirect_vreg.gather [hbm4b:s13+s3], $0x80, v2, vm0, $0xb8;
	[tilespmem:$0x18100] =	vst v63  }
0x4ec: {  	s28 =	simm.s32 $0x5100  }
0x4ed: {  	[tilespmem:s28], [sflag:$0x1] =	stream.indirect_vreg.gather [hbm4b:s14+s3], $0x80, v2, vm0, $0xb8;
	[tilespmem:$0x18100] =	vst v63  }
0x4ee: {  	s28 =	simm.s32 $0x5900  }
0x4ef: {  	[tilespmem:s28], [sflag:$0x1] =	stream.indirect_vreg.gather [hbm4b:s15+s3], $0x80, v2, vm0, $0xb8;
	[tilespmem:$0x18100] =	vst v63  }
0x4f0: {  	s28 =	simm.s32 $0x6100  }
0x4f1: {  	[tilespmem:s28], [sflag:$0x1] =	stream.indirect_vreg.gather [hbm4b:s16+s3], $0x80, v2, vm0, $0xb8;
	[tilespmem:$0x18100] =	vst v63  }
0x4f2: {  	s28 =	simm.s32 $0x6900  }
0x4f3: {  	[tilespmem:s28], [sflag:$0x1] =	stream.indirect_vreg.gather [hbm4b:s17+s3], $0x80, v2, vm0, $0xb8;
	[tilespmem:$0x18100] =	vst v63  }
0x4f4: {  	s28 =	simm.s32 $0x7100  }
0x4f5: {  	[tilespmem:s28], [sflag:$0x1] =	stream.indirect_vreg.gather [hbm4b:s18+s3], $0x80, v2, vm0, $0xb8;
	[tilespmem:$0x18100] =	vst v63  }
0x4f6: {  	s28 =	simm.s32 $0x7900  }
0x4f7: {  	[tilespmem:s28], [sflag:$0x1] =	stream.indirect_vreg.gather [hbm4b:s19+s3], $0x80, v2, vm0, $0xb8;
	[tilespmem:$0x18100] =	vst v63  }
0x4f8: {  	_ =	swait.ge [sflag:s23], $0x8000  }
0x4f9: {  	[sflag:s23] =	ssyncset.done $0x0  }
0x4fa: {  	s28 =	rddreg [dreg:$0x1e];
	[sflag:s23] =	ssyncadd.s32 $0xFFFF8000  }
0x4fb: {  	[hbm4b:s28+s3] =	stream.linear.scatter [tilespmem:s29], [sflag:$0x6], $0x8000, $0x38;
	[tilespmem:$0x18100] =	vst v63  }
0x4fc: {  	_ =	swait.ge [sflag:s24], $0x8000  }
0x4fd: {  	[sflag:s24] =	ssyncset.done $0x0  }
0x4fe: {  	[sflag:s24] =	ssyncadd.s32 $0xFFFF8000  }
0x4ff: {  	v2 =	vld.msk [tilespmem:$0xE0], $0xff;
	_ =	sdelay $0x4  }
0x500: {  	v3 =	vshll.u32 v2, $0x5  }
0x501: {  	v2 =	vand.u32 $0x7, v2;
	v3 =	vand.u32 $0xFFFFFF00, v3  }
0x502: {  	v2 =	vor.u32 v2, v3  }
0x503: {  	v2 =	vperm.xlane v2, v0;
	_ =	sdelay $0x1  }
0x504: {  	v2 =	vadd.s32 v1, v2;
	_ =	sdelay $0x4  }
0x505: {  	[tilespmem:s26], [sflag:$0x2] =	stream.indirect_vreg.gather [hbm4b:s22+s3], $0x80, v2, vm0, $0xb8;
	[tilespmem:$0x18100] =	vst v63  }
0x506: {  	s28 =	simm.s32 $0x8900  }
0x507: {  	[tilespmem:s28], [sflag:$0x2] =	stream.indirect_vreg.gather [hbm4b:s5+s3], $0x80, v2, vm0, $0xb8;
	[tilespmem:$0x18100] =	vst v63  }
0x508: {  	s28 =	simm.s32 $0x9100  }
0x509: {  	[tilespmem:s28], [sflag:$0x2] =	stream.indirect_vreg.gather [hbm4b:s6+s3], $0x80, v2, vm0, $0xb8;
	[tilespmem:$0x18100] =	vst v63  }
0x50a: {  	s28 =	simm.s32 $0x9900  }
0x50b: {  	[tilespmem:s28], [sflag:$0x2] =	stream.indirect_vreg.gather [hbm4b:s7+s3], $0x80, v2, vm0, $0xb8;
	[tilespmem:$0x18100] =	vst v63  }
0x50c: {  	s28 =	simm.s32 $0xA100  }
0x50d: {  	[tilespmem:s28], [sflag:$0x2] =	stream.indirect_vreg.gather [hbm4b:s8+s3], $0x80, v2, vm0, $0xb8;
	[tilespmem:$0x18100] =	vst v63  }
0x50e: {  	s28 =	simm.s32 $0xA900  }
0x50f: {  	[tilespmem:s28], [sflag:$0x2] =	stream.indirect_vreg.gather [hbm4b:s9+s3], $0x80, v2, vm0, $0xb8;
	[tilespmem:$0x18100] =	vst v63  }
0x510: {  	s28 =	simm.s32 $0xB100  }
0x511: {  	[tilespmem:s28], [sflag:$0x2] =	stream.indirect_vreg.gather [hbm4b:s10+s3], $0x80, v2, vm0, $0xb8;
	[tilespmem:$0x18100] =	vst v63  }
0x512: {  	s28 =	simm.s32 $0xB900  }
0x513: {  	[tilespmem:s28], [sflag:$0x2] =	stream.indirect_vreg.gather [hbm4b:s11+s3], $0x80, v2, vm0, $0xb8;
	[tilespmem:$0x18100] =	vst v63  }
0x514: {  	s28 =	simm.s32 $0xC100  }
0x515: {  	[tilespmem:s28], [sflag:$0x2] =	stream.indirect_vreg.gather [hbm4b:s12+s3], $0x80, v2, vm0, $0xb8;
	[tilespmem:$0x18100] =	vst v63  }
0x516: {  	s28 =	simm.s32 $0xC900  }
0x517: {  	[tilespmem:s28], [sflag:$0x2] =	stream.indirect_vreg.gather [hbm4b:s13+s3], $0x80, v2, vm0, $0xb8;
	[tilespmem:$0x18100] =	vst v63  }
0x518: {  	s28 =	simm.s32 $0xD100  }
0x519: {  	[tilespmem:s28], [sflag:$0x2] =	stream.indirect_vreg.gather [hbm4b:s14+s3], $0x80, v2, vm0, $0xb8;
	[tilespmem:$0x18100] =	vst v63  }
0x51a: {  	s28 =	simm.s32 $0xD900  }
0x51b: {  	[tilespmem:s28], [sflag:$0x2] =	stream.indirect_vreg.gather [hbm4b:s15+s3], $0x80, v2, vm0, $0xb8;
	[tilespmem:$0x18100] =	vst v63  }
0x51c: {  	s28 =	simm.s32 $0xE100  }
0x51d: {  	[tilespmem:s28], [sflag:$0x2] =	stream.indirect_vreg.gather [hbm4b:s16+s3], $0x80, v2, vm0, $0xb8;
	[tilespmem:$0x18100] =	vst v63  }
0x51e: {  	s28 =	simm.s32 $0xE900  }
0x51f: {  	[tilespmem:s28], [sflag:$0x2] =	stream.indirect_vreg.gather [hbm4b:s17+s3], $0x80, v2, vm0, $0xb8;
	[tilespmem:$0x18100] =	vst v63  }
0x520: {  	s28 =	simm.s32 $0xF100  }
0x521: {  	[tilespmem:s28], [sflag:$0x2] =	stream.indirect_vreg.gather [hbm4b:s18+s3], $0x80, v2, vm0, $0xb8;
	[tilespmem:$0x18100] =	vst v63  }
0x522: {  	s28 =	simm.s32 $0xF900  }
0x523: {  	[tilespmem:s28], [sflag:$0x2] =	stream.indirect_vreg.gather [hbm4b:s19+s3], $0x80, v2, vm0, $0xb8;
	[tilespmem:$0x18100] =	vst v63  }
0x524: {  	_ =	swait.ge [sflag:s2], $0x8000  }
0x525: {  	[sflag:s2] =	ssyncset.done $0x0  }
0x526: {  	s28 =	rddreg [dreg:$0x1f];
	[sflag:s2] =	ssyncadd.s32 $0xFFFF8000  }
0x527: {  	[hbm4b:s28+s3] =	stream.linear.scatter [tilespmem:s0], [sflag:$0x4], $0x8000, $0x38;
	[tilespmem:$0x18100] =	vst v63  }
0x528: {  	_ =	swait.ge [sflag:s25], $0x8000  }
0x529: {  	[sflag:s25] =	ssyncset.done $0x0  }
0x52a: {  	[sflag:s25] =	ssyncadd.s32 $0xFFFF8000  }
0x52b: {  	v2 =	vld.msk [tilespmem:$0xE8], $0xff;
	_ =	sdelay $0x4  }
0x52c: {  	v3 =	vshll.u32 v2, $0x5  }
0x52d: {  	v2 =	vand.u32 $0x7, v2;
	v3 =	vand.u32 $0xFFFFFF00, v3  }
0x52e: {  	v2 =	vor.u32 v2, v3  }
0x52f: {  	v2 =	vperm.xlane v2, v0;
	_ =	sdelay $0x1  }
0x530: {  	v2 =	vadd.s32 v1, v2;
	_ =	sdelay $0x4  }
0x531: {  	[tilespmem:s29], [sflag:$0x3] =	stream.indirect_vreg.gather [hbm4b:s22+s3], $0x80, v2, vm0, $0xb8;
	[tilespmem:$0x18100] =	vst v63  }
0x532: {  	s1 =	simm.s32 $0x10900  }
0x533: {  	[tilespmem:s1], [sflag:$0x3] =	stream.indirect_vreg.gather [hbm4b:s5+s3], $0x80, v2, vm0, $0xb8;
	[tilespmem:$0x18100] =	vst v63  }
0x534: {  	s20 =	simm.s32 $0x11100  }
0x535: {  	[tilespmem:s20], [sflag:$0x3] =	stream.indirect_vreg.gather [hbm4b:s6+s3], $0x80, v2, vm0, $0xb8;
	[tilespmem:$0x18100] =	vst v63  }
0x536: {  	s30 =	simm.s32 $0x11900  }
0x537: {  	[tilespmem:s30], [sflag:$0x3] =	stream.indirect_vreg.gather [hbm4b:s7+s3], $0x80, v2, vm0, $0xb8;
	[tilespmem:$0x18100] =	vst v63  }
0x538: {  	s31 =	simm.s32 $0x12100  }
0x539: {  	[tilespmem:s31], [sflag:$0x3] =	stream.indirect_vreg.gather [hbm4b:s8+s3], $0x80, v2, vm0, $0xb8;
	[tilespmem:$0x18100] =	vst v63  }
0x53a: {  	s28 =	simm.s32 $0x12900  }
0x53b: {  	[tilespmem:s28], [sflag:$0x3] =	stream.indirect_vreg.gather [hbm4b:s9+s3], $0x80, v2, vm0, $0xb8;
	[tilespmem:$0x18100] =	vst v63  }
0x53c: {  	s30 =	simm.s32 $0x13100  }
0x53d: {  	[tilespmem:s30], [sflag:$0x3] =	stream.indirect_vreg.gather [hbm4b:s10+s3], $0x80, v2, vm0, $0xb8;
	[tilespmem:$0x18100] =	vst v63  }
0x53e: {  	s31 =	simm.s32 $0x13900  }
0x53f: {  	[tilespmem:s31], [sflag:$0x3] =	stream.indirect_vreg.gather [hbm4b:s11+s3], $0x80, v2, vm0, $0xb8;
	[tilespmem:$0x18100] =	vst v63  }
0x540: {  	s20 =	simm.s32 $0x14100  }
0x541: {  	[tilespmem:s20], [sflag:$0x3] =	stream.indirect_vreg.gather [hbm4b:s12+s3], $0x80, v2, vm0, $0xb8;
	[tilespmem:$0x18100] =	vst v63  }
0x542: {  	s28 =	simm.s32 $0x14900  }
0x543: {  	[tilespmem:s28], [sflag:$0x3] =	stream.indirect_vreg.gather [hbm4b:s13+s3], $0x80, v2, vm0, $0xb8;
	[tilespmem:$0x18100] =	vst v63  }
0x544: {  	s30 =	simm.s32 $0x15100  }
0x545: {  	[tilespmem:s30], [sflag:$0x3] =	stream.indirect_vreg.gather [hbm4b:s14+s3], $0x80, v2, vm0, $0xb8;
	[tilespmem:$0x18100] =	vst v63  }
0x546: {  	s31 =	simm.s32 $0x15900  }
0x547: {  	[tilespmem:s31], [sflag:$0x3] =	stream.indirect_vreg.gather [hbm4b:s15+s3], $0x80, v2, vm0, $0xb8;
	[tilespmem:$0x18100] =	vst v63  }
0x548: {  	s20 =	simm.s32 $0x16100  }
0x549: {  	[tilespmem:s20], [sflag:$0x3] =	stream.indirect_vreg.gather [hbm4b:s16+s3], $0x80, v2, vm0, $0xb8;
	[tilespmem:$0x18100] =	vst v63  }
0x54a: {  	s28 =	simm.s32 $0x16900  }
0x54b: {  	[tilespmem:s28], [sflag:$0x3] =	stream.indirect_vreg.gather [hbm4b:s17+s3], $0x80, v2, vm0, $0xb8;
	[tilespmem:$0x18100] =	vst v63  }
0x54c: {  	s30 =	simm.s32 $0x17100  }
0x54d: {  	[tilespmem:s30], [sflag:$0x3] =	stream.indirect_vreg.gather [hbm4b:s18+s3], $0x80, v2, vm0, $0xb8;
	[tilespmem:$0x18100] =	vst v63  }
0x54e: {  	s31 =	simm.s32 $0x17900  }
0x54f: {  	[tilespmem:s31], [sflag:$0x3] =	stream.indirect_vreg.gather [hbm4b:s19+s3], $0x80, v2, vm0, $0xb8;
	[tilespmem:$0x18100] =	vst v63  }
0x550: {  	_ =	swait.ge [sflag:s21], $0x8000  }
0x551: {  	s20 =	sld [smem:$0x7F9]  }
0x552: {  	[sflag:s21] =	ssyncset.done $0x0  }
0x553: {  	[sflag:s21] =	ssyncadd.s32 $0xFFFF8000  }
0x554: {  	[hbm4b:s20+s3] =	stream.linear.scatter [tilespmem:s26], [sflag:$0x5], $0x8000, $0x38;
	[tilespmem:$0x18100] =	vst v63  }
0x555: {  	_ =	swait.ge [sflag:s4], $0x8000  }
0x556: {  	[sflag:s4] =	ssyncset.done $0x0  }
0x557: {  	[sflag:s4] =	ssyncadd.s32 $0xFFFF8000  }
0x558: {  	v2 =	vld.msk [tilespmem:$0xF0], $0xff;
	_ =	sdelay $0x4  }
0x559: {  	v3 =	vshll.u32 v2, $0x5  }
0x55a: {  	v2 =	vand.u32 $0x7, v2;
	v3 =	vand.u32 $0xFFFFFF00, v3  }
0x55b: {  	v2 =	vor.u32 v2, v3  }
0x55c: {  	v2 =	vperm.xlane v2, v0;
	_ =	sdelay $0x1  }
0x55d: {  	v2 =	vadd.s32 v1, v2;
	_ =	sdelay $0x4  }
0x55e: {  	[tilespmem:s0], [sflag:$0x1] =	stream.indirect_vreg.gather [hbm4b:s22+s3], $0x80, v2, vm0, $0xb8;
	[tilespmem:$0x18100] =	vst v63  }
0x55f: {  	s28 =	simm.s32 $0x900  }
0x560: {  	[tilespmem:s28], [sflag:$0x1] =	stream.indirect_vreg.gather [hbm4b:s5+s3], $0x80, v2, vm0, $0xb8;
	[tilespmem:$0x18100] =	vst v63  }
0x561: {  	s30 =	simm.s32 $0x1100  }
0x562: {  	[tilespmem:s30], [sflag:$0x1] =	stream.indirect_vreg.gather [hbm4b:s6+s3], $0x80, v2, vm0, $0xb8;
	[tilespmem:$0x18100] =	vst v63  }
0x563: {  	s31 =	simm.s32 $0x1900  }
0x564: {  	[tilespmem:s31], [sflag:$0x1] =	stream.indirect_vreg.gather [hbm4b:s7+s3], $0x80, v2, vm0, $0xb8;
	[tilespmem:$0x18100] =	vst v63  }
0x565: {  	s20 =	simm.s32 $0x2100  }
0x566: {  	[tilespmem:s20], [sflag:$0x1] =	stream.indirect_vreg.gather [hbm4b:s8+s3], $0x80, v2, vm0, $0xb8;
	[tilespmem:$0x18100] =	vst v63  }
0x567: {  	s28 =	simm.s32 $0x2900  }
0x568: {  	[tilespmem:s28], [sflag:$0x1] =	stream.indirect_vreg.gather [hbm4b:s9+s3], $0x80, v2, vm0, $0xb8;
	[tilespmem:$0x18100] =	vst v63  }
0x569: {  	s30 =	simm.s32 $0x3100  }
0x56a: {  	[tilespmem:s30], [sflag:$0x1] =	stream.indirect_vreg.gather [hbm4b:s10+s3], $0x80, v2, vm0, $0xb8;
	[tilespmem:$0x18100] =	vst v63  }
0x56b: {  	s31 =	simm.s32 $0x3900  }
0x56c: {  	[tilespmem:s31], [sflag:$0x1] =	stream.indirect_vreg.gather [hbm4b:s11+s3], $0x80, v2, vm0, $0xb8;
	[tilespmem:$0x18100] =	vst v63  }
0x56d: {  	s20 =	simm.s32 $0x4100  }
0x56e: {  	[tilespmem:s20], [sflag:$0x1] =	stream.indirect_vreg.gather [hbm4b:s12+s3], $0x80, v2, vm0, $0xb8;
	[tilespmem:$0x18100] =	vst v63  }
0x56f: {  	s28 =	simm.s32 $0x4900  }
0x570: {  	[tilespmem:s28], [sflag:$0x1] =	stream.indirect_vreg.gather [hbm4b:s13+s3], $0x80, v2, vm0, $0xb8;
	[tilespmem:$0x18100] =	vst v63  }
0x571: {  	s30 =	simm.s32 $0x5100  }
0x572: {  	[tilespmem:s30], [sflag:$0x1] =	stream.indirect_vreg.gather [hbm4b:s14+s3], $0x80, v2, vm0, $0xb8;
	[tilespmem:$0x18100] =	vst v63  }
0x573: {  	s31 =	simm.s32 $0x5900  }
0x574: {  	[tilespmem:s31], [sflag:$0x1] =	stream.indirect_vreg.gather [hbm4b:s15+s3], $0x80, v2, vm0, $0xb8;
	[tilespmem:$0x18100] =	vst v63  }
0x575: {  	s20 =	simm.s32 $0x6100  }
0x576: {  	[tilespmem:s20], [sflag:$0x1] =	stream.indirect_vreg.gather [hbm4b:s16+s3], $0x80, v2, vm0, $0xb8;
	[tilespmem:$0x18100] =	vst v63  }
0x577: {  	s28 =	simm.s32 $0x6900  }
0x578: {  	[tilespmem:s28], [sflag:$0x1] =	stream.indirect_vreg.gather [hbm4b:s17+s3], $0x80, v2, vm0, $0xb8;
	[tilespmem:$0x18100] =	vst v63  }
0x579: {  	s30 =	simm.s32 $0x7100  }
0x57a: {  	[tilespmem:s30], [sflag:$0x1] =	stream.indirect_vreg.gather [hbm4b:s18+s3], $0x80, v2, vm0, $0xb8;
	[tilespmem:$0x18100] =	vst v63  }
0x57b: {  	s31 =	simm.s32 $0x7900  }
0x57c: {  	[tilespmem:s31], [sflag:$0x1] =	stream.indirect_vreg.gather [hbm4b:s19+s3], $0x80, v2, vm0, $0xb8;
	[tilespmem:$0x18100] =	vst v63  }
0x57d: {  	_ =	swait.ge [sflag:s23], $0x8000  }
0x57e: {  	s1 =	sld [smem:$0x7FA]  }
0x57f: {  	[sflag:s23] =	ssyncset.done $0x0  }
0x580: {  	[sflag:s23] =	ssyncadd.s32 $0xFFFF8000  }
0x581: {  	[hbm4b:s1+s3] =	stream.linear.scatter [tilespmem:s29], [sflag:$0x6], $0x8000, $0x38;
	[tilespmem:$0x18100] =	vst v63  }
0x582: {  	_ =	swait.ge [sflag:s24], $0x8000  }
0x583: {  	[sflag:s24] =	ssyncset.done $0x0  }
0x584: {  	[sflag:s24] =	ssyncadd.s32 $0xFFFF8000  }
0x585: {  	v2 =	vld.msk [tilespmem:$0xF8], $0xff;
	_ =	sdelay $0x4  }
0x586: {  	v3 =	vshll.u32 v2, $0x5  }
0x587: {  	v2 =	vand.u32 $0x7, v2;
	v3 =	vand.u32 $0xFFFFFF00, v3  }
0x588: {  	v2 =	vor.u32 v2, v3  }
0x589: {  	v2 =	vperm.xlane v2, v0;
	_ =	sdelay $0x1  }
0x58a: {  	v2 =	vadd.s32 v1, v2;
	_ =	sdelay $0x4  }
0x58b: {  	[tilespmem:s26], [sflag:$0x2] =	stream.indirect_vreg.gather [hbm4b:s22+s3], $0x80, v2, vm0, $0xb8;
	[tilespmem:$0x18100] =	vst v63  }
0x58c: {  	s20 =	simm.s32 $0x8900  }
0x58d: {  	[tilespmem:s20], [sflag:$0x2] =	stream.indirect_vreg.gather [hbm4b:s5+s3], $0x80, v2, vm0, $0xb8;
	[tilespmem:$0x18100] =	vst v63  }
0x58e: {  	s28 =	simm.s32 $0x9100  }
0x58f: {  	[tilespmem:s28], [sflag:$0x2] =	stream.indirect_vreg.gather [hbm4b:s6+s3], $0x80, v2, vm0, $0xb8;
	[tilespmem:$0x18100] =	vst v63  }
0x590: {  	s29 =	simm.s32 $0x9900  }
0x591: {  	[tilespmem:s29], [sflag:$0x2] =	stream.indirect_vreg.gather [hbm4b:s7+s3], $0x80, v2, vm0, $0xb8;
	[tilespmem:$0x18100] =	vst v63  }
0x592: {  	s30 =	simm.s32 $0xA100  }
0x593: {  	[tilespmem:s30], [sflag:$0x2] =	stream.indirect_vreg.gather [hbm4b:s8+s3], $0x80, v2, vm0, $0xb8;
	[tilespmem:$0x18100] =	vst v63  }
0x594: {  	s31 =	simm.s32 $0xA900  }
0x595: {  	[tilespmem:s31], [sflag:$0x2] =	stream.indirect_vreg.gather [hbm4b:s9+s3], $0x80, v2, vm0, $0xb8;
	[tilespmem:$0x18100] =	vst v63  }
0x596: {  	s28 =	simm.s32 $0xB100  }
0x597: {  	[tilespmem:s28], [sflag:$0x2] =	stream.indirect_vreg.gather [hbm4b:s10+s3], $0x80, v2, vm0, $0xb8;
	[tilespmem:$0x18100] =	vst v63  }
0x598: {  	s29 =	simm.s32 $0xB900  }
0x599: {  	[tilespmem:s29], [sflag:$0x2] =	stream.indirect_vreg.gather [hbm4b:s11+s3], $0x80, v2, vm0, $0xb8;
	[tilespmem:$0x18100] =	vst v63  }
0x59a: {  	s30 =	simm.s32 $0xC100  }
0x59b: {  	[tilespmem:s30], [sflag:$0x2] =	stream.indirect_vreg.gather [hbm4b:s12+s3], $0x80, v2, vm0, $0xb8;
	[tilespmem:$0x18100] =	vst v63  }
0x59c: {  	s31 =	simm.s32 $0xC900  }
0x59d: {  	[tilespmem:s31], [sflag:$0x2] =	stream.indirect_vreg.gather [hbm4b:s13+s3], $0x80, v2, vm0, $0xb8;
	[tilespmem:$0x18100] =	vst v63  }
0x59e: {  	s28 =	simm.s32 $0xD100  }
0x59f: {  	[tilespmem:s28], [sflag:$0x2] =	stream.indirect_vreg.gather [hbm4b:s14+s3], $0x80, v2, vm0, $0xb8;
	[tilespmem:$0x18100] =	vst v63  }
0x5a0: {  	s29 =	simm.s32 $0xD900  }
0x5a1: {  	[tilespmem:s29], [sflag:$0x2] =	stream.indirect_vreg.gather [hbm4b:s15+s3], $0x80, v2, vm0, $0xb8;
	[tilespmem:$0x18100] =	vst v63  }
0x5a2: {  	s30 =	simm.s32 $0xE100  }
0x5a3: {  	[tilespmem:s30], [sflag:$0x2] =	stream.indirect_vreg.gather [hbm4b:s16+s3], $0x80, v2, vm0, $0xb8;
	[tilespmem:$0x18100] =	vst v63  }
0x5a4: {  	s31 =	simm.s32 $0xE900  }
0x5a5: {  	[tilespmem:s31], [sflag:$0x2] =	stream.indirect_vreg.gather [hbm4b:s17+s3], $0x80, v2, vm0, $0xb8;
	[tilespmem:$0x18100] =	vst v63  }
0x5a6: {  	s28 =	simm.s32 $0xF100  }
0x5a7: {  	[tilespmem:s28], [sflag:$0x2] =	stream.indirect_vreg.gather [hbm4b:s18+s3], $0x80, v2, vm0, $0xb8;
	[tilespmem:$0x18100] =	vst v63  }
0x5a8: {  	s29 =	simm.s32 $0xF900  }
0x5a9: {  	[tilespmem:s29], [sflag:$0x2] =	stream.indirect_vreg.gather [hbm4b:s19+s3], $0x80, v2, vm0, $0xb8;
	[tilespmem:$0x18100] =	vst v63  }
0x5aa: {  	s20 =	sld [smem:$0x7F8];
	_ =	swait.ge [sflag:s2], $0x8000  }
0x5ab: {  	s30 =	sld [smem:$0x7FB]  }
0x5ac: {  	[sflag:s2] =	ssyncset.done $0x0  }
0x5ad: {  	[sflag:s2] =	ssyncadd.s32 $0xFFFF8000  }
0x5ae: {  	[hbm4b:s30+s3] =	stream.linear.scatter [tilespmem:s0], [sflag:$0x4], $0x8000, $0x38;
	[tilespmem:$0x18100] =	vst v63  }
0x5af: {  	_ =	swait.ge [sflag:s21], $0x8000  }
0x5b0: {  	s31 =	sld [smem:$0x7FD]  }
0x5b1: {  	[sflag:s21] =	ssyncset.done $0x0  }
0x5b2: {  	[sflag:s21] =	ssyncadd.s32 $0xFFFF8000  }
0x5b3: {  	[hbm4b:s31+s3] =	stream.linear.scatter [tilespmem:s26], [sflag:$0x5], $0x8000, $0x38;
	[tilespmem:$0x18100] =	vst v63  }
0x5b4: {  	_ =	swait.ge [sflag:s25], $0x8000  }
0x5b5: {  	[sflag:s25] =	ssyncset.done $0x0  }
0x5b6: {  	[sflag:s25] =	ssyncadd.s32 $0xFFFF8000  }
0x5b7: {  	p0 =	sne.s32 s20, $0x1;
	_ =	swait.ge [sflag:s4], $0x8000  }
.Ltmp0:
0x5b8: {  	[sflag:s4] =	ssyncset.done $0x0;
	(pc) =	sbr.rel @p0 .LBB2_1-.Ltmp0, $4  }
0x5b9: {  	[sflag:s4] =	ssyncadd.s32 $0xFFFF8000  }
0x5ba: {  	_ =	swait.ge [sflag:s24], $0x8000  }
0x5bb: {  	[sflag:s24] =	ssyncset.done $0x0  }
0x5bc: {  	s20 =	sadd.s32 $0xFFFFFFFF, s20;
	[sflag:s24] =	ssyncadd.s32 $0xFFFF8000  }
0x5bd: {  	_ =	sfence.sel $0x180000  }
0x5be: {  	[bflag:$0x0] =	sbarrier.arrive $0xFFFF  }
0x5bf: {  	_ =	strace $0x90000047  }
0x5c0: {  	s0 =	stileid.u32;
	[bflag:$0x2] =	sbarrier.arrive $0xFFFF  }
0x5c1: {  	p0 =	sne.s32 s0, $0x0;
	s0 =	rddreg [dreg:$0x3]  }
0x5c2: {  	s0 =	sadd.s32 @!p0 $0x100000, s0  }
0x5c3: {  	[sflag:s0] =	ssyncadd.tile.s32 @!p0 $0x1;
	_ =	shalt  }
.Lfunc_end2:
_tile_overlayer_lowered:
.L_overlay_start_2:
0x5c4: {  	(tag) =	ssettag $0x2  }
0x5c5: {  	s0 =	rddreg [dreg:$0x0];
	s2 =	stileid.u32  }
0x5c6: {  	s1 =	rddreg [dreg:$0x1];
	p0 =	sne.s32 s2, $0x0  }
0x5c7: {  	s3 =	rddreg [dreg:$0x2];
	[bflag:$0x3] =	sbarrier.arrive $0xFFFF;
	s2 =	simm.s32 @!p0 $0x1C07  }
0x5c8: {  	[timem:s3], [sflag:s2] =	dma.local @!p0 [hbm:s0], s1  }
0x5c9: {  	s0 =	simm.s32 @!p0 $0x7  }
0x5ca: {  	_ =	swait.ge @!p0 [sflag:s0], s1  }
0x5cb: {  	s1 =	ssub.s32 @!p0 $0x0, s1;
	[sflag:s0] =	ssyncset.done @!p0 $0x0  }
0x5cc: {  	[sflag:s0] =	ssyncadd.s32 @!p0 s1  }
0x5cd: {  	[bflag:$0x3] =	sbarrier.arrive $0xFFFF  }
0x5ce: {  	_ =	shalt  }

</sc_bundles>
